<compile_context>
chip_gen: v7x
topology: tpu7x:2x2x1
jax: 0.10.2.dev20260603
libtpu: 0.0.44.dev20260713+nightly
codegen_flags: <defaults>
</compile_context>

<pallas_src>
import functools

import jax
import jax.numpy as jnp
from jax import lax
from jax.experimental import pallas as pl
from jax.experimental.pallas import tpu as pltpu
from jax.experimental.pallas import tpu_sc as plsc

_B = 16384
_D = 64
_L = 16

_NC, _NS = 2, 16
_NW = _NC * _NS
_HPW = _B // _NW
_RING = 6
_NBUF = 2
_CW = 128
_TSH = 7
_FL = 64
_NFL = _HPW // _FL


def _sread(ref, idx):
    return ref[pl.ds(idx, _L)][0]


def _gather_pass(tab, si, tcol, sj2, ustart, colbuf, stage, out_hbm,
                 sem_col, sem_out, half):
    lane = lax.broadcasted_iota(jnp.int32, (_L,), 0)

    tcol[pl.ds(0, _L)] = jnp.full((_L,), -1, jnp.int32)
    for v in range(_HPW // _L):
        tcol[pl.ds(_L + v * _L, _L)] = si[pl.ds(v * _L, _L)] >> _TSH
    nu = 0
    for v in range(_HPW // _L):
        cur = tcol[pl.ds(_L + v * _L, _L)]
        prev = tcol[pl.ds(_L + v * _L - 1, _L)]
        m = cur != prev
        plsc.store_compressed(ustart.at[pl.ds(nu, _L)], v * _L + lane,
                              mask=m)
        nu = nu + plsc.all_reduce_population_count(m)[0]
    ustart[pl.ds(nu, _L)] = jnp.full((_L,), _HPW, jnp.int32)

    def fire_col(u, slot):
        t = _sread(si, _sread(ustart, u)) >> _TSH
        start = pl.multiple_of(t * _CW, 128)
        pltpu.async_copy(tab.at[:, pl.ds(start, _CW)],
                         colbuf.at[slot], sem_col)

    def prime(u, c):
        @pl.when(u < nu)
        def _():
            fire_col(u, u)
        return c

    lax.fori_loop(0, _RING, prime, 0)

    def col_body(u, cc):
        slot = lax.rem(u, _RING)
        pltpu.make_async_copy(tab.at[:, pl.ds(0, _CW)],
                              colbuf.at[slot], sem_col).wait()
        slot_v = jnp.full((_L,), slot, jnp.int32)

        def hit_body(h, hc):
            i = _sread(si, h)
            l_v = jnp.full((_L,), lax.bitwise_and(i, _CW - 1), jnp.int32)
            fb = h >> 6
            buf = lax.bitwise_and(fb, _NBUF - 1)
            r = lax.bitwise_and(h, _FL - 1)
            buf_v = jnp.full((_L,), buf, jnp.int32)
            r_v = jnp.full((_L,), r, jnp.int32)
            for k in range(_D // _L):
                c = k * _L + lane
                vals = plsc.load_gather(colbuf, [slot_v, c, l_v])
                plsc.store_scatter(stage, [buf_v, r_v, half * _D + c], vals)

            @pl.when(r == _FL - 1)
            def _():
                @pl.when(fb >= _NBUF)
                def _():
                    pltpu.make_async_copy(
                        stage.at[buf], out_hbm.at[sj2.at[0]], sem_out).wait()

                pltpu.async_copy(stage.at[buf], out_hbm.at[sj2.at[fb]],
                                 sem_out)

            return hc

        lax.fori_loop(_sread(ustart, u), _sread(ustart, u + 1), hit_body, 0)

        @pl.when(u + _RING < nu)
        def _():
            fire_col(u + _RING, slot)

        return cc

    lax.fori_loop(0, nu, col_body, 0)

    for b in range(_NBUF):
        pltpu.make_async_copy(stage.at[b], out_hbm.at[sj2.at[0]],
                              sem_out).wait()


@functools.cache
def _build_sc_gather():
    mesh = plsc.VectorSubcoreMesh(
        core_axis_name="c", subcore_axis_name="s",
        num_cores=_NC, num_subcores=_NS)

    @functools.partial(
        pl.kernel,
        mesh=mesh,
        compiler_params=pltpu.CompilerParams(needs_layout_passes=False),
        out_type=[
            jax.ShapeDtypeStruct((_B, 2 * _D), jnp.float32),
            jax.ShapeDtypeStruct((_B, 2 * _D), jnp.float32),
        ],
        scratch_types=[
            pltpu.VMEM((_HPW + _L,), jnp.int32),
            pltpu.VMEM((_HPW + 3 * _L,), jnp.int32),
            pltpu.VMEM((_HPW + 3 * _L,), jnp.int32),
            pltpu.VMEM((_NFL, _FL), jnp.int32),
            pltpu.VMEM((_RING, _D, _CW), jnp.float32),
            pltpu.VMEM((_NBUF, _FL, 2 * _D), jnp.float32),
            pltpu.SemaphoreType.DMA,
            pltpu.SemaphoreType.DMA,
        ],
    )
    def sc_gather(usi_hbm, usj_hbm, rsi_hbm, rsj_hbm, utab_hbm, rtab_hbm,
                  uout_hbm, rout_hbm,
                  si, tcol, ustart, sj2, colbuf, stage, sem_col, sem_out):
        wid = lax.axis_index("s") * _NC + lax.axis_index("c")
        base = wid * _HPW
        pltpu.sync_copy(usi_hbm.at[pl.ds(base, _HPW)], si.at[pl.ds(0, _HPW)])
        pltpu.sync_copy(usj_hbm.at[pl.ds(wid * _NFL, _NFL)], sj2)
        _gather_pass(utab_hbm, si, tcol, sj2, ustart, colbuf, stage,
                     uout_hbm, sem_col, sem_out, 0)
        pltpu.sync_copy(rsi_hbm.at[pl.ds(base, _HPW)], si.at[pl.ds(0, _HPW)])
        pltpu.sync_copy(rsj_hbm.at[pl.ds(wid * _NFL, _NFL)], sj2)
        _gather_pass(rtab_hbm, si, tcol, sj2, ustart, colbuf, stage,
                     rout_hbm, sem_col, sem_out, 1)

    return sc_gather


_BLK = 2048


def _mlp_body(xu_ref, xr_ref, w1u_ref, w1r_ref, b1_ref, w2_ref, b2_ref,
              w3_ref, b3_ref, o_ref):
    h = jnp.dot(xu_ref[:, :_D], w1u_ref[...],
                preferred_element_type=jnp.float32)
    h = h + jnp.dot(xr_ref[:, _D:], w1r_ref[...],
                    preferred_element_type=jnp.float32)
    h = jnp.maximum(h + b1_ref[...], 0.0)
    h = jnp.maximum(
        jnp.dot(h, w2_ref[...], preferred_element_type=jnp.float32)
        + b2_ref[...], 0.0)
    o_ref[...] = (jnp.dot(h, w3_ref[...], preferred_element_type=jnp.float32)
                  + b3_ref[...])


def _mlp(xu, xr, w1u, w1r, b1, w2, b2, w3, b3):
    return pl.pallas_call(
        _mlp_body,
        grid=(_B // _BLK,),
        in_specs=[
            pl.BlockSpec((_BLK, 2 * _D), lambda i: (i, 0)),
            pl.BlockSpec((_BLK, 2 * _D), lambda i: (i, 0)),
            pl.BlockSpec((_D, 64), lambda i: (0, 0)),
            pl.BlockSpec((_D, 64), lambda i: (0, 0)),
            pl.BlockSpec((1, 64), lambda i: (0, 0)),
            pl.BlockSpec((64, 32), lambda i: (0, 0)),
            pl.BlockSpec((1, 32), lambda i: (0, 0)),
            pl.BlockSpec((32, 1), lambda i: (0, 0)),
            pl.BlockSpec((1, 1), lambda i: (0, 0)),
        ],
        out_specs=pl.BlockSpec((_BLK, 1), lambda i: (i, 0)),
        out_shape=jax.ShapeDtypeStruct((_B, 1), jnp.float32),
    )(xu, xr, w1u, w1r, b1, w2, b2, w3, b3)


def kernel(user_id, restaurant_id, user_table, restaurant_table,
           W1, b1, W2, b2, W3, b3):
    pos = lax.iota(jnp.int32, _B)
    usi, usj = lax.sort_key_val(user_id, pos)
    rsi, rsj = lax.sort_key_val(restaurant_id, pos)
    xu, xr = _build_sc_gather()(
        usi, usj.reshape(_B // _FL, _FL), rsi, rsj.reshape(_B // _FL, _FL),
        user_table.T, restaurant_table.T)
    return _mlp(xu, xr, W1[:, :_D].T, W1[:, _D:].T, b1.reshape(1, 64),
                W2.T, b2.reshape(1, 32), W3.T, b3.reshape(1, 1))

# --- scband reference (transcript-rebuilt; emitter-appended) ---
"""Pipeline reference for scband-neural-cf-3693671875357 (READ-ONLY COPY).

The authoritative reference and input builder live on the scoring server;
editing this copy changes nothing except your own understanding.
"""

import jax, jax.numpy as jnp
import numpy as np

NUM_USERS = 1000000
NUM_RESTAURANTS = 100000
EMBED_DIM = 64
BATCH = 16384


def setup_inputs(seed: int = 0) -> dict:
    key = jax.random.key(seed)
    ks = jax.random.split(key, 12)
    user_id = jax.random.randint(ks[0], (BATCH,), 0, NUM_USERS, dtype=jnp.int64 if jax.config.jax_enable_x64 else jnp.int32).astype(jnp.int32)
    restaurant_id = jax.random.randint(ks[1], (BATCH,), 0, NUM_RESTAURANTS, dtype=jnp.int32)
    user_table = jax.random.normal(ks[2], (NUM_USERS, EMBED_DIM), dtype=jnp.float32)
    restaurant_table = jax.random.normal(ks[3], (NUM_RESTAURANTS, EMBED_DIM), dtype=jnp.float32)
    # fc1: Linear(embed_dim*2 -> 64); torch stores W as [out, in]
    W1 = jax.random.normal(ks[4], (64, EMBED_DIM * 2), dtype=jnp.float32) * 0.05
    b1 = jnp.zeros((64,), dtype=jnp.float32)
    W2 = jax.random.normal(ks[5], (32, 64), dtype=jnp.float32) * 0.05
    b2 = jnp.zeros((32,), dtype=jnp.float32)
    W3 = jax.random.normal(ks[6], (1, 32), dtype=jnp.float32) * 0.05
    b3 = jnp.zeros((1,), dtype=jnp.float32)
    return {
        "user_id": user_id,
        "restaurant_id": restaurant_id,
        "user_table": user_table,
        "restaurant_table": restaurant_table,
        "W1": W1, "b1": b1,
        "W2": W2, "b2": b2,
        "W3": W3, "b3": b3,
    }


def reference(user_id, restaurant_id, user_table, restaurant_table, W1, b1, W2, b2, W3, b3):
    user_emb = jnp.take(user_table, user_id, axis=0)
    restaurant_emb = jnp.take(restaurant_table, restaurant_id, axis=0)
    x = jnp.concatenate([user_emb, restaurant_emb], axis=-1)
    x = jax.nn.relu(x @ W1.T + b1)
    x = jax.nn.relu(x @ W2.T + b2)
    x = x @ W3.T + b3
    return x

if __name__ == "__main__":
    import jax
    _d = setup_inputs()
    print(jax.jit(kernel)(*tuple(_d.values())))

</pallas_src>

<mosaic_0001>
#map = affine_map<(d0, d1) -> (0)>
#map1 = affine_map<(d0, d1) -> (0, 0)>
module attributes {stable_mosaic.version = 14 : i64} {
  func.func @sc_gather(%arg0: i32, %arg1: i32, %arg2: memref<16384xi32, #tpu.memory_space<hbm>>, %arg3: memref<256x64xi32, #tpu.memory_space<hbm>>, %arg4: memref<16384xi32, #tpu.memory_space<hbm>>, %arg5: memref<256x64xi32, #tpu.memory_space<hbm>>, %arg6: memref<64x1000000xf32, #tpu.memory_space<hbm>>, %arg7: memref<64x100000xf32, #tpu.memory_space<hbm>>, %arg8: memref<16384x128xf32, #tpu.memory_space<hbm>>, %arg9: memref<16384x128xf32, #tpu.memory_space<hbm>>, %arg10: memref<528xi32, #tpu.memory_space<vmem>>, %arg11: memref<560xi32, #tpu.memory_space<vmem>>, %arg12: memref<560xi32, #tpu.memory_space<vmem>>, %arg13: memref<8x64xi32, #tpu.memory_space<vmem>>, %arg14: memref<6x64x128xf32, #tpu.memory_space<vmem>>, %arg15: memref<2x64x128xf32, #tpu.memory_space<vmem>>, %arg16: memref<!tpu.dma_semaphore, #tpu.memory_space<semaphore_mem>>, %arg17: memref<!tpu.dma_semaphore, #tpu.memory_space<semaphore_mem>>) attributes {dimension_semantics = [#tpu.dimension_semantics<core_parallel>, #tpu.dimension_semantics<subcore_parallel>], iteration_bounds = array<i64: 2, 16>, scalar_prefetch = 0 : i64, scratch_operands = 8 : i64, tpu.core_type = #tpu.core_type<sc_vector_subcore>, window_params = [{transform_indices = #map}, {transform_indices = #map1}, {transform_indices = #map}, {transform_indices = #map1}, {transform_indices = #map1}, {transform_indices = #map1}, {transform_indices = #map1}, {transform_indices = #map1}]} {
    %mul3A = arith.constant 2 : i32
    %mul3A_0 = arith.muli %arg1, %mul3A : i32
    %add3A = arith.addi %mul3A_0, %arg0 : i32
    %mul3A_1 = arith.constant 512 : i32
    %mul3A_2 = arith.muli %add3A, %mul3A_1 : i32
    "tpu.region"() ({
      %run_scoped3A = tpu.sem_alloc : memref<!tpu.dma_semaphore, #tpu.memory_space<semaphore_mem>>
      %dma_start3A = arith.constant 0 : i32
      %dma_start3A_1439 = tpu.memref_slice %arg10[%dma_start3A] : memref<528xi32, #tpu.memory_space<vmem>> -> memref<512xi32, #tpu.memory_space<vmem>>
      %dma_start3A_1440 = tpu.memref_slice %arg2[%mul3A_2] : memref<16384xi32, #tpu.memory_space<hbm>> -> memref<512xi32, #tpu.memory_space<hbm>>
      %dma_start3A_1441 = arith.constant 0 : i32
      %dma_start3A_1442 = tpu.memref_slice %arg10[%dma_start3A_1441] : memref<528xi32, #tpu.memory_space<vmem>> -> memref<512xi32, #tpu.memory_space<vmem>>
      %dma_start3A_1443 = tpu.memref_slice %arg2[%mul3A_2] : memref<16384xi32, #tpu.memory_space<hbm>> -> memref<512xi32, #tpu.memory_space<hbm>>
      tpu.enqueue_dma source(%dma_start3A_1443 : memref<512xi32, #tpu.memory_space<hbm>>) target(%dma_start3A_1442 : memref<512xi32, #tpu.memory_space<vmem>>) target_semaphore(%run_scoped3A : memref<!tpu.dma_semaphore, #tpu.memory_space<semaphore_mem>>)
      %dma_wait3A_1444 = arith.constant 0 : i32
      %dma_wait3A_1445 = tpu.memref_slice %arg10[%dma_wait3A_1444] : memref<528xi32, #tpu.memory_space<vmem>> -> memref<512xi32, #tpu.memory_space<vmem>>
      %dma_wait3A_1446 = tpu.memref_slice %arg2[%mul3A_2] : memref<16384xi32, #tpu.memory_space<hbm>> -> memref<512xi32, #tpu.memory_space<hbm>>
      %dma_wait3A_1447 = arith.constant 0 : i32
      %dma_wait3A_1448 = tpu.memref_slice %arg10[%dma_wait3A_1447] : memref<528xi32, #tpu.memory_space<vmem>> -> memref<512xi32, #tpu.memory_space<vmem>>
      %dma_wait3A_1449 = tpu.memref_slice %arg2[%mul3A_2] : memref<16384xi32, #tpu.memory_space<hbm>> -> memref<512xi32, #tpu.memory_space<hbm>>
      tpu.wait_dma2 semaphore(%run_scoped3A : memref<!tpu.dma_semaphore, #tpu.memory_space<semaphore_mem>>) src(%dma_wait3A_1449 : memref<512xi32, #tpu.memory_space<hbm>>) dst(%dma_wait3A_1448 : memref<512xi32, #tpu.memory_space<vmem>>)
      tpu.yield
    }) : () -> ()
    %mul3A_3 = arith.constant 8 : i32
    %mul3A_4 = arith.muli %add3A, %mul3A_3 : i32
    "tpu.region"() ({
      %run_scoped3A = tpu.sem_alloc : memref<!tpu.dma_semaphore, #tpu.memory_space<semaphore_mem>>
      %dma_start3A = arith.constant 0 : i32
      %dma_start3A_1439 = tpu.memref_slice %arg3[%mul3A_4, %dma_start3A] : memref<256x64xi32, #tpu.memory_space<hbm>> -> memref<8x64xi32, #tpu.memory_space<hbm>>
      %dma_start3A_1440 = arith.constant 0 : i32
      %dma_start3A_1441 = tpu.memref_slice %arg3[%mul3A_4, %dma_start3A_1440] : memref<256x64xi32, #tpu.memory_space<hbm>> -> memref<8x64xi32, #tpu.memory_space<hbm>>
      tpu.enqueue_dma source(%dma_start3A_1441 : memref<8x64xi32, #tpu.memory_space<hbm>>) target(%arg13 : memref<8x64xi32, #tpu.memory_space<vmem>>) target_semaphore(%run_scoped3A : memref<!tpu.dma_semaphore, #tpu.memory_space<semaphore_mem>>)
      %dma_wait3A_1442 = arith.constant 0 : i32
      %dma_wait3A_1443 = tpu.memref_slice %arg3[%mul3A_4, %dma_wait3A_1442] : memref<256x64xi32, #tpu.memory_space<hbm>> -> memref<8x64xi32, #tpu.memory_space<hbm>>
      %dma_wait3A_1444 = arith.constant 0 : i32
      %dma_wait3A_1445 = tpu.memref_slice %arg3[%mul3A_4, %dma_wait3A_1444] : memref<256x64xi32, #tpu.memory_space<hbm>> -> memref<8x64xi32, #tpu.memory_space<hbm>>
      tpu.wait_dma2 semaphore(%run_scoped3A : memref<!tpu.dma_semaphore, #tpu.memory_space<semaphore_mem>>) src(%dma_wait3A_1445 : memref<8x64xi32, #tpu.memory_space<hbm>>) dst(%arg13 : memref<8x64xi32, #tpu.memory_space<vmem>>)
      tpu.yield
    }) : () -> ()
    %iota3A = tpu.iota {dimensions = array<i32: 0>} : vector<16xi32>
    %broadcast_in_dim3A = arith.constant -1 : i32
    %broadcast_in_dim3A_5 = vector.broadcast %broadcast_in_dim3A : i32 to vector<16xi32>
    %swap3A = arith.constant 0 : index
    %swap3A_6 = tpu.vector_load %arg11[%swap3A] {strides = array<i32>} : memref<560xi32, #tpu.memory_space<vmem>>, vector<16xi32>,
    tpu.vector_store %arg11[%swap3A], %broadcast_in_dim3A_5 {strides = array<i32>} : memref<560xi32, #tpu.memory_space<vmem>>, vector<16xi32>,
    %get3A = arith.constant 0 : index
    %get3A_7 = tpu.vector_load %arg10[%get3A] {strides = array<i32>} : memref<528xi32, #tpu.memory_space<vmem>>, vector<16xi32>,
    %shift_right_arithmetic3A = arith.constant 7 : i32
    %shift_right_arithmetic3A_8 = vector.broadcast %shift_right_arithmetic3A : i32 to vector<16xi32>
    %shift_right_arithmetic3A_9 = arith.shrsi %get3A_7, %shift_right_arithmetic3A_8 : vector<16xi32>
    %swap3A_10 = arith.constant 16 : index
    %swap3A_11 = tpu.vector_load %arg11[%swap3A_10] {strides = array<i32>} : memref<560xi32, #tpu.memory_space<vmem>>, vector<16xi32>,
    tpu.vector_store %arg11[%swap3A_10], %shift_right_arithmetic3A_9 {strides = array<i32>} : memref<560xi32, #tpu.memory_space<vmem>>, vector<16xi32>,
    %get3A_12 = arith.constant 16 : index
    %get3A_13 = tpu.vector_load %arg10[%get3A_12] {strides = array<i32>} : memref<528xi32, #tpu.memory_space<vmem>>, vector<16xi32>,
    %shift_right_arithmetic3A_14 = arith.constant 7 : i32
    %shift_right_arithmetic3A_15 = vector.broadcast %shift_right_arithmetic3A_14 : i32 to vector<16xi32>
    %shift_right_arithmetic3A_16 = arith.shrsi %get3A_13, %shift_right_arithmetic3A_15 : vector<16xi32>
    %swap3A_17 = arith.constant 32 : index
    %swap3A_18 = tpu.vector_load %arg11[%swap3A_17] {strides = array<i32>} : memref<560xi32, #tpu.memory_space<vmem>>, vector<16xi32>,
    tpu.vector_store %arg11[%swap3A_17], %shift_right_arithmetic3A_16 {strides = array<i32>} : memref<560xi32, #tpu.memory_space<vmem>>, vector<16xi32>,
    %get3A_19 = arith.constant 32 : index
    %get3A_20 = tpu.vector_load %arg10[%get3A_19] {strides = array<i32>} : memref<528xi32, #tpu.memory_space<vmem>>, vector<16xi32>,
    %shift_right_arithmetic3A_21 = arith.constant 7 : i32
    %shift_right_arithmetic3A_22 = vector.broadcast %shift_right_arithmetic3A_21 : i32 to vector<16xi32>
    %shift_right_arithmetic3A_23 = arith.shrsi %get3A_20, %shift_right_arithmetic3A_22 : vector<16xi32>
    %swap3A_24 = arith.constant 48 : index
    %swap3A_25 = tpu.vector_load %arg11[%swap3A_24] {strides = array<i32>} : memref<560xi32, #tpu.memory_space<vmem>>, vector<16xi32>,
    tpu.vector_store %arg11[%swap3A_24], %shift_right_arithmetic3A_23 {strides = array<i32>} : memref<560xi32, #tpu.memory_space<vmem>>, vector<16xi32>,
    %get3A_26 = arith.constant 48 : index
    %get3A_27 = tpu.vector_load %arg10[%get3A_26] {strides = array<i32>} : memref<528xi32, #tpu.memory_space<vmem>>, vector<16xi32>,
    %shift_right_arithmetic3A_28 = arith.constant 7 : i32
    %shift_right_arithmetic3A_29 = vector.broadcast %shift_right_arithmetic3A_28 : i32 to vector<16xi32>
    %shift_right_arithmetic3A_30 = arith.shrsi %get3A_27, %shift_right_arithmetic3A_29 : vector<16xi32>
    %swap3A_31 = arith.constant 64 : index
    %swap3A_32 = tpu.vector_load %arg11[%swap3A_31] {strides = array<i32>} : memref<560xi32, #tpu.memory_space<vmem>>, vector<16xi32>,
    tpu.vector_store %arg11[%swap3A_31], %shift_right_arithmetic3A_30 {strides = array<i32>} : memref<560xi32, #tpu.memory_space<vmem>>, vector<16xi32>,
    %get3A_33 = arith.constant 64 : index
    %get3A_34 = tpu.vector_load %arg10[%get3A_33] {strides = array<i32>} : memref<528xi32, #tpu.memory_space<vmem>>, vector<16xi32>,
    %shift_right_arithmetic3A_35 = arith.constant 7 : i32
    %shift_right_arithmetic3A_36 = vector.broadcast %shift_right_arithmetic3A_35 : i32 to vector<16xi32>
    %shift_right_arithmetic3A_37 = arith.shrsi %get3A_34, %shift_right_arithmetic3A_36 : vector<16xi32>
    %swap3A_38 = arith.constant 80 : index
    %swap3A_39 = tpu.vector_load %arg11[%swap3A_38] {strides = array<i32>} : memref<560xi32, #tpu.memory_space<vmem>>, vector<16xi32>,
    tpu.vector_store %arg11[%swap3A_38], %shift_right_arithmetic3A_37 {strides = array<i32>} : memref<560xi32, #tpu.memory_space<vmem>>, vector<16xi32>,
    %get3A_40 = arith.constant 80 : index
    %get3A_41 = tpu.vector_load %arg10[%get3A_40] {strides = array<i32>} : memref<528xi32, #tpu.memory_space<vmem>>, vector<16xi32>,
    %shift_right_arithmetic3A_42 = arith.constant 7 : i32
    %shift_right_arithmetic3A_43 = vector.broadcast %shift_right_arithmetic3A_42 : i32 to vector<16xi32>
    %shift_right_arithmetic3A_44 = arith.shrsi %get3A_41, %shift_right_arithmetic3A_43 : vector<16xi32>
    %swap3A_45 = arith.constant 96 : index
    %swap3A_46 = tpu.vector_load %arg11[%swap3A_45] {strides = array<i32>} : memref<560xi32, #tpu.memory_space<vmem>>, vector<16xi32>,
    tpu.vector_store %arg11[%swap3A_45], %shift_right_arithmetic3A_44 {strides = array<i32>} : memref<560xi32, #tpu.memory_space<vmem>>, vector<16xi32>,
    %get3A_47 = arith.constant 96 : index
    %get3A_48 = tpu.vector_load %arg10[%get3A_47] {strides = array<i32>} : memref<528xi32, #tpu.memory_space<vmem>>, vector<16xi32>,
    %shift_right_arithmetic3A_49 = arith.constant 7 : i32
    %shift_right_arithmetic3A_50 = vector.broadcast %shift_right_arithmetic3A_49 : i32 to vector<16xi32>
    %shift_right_arithmetic3A_51 = arith.shrsi %get3A_48, %shift_right_arithmetic3A_50 : vector<16xi32>
    %swap3A_52 = arith.constant 112 : index
    %swap3A_53 = tpu.vector_load %arg11[%swap3A_52] {strides = array<i32>} : memref<560xi32, #tpu.memory_space<vmem>>, vector<16xi32>,
    tpu.vector_store %arg11[%swap3A_52], %shift_right_arithmetic3A_51 {strides = array<i32>} : memref<560xi32, #tpu.memory_space<vmem>>, vector<16xi32>,
    %get3A_54 = arith.constant 112 : index
    %get3A_55 = tpu.vector_load %arg10[%get3A_54] {strides = array<i32>} : memref<528xi32, #tpu.memory_space<vmem>>, vector<16xi32>,
    %shift_right_arithmetic3A_56 = arith.constant 7 : i32
    %shift_right_arithmetic3A_57 = vector.broadcast %shift_right_arithmetic3A_56 : i32 to vector<16xi32>
    %shift_right_arithmetic3A_58 = arith.shrsi %get3A_55, %shift_right_arithmetic3A_57 : vector<16xi32>
    %swap3A_59 = arith.constant 128 : index
    %swap3A_60 = tpu.vector_load %arg11[%swap3A_59] {strides = array<i32>} : memref<560xi32, #tpu.memory_space<vmem>>, vector<16xi32>,
    tpu.vector_store %arg11[%swap3A_59], %shift_right_arithmetic3A_58 {strides = array<i32>} : memref<560xi32, #tpu.memory_space<vmem>>, vector<16xi32>,
    %get3A_61 = arith.constant 128 : index
    %get3A_62 = tpu.vector_load %arg10[%get3A_61] {strides = array<i32>} : memref<528xi32, #tpu.memory_space<vmem>>, vector<16xi32>,
    %shift_right_arithmetic3A_63 = arith.constant 7 : i32
    %shift_right_arithmetic3A_64 = vector.broadcast %shift_right_arithmetic3A_63 : i32 to vector<16xi32>
    %shift_right_arithmetic3A_65 = arith.shrsi %get3A_62, %shift_right_arithmetic3A_64 : vector<16xi32>
    %swap3A_66 = arith.constant 144 : index
    %swap3A_67 = tpu.vector_load %arg11[%swap3A_66] {strides = array<i32>} : memref<560xi32, #tpu.memory_space<vmem>>, vector<16xi32>,
    tpu.vector_store %arg11[%swap3A_66], %shift_right_arithmetic3A_65 {strides = array<i32>} : memref<560xi32, #tpu.memory_space<vmem>>, vector<16xi32>,
    %get3A_68 = arith.constant 144 : index
    %get3A_69 = tpu.vector_load %arg10[%get3A_68] {strides = array<i32>} : memref<528xi32, #tpu.memory_space<vmem>>, vector<16xi32>,
    %shift_right_arithmetic3A_70 = arith.constant 7 : i32
    %shift_right_arithmetic3A_71 = vector.broadcast %shift_right_arithmetic3A_70 : i32 to vector<16xi32>
    %shift_right_arithmetic3A_72 = arith.shrsi %get3A_69, %shift_right_arithmetic3A_71 : vector<16xi32>
    %swap3A_73 = arith.constant 160 : index
    %swap3A_74 = tpu.vector_load %arg11[%swap3A_73] {strides = array<i32>} : memref<560xi32, #tpu.memory_space<vmem>>, vector<16xi32>,
    tpu.vector_store %arg11[%swap3A_73], %shift_right_arithmetic3A_72 {strides = array<i32>} : memref<560xi32, #tpu.memory_space<vmem>>, vector<16xi32>,
    %get3A_75 = arith.constant 160 : index
    %get3A_76 = tpu.vector_load %arg10[%get3A_75] {strides = array<i32>} : memref<528xi32, #tpu.memory_space<vmem>>, vector<16xi32>,
    %shift_right_arithmetic3A_77 = arith.constant 7 : i32
    %shift_right_arithmetic3A_78 = vector.broadcast %shift_right_arithmetic3A_77 : i32 to vector<16xi32>
    %shift_right_arithmetic3A_79 = arith.shrsi %get3A_76, %shift_right_arithmetic3A_78 : vector<16xi32>
    %swap3A_80 = arith.constant 176 : index
    %swap3A_81 = tpu.vector_load %arg11[%swap3A_80] {strides = array<i32>} : memref<560xi32, #tpu.memory_space<vmem>>, vector<16xi32>,
    tpu.vector_store %arg11[%swap3A_80], %shift_right_arithmetic3A_79 {strides = array<i32>} : memref<560xi32, #tpu.memory_space<vmem>>, vector<16xi32>,
    %get3A_82 = arith.constant 176 : index
    %get3A_83 = tpu.vector_load %arg10[%get3A_82] {strides = array<i32>} : memref<528xi32, #tpu.memory_space<vmem>>, vector<16xi32>,
    %shift_right_arithmetic3A_84 = arith.constant 7 : i32
    %shift_right_arithmetic3A_85 = vector.broadcast %shift_right_arithmetic3A_84 : i32 to vector<16xi32>
    %shift_right_arithmetic3A_86 = arith.shrsi %get3A_83, %shift_right_arithmetic3A_85 : vector<16xi32>
    %swap3A_87 = arith.constant 192 : index
    %swap3A_88 = tpu.vector_load %arg11[%swap3A_87] {strides = array<i32>} : memref<560xi32, #tpu.memory_space<vmem>>, vector<16xi32>,
    tpu.vector_store %arg11[%swap3A_87], %shift_right_arithmetic3A_86 {strides = array<i32>} : memref<560xi32, #tpu.memory_space<vmem>>, vector<16xi32>,
    %get3A_89 = arith.constant 192 : index
    %get3A_90 = tpu.vector_load %arg10[%get3A_89] {strides = array<i32>} : memref<528xi32, #tpu.memory_space<vmem>>, vector<16xi32>,
    %shift_right_arithmetic3A_91 = arith.constant 7 : i32
    %shift_right_arithmetic3A_92 = vector.broadcast %shift_right_arithmetic3A_91 : i32 to vector<16xi32>
    %shift_right_arithmetic3A_93 = arith.shrsi %get3A_90, %shift_right_arithmetic3A_92 : vector<16xi32>
    %swap3A_94 = arith.constant 208 : index
    %swap3A_95 = tpu.vector_load %arg11[%swap3A_94] {strides = array<i32>} : memref<560xi32, #tpu.memory_space<vmem>>, vector<16xi32>,
    tpu.vector_store %arg11[%swap3A_94], %shift_right_arithmetic3A_93 {strides = array<i32>} : memref<560xi32, #tpu.memory_space<vmem>>, vector<16xi32>,
    %get3A_96 = arith.constant 208 : index
    %get3A_97 = tpu.vector_load %arg10[%get3A_96] {strides = array<i32>} : memref<528xi32, #tpu.memory_space<vmem>>, vector<16xi32>,
    %shift_right_arithmetic3A_98 = arith.constant 7 : i32
    %shift_right_arithmetic3A_99 = vector.broadcast %shift_right_arithmetic3A_98 : i32 to vector<16xi32>
    %shift_right_arithmetic3A_100 = arith.shrsi %get3A_97, %shift_right_arithmetic3A_99 : vector<16xi32>
    %swap3A_101 = arith.constant 224 : index
    %swap3A_102 = tpu.vector_load %arg11[%swap3A_101] {strides = array<i32>} : memref<560xi32, #tpu.memory_space<vmem>>, vector<16xi32>,
    tpu.vector_store %arg11[%swap3A_101], %shift_right_arithmetic3A_100 {strides = array<i32>} : memref<560xi32, #tpu.memory_space<vmem>>, vector<16xi32>,
    %get3A_103 = arith.constant 224 : index
    %get3A_104 = tpu.vector_load %arg10[%get3A_103] {strides = array<i32>} : memref<528xi32, #tpu.memory_space<vmem>>, vector<16xi32>,
    %shift_right_arithmetic3A_105 = arith.constant 7 : i32
    %shift_right_arithmetic3A_106 = vector.broadcast %shift_right_arithmetic3A_105 : i32 to vector<16xi32>
    %shift_right_arithmetic3A_107 = arith.shrsi %get3A_104, %shift_right_arithmetic3A_106 : vector<16xi32>
    %swap3A_108 = arith.constant 240 : index
    %swap3A_109 = tpu.vector_load %arg11[%swap3A_108] {strides = array<i32>} : memref<560xi32, #tpu.memory_space<vmem>>, vector<16xi32>,
    tpu.vector_store %arg11[%swap3A_108], %shift_right_arithmetic3A_107 {strides = array<i32>} : memref<560xi32, #tpu.memory_space<vmem>>, vector<16xi32>,
    %get3A_110 = arith.constant 240 : index
    %get3A_111 = tpu.vector_load %arg10[%get3A_110] {strides = array<i32>} : memref<528xi32, #tpu.memory_space<vmem>>, vector<16xi32>,
    %shift_right_arithmetic3A_112 = arith.constant 7 : i32
    %shift_right_arithmetic3A_113 = vector.broadcast %shift_right_arithmetic3A_112 : i32 to vector<16xi32>
    %shift_right_arithmetic3A_114 = arith.shrsi %get3A_111, %shift_right_arithmetic3A_113 : vector<16xi32>
    %swap3A_115 = arith.constant 256 : index
    %swap3A_116 = tpu.vector_load %arg11[%swap3A_115] {strides = array<i32>} : memref<560xi32, #tpu.memory_space<vmem>>, vector<16xi32>,
    tpu.vector_store %arg11[%swap3A_115], %shift_right_arithmetic3A_114 {strides = array<i32>} : memref<560xi32, #tpu.memory_space<vmem>>, vector<16xi32>,
    %get3A_117 = arith.constant 256 : index
    %get3A_118 = tpu.vector_load %arg10[%get3A_117] {strides = array<i32>} : memref<528xi32, #tpu.memory_space<vmem>>, vector<16xi32>,
    %shift_right_arithmetic3A_119 = arith.constant 7 : i32
    %shift_right_arithmetic3A_120 = vector.broadcast %shift_right_arithmetic3A_119 : i32 to vector<16xi32>
    %shift_right_arithmetic3A_121 = arith.shrsi %get3A_118, %shift_right_arithmetic3A_120 : vector<16xi32>
    %swap3A_122 = arith.constant 272 : index
    %swap3A_123 = tpu.vector_load %arg11[%swap3A_122] {strides = array<i32>} : memref<560xi32, #tpu.memory_space<vmem>>, vector<16xi32>,
    tpu.vector_store %arg11[%swap3A_122], %shift_right_arithmetic3A_121 {strides = array<i32>} : memref<560xi32, #tpu.memory_space<vmem>>, vector<16xi32>,
    %get3A_124 = arith.constant 272 : index
    %get3A_125 = tpu.vector_load %arg10[%get3A_124] {strides = array<i32>} : memref<528xi32, #tpu.memory_space<vmem>>, vector<16xi32>,
    %shift_right_arithmetic3A_126 = arith.constant 7 : i32
    %shift_right_arithmetic3A_127 = vector.broadcast %shift_right_arithmetic3A_126 : i32 to vector<16xi32>
    %shift_right_arithmetic3A_128 = arith.shrsi %get3A_125, %shift_right_arithmetic3A_127 : vector<16xi32>
    %swap3A_129 = arith.constant 288 : index
    %swap3A_130 = tpu.vector_load %arg11[%swap3A_129] {strides = array<i32>} : memref<560xi32, #tpu.memory_space<vmem>>, vector<16xi32>,
    tpu.vector_store %arg11[%swap3A_129], %shift_right_arithmetic3A_128 {strides = array<i32>} : memref<560xi32, #tpu.memory_space<vmem>>, vector<16xi32>,
    %get3A_131 = arith.constant 288 : index
    %get3A_132 = tpu.vector_load %arg10[%get3A_131] {strides = array<i32>} : memref<528xi32, #tpu.memory_space<vmem>>, vector<16xi32>,
    %shift_right_arithmetic3A_133 = arith.constant 7 : i32
    %shift_right_arithmetic3A_134 = vector.broadcast %shift_right_arithmetic3A_133 : i32 to vector<16xi32>
    %shift_right_arithmetic3A_135 = arith.shrsi %get3A_132, %shift_right_arithmetic3A_134 : vector<16xi32>
    %swap3A_136 = arith.constant 304 : index
    %swap3A_137 = tpu.vector_load %arg11[%swap3A_136] {strides = array<i32>} : memref<560xi32, #tpu.memory_space<vmem>>, vector<16xi32>,
    tpu.vector_store %arg11[%swap3A_136], %shift_right_arithmetic3A_135 {strides = array<i32>} : memref<560xi32, #tpu.memory_space<vmem>>, vector<16xi32>,
    %get3A_138 = arith.constant 304 : index
    %get3A_139 = tpu.vector_load %arg10[%get3A_138] {strides = array<i32>} : memref<528xi32, #tpu.memory_space<vmem>>, vector<16xi32>,
    %shift_right_arithmetic3A_140 = arith.constant 7 : i32
    %shift_right_arithmetic3A_141 = vector.broadcast %shift_right_arithmetic3A_140 : i32 to vector<16xi32>
    %shift_right_arithmetic3A_142 = arith.shrsi %get3A_139, %shift_right_arithmetic3A_141 : vector<16xi32>
    %swap3A_143 = arith.constant 320 : index
    %swap3A_144 = tpu.vector_load %arg11[%swap3A_143] {strides = array<i32>} : memref<560xi32, #tpu.memory_space<vmem>>, vector<16xi32>,
    tpu.vector_store %arg11[%swap3A_143], %shift_right_arithmetic3A_142 {strides = array<i32>} : memref<560xi32, #tpu.memory_space<vmem>>, vector<16xi32>,
    %get3A_145 = arith.constant 320 : index
    %get3A_146 = tpu.vector_load %arg10[%get3A_145] {strides = array<i32>} : memref<528xi32, #tpu.memory_space<vmem>>, vector<16xi32>,
    %shift_right_arithmetic3A_147 = arith.constant 7 : i32
    %shift_right_arithmetic3A_148 = vector.broadcast %shift_right_arithmetic3A_147 : i32 to vector<16xi32>
    %shift_right_arithmetic3A_149 = arith.shrsi %get3A_146, %shift_right_arithmetic3A_148 : vector<16xi32>
    %swap3A_150 = arith.constant 336 : index
    %swap3A_151 = tpu.vector_load %arg11[%swap3A_150] {strides = array<i32>} : memref<560xi32, #tpu.memory_space<vmem>>, vector<16xi32>,
    tpu.vector_store %arg11[%swap3A_150], %shift_right_arithmetic3A_149 {strides = array<i32>} : memref<560xi32, #tpu.memory_space<vmem>>, vector<16xi32>,
    %get3A_152 = arith.constant 336 : index
    %get3A_153 = tpu.vector_load %arg10[%get3A_152] {strides = array<i32>} : memref<528xi32, #tpu.memory_space<vmem>>, vector<16xi32>,
    %shift_right_arithmetic3A_154 = arith.constant 7 : i32
    %shift_right_arithmetic3A_155 = vector.broadcast %shift_right_arithmetic3A_154 : i32 to vector<16xi32>
    %shift_right_arithmetic3A_156 = arith.shrsi %get3A_153, %shift_right_arithmetic3A_155 : vector<16xi32>
    %swap3A_157 = arith.constant 352 : index
    %swap3A_158 = tpu.vector_load %arg11[%swap3A_157] {strides = array<i32>} : memref<560xi32, #tpu.memory_space<vmem>>, vector<16xi32>,
    tpu.vector_store %arg11[%swap3A_157], %shift_right_arithmetic3A_156 {strides = array<i32>} : memref<560xi32, #tpu.memory_space<vmem>>, vector<16xi32>,
    %get3A_159 = arith.constant 352 : index
    %get3A_160 = tpu.vector_load %arg10[%get3A_159] {strides = array<i32>} : memref<528xi32, #tpu.memory_space<vmem>>, vector<16xi32>,
    %shift_right_arithmetic3A_161 = arith.constant 7 : i32
    %shift_right_arithmetic3A_162 = vector.broadcast %shift_right_arithmetic3A_161 : i32 to vector<16xi32>
    %shift_right_arithmetic3A_163 = arith.shrsi %get3A_160, %shift_right_arithmetic3A_162 : vector<16xi32>
    %swap3A_164 = arith.constant 368 : index
    %swap3A_165 = tpu.vector_load %arg11[%swap3A_164] {strides = array<i32>} : memref<560xi32, #tpu.memory_space<vmem>>, vector<16xi32>,
    tpu.vector_store %arg11[%swap3A_164], %shift_right_arithmetic3A_163 {strides = array<i32>} : memref<560xi32, #tpu.memory_space<vmem>>, vector<16xi32>,
    %get3A_166 = arith.constant 368 : index
    %get3A_167 = tpu.vector_load %arg10[%get3A_166] {strides = array<i32>} : memref<528xi32, #tpu.memory_space<vmem>>, vector<16xi32>,
    %shift_right_arithmetic3A_168 = arith.constant 7 : i32
    %shift_right_arithmetic3A_169 = vector.broadcast %shift_right_arithmetic3A_168 : i32 to vector<16xi32>
    %shift_right_arithmetic3A_170 = arith.shrsi %get3A_167, %shift_right_arithmetic3A_169 : vector<16xi32>
    %swap3A_171 = arith.constant 384 : index
    %swap3A_172 = tpu.vector_load %arg11[%swap3A_171] {strides = array<i32>} : memref<560xi32, #tpu.memory_space<vmem>>, vector<16xi32>,
    tpu.vector_store %arg11[%swap3A_171], %shift_right_arithmetic3A_170 {strides = array<i32>} : memref<560xi32, #tpu.memory_space<vmem>>, vector<16xi32>,
    %get3A_173 = arith.constant 384 : index
    %get3A_174 = tpu.vector_load %arg10[%get3A_173] {strides = array<i32>} : memref<528xi32, #tpu.memory_space<vmem>>, vector<16xi32>,
    %shift_right_arithmetic3A_175 = arith.constant 7 : i32
    %shift_right_arithmetic3A_176 = vector.broadcast %shift_right_arithmetic3A_175 : i32 to vector<16xi32>
    %shift_right_arithmetic3A_177 = arith.shrsi %get3A_174, %shift_right_arithmetic3A_176 : vector<16xi32>
    %swap3A_178 = arith.constant 400 : index
    %swap3A_179 = tpu.vector_load %arg11[%swap3A_178] {strides = array<i32>} : memref<560xi32, #tpu.memory_space<vmem>>, vector<16xi32>,
    tpu.vector_store %arg11[%swap3A_178], %shift_right_arithmetic3A_177 {strides = array<i32>} : memref<560xi32, #tpu.memory_space<vmem>>, vector<16xi32>,
    %get3A_180 = arith.constant 400 : index
    %get3A_181 = tpu.vector_load %arg10[%get3A_180] {strides = array<i32>} : memref<528xi32, #tpu.memory_space<vmem>>, vector<16xi32>,
    %shift_right_arithmetic3A_182 = arith.constant 7 : i32
    %shift_right_arithmetic3A_183 = vector.broadcast %shift_right_arithmetic3A_182 : i32 to vector<16xi32>
    %shift_right_arithmetic3A_184 = arith.shrsi %get3A_181, %shift_right_arithmetic3A_183 : vector<16xi32>
    %swap3A_185 = arith.constant 416 : index
    %swap3A_186 = tpu.vector_load %arg11[%swap3A_185] {strides = array<i32>} : memref<560xi32, #tpu.memory_space<vmem>>, vector<16xi32>,
    tpu.vector_store %arg11[%swap3A_185], %shift_right_arithmetic3A_184 {strides = array<i32>} : memref<560xi32, #tpu.memory_space<vmem>>, vector<16xi32>,
    %get3A_187 = arith.constant 416 : index
    %get3A_188 = tpu.vector_load %arg10[%get3A_187] {strides = array<i32>} : memref<528xi32, #tpu.memory_space<vmem>>, vector<16xi32>,
    %shift_right_arithmetic3A_189 = arith.constant 7 : i32
    %shift_right_arithmetic3A_190 = vector.broadcast %shift_right_arithmetic3A_189 : i32 to vector<16xi32>
    %shift_right_arithmetic3A_191 = arith.shrsi %get3A_188, %shift_right_arithmetic3A_190 : vector<16xi32>
    %swap3A_192 = arith.constant 432 : index
    %swap3A_193 = tpu.vector_load %arg11[%swap3A_192] {strides = array<i32>} : memref<560xi32, #tpu.memory_space<vmem>>, vector<16xi32>,
    tpu.vector_store %arg11[%swap3A_192], %shift_right_arithmetic3A_191 {strides = array<i32>} : memref<560xi32, #tpu.memory_space<vmem>>, vector<16xi32>,
    %get3A_194 = arith.constant 432 : index
    %get3A_195 = tpu.vector_load %arg10[%get3A_194] {strides = array<i32>} : memref<528xi32, #tpu.memory_space<vmem>>, vector<16xi32>,
    %shift_right_arithmetic3A_196 = arith.constant 7 : i32
    %shift_right_arithmetic3A_197 = vector.broadcast %shift_right_arithmetic3A_196 : i32 to vector<16xi32>
    %shift_right_arithmetic3A_198 = arith.shrsi %get3A_195, %shift_right_arithmetic3A_197 : vector<16xi32>
    %swap3A_199 = arith.constant 448 : index
    %swap3A_200 = tpu.vector_load %arg11[%swap3A_199] {strides = array<i32>} : memref<560xi32, #tpu.memory_space<vmem>>, vector<16xi32>,
    tpu.vector_store %arg11[%swap3A_199], %shift_right_arithmetic3A_198 {strides = array<i32>} : memref<560xi32, #tpu.memory_space<vmem>>, vector<16xi32>,
    %get3A_201 = arith.constant 448 : index
    %get3A_202 = tpu.vector_load %arg10[%get3A_201] {strides = array<i32>} : memref<528xi32, #tpu.memory_space<vmem>>, vector<16xi32>,
    %shift_right_arithmetic3A_203 = arith.constant 7 : i32
    %shift_right_arithmetic3A_204 = vector.broadcast %shift_right_arithmetic3A_203 : i32 to vector<16xi32>
    %shift_right_arithmetic3A_205 = arith.shrsi %get3A_202, %shift_right_arithmetic3A_204 : vector<16xi32>
    %swap3A_206 = arith.constant 464 : index
    %swap3A_207 = tpu.vector_load %arg11[%swap3A_206] {strides = array<i32>} : memref<560xi32, #tpu.memory_space<vmem>>, vector<16xi32>,
    tpu.vector_store %arg11[%swap3A_206], %shift_right_arithmetic3A_205 {strides = array<i32>} : memref<560xi32, #tpu.memory_space<vmem>>, vector<16xi32>,
    %get3A_208 = arith.constant 464 : index
    %get3A_209 = tpu.vector_load %arg10[%get3A_208] {strides = array<i32>} : memref<528xi32, #tpu.memory_space<vmem>>, vector<16xi32>,
    %shift_right_arithmetic3A_210 = arith.constant 7 : i32
    %shift_right_arithmetic3A_211 = vector.broadcast %shift_right_arithmetic3A_210 : i32 to vector<16xi32>
    %shift_right_arithmetic3A_212 = arith.shrsi %get3A_209, %shift_right_arithmetic3A_211 : vector<16xi32>
    %swap3A_213 = arith.constant 480 : index
    %swap3A_214 = tpu.vector_load %arg11[%swap3A_213] {strides = array<i32>} : memref<560xi32, #tpu.memory_space<vmem>>, vector<16xi32>,
    tpu.vector_store %arg11[%swap3A_213], %shift_right_arithmetic3A_212 {strides = array<i32>} : memref<560xi32, #tpu.memory_space<vmem>>, vector<16xi32>,
    %get3A_215 = arith.constant 480 : index
    %get3A_216 = tpu.vector_load %arg10[%get3A_215] {strides = array<i32>} : memref<528xi32, #tpu.memory_space<vmem>>, vector<16xi32>,
    %shift_right_arithmetic3A_217 = arith.constant 7 : i32
    %shift_right_arithmetic3A_218 = vector.broadcast %shift_right_arithmetic3A_217 : i32 to vector<16xi32>
    %shift_right_arithmetic3A_219 = arith.shrsi %get3A_216, %shift_right_arithmetic3A_218 : vector<16xi32>
    %swap3A_220 = arith.constant 496 : index
    %swap3A_221 = tpu.vector_load %arg11[%swap3A_220] {strides = array<i32>} : memref<560xi32, #tpu.memory_space<vmem>>, vector<16xi32>,
    tpu.vector_store %arg11[%swap3A_220], %shift_right_arithmetic3A_219 {strides = array<i32>} : memref<560xi32, #tpu.memory_space<vmem>>, vector<16xi32>,
    %get3A_222 = arith.constant 496 : index
    %get3A_223 = tpu.vector_load %arg10[%get3A_222] {strides = array<i32>} : memref<528xi32, #tpu.memory_space<vmem>>, vector<16xi32>,
    %shift_right_arithmetic3A_224 = arith.constant 7 : i32
    %shift_right_arithmetic3A_225 = vector.broadcast %shift_right_arithmetic3A_224 : i32 to vector<16xi32>
    %shift_right_arithmetic3A_226 = arith.shrsi %get3A_223, %shift_right_arithmetic3A_225 : vector<16xi32>
    %swap3A_227 = arith.constant 512 : index
    %swap3A_228 = tpu.vector_load %arg11[%swap3A_227] {strides = array<i32>} : memref<560xi32, #tpu.memory_space<vmem>>, vector<16xi32>,
    tpu.vector_store %arg11[%swap3A_227], %shift_right_arithmetic3A_226 {strides = array<i32>} : memref<560xi32, #tpu.memory_space<vmem>>, vector<16xi32>,
    %get3A_229 = arith.constant 16 : index
    %get3A_230 = tpu.vector_load %arg11[%get3A_229] {strides = array<i32>} : memref<560xi32, #tpu.memory_space<vmem>>, vector<16xi32>,
    %get3A_231 = arith.constant 15 : index
    %get3A_232 = tpu.vector_load %arg11[%get3A_231] {strides = array<i32>} : memref<560xi32, #tpu.memory_space<vmem>>, vector<16xi32>,
    %ne3A = arith.cmpi ne, %get3A_230, %get3A_232 : vector<16xi32>
    %add3A_233 = arith.constant 0 : i32
    %add3A_234 = vector.broadcast %add3A_233 : i32 to vector<16xi32>
    %add3A_235 = arith.addi %add3A_234, %iota3A : vector<16xi32>
    %swap3A_236 = arith.constant 0 : index
    %swap3A_237 = tpu.vector_load %arg12[%swap3A_236] masked %ne3A {strides = array<i32>} : memref<560xi32, #tpu.memory_space<vmem>>, vector<16xi32>, vector<16xi1>
    tpu.vector_store %arg12[%swap3A_236], %add3A_235 masked %ne3A {strides = array<i32>} : memref<560xi32, #tpu.memory_space<vmem>>, vector<16xi32>, vector<16xi1>
    %all_reduce_population_count3A = tpu.all_reduce %ne3A {dim = 0 : i64, kind = #tpu.reduction_kind<sum>} : vector<16xi1> -> vector<16xi32>
    %slice3A = vector.extract_strided_slice %all_reduce_population_count3A {offsets = [0], sizes = [1], strides = [1]} : vector<16xi32> to vector<1xi32>
    %squeeze3A = vector.extract %slice3A[0] : i32 from vector<1xi32>
    %add3A_238 = arith.constant 0 : i32
    %add3A_239 = arith.addi %add3A_238, %squeeze3A : i32
    %get3A_240 = arith.constant 32 : index
    %get3A_241 = tpu.vector_load %arg11[%get3A_240] {strides = array<i32>} : memref<560xi32, #tpu.memory_space<vmem>>, vector<16xi32>,
    %get3A_242 = arith.constant 31 : index
    %get3A_243 = tpu.vector_load %arg11[%get3A_242] {strides = array<i32>} : memref<560xi32, #tpu.memory_space<vmem>>, vector<16xi32>,
    %ne3A_244 = arith.cmpi ne, %get3A_241, %get3A_243 : vector<16xi32>
    %add3A_245 = arith.constant 16 : i32
    %add3A_246 = vector.broadcast %add3A_245 : i32 to vector<16xi32>
    %add3A_247 = arith.addi %add3A_246, %iota3A : vector<16xi32>
    %swap3A_248 = arith.index_cast %add3A_239 : i32 to index
    %swap3A_249 = tpu.vector_load %arg12[%swap3A_248] masked %ne3A_244 {strides = array<i32>} : memref<560xi32, #tpu.memory_space<vmem>>, vector<16xi32>, vector<16xi1>
    tpu.vector_store %arg12[%swap3A_248], %add3A_247 masked %ne3A_244 {strides = array<i32>} : memref<560xi32, #tpu.memory_space<vmem>>, vector<16xi32>, vector<16xi1>
    %all_reduce_population_count3A_250 = tpu.all_reduce %ne3A_244 {dim = 0 : i64, kind = #tpu.reduction_kind<sum>} : vector<16xi1> -> vector<16xi32>
    %slice3A_251 = vector.extract_strided_slice %all_reduce_population_count3A_250 {offsets = [0], sizes = [1], strides = [1]} : vector<16xi32> to vector<1xi32>
    %squeeze3A_252 = vector.extract %slice3A_251[0] : i32 from vector<1xi32>
    %add3A_253 = arith.addi %add3A_239, %squeeze3A_252 : i32
    %get3A_254 = arith.constant 48 : index
    %get3A_255 = tpu.vector_load %arg11[%get3A_254] {strides = array<i32>} : memref<560xi32, #tpu.memory_space<vmem>>, vector<16xi32>,
    %get3A_256 = arith.constant 47 : index
    %get3A_257 = tpu.vector_load %arg11[%get3A_256] {strides = array<i32>} : memref<560xi32, #tpu.memory_space<vmem>>, vector<16xi32>,
    %ne3A_258 = arith.cmpi ne, %get3A_255, %get3A_257 : vector<16xi32>
    %add3A_259 = arith.constant 32 : i32
    %add3A_260 = vector.broadcast %add3A_259 : i32 to vector<16xi32>
    %add3A_261 = arith.addi %add3A_260, %iota3A : vector<16xi32>
    %swap3A_262 = arith.index_cast %add3A_253 : i32 to index
    %swap3A_263 = tpu.vector_load %arg12[%swap3A_262] masked %ne3A_258 {strides = array<i32>} : memref<560xi32, #tpu.memory_space<vmem>>, vector<16xi32>, vector<16xi1>
    tpu.vector_store %arg12[%swap3A_262], %add3A_261 masked %ne3A_258 {strides = array<i32>} : memref<560xi32, #tpu.memory_space<vmem>>, vector<16xi32>, vector<16xi1>
    %all_reduce_population_count3A_264 = tpu.all_reduce %ne3A_258 {dim = 0 : i64, kind = #tpu.reduction_kind<sum>} : vector<16xi1> -> vector<16xi32>
    %slice3A_265 = vector.extract_strided_slice %all_reduce_population_count3A_264 {offsets = [0], sizes = [1], strides = [1]} : vector<16xi32> to vector<1xi32>
    %squeeze3A_266 = vector.extract %slice3A_265[0] : i32 from vector<1xi32>
    %add3A_267 = arith.addi %add3A_253, %squeeze3A_266 : i32
    %get3A_268 = arith.constant 64 : index
    %get3A_269 = tpu.vector_load %arg11[%get3A_268] {strides = array<i32>} : memref<560xi32, #tpu.memory_space<vmem>>, vector<16xi32>,
    %get3A_270 = arith.constant 63 : index
    %get3A_271 = tpu.vector_load %arg11[%get3A_270] {strides = array<i32>} : memref<560xi32, #tpu.memory_space<vmem>>, vector<16xi32>,
    %ne3A_272 = arith.cmpi ne, %get3A_269, %get3A_271 : vector<16xi32>
    %add3A_273 = arith.constant 48 : i32
    %add3A_274 = vector.broadcast %add3A_273 : i32 to vector<16xi32>
    %add3A_275 = arith.addi %add3A_274, %iota3A : vector<16xi32>
    %swap3A_276 = arith.index_cast %add3A_267 : i32 to index
    %swap3A_277 = tpu.vector_load %arg12[%swap3A_276] masked %ne3A_272 {strides = array<i32>} : memref<560xi32, #tpu.memory_space<vmem>>, vector<16xi32>, vector<16xi1>
    tpu.vector_store %arg12[%swap3A_276], %add3A_275 masked %ne3A_272 {strides = array<i32>} : memref<560xi32, #tpu.memory_space<vmem>>, vector<16xi32>, vector<16xi1>
    %all_reduce_population_count3A_278 = tpu.all_reduce %ne3A_272 {dim = 0 : i64, kind = #tpu.reduction_kind<sum>} : vector<16xi1> -> vector<16xi32>
    %slice3A_279 = vector.extract_strided_slice %all_reduce_population_count3A_278 {offsets = [0], sizes = [1], strides = [1]} : vector<16xi32> to vector<1xi32>
    %squeeze3A_280 = vector.extract %slice3A_279[0] : i32 from vector<1xi32>
    %add3A_281 = arith.addi %add3A_267, %squeeze3A_280 : i32
    %get3A_282 = arith.constant 80 : index
    %get3A_283 = tpu.vector_load %arg11[%get3A_282] {strides = array<i32>} : memref<560xi32, #tpu.memory_space<vmem>>, vector<16xi32>,
    %get3A_284 = arith.constant 79 : index
    %get3A_285 = tpu.vector_load %arg11[%get3A_284] {strides = array<i32>} : memref<560xi32, #tpu.memory_space<vmem>>, vector<16xi32>,
    %ne3A_286 = arith.cmpi ne, %get3A_283, %get3A_285 : vector<16xi32>
    %add3A_287 = arith.constant 64 : i32
    %add3A_288 = vector.broadcast %add3A_287 : i32 to vector<16xi32>
    %add3A_289 = arith.addi %add3A_288, %iota3A : vector<16xi32>
    %swap3A_290 = arith.index_cast %add3A_281 : i32 to index
    %swap3A_291 = tpu.vector_load %arg12[%swap3A_290] masked %ne3A_286 {strides = array<i32>} : memref<560xi32, #tpu.memory_space<vmem>>, vector<16xi32>, vector<16xi1>
    tpu.vector_store %arg12[%swap3A_290], %add3A_289 masked %ne3A_286 {strides = array<i32>} : memref<560xi32, #tpu.memory_space<vmem>>, vector<16xi32>, vector<16xi1>
    %all_reduce_population_count3A_292 = tpu.all_reduce %ne3A_286 {dim = 0 : i64, kind = #tpu.reduction_kind<sum>} : vector<16xi1> -> vector<16xi32>
    %slice3A_293 = vector.extract_strided_slice %all_reduce_population_count3A_292 {offsets = [0], sizes = [1], strides = [1]} : vector<16xi32> to vector<1xi32>
    %squeeze3A_294 = vector.extract %slice3A_293[0] : i32 from vector<1xi32>
    %add3A_295 = arith.addi %add3A_281, %squeeze3A_294 : i32
    %get3A_296 = arith.constant 96 : index
    %get3A_297 = tpu.vector_load %arg11[%get3A_296] {strides = array<i32>} : memref<560xi32, #tpu.memory_space<vmem>>, vector<16xi32>,
    %get3A_298 = arith.constant 95 : index
    %get3A_299 = tpu.vector_load %arg11[%get3A_298] {strides = array<i32>} : memref<560xi32, #tpu.memory_space<vmem>>, vector<16xi32>,
    %ne3A_300 = arith.cmpi ne, %get3A_297, %get3A_299 : vector<16xi32>
    %add3A_301 = arith.constant 80 : i32
    %add3A_302 = vector.broadcast %add3A_301 : i32 to vector<16xi32>
    %add3A_303 = arith.addi %add3A_302, %iota3A : vector<16xi32>
    %swap3A_304 = arith.index_cast %add3A_295 : i32 to index
    %swap3A_305 = tpu.vector_load %arg12[%swap3A_304] masked %ne3A_300 {strides = array<i32>} : memref<560xi32, #tpu.memory_space<vmem>>, vector<16xi32>, vector<16xi1>
    tpu.vector_store %arg12[%swap3A_304], %add3A_303 masked %ne3A_300 {strides = array<i32>} : memref<560xi32, #tpu.memory_space<vmem>>, vector<16xi32>, vector<16xi1>
    %all_reduce_population_count3A_306 = tpu.all_reduce %ne3A_300 {dim = 0 : i64, kind = #tpu.reduction_kind<sum>} : vector<16xi1> -> vector<16xi32>
    %slice3A_307 = vector.extract_strided_slice %all_reduce_population_count3A_306 {offsets = [0], sizes = [1], strides = [1]} : vector<16xi32> to vector<1xi32>
    %squeeze3A_308 = vector.extract %slice3A_307[0] : i32 from vector<1xi32>
    %add3A_309 = arith.addi %add3A_295, %squeeze3A_308 : i32
    %get3A_310 = arith.constant 112 : index
    %get3A_311 = tpu.vector_load %arg11[%get3A_310] {strides = array<i32>} : memref<560xi32, #tpu.memory_space<vmem>>, vector<16xi32>,
    %get3A_312 = arith.constant 111 : index
    %get3A_313 = tpu.vector_load %arg11[%get3A_312] {strides = array<i32>} : memref<560xi32, #tpu.memory_space<vmem>>, vector<16xi32>,
    %ne3A_314 = arith.cmpi ne, %get3A_311, %get3A_313 : vector<16xi32>
    %add3A_315 = arith.constant 96 : i32
    %add3A_316 = vector.broadcast %add3A_315 : i32 to vector<16xi32>
    %add3A_317 = arith.addi %add3A_316, %iota3A : vector<16xi32>
    %swap3A_318 = arith.index_cast %add3A_309 : i32 to index
    %swap3A_319 = tpu.vector_load %arg12[%swap3A_318] masked %ne3A_314 {strides = array<i32>} : memref<560xi32, #tpu.memory_space<vmem>>, vector<16xi32>, vector<16xi1>
    tpu.vector_store %arg12[%swap3A_318], %add3A_317 masked %ne3A_314 {strides = array<i32>} : memref<560xi32, #tpu.memory_space<vmem>>, vector<16xi32>, vector<16xi1>
    %all_reduce_population_count3A_320 = tpu.all_reduce %ne3A_314 {dim = 0 : i64, kind = #tpu.reduction_kind<sum>} : vector<16xi1> -> vector<16xi32>
    %slice3A_321 = vector.extract_strided_slice %all_reduce_population_count3A_320 {offsets = [0], sizes = [1], strides = [1]} : vector<16xi32> to vector<1xi32>
    %squeeze3A_322 = vector.extract %slice3A_321[0] : i32 from vector<1xi32>
    %add3A_323 = arith.addi %add3A_309, %squeeze3A_322 : i32
    %get3A_324 = arith.constant 128 : index
    %get3A_325 = tpu.vector_load %arg11[%get3A_324] {strides = array<i32>} : memref<560xi32, #tpu.memory_space<vmem>>, vector<16xi32>,
    %get3A_326 = arith.constant 127 : index
    %get3A_327 = tpu.vector_load %arg11[%get3A_326] {strides = array<i32>} : memref<560xi32, #tpu.memory_space<vmem>>, vector<16xi32>,
    %ne3A_328 = arith.cmpi ne, %get3A_325, %get3A_327 : vector<16xi32>
    %add3A_329 = arith.constant 112 : i32
    %add3A_330 = vector.broadcast %add3A_329 : i32 to vector<16xi32>
    %add3A_331 = arith.addi %add3A_330, %iota3A : vector<16xi32>
    %swap3A_332 = arith.index_cast %add3A_323 : i32 to index
    %swap3A_333 = tpu.vector_load %arg12[%swap3A_332] masked %ne3A_328 {strides = array<i32>} : memref<560xi32, #tpu.memory_space<vmem>>, vector<16xi32>, vector<16xi1>
    tpu.vector_store %arg12[%swap3A_332], %add3A_331 masked %ne3A_328 {strides = array<i32>} : memref<560xi32, #tpu.memory_space<vmem>>, vector<16xi32>, vector<16xi1>
    %all_reduce_population_count3A_334 = tpu.all_reduce %ne3A_328 {dim = 0 : i64, kind = #tpu.reduction_kind<sum>} : vector<16xi1> -> vector<16xi32>
    %slice3A_335 = vector.extract_strided_slice %all_reduce_population_count3A_334 {offsets = [0], sizes = [1], strides = [1]} : vector<16xi32> to vector<1xi32>
    %squeeze3A_336 = vector.extract %slice3A_335[0] : i32 from vector<1xi32>
    %add3A_337 = arith.addi %add3A_323, %squeeze3A_336 : i32
    %get3A_338 = arith.constant 144 : index
    %get3A_339 = tpu.vector_load %arg11[%get3A_338] {strides = array<i32>} : memref<560xi32, #tpu.memory_space<vmem>>, vector<16xi32>,
    %get3A_340 = arith.constant 143 : index
    %get3A_341 = tpu.vector_load %arg11[%get3A_340] {strides = array<i32>} : memref<560xi32, #tpu.memory_space<vmem>>, vector<16xi32>,
    %ne3A_342 = arith.cmpi ne, %get3A_339, %get3A_341 : vector<16xi32>
    %add3A_343 = arith.constant 128 : i32
    %add3A_344 = vector.broadcast %add3A_343 : i32 to vector<16xi32>
    %add3A_345 = arith.addi %add3A_344, %iota3A : vector<16xi32>
    %swap3A_346 = arith.index_cast %add3A_337 : i32 to index
    %swap3A_347 = tpu.vector_load %arg12[%swap3A_346] masked %ne3A_342 {strides = array<i32>} : memref<560xi32, #tpu.memory_space<vmem>>, vector<16xi32>, vector<16xi1>
    tpu.vector_store %arg12[%swap3A_346], %add3A_345 masked %ne3A_342 {strides = array<i32>} : memref<560xi32, #tpu.memory_space<vmem>>, vector<16xi32>, vector<16xi1>
    %all_reduce_population_count3A_348 = tpu.all_reduce %ne3A_342 {dim = 0 : i64, kind = #tpu.reduction_kind<sum>} : vector<16xi1> -> vector<16xi32>
    %slice3A_349 = vector.extract_strided_slice %all_reduce_population_count3A_348 {offsets = [0], sizes = [1], strides = [1]} : vector<16xi32> to vector<1xi32>
    %squeeze3A_350 = vector.extract %slice3A_349[0] : i32 from vector<1xi32>
    %add3A_351 = arith.addi %add3A_337, %squeeze3A_350 : i32
    %get3A_352 = arith.constant 160 : index
    %get3A_353 = tpu.vector_load %arg11[%get3A_352] {strides = array<i32>} : memref<560xi32, #tpu.memory_space<vmem>>, vector<16xi32>,
    %get3A_354 = arith.constant 159 : index
    %get3A_355 = tpu.vector_load %arg11[%get3A_354] {strides = array<i32>} : memref<560xi32, #tpu.memory_space<vmem>>, vector<16xi32>,
    %ne3A_356 = arith.cmpi ne, %get3A_353, %get3A_355 : vector<16xi32>
    %add3A_357 = arith.constant 144 : i32
    %add3A_358 = vector.broadcast %add3A_357 : i32 to vector<16xi32>
    %add3A_359 = arith.addi %add3A_358, %iota3A : vector<16xi32>
    %swap3A_360 = arith.index_cast %add3A_351 : i32 to index
    %swap3A_361 = tpu.vector_load %arg12[%swap3A_360] masked %ne3A_356 {strides = array<i32>} : memref<560xi32, #tpu.memory_space<vmem>>, vector<16xi32>, vector<16xi1>
    tpu.vector_store %arg12[%swap3A_360], %add3A_359 masked %ne3A_356 {strides = array<i32>} : memref<560xi32, #tpu.memory_space<vmem>>, vector<16xi32>, vector<16xi1>
    %all_reduce_population_count3A_362 = tpu.all_reduce %ne3A_356 {dim = 0 : i64, kind = #tpu.reduction_kind<sum>} : vector<16xi1> -> vector<16xi32>
    %slice3A_363 = vector.extract_strided_slice %all_reduce_population_count3A_362 {offsets = [0], sizes = [1], strides = [1]} : vector<16xi32> to vector<1xi32>
    %squeeze3A_364 = vector.extract %slice3A_363[0] : i32 from vector<1xi32>
    %add3A_365 = arith.addi %add3A_351, %squeeze3A_364 : i32
    %get3A_366 = arith.constant 176 : index
    %get3A_367 = tpu.vector_load %arg11[%get3A_366] {strides = array<i32>} : memref<560xi32, #tpu.memory_space<vmem>>, vector<16xi32>,
    %get3A_368 = arith.constant 175 : index
    %get3A_369 = tpu.vector_load %arg11[%get3A_368] {strides = array<i32>} : memref<560xi32, #tpu.memory_space<vmem>>, vector<16xi32>,
    %ne3A_370 = arith.cmpi ne, %get3A_367, %get3A_369 : vector<16xi32>
    %add3A_371 = arith.constant 160 : i32
    %add3A_372 = vector.broadcast %add3A_371 : i32 to vector<16xi32>
    %add3A_373 = arith.addi %add3A_372, %iota3A : vector<16xi32>
    %swap3A_374 = arith.index_cast %add3A_365 : i32 to index
    %swap3A_375 = tpu.vector_load %arg12[%swap3A_374] masked %ne3A_370 {strides = array<i32>} : memref<560xi32, #tpu.memory_space<vmem>>, vector<16xi32>, vector<16xi1>
    tpu.vector_store %arg12[%swap3A_374], %add3A_373 masked %ne3A_370 {strides = array<i32>} : memref<560xi32, #tpu.memory_space<vmem>>, vector<16xi32>, vector<16xi1>
    %all_reduce_population_count3A_376 = tpu.all_reduce %ne3A_370 {dim = 0 : i64, kind = #tpu.reduction_kind<sum>} : vector<16xi1> -> vector<16xi32>
    %slice3A_377 = vector.extract_strided_slice %all_reduce_population_count3A_376 {offsets = [0], sizes = [1], strides = [1]} : vector<16xi32> to vector<1xi32>
    %squeeze3A_378 = vector.extract %slice3A_377[0] : i32 from vector<1xi32>
    %add3A_379 = arith.addi %add3A_365, %squeeze3A_378 : i32
    %get3A_380 = arith.constant 192 : index
    %get3A_381 = tpu.vector_load %arg11[%get3A_380] {strides = array<i32>} : memref<560xi32, #tpu.memory_space<vmem>>, vector<16xi32>,
    %get3A_382 = arith.constant 191 : index
    %get3A_383 = tpu.vector_load %arg11[%get3A_382] {strides = array<i32>} : memref<560xi32, #tpu.memory_space<vmem>>, vector<16xi32>,
    %ne3A_384 = arith.cmpi ne, %get3A_381, %get3A_383 : vector<16xi32>
    %add3A_385 = arith.constant 176 : i32
    %add3A_386 = vector.broadcast %add3A_385 : i32 to vector<16xi32>
    %add3A_387 = arith.addi %add3A_386, %iota3A : vector<16xi32>
    %swap3A_388 = arith.index_cast %add3A_379 : i32 to index
    %swap3A_389 = tpu.vector_load %arg12[%swap3A_388] masked %ne3A_384 {strides = array<i32>} : memref<560xi32, #tpu.memory_space<vmem>>, vector<16xi32>, vector<16xi1>
    tpu.vector_store %arg12[%swap3A_388], %add3A_387 masked %ne3A_384 {strides = array<i32>} : memref<560xi32, #tpu.memory_space<vmem>>, vector<16xi32>, vector<16xi1>
    %all_reduce_population_count3A_390 = tpu.all_reduce %ne3A_384 {dim = 0 : i64, kind = #tpu.reduction_kind<sum>} : vector<16xi1> -> vector<16xi32>
    %slice3A_391 = vector.extract_strided_slice %all_reduce_population_count3A_390 {offsets = [0], sizes = [1], strides = [1]} : vector<16xi32> to vector<1xi32>
    %squeeze3A_392 = vector.extract %slice3A_391[0] : i32 from vector<1xi32>
    %add3A_393 = arith.addi %add3A_379, %squeeze3A_392 : i32
    %get3A_394 = arith.constant 208 : index
    %get3A_395 = tpu.vector_load %arg11[%get3A_394] {strides = array<i32>} : memref<560xi32, #tpu.memory_space<vmem>>, vector<16xi32>,
    %get3A_396 = arith.constant 207 : index
    %get3A_397 = tpu.vector_load %arg11[%get3A_396] {strides = array<i32>} : memref<560xi32, #tpu.memory_space<vmem>>, vector<16xi32>,
    %ne3A_398 = arith.cmpi ne, %get3A_395, %get3A_397 : vector<16xi32>
    %add3A_399 = arith.constant 192 : i32
    %add3A_400 = vector.broadcast %add3A_399 : i32 to vector<16xi32>
    %add3A_401 = arith.addi %add3A_400, %iota3A : vector<16xi32>
    %swap3A_402 = arith.index_cast %add3A_393 : i32 to index
    %swap3A_403 = tpu.vector_load %arg12[%swap3A_402] masked %ne3A_398 {strides = array<i32>} : memref<560xi32, #tpu.memory_space<vmem>>, vector<16xi32>, vector<16xi1>
    tpu.vector_store %arg12[%swap3A_402], %add3A_401 masked %ne3A_398 {strides = array<i32>} : memref<560xi32, #tpu.memory_space<vmem>>, vector<16xi32>, vector<16xi1>
    %all_reduce_population_count3A_404 = tpu.all_reduce %ne3A_398 {dim = 0 : i64, kind = #tpu.reduction_kind<sum>} : vector<16xi1> -> vector<16xi32>
    %slice3A_405 = vector.extract_strided_slice %all_reduce_population_count3A_404 {offsets = [0], sizes = [1], strides = [1]} : vector<16xi32> to vector<1xi32>
    %squeeze3A_406 = vector.extract %slice3A_405[0] : i32 from vector<1xi32>
    %add3A_407 = arith.addi %add3A_393, %squeeze3A_406 : i32
    %get3A_408 = arith.constant 224 : index
    %get3A_409 = tpu.vector_load %arg11[%get3A_408] {strides = array<i32>} : memref<560xi32, #tpu.memory_space<vmem>>, vector<16xi32>,
    %get3A_410 = arith.constant 223 : index
    %get3A_411 = tpu.vector_load %arg11[%get3A_410] {strides = array<i32>} : memref<560xi32, #tpu.memory_space<vmem>>, vector<16xi32>,
    %ne3A_412 = arith.cmpi ne, %get3A_409, %get3A_411 : vector<16xi32>
    %add3A_413 = arith.constant 208 : i32
    %add3A_414 = vector.broadcast %add3A_413 : i32 to vector<16xi32>
    %add3A_415 = arith.addi %add3A_414, %iota3A : vector<16xi32>
    %swap3A_416 = arith.index_cast %add3A_407 : i32 to index
    %swap3A_417 = tpu.vector_load %arg12[%swap3A_416] masked %ne3A_412 {strides = array<i32>} : memref<560xi32, #tpu.memory_space<vmem>>, vector<16xi32>, vector<16xi1>
    tpu.vector_store %arg12[%swap3A_416], %add3A_415 masked %ne3A_412 {strides = array<i32>} : memref<560xi32, #tpu.memory_space<vmem>>, vector<16xi32>, vector<16xi1>
    %all_reduce_population_count3A_418 = tpu.all_reduce %ne3A_412 {dim = 0 : i64, kind = #tpu.reduction_kind<sum>} : vector<16xi1> -> vector<16xi32>
    %slice3A_419 = vector.extract_strided_slice %all_reduce_population_count3A_418 {offsets = [0], sizes = [1], strides = [1]} : vector<16xi32> to vector<1xi32>
    %squeeze3A_420 = vector.extract %slice3A_419[0] : i32 from vector<1xi32>
    %add3A_421 = arith.addi %add3A_407, %squeeze3A_420 : i32
    %get3A_422 = arith.constant 240 : index
    %get3A_423 = tpu.vector_load %arg11[%get3A_422] {strides = array<i32>} : memref<560xi32, #tpu.memory_space<vmem>>, vector<16xi32>,
    %get3A_424 = arith.constant 239 : index
    %get3A_425 = tpu.vector_load %arg11[%get3A_424] {strides = array<i32>} : memref<560xi32, #tpu.memory_space<vmem>>, vector<16xi32>,
    %ne3A_426 = arith.cmpi ne, %get3A_423, %get3A_425 : vector<16xi32>
    %add3A_427 = arith.constant 224 : i32
    %add3A_428 = vector.broadcast %add3A_427 : i32 to vector<16xi32>
    %add3A_429 = arith.addi %add3A_428, %iota3A : vector<16xi32>
    %swap3A_430 = arith.index_cast %add3A_421 : i32 to index
    %swap3A_431 = tpu.vector_load %arg12[%swap3A_430] masked %ne3A_426 {strides = array<i32>} : memref<560xi32, #tpu.memory_space<vmem>>, vector<16xi32>, vector<16xi1>
    tpu.vector_store %arg12[%swap3A_430], %add3A_429 masked %ne3A_426 {strides = array<i32>} : memref<560xi32, #tpu.memory_space<vmem>>, vector<16xi32>, vector<16xi1>
    %all_reduce_population_count3A_432 = tpu.all_reduce %ne3A_426 {dim = 0 : i64, kind = #tpu.reduction_kind<sum>} : vector<16xi1> -> vector<16xi32>
    %slice3A_433 = vector.extract_strided_slice %all_reduce_population_count3A_432 {offsets = [0], sizes = [1], strides = [1]} : vector<16xi32> to vector<1xi32>
    %squeeze3A_434 = vector.extract %slice3A_433[0] : i32 from vector<1xi32>
    %add3A_435 = arith.addi %add3A_421, %squeeze3A_434 : i32
    %get3A_436 = arith.constant 256 : index
    %get3A_437 = tpu.vector_load %arg11[%get3A_436] {strides = array<i32>} : memref<560xi32, #tpu.memory_space<vmem>>, vector<16xi32>,
    %get3A_438 = arith.constant 255 : index
    %get3A_439 = tpu.vector_load %arg11[%get3A_438] {strides = array<i32>} : memref<560xi32, #tpu.memory_space<vmem>>, vector<16xi32>,
    %ne3A_440 = arith.cmpi ne, %get3A_437, %get3A_439 : vector<16xi32>
    %add3A_441 = arith.constant 240 : i32
    %add3A_442 = vector.broadcast %add3A_441 : i32 to vector<16xi32>
    %add3A_443 = arith.addi %add3A_442, %iota3A : vector<16xi32>
    %swap3A_444 = arith.index_cast %add3A_435 : i32 to index
    %swap3A_445 = tpu.vector_load %arg12[%swap3A_444] masked %ne3A_440 {strides = array<i32>} : memref<560xi32, #tpu.memory_space<vmem>>, vector<16xi32>, vector<16xi1>
    tpu.vector_store %arg12[%swap3A_444], %add3A_443 masked %ne3A_440 {strides = array<i32>} : memref<560xi32, #tpu.memory_space<vmem>>, vector<16xi32>, vector<16xi1>
    %all_reduce_population_count3A_446 = tpu.all_reduce %ne3A_440 {dim = 0 : i64, kind = #tpu.reduction_kind<sum>} : vector<16xi1> -> vector<16xi32>
    %slice3A_447 = vector.extract_strided_slice %all_reduce_population_count3A_446 {offsets = [0], sizes = [1], strides = [1]} : vector<16xi32> to vector<1xi32>
    %squeeze3A_448 = vector.extract %slice3A_447[0] : i32 from vector<1xi32>
    %add3A_449 = arith.addi %add3A_435, %squeeze3A_448 : i32
    %get3A_450 = arith.constant 272 : index
    %get3A_451 = tpu.vector_load %arg11[%get3A_450] {strides = array<i32>} : memref<560xi32, #tpu.memory_space<vmem>>, vector<16xi32>,
    %get3A_452 = arith.constant 271 : index
    %get3A_453 = tpu.vector_load %arg11[%get3A_452] {strides = array<i32>} : memref<560xi32, #tpu.memory_space<vmem>>, vector<16xi32>,
    %ne3A_454 = arith.cmpi ne, %get3A_451, %get3A_453 : vector<16xi32>
    %add3A_455 = arith.constant 256 : i32
    %add3A_456 = vector.broadcast %add3A_455 : i32 to vector<16xi32>
    %add3A_457 = arith.addi %add3A_456, %iota3A : vector<16xi32>
    %swap3A_458 = arith.index_cast %add3A_449 : i32 to index
    %swap3A_459 = tpu.vector_load %arg12[%swap3A_458] masked %ne3A_454 {strides = array<i32>} : memref<560xi32, #tpu.memory_space<vmem>>, vector<16xi32>, vector<16xi1>
    tpu.vector_store %arg12[%swap3A_458], %add3A_457 masked %ne3A_454 {strides = array<i32>} : memref<560xi32, #tpu.memory_space<vmem>>, vector<16xi32>, vector<16xi1>
    %all_reduce_population_count3A_460 = tpu.all_reduce %ne3A_454 {dim = 0 : i64, kind = #tpu.reduction_kind<sum>} : vector<16xi1> -> vector<16xi32>
    %slice3A_461 = vector.extract_strided_slice %all_reduce_population_count3A_460 {offsets = [0], sizes = [1], strides = [1]} : vector<16xi32> to vector<1xi32>
    %squeeze3A_462 = vector.extract %slice3A_461[0] : i32 from vector<1xi32>
    %add3A_463 = arith.addi %add3A_449, %squeeze3A_462 : i32
    %get3A_464 = arith.constant 288 : index
    %get3A_465 = tpu.vector_load %arg11[%get3A_464] {strides = array<i32>} : memref<560xi32, #tpu.memory_space<vmem>>, vector<16xi32>,
    %get3A_466 = arith.constant 287 : index
    %get3A_467 = tpu.vector_load %arg11[%get3A_466] {strides = array<i32>} : memref<560xi32, #tpu.memory_space<vmem>>, vector<16xi32>,
    %ne3A_468 = arith.cmpi ne, %get3A_465, %get3A_467 : vector<16xi32>
    %add3A_469 = arith.constant 272 : i32
    %add3A_470 = vector.broadcast %add3A_469 : i32 to vector<16xi32>
    %add3A_471 = arith.addi %add3A_470, %iota3A : vector<16xi32>
    %swap3A_472 = arith.index_cast %add3A_463 : i32 to index
    %swap3A_473 = tpu.vector_load %arg12[%swap3A_472] masked %ne3A_468 {strides = array<i32>} : memref<560xi32, #tpu.memory_space<vmem>>, vector<16xi32>, vector<16xi1>
    tpu.vector_store %arg12[%swap3A_472], %add3A_471 masked %ne3A_468 {strides = array<i32>} : memref<560xi32, #tpu.memory_space<vmem>>, vector<16xi32>, vector<16xi1>
    %all_reduce_population_count3A_474 = tpu.all_reduce %ne3A_468 {dim = 0 : i64, kind = #tpu.reduction_kind<sum>} : vector<16xi1> -> vector<16xi32>
    %slice3A_475 = vector.extract_strided_slice %all_reduce_population_count3A_474 {offsets = [0], sizes = [1], strides = [1]} : vector<16xi32> to vector<1xi32>
    %squeeze3A_476 = vector.extract %slice3A_475[0] : i32 from vector<1xi32>
    %add3A_477 = arith.addi %add3A_463, %squeeze3A_476 : i32
    %get3A_478 = arith.constant 304 : index
    %get3A_479 = tpu.vector_load %arg11[%get3A_478] {strides = array<i32>} : memref<560xi32, #tpu.memory_space<vmem>>, vector<16xi32>,
    %get3A_480 = arith.constant 303 : index
    %get3A_481 = tpu.vector_load %arg11[%get3A_480] {strides = array<i32>} : memref<560xi32, #tpu.memory_space<vmem>>, vector<16xi32>,
    %ne3A_482 = arith.cmpi ne, %get3A_479, %get3A_481 : vector<16xi32>
    %add3A_483 = arith.constant 288 : i32
    %add3A_484 = vector.broadcast %add3A_483 : i32 to vector<16xi32>
    %add3A_485 = arith.addi %add3A_484, %iota3A : vector<16xi32>
    %swap3A_486 = arith.index_cast %add3A_477 : i32 to index
    %swap3A_487 = tpu.vector_load %arg12[%swap3A_486] masked %ne3A_482 {strides = array<i32>} : memref<560xi32, #tpu.memory_space<vmem>>, vector<16xi32>, vector<16xi1>
    tpu.vector_store %arg12[%swap3A_486], %add3A_485 masked %ne3A_482 {strides = array<i32>} : memref<560xi32, #tpu.memory_space<vmem>>, vector<16xi32>, vector<16xi1>
    %all_reduce_population_count3A_488 = tpu.all_reduce %ne3A_482 {dim = 0 : i64, kind = #tpu.reduction_kind<sum>} : vector<16xi1> -> vector<16xi32>
    %slice3A_489 = vector.extract_strided_slice %all_reduce_population_count3A_488 {offsets = [0], sizes = [1], strides = [1]} : vector<16xi32> to vector<1xi32>
    %squeeze3A_490 = vector.extract %slice3A_489[0] : i32 from vector<1xi32>
    %add3A_491 = arith.addi %add3A_477, %squeeze3A_490 : i32
    %get3A_492 = arith.constant 320 : index
    %get3A_493 = tpu.vector_load %arg11[%get3A_492] {strides = array<i32>} : memref<560xi32, #tpu.memory_space<vmem>>, vector<16xi32>,
    %get3A_494 = arith.constant 319 : index
    %get3A_495 = tpu.vector_load %arg11[%get3A_494] {strides = array<i32>} : memref<560xi32, #tpu.memory_space<vmem>>, vector<16xi32>,
    %ne3A_496 = arith.cmpi ne, %get3A_493, %get3A_495 : vector<16xi32>
    %add3A_497 = arith.constant 304 : i32
    %add3A_498 = vector.broadcast %add3A_497 : i32 to vector<16xi32>
    %add3A_499 = arith.addi %add3A_498, %iota3A : vector<16xi32>
    %swap3A_500 = arith.index_cast %add3A_491 : i32 to index
    %swap3A_501 = tpu.vector_load %arg12[%swap3A_500] masked %ne3A_496 {strides = array<i32>} : memref<560xi32, #tpu.memory_space<vmem>>, vector<16xi32>, vector<16xi1>
    tpu.vector_store %arg12[%swap3A_500], %add3A_499 masked %ne3A_496 {strides = array<i32>} : memref<560xi32, #tpu.memory_space<vmem>>, vector<16xi32>, vector<16xi1>
    %all_reduce_population_count3A_502 = tpu.all_reduce %ne3A_496 {dim = 0 : i64, kind = #tpu.reduction_kind<sum>} : vector<16xi1> -> vector<16xi32>
    %slice3A_503 = vector.extract_strided_slice %all_reduce_population_count3A_502 {offsets = [0], sizes = [1], strides = [1]} : vector<16xi32> to vector<1xi32>
    %squeeze3A_504 = vector.extract %slice3A_503[0] : i32 from vector<1xi32>
    %add3A_505 = arith.addi %add3A_491, %squeeze3A_504 : i32
    %get3A_506 = arith.constant 336 : index
    %get3A_507 = tpu.vector_load %arg11[%get3A_506] {strides = array<i32>} : memref<560xi32, #tpu.memory_space<vmem>>, vector<16xi32>,
    %get3A_508 = arith.constant 335 : index
    %get3A_509 = tpu.vector_load %arg11[%get3A_508] {strides = array<i32>} : memref<560xi32, #tpu.memory_space<vmem>>, vector<16xi32>,
    %ne3A_510 = arith.cmpi ne, %get3A_507, %get3A_509 : vector<16xi32>
    %add3A_511 = arith.constant 320 : i32
    %add3A_512 = vector.broadcast %add3A_511 : i32 to vector<16xi32>
    %add3A_513 = arith.addi %add3A_512, %iota3A : vector<16xi32>
    %swap3A_514 = arith.index_cast %add3A_505 : i32 to index
    %swap3A_515 = tpu.vector_load %arg12[%swap3A_514] masked %ne3A_510 {strides = array<i32>} : memref<560xi32, #tpu.memory_space<vmem>>, vector<16xi32>, vector<16xi1>
    tpu.vector_store %arg12[%swap3A_514], %add3A_513 masked %ne3A_510 {strides = array<i32>} : memref<560xi32, #tpu.memory_space<vmem>>, vector<16xi32>, vector<16xi1>
    %all_reduce_population_count3A_516 = tpu.all_reduce %ne3A_510 {dim = 0 : i64, kind = #tpu.reduction_kind<sum>} : vector<16xi1> -> vector<16xi32>
    %slice3A_517 = vector.extract_strided_slice %all_reduce_population_count3A_516 {offsets = [0], sizes = [1], strides = [1]} : vector<16xi32> to vector<1xi32>
    %squeeze3A_518 = vector.extract %slice3A_517[0] : i32 from vector<1xi32>
    %add3A_519 = arith.addi %add3A_505, %squeeze3A_518 : i32
    %get3A_520 = arith.constant 352 : index
    %get3A_521 = tpu.vector_load %arg11[%get3A_520] {strides = array<i32>} : memref<560xi32, #tpu.memory_space<vmem>>, vector<16xi32>,
    %get3A_522 = arith.constant 351 : index
    %get3A_523 = tpu.vector_load %arg11[%get3A_522] {strides = array<i32>} : memref<560xi32, #tpu.memory_space<vmem>>, vector<16xi32>,
    %ne3A_524 = arith.cmpi ne, %get3A_521, %get3A_523 : vector<16xi32>
    %add3A_525 = arith.constant 336 : i32
    %add3A_526 = vector.broadcast %add3A_525 : i32 to vector<16xi32>
    %add3A_527 = arith.addi %add3A_526, %iota3A : vector<16xi32>
    %swap3A_528 = arith.index_cast %add3A_519 : i32 to index
    %swap3A_529 = tpu.vector_load %arg12[%swap3A_528] masked %ne3A_524 {strides = array<i32>} : memref<560xi32, #tpu.memory_space<vmem>>, vector<16xi32>, vector<16xi1>
    tpu.vector_store %arg12[%swap3A_528], %add3A_527 masked %ne3A_524 {strides = array<i32>} : memref<560xi32, #tpu.memory_space<vmem>>, vector<16xi32>, vector<16xi1>
    %all_reduce_population_count3A_530 = tpu.all_reduce %ne3A_524 {dim = 0 : i64, kind = #tpu.reduction_kind<sum>} : vector<16xi1> -> vector<16xi32>
    %slice3A_531 = vector.extract_strided_slice %all_reduce_population_count3A_530 {offsets = [0], sizes = [1], strides = [1]} : vector<16xi32> to vector<1xi32>
    %squeeze3A_532 = vector.extract %slice3A_531[0] : i32 from vector<1xi32>
    %add3A_533 = arith.addi %add3A_519, %squeeze3A_532 : i32
    %get3A_534 = arith.constant 368 : index
    %get3A_535 = tpu.vector_load %arg11[%get3A_534] {strides = array<i32>} : memref<560xi32, #tpu.memory_space<vmem>>, vector<16xi32>,
    %get3A_536 = arith.constant 367 : index
    %get3A_537 = tpu.vector_load %arg11[%get3A_536] {strides = array<i32>} : memref<560xi32, #tpu.memory_space<vmem>>, vector<16xi32>,
    %ne3A_538 = arith.cmpi ne, %get3A_535, %get3A_537 : vector<16xi32>
    %add3A_539 = arith.constant 352 : i32
    %add3A_540 = vector.broadcast %add3A_539 : i32 to vector<16xi32>
    %add3A_541 = arith.addi %add3A_540, %iota3A : vector<16xi32>
    %swap3A_542 = arith.index_cast %add3A_533 : i32 to index
    %swap3A_543 = tpu.vector_load %arg12[%swap3A_542] masked %ne3A_538 {strides = array<i32>} : memref<560xi32, #tpu.memory_space<vmem>>, vector<16xi32>, vector<16xi1>
    tpu.vector_store %arg12[%swap3A_542], %add3A_541 masked %ne3A_538 {strides = array<i32>} : memref<560xi32, #tpu.memory_space<vmem>>, vector<16xi32>, vector<16xi1>
    %all_reduce_population_count3A_544 = tpu.all_reduce %ne3A_538 {dim = 0 : i64, kind = #tpu.reduction_kind<sum>} : vector<16xi1> -> vector<16xi32>
    %slice3A_545 = vector.extract_strided_slice %all_reduce_population_count3A_544 {offsets = [0], sizes = [1], strides = [1]} : vector<16xi32> to vector<1xi32>
    %squeeze3A_546 = vector.extract %slice3A_545[0] : i32 from vector<1xi32>
    %add3A_547 = arith.addi %add3A_533, %squeeze3A_546 : i32
    %get3A_548 = arith.constant 384 : index
    %get3A_549 = tpu.vector_load %arg11[%get3A_548] {strides = array<i32>} : memref<560xi32, #tpu.memory_space<vmem>>, vector<16xi32>,
    %get3A_550 = arith.constant 383 : index
    %get3A_551 = tpu.vector_load %arg11[%get3A_550] {strides = array<i32>} : memref<560xi32, #tpu.memory_space<vmem>>, vector<16xi32>,
    %ne3A_552 = arith.cmpi ne, %get3A_549, %get3A_551 : vector<16xi32>
    %add3A_553 = arith.constant 368 : i32
    %add3A_554 = vector.broadcast %add3A_553 : i32 to vector<16xi32>
    %add3A_555 = arith.addi %add3A_554, %iota3A : vector<16xi32>
    %swap3A_556 = arith.index_cast %add3A_547 : i32 to index
    %swap3A_557 = tpu.vector_load %arg12[%swap3A_556] masked %ne3A_552 {strides = array<i32>} : memref<560xi32, #tpu.memory_space<vmem>>, vector<16xi32>, vector<16xi1>
    tpu.vector_store %arg12[%swap3A_556], %add3A_555 masked %ne3A_552 {strides = array<i32>} : memref<560xi32, #tpu.memory_space<vmem>>, vector<16xi32>, vector<16xi1>
    %all_reduce_population_count3A_558 = tpu.all_reduce %ne3A_552 {dim = 0 : i64, kind = #tpu.reduction_kind<sum>} : vector<16xi1> -> vector<16xi32>
    %slice3A_559 = vector.extract_strided_slice %all_reduce_population_count3A_558 {offsets = [0], sizes = [1], strides = [1]} : vector<16xi32> to vector<1xi32>
    %squeeze3A_560 = vector.extract %slice3A_559[0] : i32 from vector<1xi32>
    %add3A_561 = arith.addi %add3A_547, %squeeze3A_560 : i32
    %get3A_562 = arith.constant 400 : index
    %get3A_563 = tpu.vector_load %arg11[%get3A_562] {strides = array<i32>} : memref<560xi32, #tpu.memory_space<vmem>>, vector<16xi32>,
    %get3A_564 = arith.constant 399 : index
    %get3A_565 = tpu.vector_load %arg11[%get3A_564] {strides = array<i32>} : memref<560xi32, #tpu.memory_space<vmem>>, vector<16xi32>,
    %ne3A_566 = arith.cmpi ne, %get3A_563, %get3A_565 : vector<16xi32>
    %add3A_567 = arith.constant 384 : i32
    %add3A_568 = vector.broadcast %add3A_567 : i32 to vector<16xi32>
    %add3A_569 = arith.addi %add3A_568, %iota3A : vector<16xi32>
    %swap3A_570 = arith.index_cast %add3A_561 : i32 to index
    %swap3A_571 = tpu.vector_load %arg12[%swap3A_570] masked %ne3A_566 {strides = array<i32>} : memref<560xi32, #tpu.memory_space<vmem>>, vector<16xi32>, vector<16xi1>
    tpu.vector_store %arg12[%swap3A_570], %add3A_569 masked %ne3A_566 {strides = array<i32>} : memref<560xi32, #tpu.memory_space<vmem>>, vector<16xi32>, vector<16xi1>
    %all_reduce_population_count3A_572 = tpu.all_reduce %ne3A_566 {dim = 0 : i64, kind = #tpu.reduction_kind<sum>} : vector<16xi1> -> vector<16xi32>
    %slice3A_573 = vector.extract_strided_slice %all_reduce_population_count3A_572 {offsets = [0], sizes = [1], strides = [1]} : vector<16xi32> to vector<1xi32>
    %squeeze3A_574 = vector.extract %slice3A_573[0] : i32 from vector<1xi32>
    %add3A_575 = arith.addi %add3A_561, %squeeze3A_574 : i32
    %get3A_576 = arith.constant 416 : index
    %get3A_577 = tpu.vector_load %arg11[%get3A_576] {strides = array<i32>} : memref<560xi32, #tpu.memory_space<vmem>>, vector<16xi32>,
    %get3A_578 = arith.constant 415 : index
    %get3A_579 = tpu.vector_load %arg11[%get3A_578] {strides = array<i32>} : memref<560xi32, #tpu.memory_space<vmem>>, vector<16xi32>,
    %ne3A_580 = arith.cmpi ne, %get3A_577, %get3A_579 : vector<16xi32>
    %add3A_581 = arith.constant 400 : i32
    %add3A_582 = vector.broadcast %add3A_581 : i32 to vector<16xi32>
    %add3A_583 = arith.addi %add3A_582, %iota3A : vector<16xi32>
    %swap3A_584 = arith.index_cast %add3A_575 : i32 to index
    %swap3A_585 = tpu.vector_load %arg12[%swap3A_584] masked %ne3A_580 {strides = array<i32>} : memref<560xi32, #tpu.memory_space<vmem>>, vector<16xi32>, vector<16xi1>
    tpu.vector_store %arg12[%swap3A_584], %add3A_583 masked %ne3A_580 {strides = array<i32>} : memref<560xi32, #tpu.memory_space<vmem>>, vector<16xi32>, vector<16xi1>
    %all_reduce_population_count3A_586 = tpu.all_reduce %ne3A_580 {dim = 0 : i64, kind = #tpu.reduction_kind<sum>} : vector<16xi1> -> vector<16xi32>
    %slice3A_587 = vector.extract_strided_slice %all_reduce_population_count3A_586 {offsets = [0], sizes = [1], strides = [1]} : vector<16xi32> to vector<1xi32>
    %squeeze3A_588 = vector.extract %slice3A_587[0] : i32 from vector<1xi32>
    %add3A_589 = arith.addi %add3A_575, %squeeze3A_588 : i32
    %get3A_590 = arith.constant 432 : index
    %get3A_591 = tpu.vector_load %arg11[%get3A_590] {strides = array<i32>} : memref<560xi32, #tpu.memory_space<vmem>>, vector<16xi32>,
    %get3A_592 = arith.constant 431 : index
    %get3A_593 = tpu.vector_load %arg11[%get3A_592] {strides = array<i32>} : memref<560xi32, #tpu.memory_space<vmem>>, vector<16xi32>,
    %ne3A_594 = arith.cmpi ne, %get3A_591, %get3A_593 : vector<16xi32>
    %add3A_595 = arith.constant 416 : i32
    %add3A_596 = vector.broadcast %add3A_595 : i32 to vector<16xi32>
    %add3A_597 = arith.addi %add3A_596, %iota3A : vector<16xi32>
    %swap3A_598 = arith.index_cast %add3A_589 : i32 to index
    %swap3A_599 = tpu.vector_load %arg12[%swap3A_598] masked %ne3A_594 {strides = array<i32>} : memref<560xi32, #tpu.memory_space<vmem>>, vector<16xi32>, vector<16xi1>
    tpu.vector_store %arg12[%swap3A_598], %add3A_597 masked %ne3A_594 {strides = array<i32>} : memref<560xi32, #tpu.memory_space<vmem>>, vector<16xi32>, vector<16xi1>
    %all_reduce_population_count3A_600 = tpu.all_reduce %ne3A_594 {dim = 0 : i64, kind = #tpu.reduction_kind<sum>} : vector<16xi1> -> vector<16xi32>
    %slice3A_601 = vector.extract_strided_slice %all_reduce_population_count3A_600 {offsets = [0], sizes = [1], strides = [1]} : vector<16xi32> to vector<1xi32>
    %squeeze3A_602 = vector.extract %slice3A_601[0] : i32 from vector<1xi32>
    %add3A_603 = arith.addi %add3A_589, %squeeze3A_602 : i32
    %get3A_604 = arith.constant 448 : index
    %get3A_605 = tpu.vector_load %arg11[%get3A_604] {strides = array<i32>} : memref<560xi32, #tpu.memory_space<vmem>>, vector<16xi32>,
    %get3A_606 = arith.constant 447 : index
    %get3A_607 = tpu.vector_load %arg11[%get3A_606] {strides = array<i32>} : memref<560xi32, #tpu.memory_space<vmem>>, vector<16xi32>,
    %ne3A_608 = arith.cmpi ne, %get3A_605, %get3A_607 : vector<16xi32>
    %add3A_609 = arith.constant 432 : i32
    %add3A_610 = vector.broadcast %add3A_609 : i32 to vector<16xi32>
    %add3A_611 = arith.addi %add3A_610, %iota3A : vector<16xi32>
    %swap3A_612 = arith.index_cast %add3A_603 : i32 to index
    %swap3A_613 = tpu.vector_load %arg12[%swap3A_612] masked %ne3A_608 {strides = array<i32>} : memref<560xi32, #tpu.memory_space<vmem>>, vector<16xi32>, vector<16xi1>
    tpu.vector_store %arg12[%swap3A_612], %add3A_611 masked %ne3A_608 {strides = array<i32>} : memref<560xi32, #tpu.memory_space<vmem>>, vector<16xi32>, vector<16xi1>
    %all_reduce_population_count3A_614 = tpu.all_reduce %ne3A_608 {dim = 0 : i64, kind = #tpu.reduction_kind<sum>} : vector<16xi1> -> vector<16xi32>
    %slice3A_615 = vector.extract_strided_slice %all_reduce_population_count3A_614 {offsets = [0], sizes = [1], strides = [1]} : vector<16xi32> to vector<1xi32>
    %squeeze3A_616 = vector.extract %slice3A_615[0] : i32 from vector<1xi32>
    %add3A_617 = arith.addi %add3A_603, %squeeze3A_616 : i32
    %get3A_618 = arith.constant 464 : index
    %get3A_619 = tpu.vector_load %arg11[%get3A_618] {strides = array<i32>} : memref<560xi32, #tpu.memory_space<vmem>>, vector<16xi32>,
    %get3A_620 = arith.constant 463 : index
    %get3A_621 = tpu.vector_load %arg11[%get3A_620] {strides = array<i32>} : memref<560xi32, #tpu.memory_space<vmem>>, vector<16xi32>,
    %ne3A_622 = arith.cmpi ne, %get3A_619, %get3A_621 : vector<16xi32>
    %add3A_623 = arith.constant 448 : i32
    %add3A_624 = vector.broadcast %add3A_623 : i32 to vector<16xi32>
    %add3A_625 = arith.addi %add3A_624, %iota3A : vector<16xi32>
    %swap3A_626 = arith.index_cast %add3A_617 : i32 to index
    %swap3A_627 = tpu.vector_load %arg12[%swap3A_626] masked %ne3A_622 {strides = array<i32>} : memref<560xi32, #tpu.memory_space<vmem>>, vector<16xi32>, vector<16xi1>
    tpu.vector_store %arg12[%swap3A_626], %add3A_625 masked %ne3A_622 {strides = array<i32>} : memref<560xi32, #tpu.memory_space<vmem>>, vector<16xi32>, vector<16xi1>
    %all_reduce_population_count3A_628 = tpu.all_reduce %ne3A_622 {dim = 0 : i64, kind = #tpu.reduction_kind<sum>} : vector<16xi1> -> vector<16xi32>
    %slice3A_629 = vector.extract_strided_slice %all_reduce_population_count3A_628 {offsets = [0], sizes = [1], strides = [1]} : vector<16xi32> to vector<1xi32>
    %squeeze3A_630 = vector.extract %slice3A_629[0] : i32 from vector<1xi32>
    %add3A_631 = arith.addi %add3A_617, %squeeze3A_630 : i32
    %get3A_632 = arith.constant 480 : index
    %get3A_633 = tpu.vector_load %arg11[%get3A_632] {strides = array<i32>} : memref<560xi32, #tpu.memory_space<vmem>>, vector<16xi32>,
    %get3A_634 = arith.constant 479 : index
    %get3A_635 = tpu.vector_load %arg11[%get3A_634] {strides = array<i32>} : memref<560xi32, #tpu.memory_space<vmem>>, vector<16xi32>,
    %ne3A_636 = arith.cmpi ne, %get3A_633, %get3A_635 : vector<16xi32>
    %add3A_637 = arith.constant 464 : i32
    %add3A_638 = vector.broadcast %add3A_637 : i32 to vector<16xi32>
    %add3A_639 = arith.addi %add3A_638, %iota3A : vector<16xi32>
    %swap3A_640 = arith.index_cast %add3A_631 : i32 to index
    %swap3A_641 = tpu.vector_load %arg12[%swap3A_640] masked %ne3A_636 {strides = array<i32>} : memref<560xi32, #tpu.memory_space<vmem>>, vector<16xi32>, vector<16xi1>
    tpu.vector_store %arg12[%swap3A_640], %add3A_639 masked %ne3A_636 {strides = array<i32>} : memref<560xi32, #tpu.memory_space<vmem>>, vector<16xi32>, vector<16xi1>
    %all_reduce_population_count3A_642 = tpu.all_reduce %ne3A_636 {dim = 0 : i64, kind = #tpu.reduction_kind<sum>} : vector<16xi1> -> vector<16xi32>
    %slice3A_643 = vector.extract_strided_slice %all_reduce_population_count3A_642 {offsets = [0], sizes = [1], strides = [1]} : vector<16xi32> to vector<1xi32>
    %squeeze3A_644 = vector.extract %slice3A_643[0] : i32 from vector<1xi32>
    %add3A_645 = arith.addi %add3A_631, %squeeze3A_644 : i32
    %get3A_646 = arith.constant 496 : index
    %get3A_647 = tpu.vector_load %arg11[%get3A_646] {strides = array<i32>} : memref<560xi32, #tpu.memory_space<vmem>>, vector<16xi32>,
    %get3A_648 = arith.constant 495 : index
    %get3A_649 = tpu.vector_load %arg11[%get3A_648] {strides = array<i32>} : memref<560xi32, #tpu.memory_space<vmem>>, vector<16xi32>,
    %ne3A_650 = arith.cmpi ne, %get3A_647, %get3A_649 : vector<16xi32>
    %add3A_651 = arith.constant 480 : i32
    %add3A_652 = vector.broadcast %add3A_651 : i32 to vector<16xi32>
    %add3A_653 = arith.addi %add3A_652, %iota3A : vector<16xi32>
    %swap3A_654 = arith.index_cast %add3A_645 : i32 to index
    %swap3A_655 = tpu.vector_load %arg12[%swap3A_654] masked %ne3A_650 {strides = array<i32>} : memref<560xi32, #tpu.memory_space<vmem>>, vector<16xi32>, vector<16xi1>
    tpu.vector_store %arg12[%swap3A_654], %add3A_653 masked %ne3A_650 {strides = array<i32>} : memref<560xi32, #tpu.memory_space<vmem>>, vector<16xi32>, vector<16xi1>
    %all_reduce_population_count3A_656 = tpu.all_reduce %ne3A_650 {dim = 0 : i64, kind = #tpu.reduction_kind<sum>} : vector<16xi1> -> vector<16xi32>
    %slice3A_657 = vector.extract_strided_slice %all_reduce_population_count3A_656 {offsets = [0], sizes = [1], strides = [1]} : vector<16xi32> to vector<1xi32>
    %squeeze3A_658 = vector.extract %slice3A_657[0] : i32 from vector<1xi32>
    %add3A_659 = arith.addi %add3A_645, %squeeze3A_658 : i32
    %get3A_660 = arith.constant 512 : index
    %get3A_661 = tpu.vector_load %arg11[%get3A_660] {strides = array<i32>} : memref<560xi32, #tpu.memory_space<vmem>>, vector<16xi32>,
    %get3A_662 = arith.constant 511 : index
    %get3A_663 = tpu.vector_load %arg11[%get3A_662] {strides = array<i32>} : memref<560xi32, #tpu.memory_space<vmem>>, vector<16xi32>,
    %ne3A_664 = arith.cmpi ne, %get3A_661, %get3A_663 : vector<16xi32>
    %add3A_665 = arith.constant 496 : i32
    %add3A_666 = vector.broadcast %add3A_665 : i32 to vector<16xi32>
    %add3A_667 = arith.addi %add3A_666, %iota3A : vector<16xi32>
    %swap3A_668 = arith.index_cast %add3A_659 : i32 to index
    %swap3A_669 = tpu.vector_load %arg12[%swap3A_668] masked %ne3A_664 {strides = array<i32>} : memref<560xi32, #tpu.memory_space<vmem>>, vector<16xi32>, vector<16xi1>
    tpu.vector_store %arg12[%swap3A_668], %add3A_667 masked %ne3A_664 {strides = array<i32>} : memref<560xi32, #tpu.memory_space<vmem>>, vector<16xi32>, vector<16xi1>
    %all_reduce_population_count3A_670 = tpu.all_reduce %ne3A_664 {dim = 0 : i64, kind = #tpu.reduction_kind<sum>} : vector<16xi1> -> vector<16xi32>
    %slice3A_671 = vector.extract_strided_slice %all_reduce_population_count3A_670 {offsets = [0], sizes = [1], strides = [1]} : vector<16xi32> to vector<1xi32>
    %squeeze3A_672 = vector.extract %slice3A_671[0] : i32 from vector<1xi32>
    %add3A_673 = arith.addi %add3A_659, %squeeze3A_672 : i32
    %broadcast_in_dim3A_674 = arith.constant 512 : i32
    %broadcast_in_dim3A_675 = vector.broadcast %broadcast_in_dim3A_674 : i32 to vector<16xi32>
    %swap3A_676 = arith.index_cast %add3A_673 : i32 to index
    %swap3A_677 = tpu.vector_load %arg12[%swap3A_676] {strides = array<i32>} : memref<560xi32, #tpu.memory_space<vmem>>, vector<16xi32>,
    tpu.vector_store %arg12[%swap3A_676], %broadcast_in_dim3A_675 {strides = array<i32>} : memref<560xi32, #tpu.memory_space<vmem>>, vector<16xi32>,
    %scan3A = arith.constant 0 : i32
    %scan3A_678 = arith.constant 0 : i32
    %scan3A_679 = arith.constant 6 : i32
    %scan3A_680 = arith.addi %scan3A_678, %scan3A_679 : i32
    %scan3A_681 = arith.constant 1 : i32
    scf.for %scan3A_1439 = %scan3A_678 to %scan3A_680 step %scan3A_681  : i32 {
      %lt3A = arith.cmpi slt, %scan3A_1439, %add3A_673 : i32
      %convert_element_type3A = arith.extui %lt3A : i1 to i32
      %cond3A = arith.constant 0 : i32
      %cond3A_1440 = arith.cmpi ne, %convert_element_type3A, %cond3A : i32
      scf.if %cond3A_1440 {
        %get3A_1441 = arith.index_cast %scan3A_1439 : i32 to index
        %get3A_1442 = tpu.vector_load %arg12[%get3A_1441] {strides = array<i32>} : memref<560xi32, #tpu.memory_space<vmem>>, vector<16xi32>,
        %slice3A_1443 = vector.extract_strided_slice %get3A_1442 {offsets = [0], sizes = [1], strides = [1]} : vector<16xi32> to vector<1xi32>
        %squeeze3A_1444 = vector.extract %slice3A_1443[0] : i32 from vector<1xi32>
        %get3A_1445 = arith.index_cast %squeeze3A_1444 : i32 to index
        %get3A_1446 = tpu.vector_load %arg10[%get3A_1445] {strides = array<i32>} : memref<528xi32, #tpu.memory_space<vmem>>, vector<16xi32>,
        %slice3A_1447 = vector.extract_strided_slice %get3A_1446 {offsets = [0], sizes = [1], strides = [1]} : vector<16xi32> to vector<1xi32>
        %squeeze3A_1448 = vector.extract %slice3A_1447[0] : i32 from vector<1xi32>
        %shift_right_arithmetic3A_1449 = arith.constant 7 : i32
        %shift_right_arithmetic3A_1450 = arith.shrsi %squeeze3A_1448, %shift_right_arithmetic3A_1449 : i32
        %mul3A_1451 = arith.constant 128 : i32
        %mul3A_1452 = arith.muli %shift_right_arithmetic3A_1450, %mul3A_1451 : i32
        %multiple_of3A = tpu.assume_multiple %mul3A_1452, 128 : i32
        %dma_start3A = arith.constant 0 : i32
        %dma_start3A_1453 = arith.constant 0 : i32
        %dma_start3A_1454 = tpu.memref_slice %arg14[%scan3A_1439, %dma_start3A, %dma_start3A_1453] : memref<6x64x128xf32, #tpu.memory_space<vmem>> -> memref<1x64x128xf32, #tpu.memory_space<vmem>>
        %dma_start3A_1455 = tpu.memref_squeeze %dma_start3A_1454 : memref<1x64x128xf32, #tpu.memory_space<vmem>> -> memref<64x128xf32, #tpu.memory_space<vmem>>
        %dma_start3A_1456 = arith.constant 0 : i32
        %dma_start3A_1457 = tpu.memref_slice %arg6[%dma_start3A_1456, %multiple_of3A] : memref<64x1000000xf32, #tpu.memory_space<hbm>> -> memref<64x128xf32, #tpu.memory_space<hbm>>
        %dma_start3A_1458 = arith.constant 0 : i32
        %dma_start3A_1459 = arith.constant 0 : i32
        %dma_start3A_1460 = tpu.memref_slice %arg14[%scan3A_1439, %dma_start3A_1458, %dma_start3A_1459] : memref<6x64x128xf32, #tpu.memory_space<vmem>> -> memref<1x64x128xf32, #tpu.memory_space<vmem>>
        %dma_start3A_1461 = tpu.memref_squeeze %dma_start3A_1460 : memref<1x64x128xf32, #tpu.memory_space<vmem>> -> memref<64x128xf32, #tpu.memory_space<vmem>>
        %dma_start3A_1462 = arith.constant 0 : i32
        %dma_start3A_1463 = tpu.memref_slice %arg6[%dma_start3A_1462, %multiple_of3A] : memref<64x1000000xf32, #tpu.memory_space<hbm>> -> memref<64x128xf32, #tpu.memory_space<hbm>>
        tpu.enqueue_dma source(%dma_start3A_1463 : memref<64x128xf32, #tpu.memory_space<hbm>>) target(%dma_start3A_1461 : memref<64x128xf32, #tpu.memory_space<vmem>>) target_semaphore(%arg16 : memref<!tpu.dma_semaphore, #tpu.memory_space<semaphore_mem>>)
      } else {
      }
    }
    %scan3A_682 = arith.constant 6 : i32
    %while3A = arith.constant 0 : i32
    %while3A_683 = arith.constant 0 : i32
    %while3A_684 = arith.subi %add3A_673, %while3A_683 : i32
    %while3A_685 = arith.addi %while3A_683, %while3A_684 : i32
    %while3A_686 = arith.constant 1 : i32
    %while3A_687 = arith.divsi %while3A_684, %while3A_686 : i32
    %while3A_688 = arith.muli %while3A_687, %while3A_686 : i32
    %while3A_689 = arith.addi %while3A_683, %while3A_688 : i32
    %while3A_690 = arith.constant 1 : i32
    scf.for %while3A_1439 = %while3A_683 to %while3A_689 step %while3A_690  : i32 {
      %rem3A = arith.constant 6 : i32
      %rem3A_1440 = arith.remsi %while3A_1439, %rem3A : i32
      %dma_wait3A_1441 = arith.constant 0 : i32
      %dma_wait3A_1442 = arith.constant 0 : i32
      %dma_wait3A_1443 = tpu.memref_slice %arg14[%rem3A_1440, %dma_wait3A_1441, %dma_wait3A_1442] : memref<6x64x128xf32, #tpu.memory_space<vmem>> -> memref<1x64x128xf32, #tpu.memory_space<vmem>>
      %dma_wait3A_1444 = tpu.memref_squeeze %dma_wait3A_1443 : memref<1x64x128xf32, #tpu.memory_space<vmem>> -> memref<64x128xf32, #tpu.memory_space<vmem>>
      %dma_wait3A_1445 = arith.constant 0 : i32
      %dma_wait3A_1446 = arith.constant 0 : i32
      %dma_wait3A_1447 = tpu.memref_slice %arg6[%dma_wait3A_1445, %dma_wait3A_1446] : memref<64x1000000xf32, #tpu.memory_space<hbm>> -> memref<64x128xf32, #tpu.memory_space<hbm>>
      %dma_wait3A_1448 = arith.constant 0 : i32
      %dma_wait3A_1449 = arith.constant 0 : i32
      %dma_wait3A_1450 = tpu.memref_slice %arg14[%rem3A_1440, %dma_wait3A_1448, %dma_wait3A_1449] : memref<6x64x128xf32, #tpu.memory_space<vmem>> -> memref<1x64x128xf32, #tpu.memory_space<vmem>>
      %dma_wait3A_1451 = tpu.memref_squeeze %dma_wait3A_1450 : memref<1x64x128xf32, #tpu.memory_space<vmem>> -> memref<64x128xf32, #tpu.memory_space<vmem>>
      %dma_wait3A_1452 = arith.constant 0 : i32
      %dma_wait3A_1453 = arith.constant 0 : i32
      %dma_wait3A_1454 = tpu.memref_slice %arg6[%dma_wait3A_1452, %dma_wait3A_1453] : memref<64x1000000xf32, #tpu.memory_space<hbm>> -> memref<64x128xf32, #tpu.memory_space<hbm>>
      tpu.wait_dma2 semaphore(%arg16 : memref<!tpu.dma_semaphore, #tpu.memory_space<semaphore_mem>>) src(%dma_wait3A_1454 : memref<64x128xf32, #tpu.memory_space<hbm>>) dst(%dma_wait3A_1451 : memref<64x128xf32, #tpu.memory_space<vmem>>)
      %broadcast_in_dim3A_1455 = vector.broadcast %rem3A_1440 : i32 to vector<16xi32>
      %get3A_1456 = arith.index_cast %while3A_1439 : i32 to index
      %get3A_1457 = tpu.vector_load %arg12[%get3A_1456] {strides = array<i32>} : memref<560xi32, #tpu.memory_space<vmem>>, vector<16xi32>,
      %slice3A_1458 = vector.extract_strided_slice %get3A_1457 {offsets = [0], sizes = [1], strides = [1]} : vector<16xi32> to vector<1xi32>
      %squeeze3A_1459 = vector.extract %slice3A_1458[0] : i32 from vector<1xi32>
      %add3A_1460 = arith.constant 1 : i32
      %add3A_1461 = arith.addi %while3A_1439, %add3A_1460 : i32
      %get3A_1462 = arith.index_cast %add3A_1461 : i32 to index
      %get3A_1463 = tpu.vector_load %arg12[%get3A_1462] {strides = array<i32>} : memref<560xi32, #tpu.memory_space<vmem>>, vector<16xi32>,
      %slice3A_1464 = vector.extract_strided_slice %get3A_1463 {offsets = [0], sizes = [1], strides = [1]} : vector<16xi32> to vector<1xi32>
      %squeeze3A_1465 = vector.extract %slice3A_1464[0] : i32 from vector<1xi32>
      %while3A_1466 = arith.constant 0 : i32
      %while3A_1467 = arith.subi %squeeze3A_1465, %squeeze3A_1459 : i32
      %while3A_1468 = arith.addi %squeeze3A_1459, %while3A_1467 : i32
      %while3A_1469 = arith.constant 1 : i32
      %while3A_1470 = arith.divsi %while3A_1467, %while3A_1469 : i32
      %while3A_1471 = arith.muli %while3A_1470, %while3A_1469 : i32
      %while3A_1472 = arith.addi %squeeze3A_1459, %while3A_1471 : i32
      %while3A_1473 = arith.constant 1 : i32
      scf.for %while3A_1478 = %squeeze3A_1459 to %while3A_1472 step %while3A_1473  : i32 {
        %get3A_1479 = arith.index_cast %while3A_1478 : i32 to index
        %get3A_1480 = tpu.vector_load %arg10[%get3A_1479] {strides = array<i32>} : memref<528xi32, #tpu.memory_space<vmem>>, vector<16xi32>,
        %slice3A_1481 = vector.extract_strided_slice %get3A_1480 {offsets = [0], sizes = [1], strides = [1]} : vector<16xi32> to vector<1xi32>
        %squeeze3A_1482 = vector.extract %slice3A_1481[0] : i32 from vector<1xi32>
        %and3A = arith.constant 127 : i32
        %and3A_1483 = arith.andi %squeeze3A_1482, %and3A : i32
        %broadcast_in_dim3A_1484 = vector.broadcast %and3A_1483 : i32 to vector<16xi32>
        %shift_right_arithmetic3A_1485 = arith.constant 6 : i32
        %shift_right_arithmetic3A_1486 = arith.shrsi %while3A_1478, %shift_right_arithmetic3A_1485 : i32
        %and3A_1487 = arith.constant 1 : i32
        %and3A_1488 = arith.andi %shift_right_arithmetic3A_1486, %and3A_1487 : i32
        %and3A_1489 = arith.constant 63 : i32
        %and3A_1490 = arith.andi %while3A_1478, %and3A_1489 : i32
        %broadcast_in_dim3A_1491 = vector.broadcast %and3A_1488 : i32 to vector<16xi32>
        %broadcast_in_dim3A_1492 = vector.broadcast %and3A_1490 : i32 to vector<16xi32>
        %add3A_1493 = arith.constant 0 : i32
        %add3A_1494 = vector.broadcast %add3A_1493 : i32 to vector<16xi32>
        %add3A_1495 = arith.addi %add3A_1494, %iota3A : vector<16xi32>
        %gather3A = tpu.vector_load_idx %arg14[%broadcast_in_dim3A_1455, %add3A_1495, %broadcast_in_dim3A_1484] : memref<6x64x128xf32, #tpu.memory_space<vmem>>[vector<16xi32>, vector<16xi32>, vector<16xi32>], vector<16xf32>,
        %add3A_1496 = arith.constant 0 : i32
        %add3A_1497 = vector.broadcast %add3A_1496 : i32 to vector<16xi32>
        %add3A_1498 = arith.addi %add3A_1497, %add3A_1495 : vector<16xi32>
        tpu.vector_store_idx %arg15[%broadcast_in_dim3A_1491, %broadcast_in_dim3A_1492, %add3A_1498], %gather3A : memref<2x64x128xf32, #tpu.memory_space<vmem>>[vector<16xi32>, vector<16xi32>, vector<16xi32>], vector<16xf32>,
        %add3A_1499 = arith.constant 16 : i32
        %add3A_1500 = vector.broadcast %add3A_1499 : i32 to vector<16xi32>
        %add3A_1501 = arith.addi %add3A_1500, %iota3A : vector<16xi32>
        %gather3A_1502 = tpu.vector_load_idx %arg14[%broadcast_in_dim3A_1455, %add3A_1501, %broadcast_in_dim3A_1484] : memref<6x64x128xf32, #tpu.memory_space<vmem>>[vector<16xi32>, vector<16xi32>, vector<16xi32>], vector<16xf32>,
        %add3A_1503 = arith.constant 0 : i32
        %add3A_1504 = vector.broadcast %add3A_1503 : i32 to vector<16xi32>
        %add3A_1505 = arith.addi %add3A_1504, %add3A_1501 : vector<16xi32>
        tpu.vector_store_idx %arg15[%broadcast_in_dim3A_1491, %broadcast_in_dim3A_1492, %add3A_1505], %gather3A_1502 : memref<2x64x128xf32, #tpu.memory_space<vmem>>[vector<16xi32>, vector<16xi32>, vector<16xi32>], vector<16xf32>,
        %add3A_1506 = arith.constant 32 : i32
        %add3A_1507 = vector.broadcast %add3A_1506 : i32 to vector<16xi32>
        %add3A_1508 = arith.addi %add3A_1507, %iota3A : vector<16xi32>
        %gather3A_1509 = tpu.vector_load_idx %arg14[%broadcast_in_dim3A_1455, %add3A_1508, %broadcast_in_dim3A_1484] : memref<6x64x128xf32, #tpu.memory_space<vmem>>[vector<16xi32>, vector<16xi32>, vector<16xi32>], vector<16xf32>,
        %add3A_1510 = arith.constant 0 : i32
        %add3A_1511 = vector.broadcast %add3A_1510 : i32 to vector<16xi32>
        %add3A_1512 = arith.addi %add3A_1511, %add3A_1508 : vector<16xi32>
        tpu.vector_store_idx %arg15[%broadcast_in_dim3A_1491, %broadcast_in_dim3A_1492, %add3A_1512], %gather3A_1509 : memref<2x64x128xf32, #tpu.memory_space<vmem>>[vector<16xi32>, vector<16xi32>, vector<16xi32>], vector<16xf32>,
        %add3A_1513 = arith.constant 48 : i32
        %add3A_1514 = vector.broadcast %add3A_1513 : i32 to vector<16xi32>
        %add3A_1515 = arith.addi %add3A_1514, %iota3A : vector<16xi32>
        %gather3A_1516 = tpu.vector_load_idx %arg14[%broadcast_in_dim3A_1455, %add3A_1515, %broadcast_in_dim3A_1484] : memref<6x64x128xf32, #tpu.memory_space<vmem>>[vector<16xi32>, vector<16xi32>, vector<16xi32>], vector<16xf32>,
        %add3A_1517 = arith.constant 0 : i32
        %add3A_1518 = vector.broadcast %add3A_1517 : i32 to vector<16xi32>
        %add3A_1519 = arith.addi %add3A_1518, %add3A_1515 : vector<16xi32>
        tpu.vector_store_idx %arg15[%broadcast_in_dim3A_1491, %broadcast_in_dim3A_1492, %add3A_1519], %gather3A_1516 : memref<2x64x128xf32, #tpu.memory_space<vmem>>[vector<16xi32>, vector<16xi32>, vector<16xi32>], vector<16xf32>,
        %eq3A = arith.constant 63 : i32
        %eq3A_1520 = arith.cmpi eq, %and3A_1490, %eq3A : i32
        %convert_element_type3A_1521 = arith.extui %eq3A_1520 : i1 to i32
        %cond3A_1522 = arith.constant 0 : i32
        %cond3A_1523 = arith.cmpi ne, %convert_element_type3A_1521, %cond3A_1522 : i32
        scf.if %cond3A_1523 {
          %ge3A = arith.constant 2 : i32
          %ge3A_1524 = arith.cmpi sge, %shift_right_arithmetic3A_1486, %ge3A : i32
          %convert_element_type3A_1525 = arith.extui %ge3A_1524 : i1 to i32
          %cond3A_1526 = arith.constant 0 : i32
          %cond3A_1527 = arith.cmpi ne, %convert_element_type3A_1525, %cond3A_1526 : i32
          scf.if %cond3A_1527 {
            %dma_wait3A_1537 = arith.constant 0 : i32
            %dma_wait3A_1538 = arith.constant 0 : i32
            %dma_wait3A_1539 = arith.constant 0 : i32
            %dma_wait3A_1540 = tpu.memref_slice %arg15[%and3A_1488, %dma_wait3A_1538, %dma_wait3A_1539] : memref<2x64x128xf32, #tpu.memory_space<vmem>> -> memref<1x64x128xf32, #tpu.memory_space<vmem>>
            %dma_wait3A_1541 = tpu.memref_squeeze %dma_wait3A_1540 : memref<1x64x128xf32, #tpu.memory_space<vmem>> -> memref<64x128xf32, #tpu.memory_space<vmem>>
            %dma_wait3A_1542 = arith.constant 0 : i32
            %dma_wait3A_1543 = tpu.memref_slice %arg13[%dma_wait3A_1537, %dma_wait3A_1542] : memref<8x64xi32, #tpu.memory_space<vmem>> -> memref<1x64xi32, #tpu.memory_space<vmem>>
            %dma_wait3A_1544 = tpu.memref_squeeze %dma_wait3A_1543 : memref<1x64xi32, #tpu.memory_space<vmem>> -> memref<64xi32, #tpu.memory_space<vmem>>
            %dma_wait3A_1545 = arith.constant 0 : i32
            %dma_wait3A_1546 = arith.constant 0 : i32
            %dma_wait3A_1547 = tpu.memref_slice %arg8[%dma_wait3A_1545, %dma_wait3A_1546] : memref<16384x128xf32, #tpu.memory_space<hbm>> -> memref<16384x128xf32, #tpu.memory_space<hbm>>
            tpu.wait_indirect_dma semaphore(%arg17 : memref<!tpu.dma_semaphore, #tpu.memory_space<semaphore_mem>>) src(%dma_wait3A_1541 : memref<64x128xf32, #tpu.memory_space<vmem>>) dst(%dma_wait3A_1547 : memref<16384x128xf32, #tpu.memory_space<hbm>>)
          } else {
          }
          %dma_start3A = arith.constant 0 : i32
          %dma_start3A_1528 = arith.constant 0 : i32
          %dma_start3A_1529 = tpu.memref_slice %arg15[%and3A_1488, %dma_start3A, %dma_start3A_1528] : memref<2x64x128xf32, #tpu.memory_space<vmem>> -> memref<1x64x128xf32, #tpu.memory_space<vmem>>
          %dma_start3A_1530 = tpu.memref_squeeze %dma_start3A_1529 : memref<1x64x128xf32, #tpu.memory_space<vmem>> -> memref<64x128xf32, #tpu.memory_space<vmem>>
          %dma_start3A_1531 = arith.constant 0 : i32
          %dma_start3A_1532 = tpu.memref_slice %arg13[%shift_right_arithmetic3A_1486, %dma_start3A_1531] : memref<8x64xi32, #tpu.memory_space<vmem>> -> memref<1x64xi32, #tpu.memory_space<vmem>>
          %dma_start3A_1533 = tpu.memref_squeeze %dma_start3A_1532 : memref<1x64xi32, #tpu.memory_space<vmem>> -> memref<64xi32, #tpu.memory_space<vmem>>
          %dma_start3A_1534 = arith.constant 0 : i32
          %dma_start3A_1535 = arith.constant 0 : i32
          %dma_start3A_1536 = tpu.memref_slice %arg8[%dma_start3A_1534, %dma_start3A_1535] : memref<16384x128xf32, #tpu.memory_space<hbm>> -> memref<16384x128xf32, #tpu.memory_space<hbm>>
          tpu.enqueue_indirect_dma source(%dma_start3A_1530 : memref<64x128xf32, #tpu.memory_space<vmem>>) target(%dma_start3A_1536 : memref<16384x128xf32, #tpu.memory_space<hbm>>) offsets(%dma_start3A_1533 : memref<64xi32, #tpu.memory_space<vmem>>) semaphore(%arg17 : memref<!tpu.dma_semaphore, #tpu.memory_space<semaphore_mem>>)
        } else {
        }
      }
      %while3A_1474 = arith.constant 1 : i32
      scf.for %while3A_1478 = %while3A_1472 to %while3A_1468 step %while3A_1474  : i32 {
        %get3A_1479 = arith.index_cast %while3A_1478 : i32 to index
        %get3A_1480 = tpu.vector_load %arg10[%get3A_1479] {strides = array<i32>} : memref<528xi32, #tpu.memory_space<vmem>>, vector<16xi32>,
        %slice3A_1481 = vector.extract_strided_slice %get3A_1480 {offsets = [0], sizes = [1], strides = [1]} : vector<16xi32> to vector<1xi32>
        %squeeze3A_1482 = vector.extract %slice3A_1481[0] : i32 from vector<1xi32>
        %and3A = arith.constant 127 : i32
        %and3A_1483 = arith.andi %squeeze3A_1482, %and3A : i32
        %broadcast_in_dim3A_1484 = vector.broadcast %and3A_1483 : i32 to vector<16xi32>
        %shift_right_arithmetic3A_1485 = arith.constant 6 : i32
        %shift_right_arithmetic3A_1486 = arith.shrsi %while3A_1478, %shift_right_arithmetic3A_1485 : i32
        %and3A_1487 = arith.constant 1 : i32
        %and3A_1488 = arith.andi %shift_right_arithmetic3A_1486, %and3A_1487 : i32
        %and3A_1489 = arith.constant 63 : i32
        %and3A_1490 = arith.andi %while3A_1478, %and3A_1489 : i32
        %broadcast_in_dim3A_1491 = vector.broadcast %and3A_1488 : i32 to vector<16xi32>
        %broadcast_in_dim3A_1492 = vector.broadcast %and3A_1490 : i32 to vector<16xi32>
        %add3A_1493 = arith.constant 0 : i32
        %add3A_1494 = vector.broadcast %add3A_1493 : i32 to vector<16xi32>
        %add3A_1495 = arith.addi %add3A_1494, %iota3A : vector<16xi32>
        %gather3A = tpu.vector_load_idx %arg14[%broadcast_in_dim3A_1455, %add3A_1495, %broadcast_in_dim3A_1484] : memref<6x64x128xf32, #tpu.memory_space<vmem>>[vector<16xi32>, vector<16xi32>, vector<16xi32>], vector<16xf32>,
        %add3A_1496 = arith.constant 0 : i32
        %add3A_1497 = vector.broadcast %add3A_1496 : i32 to vector<16xi32>
        %add3A_1498 = arith.addi %add3A_1497, %add3A_1495 : vector<16xi32>
        tpu.vector_store_idx %arg15[%broadcast_in_dim3A_1491, %broadcast_in_dim3A_1492, %add3A_1498], %gather3A : memref<2x64x128xf32, #tpu.memory_space<vmem>>[vector<16xi32>, vector<16xi32>, vector<16xi32>], vector<16xf32>,
        %add3A_1499 = arith.constant 16 : i32
        %add3A_1500 = vector.broadcast %add3A_1499 : i32 to vector<16xi32>
        %add3A_1501 = arith.addi %add3A_1500, %iota3A : vector<16xi32>
        %gather3A_1502 = tpu.vector_load_idx %arg14[%broadcast_in_dim3A_1455, %add3A_1501, %broadcast_in_dim3A_1484] : memref<6x64x128xf32, #tpu.memory_space<vmem>>[vector<16xi32>, vector<16xi32>, vector<16xi32>], vector<16xf32>,
        %add3A_1503 = arith.constant 0 : i32
        %add3A_1504 = vector.broadcast %add3A_1503 : i32 to vector<16xi32>
        %add3A_1505 = arith.addi %add3A_1504, %add3A_1501 : vector<16xi32>
        tpu.vector_store_idx %arg15[%broadcast_in_dim3A_1491, %broadcast_in_dim3A_1492, %add3A_1505], %gather3A_1502 : memref<2x64x128xf32, #tpu.memory_space<vmem>>[vector<16xi32>, vector<16xi32>, vector<16xi32>], vector<16xf32>,
        %add3A_1506 = arith.constant 32 : i32
        %add3A_1507 = vector.broadcast %add3A_1506 : i32 to vector<16xi32>
        %add3A_1508 = arith.addi %add3A_1507, %iota3A : vector<16xi32>
        %gather3A_1509 = tpu.vector_load_idx %arg14[%broadcast_in_dim3A_1455, %add3A_1508, %broadcast_in_dim3A_1484] : memref<6x64x128xf32, #tpu.memory_space<vmem>>[vector<16xi32>, vector<16xi32>, vector<16xi32>], vector<16xf32>,
        %add3A_1510 = arith.constant 0 : i32
        %add3A_1511 = vector.broadcast %add3A_1510 : i32 to vector<16xi32>
        %add3A_1512 = arith.addi %add3A_1511, %add3A_1508 : vector<16xi32>
        tpu.vector_store_idx %arg15[%broadcast_in_dim3A_1491, %broadcast_in_dim3A_1492, %add3A_1512], %gather3A_1509 : memref<2x64x128xf32, #tpu.memory_space<vmem>>[vector<16xi32>, vector<16xi32>, vector<16xi32>], vector<16xf32>,
        %add3A_1513 = arith.constant 48 : i32
        %add3A_1514 = vector.broadcast %add3A_1513 : i32 to vector<16xi32>
        %add3A_1515 = arith.addi %add3A_1514, %iota3A : vector<16xi32>
        %gather3A_1516 = tpu.vector_load_idx %arg14[%broadcast_in_dim3A_1455, %add3A_1515, %broadcast_in_dim3A_1484] : memref<6x64x128xf32, #tpu.memory_space<vmem>>[vector<16xi32>, vector<16xi32>, vector<16xi32>], vector<16xf32>,
        %add3A_1517 = arith.constant 0 : i32
        %add3A_1518 = vector.broadcast %add3A_1517 : i32 to vector<16xi32>
        %add3A_1519 = arith.addi %add3A_1518, %add3A_1515 : vector<16xi32>
        tpu.vector_store_idx %arg15[%broadcast_in_dim3A_1491, %broadcast_in_dim3A_1492, %add3A_1519], %gather3A_1516 : memref<2x64x128xf32, #tpu.memory_space<vmem>>[vector<16xi32>, vector<16xi32>, vector<16xi32>], vector<16xf32>,
        %eq3A = arith.constant 63 : i32
        %eq3A_1520 = arith.cmpi eq, %and3A_1490, %eq3A : i32
        %convert_element_type3A_1521 = arith.extui %eq3A_1520 : i1 to i32
        %cond3A_1522 = arith.constant 0 : i32
        %cond3A_1523 = arith.cmpi ne, %convert_element_type3A_1521, %cond3A_1522 : i32
        scf.if %cond3A_1523 {
          %ge3A = arith.constant 2 : i32
          %ge3A_1524 = arith.cmpi sge, %shift_right_arithmetic3A_1486, %ge3A : i32
          %convert_element_type3A_1525 = arith.extui %ge3A_1524 : i1 to i32
          %cond3A_1526 = arith.constant 0 : i32
          %cond3A_1527 = arith.cmpi ne, %convert_element_type3A_1525, %cond3A_1526 : i32
          scf.if %cond3A_1527 {
            %dma_wait3A_1537 = arith.constant 0 : i32
            %dma_wait3A_1538 = arith.constant 0 : i32
            %dma_wait3A_1539 = arith.constant 0 : i32
            %dma_wait3A_1540 = tpu.memref_slice %arg15[%and3A_1488, %dma_wait3A_1538, %dma_wait3A_1539] : memref<2x64x128xf32, #tpu.memory_space<vmem>> -> memref<1x64x128xf32, #tpu.memory_space<vmem>>
            %dma_wait3A_1541 = tpu.memref_squeeze %dma_wait3A_1540 : memref<1x64x128xf32, #tpu.memory_space<vmem>> -> memref<64x128xf32, #tpu.memory_space<vmem>>
            %dma_wait3A_1542 = arith.constant 0 : i32
            %dma_wait3A_1543 = tpu.memref_slice %arg13[%dma_wait3A_1537, %dma_wait3A_1542] : memref<8x64xi32, #tpu.memory_space<vmem>> -> memref<1x64xi32, #tpu.memory_space<vmem>>
            %dma_wait3A_1544 = tpu.memref_squeeze %dma_wait3A_1543 : memref<1x64xi32, #tpu.memory_space<vmem>> -> memref<64xi32, #tpu.memory_space<vmem>>
            %dma_wait3A_1545 = arith.constant 0 : i32
            %dma_wait3A_1546 = arith.constant 0 : i32
            %dma_wait3A_1547 = tpu.memref_slice %arg8[%dma_wait3A_1545, %dma_wait3A_1546] : memref<16384x128xf32, #tpu.memory_space<hbm>> -> memref<16384x128xf32, #tpu.memory_space<hbm>>
            tpu.wait_indirect_dma semaphore(%arg17 : memref<!tpu.dma_semaphore, #tpu.memory_space<semaphore_mem>>) src(%dma_wait3A_1541 : memref<64x128xf32, #tpu.memory_space<vmem>>) dst(%dma_wait3A_1547 : memref<16384x128xf32, #tpu.memory_space<hbm>>)
          } else {
          }
          %dma_start3A = arith.constant 0 : i32
          %dma_start3A_1528 = arith.constant 0 : i32
          %dma_start3A_1529 = tpu.memref_slice %arg15[%and3A_1488, %dma_start3A, %dma_start3A_1528] : memref<2x64x128xf32, #tpu.memory_space<vmem>> -> memref<1x64x128xf32, #tpu.memory_space<vmem>>
          %dma_start3A_1530 = tpu.memref_squeeze %dma_start3A_1529 : memref<1x64x128xf32, #tpu.memory_space<vmem>> -> memref<64x128xf32, #tpu.memory_space<vmem>>
          %dma_start3A_1531 = arith.constant 0 : i32
          %dma_start3A_1532 = tpu.memref_slice %arg13[%shift_right_arithmetic3A_1486, %dma_start3A_1531] : memref<8x64xi32, #tpu.memory_space<vmem>> -> memref<1x64xi32, #tpu.memory_space<vmem>>
          %dma_start3A_1533 = tpu.memref_squeeze %dma_start3A_1532 : memref<1x64xi32, #tpu.memory_space<vmem>> -> memref<64xi32, #tpu.memory_space<vmem>>
          %dma_start3A_1534 = arith.constant 0 : i32
          %dma_start3A_1535 = arith.constant 0 : i32
          %dma_start3A_1536 = tpu.memref_slice %arg8[%dma_start3A_1534, %dma_start3A_1535] : memref<16384x128xf32, #tpu.memory_space<hbm>> -> memref<16384x128xf32, #tpu.memory_space<hbm>>
          tpu.enqueue_indirect_dma source(%dma_start3A_1530 : memref<64x128xf32, #tpu.memory_space<vmem>>) target(%dma_start3A_1536 : memref<16384x128xf32, #tpu.memory_space<hbm>>) offsets(%dma_start3A_1533 : memref<64xi32, #tpu.memory_space<vmem>>) semaphore(%arg17 : memref<!tpu.dma_semaphore, #tpu.memory_space<semaphore_mem>>)
        } else {
        }
      }
      %add3A_1475 = arith.constant 6 : i32
      %add3A_1476 = arith.addi %while3A_1439, %add3A_1475 : i32
      %lt3A = arith.cmpi slt, %add3A_1476, %add3A_673 : i32
      %convert_element_type3A = arith.extui %lt3A : i1 to i32
      %cond3A = arith.constant 0 : i32
      %cond3A_1477 = arith.cmpi ne, %convert_element_type3A, %cond3A : i32
      scf.if %cond3A_1477 {
        %add3A_1478 = arith.constant 6 : i32
        %add3A_1479 = arith.addi %while3A_1439, %add3A_1478 : i32
        %get3A_1480 = arith.index_cast %add3A_1479 : i32 to index
        %get3A_1481 = tpu.vector_load %arg12[%get3A_1480] {strides = array<i32>} : memref<560xi32, #tpu.memory_space<vmem>>, vector<16xi32>,
        %slice3A_1482 = vector.extract_strided_slice %get3A_1481 {offsets = [0], sizes = [1], strides = [1]} : vector<16xi32> to vector<1xi32>
        %squeeze3A_1483 = vector.extract %slice3A_1482[0] : i32 from vector<1xi32>
        %get3A_1484 = arith.index_cast %squeeze3A_1483 : i32 to index
        %get3A_1485 = tpu.vector_load %arg10[%get3A_1484] {strides = array<i32>} : memref<528xi32, #tpu.memory_space<vmem>>, vector<16xi32>,
        %slice3A_1486 = vector.extract_strided_slice %get3A_1485 {offsets = [0], sizes = [1], strides = [1]} : vector<16xi32> to vector<1xi32>
        %squeeze3A_1487 = vector.extract %slice3A_1486[0] : i32 from vector<1xi32>
        %shift_right_arithmetic3A_1488 = arith.constant 7 : i32
        %shift_right_arithmetic3A_1489 = arith.shrsi %squeeze3A_1487, %shift_right_arithmetic3A_1488 : i32
        %mul3A_1490 = arith.constant 128 : i32
        %mul3A_1491 = arith.muli %shift_right_arithmetic3A_1489, %mul3A_1490 : i32
        %multiple_of3A = tpu.assume_multiple %mul3A_1491, 128 : i32
        %dma_start3A = arith.constant 0 : i32
        %dma_start3A_1492 = arith.constant 0 : i32
        %dma_start3A_1493 = tpu.memref_slice %arg14[%rem3A_1440, %dma_start3A, %dma_start3A_1492] : memref<6x64x128xf32, #tpu.memory_space<vmem>> -> memref<1x64x128xf32, #tpu.memory_space<vmem>>
        %dma_start3A_1494 = tpu.memref_squeeze %dma_start3A_1493 : memref<1x64x128xf32, #tpu.memory_space<vmem>> -> memref<64x128xf32, #tpu.memory_space<vmem>>
        %dma_start3A_1495 = arith.constant 0 : i32
        %dma_start3A_1496 = tpu.memref_slice %arg6[%dma_start3A_1495, %multiple_of3A] : memref<64x1000000xf32, #tpu.memory_space<hbm>> -> memref<64x128xf32, #tpu.memory_space<hbm>>
        %dma_start3A_1497 = arith.constant 0 : i32
        %dma_start3A_1498 = arith.constant 0 : i32
        %dma_start3A_1499 = tpu.memref_slice %arg14[%rem3A_1440, %dma_start3A_1497, %dma_start3A_1498] : memref<6x64x128xf32, #tpu.memory_space<vmem>> -> memref<1x64x128xf32, #tpu.memory_space<vmem>>
        %dma_start3A_1500 = tpu.memref_squeeze %dma_start3A_1499 : memref<1x64x128xf32, #tpu.memory_space<vmem>> -> memref<64x128xf32, #tpu.memory_space<vmem>>
        %dma_start3A_1501 = arith.constant 0 : i32
        %dma_start3A_1502 = tpu.memref_slice %arg6[%dma_start3A_1501, %multiple_of3A] : memref<64x1000000xf32, #tpu.memory_space<hbm>> -> memref<64x128xf32, #tpu.memory_space<hbm>>
        tpu.enqueue_dma source(%dma_start3A_1502 : memref<64x128xf32, #tpu.memory_space<hbm>>) target(%dma_start3A_1500 : memref<64x128xf32, #tpu.memory_space<vmem>>) target_semaphore(%arg16 : memref<!tpu.dma_semaphore, #tpu.memory_space<semaphore_mem>>)
      } else {
      }
    }
    %while3A_691 = arith.constant 1 : i32
    scf.for %while3A_1439 = %while3A_689 to %while3A_685 step %while3A_691  : i32 {
      %rem3A = arith.constant 6 : i32
      %rem3A_1440 = arith.remsi %while3A_1439, %rem3A : i32
      %dma_wait3A_1441 = arith.constant 0 : i32
      %dma_wait3A_1442 = arith.constant 0 : i32
      %dma_wait3A_1443 = tpu.memref_slice %arg14[%rem3A_1440, %dma_wait3A_1441, %dma_wait3A_1442] : memref<6x64x128xf32, #tpu.memory_space<vmem>> -> memref<1x64x128xf32, #tpu.memory_space<vmem>>
      %dma_wait3A_1444 = tpu.memref_squeeze %dma_wait3A_1443 : memref<1x64x128xf32, #tpu.memory_space<vmem>> -> memref<64x128xf32, #tpu.memory_space<vmem>>
      %dma_wait3A_1445 = arith.constant 0 : i32
      %dma_wait3A_1446 = arith.constant 0 : i32
      %dma_wait3A_1447 = tpu.memref_slice %arg6[%dma_wait3A_1445, %dma_wait3A_1446] : memref<64x1000000xf32, #tpu.memory_space<hbm>> -> memref<64x128xf32, #tpu.memory_space<hbm>>
      %dma_wait3A_1448 = arith.constant 0 : i32
      %dma_wait3A_1449 = arith.constant 0 : i32
      %dma_wait3A_1450 = tpu.memref_slice %arg14[%rem3A_1440, %dma_wait3A_1448, %dma_wait3A_1449] : memref<6x64x128xf32, #tpu.memory_space<vmem>> -> memref<1x64x128xf32, #tpu.memory_space<vmem>>
      %dma_wait3A_1451 = tpu.memref_squeeze %dma_wait3A_1450 : memref<1x64x128xf32, #tpu.memory_space<vmem>> -> memref<64x128xf32, #tpu.memory_space<vmem>>
      %dma_wait3A_1452 = arith.constant 0 : i32
      %dma_wait3A_1453 = arith.constant 0 : i32
      %dma_wait3A_1454 = tpu.memref_slice %arg6[%dma_wait3A_1452, %dma_wait3A_1453] : memref<64x1000000xf32, #tpu.memory_space<hbm>> -> memref<64x128xf32, #tpu.memory_space<hbm>>
      tpu.wait_dma2 semaphore(%arg16 : memref<!tpu.dma_semaphore, #tpu.memory_space<semaphore_mem>>) src(%dma_wait3A_1454 : memref<64x128xf32, #tpu.memory_space<hbm>>) dst(%dma_wait3A_1451 : memref<64x128xf32, #tpu.memory_space<vmem>>)
      %broadcast_in_dim3A_1455 = vector.broadcast %rem3A_1440 : i32 to vector<16xi32>
      %get3A_1456 = arith.index_cast %while3A_1439 : i32 to index
      %get3A_1457 = tpu.vector_load %arg12[%get3A_1456] {strides = array<i32>} : memref<560xi32, #tpu.memory_space<vmem>>, vector<16xi32>,
      %slice3A_1458 = vector.extract_strided_slice %get3A_1457 {offsets = [0], sizes = [1], strides = [1]} : vector<16xi32> to vector<1xi32>
      %squeeze3A_1459 = vector.extract %slice3A_1458[0] : i32 from vector<1xi32>
      %add3A_1460 = arith.constant 1 : i32
      %add3A_1461 = arith.addi %while3A_1439, %add3A_1460 : i32
      %get3A_1462 = arith.index_cast %add3A_1461 : i32 to index
      %get3A_1463 = tpu.vector_load %arg12[%get3A_1462] {strides = array<i32>} : memref<560xi32, #tpu.memory_space<vmem>>, vector<16xi32>,
      %slice3A_1464 = vector.extract_strided_slice %get3A_1463 {offsets = [0], sizes = [1], strides = [1]} : vector<16xi32> to vector<1xi32>
      %squeeze3A_1465 = vector.extract %slice3A_1464[0] : i32 from vector<1xi32>
      %while3A_1466 = arith.constant 0 : i32
      %while3A_1467 = arith.subi %squeeze3A_1465, %squeeze3A_1459 : i32
      %while3A_1468 = arith.addi %squeeze3A_1459, %while3A_1467 : i32
      %while3A_1469 = arith.constant 1 : i32
      %while3A_1470 = arith.divsi %while3A_1467, %while3A_1469 : i32
      %while3A_1471 = arith.muli %while3A_1470, %while3A_1469 : i32
      %while3A_1472 = arith.addi %squeeze3A_1459, %while3A_1471 : i32
      %while3A_1473 = arith.constant 1 : i32
      scf.for %while3A_1478 = %squeeze3A_1459 to %while3A_1472 step %while3A_1473  : i32 {
        %get3A_1479 = arith.index_cast %while3A_1478 : i32 to index
        %get3A_1480 = tpu.vector_load %arg10[%get3A_1479] {strides = array<i32>} : memref<528xi32, #tpu.memory_space<vmem>>, vector<16xi32>,
        %slice3A_1481 = vector.extract_strided_slice %get3A_1480 {offsets = [0], sizes = [1], strides = [1]} : vector<16xi32> to vector<1xi32>
        %squeeze3A_1482 = vector.extract %slice3A_1481[0] : i32 from vector<1xi32>
        %and3A = arith.constant 127 : i32
        %and3A_1483 = arith.andi %squeeze3A_1482, %and3A : i32
        %broadcast_in_dim3A_1484 = vector.broadcast %and3A_1483 : i32 to vector<16xi32>
        %shift_right_arithmetic3A_1485 = arith.constant 6 : i32
        %shift_right_arithmetic3A_1486 = arith.shrsi %while3A_1478, %shift_right_arithmetic3A_1485 : i32
        %and3A_1487 = arith.constant 1 : i32
        %and3A_1488 = arith.andi %shift_right_arithmetic3A_1486, %and3A_1487 : i32
        %and3A_1489 = arith.constant 63 : i32
        %and3A_1490 = arith.andi %while3A_1478, %and3A_1489 : i32
        %broadcast_in_dim3A_1491 = vector.broadcast %and3A_1488 : i32 to vector<16xi32>
        %broadcast_in_dim3A_1492 = vector.broadcast %and3A_1490 : i32 to vector<16xi32>
        %add3A_1493 = arith.constant 0 : i32
        %add3A_1494 = vector.broadcast %add3A_1493 : i32 to vector<16xi32>
        %add3A_1495 = arith.addi %add3A_1494, %iota3A : vector<16xi32>
        %gather3A = tpu.vector_load_idx %arg14[%broadcast_in_dim3A_1455, %add3A_1495, %broadcast_in_dim3A_1484] : memref<6x64x128xf32, #tpu.memory_space<vmem>>[vector<16xi32>, vector<16xi32>, vector<16xi32>], vector<16xf32>,
        %add3A_1496 = arith.constant 0 : i32
        %add3A_1497 = vector.broadcast %add3A_1496 : i32 to vector<16xi32>
        %add3A_1498 = arith.addi %add3A_1497, %add3A_1495 : vector<16xi32>
        tpu.vector_store_idx %arg15[%broadcast_in_dim3A_1491, %broadcast_in_dim3A_1492, %add3A_1498], %gather3A : memref<2x64x128xf32, #tpu.memory_space<vmem>>[vector<16xi32>, vector<16xi32>, vector<16xi32>], vector<16xf32>,
        %add3A_1499 = arith.constant 16 : i32
        %add3A_1500 = vector.broadcast %add3A_1499 : i32 to vector<16xi32>
        %add3A_1501 = arith.addi %add3A_1500, %iota3A : vector<16xi32>
        %gather3A_1502 = tpu.vector_load_idx %arg14[%broadcast_in_dim3A_1455, %add3A_1501, %broadcast_in_dim3A_1484] : memref<6x64x128xf32, #tpu.memory_space<vmem>>[vector<16xi32>, vector<16xi32>, vector<16xi32>], vector<16xf32>,
        %add3A_1503 = arith.constant 0 : i32
        %add3A_1504 = vector.broadcast %add3A_1503 : i32 to vector<16xi32>
        %add3A_1505 = arith.addi %add3A_1504, %add3A_1501 : vector<16xi32>
        tpu.vector_store_idx %arg15[%broadcast_in_dim3A_1491, %broadcast_in_dim3A_1492, %add3A_1505], %gather3A_1502 : memref<2x64x128xf32, #tpu.memory_space<vmem>>[vector<16xi32>, vector<16xi32>, vector<16xi32>], vector<16xf32>,
        %add3A_1506 = arith.constant 32 : i32
        %add3A_1507 = vector.broadcast %add3A_1506 : i32 to vector<16xi32>
        %add3A_1508 = arith.addi %add3A_1507, %iota3A : vector<16xi32>
        %gather3A_1509 = tpu.vector_load_idx %arg14[%broadcast_in_dim3A_1455, %add3A_1508, %broadcast_in_dim3A_1484] : memref<6x64x128xf32, #tpu.memory_space<vmem>>[vector<16xi32>, vector<16xi32>, vector<16xi32>], vector<16xf32>,
        %add3A_1510 = arith.constant 0 : i32
        %add3A_1511 = vector.broadcast %add3A_1510 : i32 to vector<16xi32>
        %add3A_1512 = arith.addi %add3A_1511, %add3A_1508 : vector<16xi32>
        tpu.vector_store_idx %arg15[%broadcast_in_dim3A_1491, %broadcast_in_dim3A_1492, %add3A_1512], %gather3A_1509 : memref<2x64x128xf32, #tpu.memory_space<vmem>>[vector<16xi32>, vector<16xi32>, vector<16xi32>], vector<16xf32>,
        %add3A_1513 = arith.constant 48 : i32
        %add3A_1514 = vector.broadcast %add3A_1513 : i32 to vector<16xi32>
        %add3A_1515 = arith.addi %add3A_1514, %iota3A : vector<16xi32>
        %gather3A_1516 = tpu.vector_load_idx %arg14[%broadcast_in_dim3A_1455, %add3A_1515, %broadcast_in_dim3A_1484] : memref<6x64x128xf32, #tpu.memory_space<vmem>>[vector<16xi32>, vector<16xi32>, vector<16xi32>], vector<16xf32>,
        %add3A_1517 = arith.constant 0 : i32
        %add3A_1518 = vector.broadcast %add3A_1517 : i32 to vector<16xi32>
        %add3A_1519 = arith.addi %add3A_1518, %add3A_1515 : vector<16xi32>
        tpu.vector_store_idx %arg15[%broadcast_in_dim3A_1491, %broadcast_in_dim3A_1492, %add3A_1519], %gather3A_1516 : memref<2x64x128xf32, #tpu.memory_space<vmem>>[vector<16xi32>, vector<16xi32>, vector<16xi32>], vector<16xf32>,
        %eq3A = arith.constant 63 : i32
        %eq3A_1520 = arith.cmpi eq, %and3A_1490, %eq3A : i32
        %convert_element_type3A_1521 = arith.extui %eq3A_1520 : i1 to i32
        %cond3A_1522 = arith.constant 0 : i32
        %cond3A_1523 = arith.cmpi ne, %convert_element_type3A_1521, %cond3A_1522 : i32
        scf.if %cond3A_1523 {
          %ge3A = arith.constant 2 : i32
          %ge3A_1524 = arith.cmpi sge, %shift_right_arithmetic3A_1486, %ge3A : i32
          %convert_element_type3A_1525 = arith.extui %ge3A_1524 : i1 to i32
          %cond3A_1526 = arith.constant 0 : i32
          %cond3A_1527 = arith.cmpi ne, %convert_element_type3A_1525, %cond3A_1526 : i32
          scf.if %cond3A_1527 {
            %dma_wait3A_1537 = arith.constant 0 : i32
            %dma_wait3A_1538 = arith.constant 0 : i32
            %dma_wait3A_1539 = arith.constant 0 : i32
            %dma_wait3A_1540 = tpu.memref_slice %arg15[%and3A_1488, %dma_wait3A_1538, %dma_wait3A_1539] : memref<2x64x128xf32, #tpu.memory_space<vmem>> -> memref<1x64x128xf32, #tpu.memory_space<vmem>>
            %dma_wait3A_1541 = tpu.memref_squeeze %dma_wait3A_1540 : memref<1x64x128xf32, #tpu.memory_space<vmem>> -> memref<64x128xf32, #tpu.memory_space<vmem>>
            %dma_wait3A_1542 = arith.constant 0 : i32
            %dma_wait3A_1543 = tpu.memref_slice %arg13[%dma_wait3A_1537, %dma_wait3A_1542] : memref<8x64xi32, #tpu.memory_space<vmem>> -> memref<1x64xi32, #tpu.memory_space<vmem>>
            %dma_wait3A_1544 = tpu.memref_squeeze %dma_wait3A_1543 : memref<1x64xi32, #tpu.memory_space<vmem>> -> memref<64xi32, #tpu.memory_space<vmem>>
            %dma_wait3A_1545 = arith.constant 0 : i32
            %dma_wait3A_1546 = arith.constant 0 : i32
            %dma_wait3A_1547 = tpu.memref_slice %arg8[%dma_wait3A_1545, %dma_wait3A_1546] : memref<16384x128xf32, #tpu.memory_space<hbm>> -> memref<16384x128xf32, #tpu.memory_space<hbm>>
            tpu.wait_indirect_dma semaphore(%arg17 : memref<!tpu.dma_semaphore, #tpu.memory_space<semaphore_mem>>) src(%dma_wait3A_1541 : memref<64x128xf32, #tpu.memory_space<vmem>>) dst(%dma_wait3A_1547 : memref<16384x128xf32, #tpu.memory_space<hbm>>)
          } else {
          }
          %dma_start3A = arith.constant 0 : i32
          %dma_start3A_1528 = arith.constant 0 : i32
          %dma_start3A_1529 = tpu.memref_slice %arg15[%and3A_1488, %dma_start3A, %dma_start3A_1528] : memref<2x64x128xf32, #tpu.memory_space<vmem>> -> memref<1x64x128xf32, #tpu.memory_space<vmem>>
          %dma_start3A_1530 = tpu.memref_squeeze %dma_start3A_1529 : memref<1x64x128xf32, #tpu.memory_space<vmem>> -> memref<64x128xf32, #tpu.memory_space<vmem>>
          %dma_start3A_1531 = arith.constant 0 : i32
          %dma_start3A_1532 = tpu.memref_slice %arg13[%shift_right_arithmetic3A_1486, %dma_start3A_1531] : memref<8x64xi32, #tpu.memory_space<vmem>> -> memref<1x64xi32, #tpu.memory_space<vmem>>
          %dma_start3A_1533 = tpu.memref_squeeze %dma_start3A_1532 : memref<1x64xi32, #tpu.memory_space<vmem>> -> memref<64xi32, #tpu.memory_space<vmem>>
          %dma_start3A_1534 = arith.constant 0 : i32
          %dma_start3A_1535 = arith.constant 0 : i32
          %dma_start3A_1536 = tpu.memref_slice %arg8[%dma_start3A_1534, %dma_start3A_1535] : memref<16384x128xf32, #tpu.memory_space<hbm>> -> memref<16384x128xf32, #tpu.memory_space<hbm>>
          tpu.enqueue_indirect_dma source(%dma_start3A_1530 : memref<64x128xf32, #tpu.memory_space<vmem>>) target(%dma_start3A_1536 : memref<16384x128xf32, #tpu.memory_space<hbm>>) offsets(%dma_start3A_1533 : memref<64xi32, #tpu.memory_space<vmem>>) semaphore(%arg17 : memref<!tpu.dma_semaphore, #tpu.memory_space<semaphore_mem>>)
        } else {
        }
      }
      %while3A_1474 = arith.constant 1 : i32
      scf.for %while3A_1478 = %while3A_1472 to %while3A_1468 step %while3A_1474  : i32 {
        %get3A_1479 = arith.index_cast %while3A_1478 : i32 to index
        %get3A_1480 = tpu.vector_load %arg10[%get3A_1479] {strides = array<i32>} : memref<528xi32, #tpu.memory_space<vmem>>, vector<16xi32>,
        %slice3A_1481 = vector.extract_strided_slice %get3A_1480 {offsets = [0], sizes = [1], strides = [1]} : vector<16xi32> to vector<1xi32>
        %squeeze3A_1482 = vector.extract %slice3A_1481[0] : i32 from vector<1xi32>
        %and3A = arith.constant 127 : i32
        %and3A_1483 = arith.andi %squeeze3A_1482, %and3A : i32
        %broadcast_in_dim3A_1484 = vector.broadcast %and3A_1483 : i32 to vector<16xi32>
        %shift_right_arithmetic3A_1485 = arith.constant 6 : i32
        %shift_right_arithmetic3A_1486 = arith.shrsi %while3A_1478, %shift_right_arithmetic3A_1485 : i32
        %and3A_1487 = arith.constant 1 : i32
        %and3A_1488 = arith.andi %shift_right_arithmetic3A_1486, %and3A_1487 : i32
        %and3A_1489 = arith.constant 63 : i32
        %and3A_1490 = arith.andi %while3A_1478, %and3A_1489 : i32
        %broadcast_in_dim3A_1491 = vector.broadcast %and3A_1488 : i32 to vector<16xi32>
        %broadcast_in_dim3A_1492 = vector.broadcast %and3A_1490 : i32 to vector<16xi32>
        %add3A_1493 = arith.constant 0 : i32
        %add3A_1494 = vector.broadcast %add3A_1493 : i32 to vector<16xi32>
        %add3A_1495 = arith.addi %add3A_1494, %iota3A : vector<16xi32>
        %gather3A = tpu.vector_load_idx %arg14[%broadcast_in_dim3A_1455, %add3A_1495, %broadcast_in_dim3A_1484] : memref<6x64x128xf32, #tpu.memory_space<vmem>>[vector<16xi32>, vector<16xi32>, vector<16xi32>], vector<16xf32>,
        %add3A_1496 = arith.constant 0 : i32
        %add3A_1497 = vector.broadcast %add3A_1496 : i32 to vector<16xi32>
        %add3A_1498 = arith.addi %add3A_1497, %add3A_1495 : vector<16xi32>
        tpu.vector_store_idx %arg15[%broadcast_in_dim3A_1491, %broadcast_in_dim3A_1492, %add3A_1498], %gather3A : memref<2x64x128xf32, #tpu.memory_space<vmem>>[vector<16xi32>, vector<16xi32>, vector<16xi32>], vector<16xf32>,
        %add3A_1499 = arith.constant 16 : i32
        %add3A_1500 = vector.broadcast %add3A_1499 : i32 to vector<16xi32>
        %add3A_1501 = arith.addi %add3A_1500, %iota3A : vector<16xi32>
        %gather3A_1502 = tpu.vector_load_idx %arg14[%broadcast_in_dim3A_1455, %add3A_1501, %broadcast_in_dim3A_1484] : memref<6x64x128xf32, #tpu.memory_space<vmem>>[vector<16xi32>, vector<16xi32>, vector<16xi32>], vector<16xf32>,
        %add3A_1503 = arith.constant 0 : i32
        %add3A_1504 = vector.broadcast %add3A_1503 : i32 to vector<16xi32>
        %add3A_1505 = arith.addi %add3A_1504, %add3A_1501 : vector<16xi32>
        tpu.vector_store_idx %arg15[%broadcast_in_dim3A_1491, %broadcast_in_dim3A_1492, %add3A_1505], %gather3A_1502 : memref<2x64x128xf32, #tpu.memory_space<vmem>>[vector<16xi32>, vector<16xi32>, vector<16xi32>], vector<16xf32>,
        %add3A_1506 = arith.constant 32 : i32
        %add3A_1507 = vector.broadcast %add3A_1506 : i32 to vector<16xi32>
        %add3A_1508 = arith.addi %add3A_1507, %iota3A : vector<16xi32>
        %gather3A_1509 = tpu.vector_load_idx %arg14[%broadcast_in_dim3A_1455, %add3A_1508, %broadcast_in_dim3A_1484] : memref<6x64x128xf32, #tpu.memory_space<vmem>>[vector<16xi32>, vector<16xi32>, vector<16xi32>], vector<16xf32>,
        %add3A_1510 = arith.constant 0 : i32
        %add3A_1511 = vector.broadcast %add3A_1510 : i32 to vector<16xi32>
        %add3A_1512 = arith.addi %add3A_1511, %add3A_1508 : vector<16xi32>
        tpu.vector_store_idx %arg15[%broadcast_in_dim3A_1491, %broadcast_in_dim3A_1492, %add3A_1512], %gather3A_1509 : memref<2x64x128xf32, #tpu.memory_space<vmem>>[vector<16xi32>, vector<16xi32>, vector<16xi32>], vector<16xf32>,
        %add3A_1513 = arith.constant 48 : i32
        %add3A_1514 = vector.broadcast %add3A_1513 : i32 to vector<16xi32>
        %add3A_1515 = arith.addi %add3A_1514, %iota3A : vector<16xi32>
        %gather3A_1516 = tpu.vector_load_idx %arg14[%broadcast_in_dim3A_1455, %add3A_1515, %broadcast_in_dim3A_1484] : memref<6x64x128xf32, #tpu.memory_space<vmem>>[vector<16xi32>, vector<16xi32>, vector<16xi32>], vector<16xf32>,
        %add3A_1517 = arith.constant 0 : i32
        %add3A_1518 = vector.broadcast %add3A_1517 : i32 to vector<16xi32>
        %add3A_1519 = arith.addi %add3A_1518, %add3A_1515 : vector<16xi32>
        tpu.vector_store_idx %arg15[%broadcast_in_dim3A_1491, %broadcast_in_dim3A_1492, %add3A_1519], %gather3A_1516 : memref<2x64x128xf32, #tpu.memory_space<vmem>>[vector<16xi32>, vector<16xi32>, vector<16xi32>], vector<16xf32>,
        %eq3A = arith.constant 63 : i32
        %eq3A_1520 = arith.cmpi eq, %and3A_1490, %eq3A : i32
        %convert_element_type3A_1521 = arith.extui %eq3A_1520 : i1 to i32
        %cond3A_1522 = arith.constant 0 : i32
        %cond3A_1523 = arith.cmpi ne, %convert_element_type3A_1521, %cond3A_1522 : i32
        scf.if %cond3A_1523 {
          %ge3A = arith.constant 2 : i32
          %ge3A_1524 = arith.cmpi sge, %shift_right_arithmetic3A_1486, %ge3A : i32
          %convert_element_type3A_1525 = arith.extui %ge3A_1524 : i1 to i32
          %cond3A_1526 = arith.constant 0 : i32
          %cond3A_1527 = arith.cmpi ne, %convert_element_type3A_1525, %cond3A_1526 : i32
          scf.if %cond3A_1527 {
            %dma_wait3A_1537 = arith.constant 0 : i32
            %dma_wait3A_1538 = arith.constant 0 : i32
            %dma_wait3A_1539 = arith.constant 0 : i32
            %dma_wait3A_1540 = tpu.memref_slice %arg15[%and3A_1488, %dma_wait3A_1538, %dma_wait3A_1539] : memref<2x64x128xf32, #tpu.memory_space<vmem>> -> memref<1x64x128xf32, #tpu.memory_space<vmem>>
            %dma_wait3A_1541 = tpu.memref_squeeze %dma_wait3A_1540 : memref<1x64x128xf32, #tpu.memory_space<vmem>> -> memref<64x128xf32, #tpu.memory_space<vmem>>
            %dma_wait3A_1542 = arith.constant 0 : i32
            %dma_wait3A_1543 = tpu.memref_slice %arg13[%dma_wait3A_1537, %dma_wait3A_1542] : memref<8x64xi32, #tpu.memory_space<vmem>> -> memref<1x64xi32, #tpu.memory_space<vmem>>
            %dma_wait3A_1544 = tpu.memref_squeeze %dma_wait3A_1543 : memref<1x64xi32, #tpu.memory_space<vmem>> -> memref<64xi32, #tpu.memory_space<vmem>>
            %dma_wait3A_1545 = arith.constant 0 : i32
            %dma_wait3A_1546 = arith.constant 0 : i32
            %dma_wait3A_1547 = tpu.memref_slice %arg8[%dma_wait3A_1545, %dma_wait3A_1546] : memref<16384x128xf32, #tpu.memory_space<hbm>> -> memref<16384x128xf32, #tpu.memory_space<hbm>>
            tpu.wait_indirect_dma semaphore(%arg17 : memref<!tpu.dma_semaphore, #tpu.memory_space<semaphore_mem>>) src(%dma_wait3A_1541 : memref<64x128xf32, #tpu.memory_space<vmem>>) dst(%dma_wait3A_1547 : memref<16384x128xf32, #tpu.memory_space<hbm>>)
          } else {
          }
          %dma_start3A = arith.constant 0 : i32
          %dma_start3A_1528 = arith.constant 0 : i32
          %dma_start3A_1529 = tpu.memref_slice %arg15[%and3A_1488, %dma_start3A, %dma_start3A_1528] : memref<2x64x128xf32, #tpu.memory_space<vmem>> -> memref<1x64x128xf32, #tpu.memory_space<vmem>>
          %dma_start3A_1530 = tpu.memref_squeeze %dma_start3A_1529 : memref<1x64x128xf32, #tpu.memory_space<vmem>> -> memref<64x128xf32, #tpu.memory_space<vmem>>
          %dma_start3A_1531 = arith.constant 0 : i32
          %dma_start3A_1532 = tpu.memref_slice %arg13[%shift_right_arithmetic3A_1486, %dma_start3A_1531] : memref<8x64xi32, #tpu.memory_space<vmem>> -> memref<1x64xi32, #tpu.memory_space<vmem>>
          %dma_start3A_1533 = tpu.memref_squeeze %dma_start3A_1532 : memref<1x64xi32, #tpu.memory_space<vmem>> -> memref<64xi32, #tpu.memory_space<vmem>>
          %dma_start3A_1534 = arith.constant 0 : i32
          %dma_start3A_1535 = arith.constant 0 : i32
          %dma_start3A_1536 = tpu.memref_slice %arg8[%dma_start3A_1534, %dma_start3A_1535] : memref<16384x128xf32, #tpu.memory_space<hbm>> -> memref<16384x128xf32, #tpu.memory_space<hbm>>
          tpu.enqueue_indirect_dma source(%dma_start3A_1530 : memref<64x128xf32, #tpu.memory_space<vmem>>) target(%dma_start3A_1536 : memref<16384x128xf32, #tpu.memory_space<hbm>>) offsets(%dma_start3A_1533 : memref<64xi32, #tpu.memory_space<vmem>>) semaphore(%arg17 : memref<!tpu.dma_semaphore, #tpu.memory_space<semaphore_mem>>)
        } else {
        }
      }
      %add3A_1475 = arith.constant 6 : i32
      %add3A_1476 = arith.addi %while3A_1439, %add3A_1475 : i32
      %lt3A = arith.cmpi slt, %add3A_1476, %add3A_673 : i32
      %convert_element_type3A = arith.extui %lt3A : i1 to i32
      %cond3A = arith.constant 0 : i32
      %cond3A_1477 = arith.cmpi ne, %convert_element_type3A, %cond3A : i32
      scf.if %cond3A_1477 {
        %add3A_1478 = arith.constant 6 : i32
        %add3A_1479 = arith.addi %while3A_1439, %add3A_1478 : i32
        %get3A_1480 = arith.index_cast %add3A_1479 : i32 to index
        %get3A_1481 = tpu.vector_load %arg12[%get3A_1480] {strides = array<i32>} : memref<560xi32, #tpu.memory_space<vmem>>, vector<16xi32>,
        %slice3A_1482 = vector.extract_strided_slice %get3A_1481 {offsets = [0], sizes = [1], strides = [1]} : vector<16xi32> to vector<1xi32>
        %squeeze3A_1483 = vector.extract %slice3A_1482[0] : i32 from vector<1xi32>
        %get3A_1484 = arith.index_cast %squeeze3A_1483 : i32 to index
        %get3A_1485 = tpu.vector_load %arg10[%get3A_1484] {strides = array<i32>} : memref<528xi32, #tpu.memory_space<vmem>>, vector<16xi32>,
        %slice3A_1486 = vector.extract_strided_slice %get3A_1485 {offsets = [0], sizes = [1], strides = [1]} : vector<16xi32> to vector<1xi32>
        %squeeze3A_1487 = vector.extract %slice3A_1486[0] : i32 from vector<1xi32>
        %shift_right_arithmetic3A_1488 = arith.constant 7 : i32
        %shift_right_arithmetic3A_1489 = arith.shrsi %squeeze3A_1487, %shift_right_arithmetic3A_1488 : i32
        %mul3A_1490 = arith.constant 128 : i32
        %mul3A_1491 = arith.muli %shift_right_arithmetic3A_1489, %mul3A_1490 : i32
        %multiple_of3A = tpu.assume_multiple %mul3A_1491, 128 : i32
        %dma_start3A = arith.constant 0 : i32
        %dma_start3A_1492 = arith.constant 0 : i32
        %dma_start3A_1493 = tpu.memref_slice %arg14[%rem3A_1440, %dma_start3A, %dma_start3A_1492] : memref<6x64x128xf32, #tpu.memory_space<vmem>> -> memref<1x64x128xf32, #tpu.memory_space<vmem>>
        %dma_start3A_1494 = tpu.memref_squeeze %dma_start3A_1493 : memref<1x64x128xf32, #tpu.memory_space<vmem>> -> memref<64x128xf32, #tpu.memory_space<vmem>>
        %dma_start3A_1495 = arith.constant 0 : i32
        %dma_start3A_1496 = tpu.memref_slice %arg6[%dma_start3A_1495, %multiple_of3A] : memref<64x1000000xf32, #tpu.memory_space<hbm>> -> memref<64x128xf32, #tpu.memory_space<hbm>>
        %dma_start3A_1497 = arith.constant 0 : i32
        %dma_start3A_1498 = arith.constant 0 : i32
        %dma_start3A_1499 = tpu.memref_slice %arg14[%rem3A_1440, %dma_start3A_1497, %dma_start3A_1498] : memref<6x64x128xf32, #tpu.memory_space<vmem>> -> memref<1x64x128xf32, #tpu.memory_space<vmem>>
        %dma_start3A_1500 = tpu.memref_squeeze %dma_start3A_1499 : memref<1x64x128xf32, #tpu.memory_space<vmem>> -> memref<64x128xf32, #tpu.memory_space<vmem>>
        %dma_start3A_1501 = arith.constant 0 : i32
        %dma_start3A_1502 = tpu.memref_slice %arg6[%dma_start3A_1501, %multiple_of3A] : memref<64x1000000xf32, #tpu.memory_space<hbm>> -> memref<64x128xf32, #tpu.memory_space<hbm>>
        tpu.enqueue_dma source(%dma_start3A_1502 : memref<64x128xf32, #tpu.memory_space<hbm>>) target(%dma_start3A_1500 : memref<64x128xf32, #tpu.memory_space<vmem>>) target_semaphore(%arg16 : memref<!tpu.dma_semaphore, #tpu.memory_space<semaphore_mem>>)
      } else {
      }
    }
    %dma_wait3A = arith.constant 0 : i32
    %dma_wait3A_692 = arith.constant 0 : i32
    %dma_wait3A_693 = arith.constant 0 : i32
    %dma_wait3A_694 = arith.constant 0 : i32
    %dma_wait3A_695 = tpu.memref_slice %arg15[%dma_wait3A, %dma_wait3A_693, %dma_wait3A_694] : memref<2x64x128xf32, #tpu.memory_space<vmem>> -> memref<1x64x128xf32, #tpu.memory_space<vmem>>
    %dma_wait3A_696 = tpu.memref_squeeze %dma_wait3A_695 : memref<1x64x128xf32, #tpu.memory_space<vmem>> -> memref<64x128xf32, #tpu.memory_space<vmem>>
    %dma_wait3A_697 = arith.constant 0 : i32
    %dma_wait3A_698 = tpu.memref_slice %arg13[%dma_wait3A_692, %dma_wait3A_697] : memref<8x64xi32, #tpu.memory_space<vmem>> -> memref<1x64xi32, #tpu.memory_space<vmem>>
    %dma_wait3A_699 = tpu.memref_squeeze %dma_wait3A_698 : memref<1x64xi32, #tpu.memory_space<vmem>> -> memref<64xi32, #tpu.memory_space<vmem>>
    %dma_wait3A_700 = arith.constant 0 : i32
    %dma_wait3A_701 = arith.constant 0 : i32
    %dma_wait3A_702 = tpu.memref_slice %arg8[%dma_wait3A_700, %dma_wait3A_701] : memref<16384x128xf32, #tpu.memory_space<hbm>> -> memref<16384x128xf32, #tpu.memory_space<hbm>>
    tpu.wait_indirect_dma semaphore(%arg17 : memref<!tpu.dma_semaphore, #tpu.memory_space<semaphore_mem>>) src(%dma_wait3A_696 : memref<64x128xf32, #tpu.memory_space<vmem>>) dst(%dma_wait3A_702 : memref<16384x128xf32, #tpu.memory_space<hbm>>)
    %dma_wait3A_703 = arith.constant 1 : i32
    %dma_wait3A_704 = arith.constant 0 : i32
    %dma_wait3A_705 = arith.constant 0 : i32
    %dma_wait3A_706 = arith.constant 0 : i32
    %dma_wait3A_707 = tpu.memref_slice %arg15[%dma_wait3A_703, %dma_wait3A_705, %dma_wait3A_706] : memref<2x64x128xf32, #tpu.memory_space<vmem>> -> memref<1x64x128xf32, #tpu.memory_space<vmem>>
    %dma_wait3A_708 = tpu.memref_squeeze %dma_wait3A_707 : memref<1x64x128xf32, #tpu.memory_space<vmem>> -> memref<64x128xf32, #tpu.memory_space<vmem>>
    %dma_wait3A_709 = arith.constant 0 : i32
    %dma_wait3A_710 = tpu.memref_slice %arg13[%dma_wait3A_704, %dma_wait3A_709] : memref<8x64xi32, #tpu.memory_space<vmem>> -> memref<1x64xi32, #tpu.memory_space<vmem>>
    %dma_wait3A_711 = tpu.memref_squeeze %dma_wait3A_710 : memref<1x64xi32, #tpu.memory_space<vmem>> -> memref<64xi32, #tpu.memory_space<vmem>>
    %dma_wait3A_712 = arith.constant 0 : i32
    %dma_wait3A_713 = arith.constant 0 : i32
    %dma_wait3A_714 = tpu.memref_slice %arg8[%dma_wait3A_712, %dma_wait3A_713] : memref<16384x128xf32, #tpu.memory_space<hbm>> -> memref<16384x128xf32, #tpu.memory_space<hbm>>
    tpu.wait_indirect_dma semaphore(%arg17 : memref<!tpu.dma_semaphore, #tpu.memory_space<semaphore_mem>>) src(%dma_wait3A_708 : memref<64x128xf32, #tpu.memory_space<vmem>>) dst(%dma_wait3A_714 : memref<16384x128xf32, #tpu.memory_space<hbm>>)
    "tpu.region"() ({
      %run_scoped3A = tpu.sem_alloc : memref<!tpu.dma_semaphore, #tpu.memory_space<semaphore_mem>>
      %dma_start3A = arith.constant 0 : i32
      %dma_start3A_1439 = tpu.memref_slice %arg10[%dma_start3A] : memref<528xi32, #tpu.memory_space<vmem>> -> memref<512xi32, #tpu.memory_space<vmem>>
      %dma_start3A_1440 = tpu.memref_slice %arg4[%mul3A_2] : memref<16384xi32, #tpu.memory_space<hbm>> -> memref<512xi32, #tpu.memory_space<hbm>>
      %dma_start3A_1441 = arith.constant 0 : i32
      %dma_start3A_1442 = tpu.memref_slice %arg10[%dma_start3A_1441] : memref<528xi32, #tpu.memory_space<vmem>> -> memref<512xi32, #tpu.memory_space<vmem>>
      %dma_start3A_1443 = tpu.memref_slice %arg4[%mul3A_2] : memref<16384xi32, #tpu.memory_space<hbm>> -> memref<512xi32, #tpu.memory_space<hbm>>
      tpu.enqueue_dma source(%dma_start3A_1443 : memref<512xi32, #tpu.memory_space<hbm>>) target(%dma_start3A_1442 : memref<512xi32, #tpu.memory_space<vmem>>) target_semaphore(%run_scoped3A : memref<!tpu.dma_semaphore, #tpu.memory_space<semaphore_mem>>)
      %dma_wait3A_1444 = arith.constant 0 : i32
      %dma_wait3A_1445 = tpu.memref_slice %arg10[%dma_wait3A_1444] : memref<528xi32, #tpu.memory_space<vmem>> -> memref<512xi32, #tpu.memory_space<vmem>>
      %dma_wait3A_1446 = tpu.memref_slice %arg4[%mul3A_2] : memref<16384xi32, #tpu.memory_space<hbm>> -> memref<512xi32, #tpu.memory_space<hbm>>
      %dma_wait3A_1447 = arith.constant 0 : i32
      %dma_wait3A_1448 = tpu.memref_slice %arg10[%dma_wait3A_1447] : memref<528xi32, #tpu.memory_space<vmem>> -> memref<512xi32, #tpu.memory_space<vmem>>
      %dma_wait3A_1449 = tpu.memref_slice %arg4[%mul3A_2] : memref<16384xi32, #tpu.memory_space<hbm>> -> memref<512xi32, #tpu.memory_space<hbm>>
      tpu.wait_dma2 semaphore(%run_scoped3A : memref<!tpu.dma_semaphore, #tpu.memory_space<semaphore_mem>>) src(%dma_wait3A_1449 : memref<512xi32, #tpu.memory_space<hbm>>) dst(%dma_wait3A_1448 : memref<512xi32, #tpu.memory_space<vmem>>)
      tpu.yield
    }) : () -> ()
    %mul3A_715 = arith.constant 8 : i32
    %mul3A_716 = arith.muli %add3A, %mul3A_715 : i32
    "tpu.region"() ({
      %run_scoped3A = tpu.sem_alloc : memref<!tpu.dma_semaphore, #tpu.memory_space<semaphore_mem>>
      %dma_start3A = arith.constant 0 : i32
      %dma_start3A_1439 = tpu.memref_slice %arg5[%mul3A_716, %dma_start3A] : memref<256x64xi32, #tpu.memory_space<hbm>> -> memref<8x64xi32, #tpu.memory_space<hbm>>
      %dma_start3A_1440 = arith.constant 0 : i32
      %dma_start3A_1441 = tpu.memref_slice %arg5[%mul3A_716, %dma_start3A_1440] : memref<256x64xi32, #tpu.memory_space<hbm>> -> memref<8x64xi32, #tpu.memory_space<hbm>>
      tpu.enqueue_dma source(%dma_start3A_1441 : memref<8x64xi32, #tpu.memory_space<hbm>>) target(%arg13 : memref<8x64xi32, #tpu.memory_space<vmem>>) target_semaphore(%run_scoped3A : memref<!tpu.dma_semaphore, #tpu.memory_space<semaphore_mem>>)
      %dma_wait3A_1442 = arith.constant 0 : i32
      %dma_wait3A_1443 = tpu.memref_slice %arg5[%mul3A_716, %dma_wait3A_1442] : memref<256x64xi32, #tpu.memory_space<hbm>> -> memref<8x64xi32, #tpu.memory_space<hbm>>
      %dma_wait3A_1444 = arith.constant 0 : i32
      %dma_wait3A_1445 = tpu.memref_slice %arg5[%mul3A_716, %dma_wait3A_1444] : memref<256x64xi32, #tpu.memory_space<hbm>> -> memref<8x64xi32, #tpu.memory_space<hbm>>
      tpu.wait_dma2 semaphore(%run_scoped3A : memref<!tpu.dma_semaphore, #tpu.memory_space<semaphore_mem>>) src(%dma_wait3A_1445 : memref<8x64xi32, #tpu.memory_space<hbm>>) dst(%arg13 : memref<8x64xi32, #tpu.memory_space<vmem>>)
      tpu.yield
    }) : () -> ()
    %iota3A_717 = tpu.iota {dimensions = array<i32: 0>} : vector<16xi32>
    %broadcast_in_dim3A_718 = arith.constant -1 : i32
    %broadcast_in_dim3A_719 = vector.broadcast %broadcast_in_dim3A_718 : i32 to vector<16xi32>
    %swap3A_720 = arith.constant 0 : index
    %swap3A_721 = tpu.vector_load %arg11[%swap3A_720] {strides = array<i32>} : memref<560xi32, #tpu.memory_space<vmem>>, vector<16xi32>,
    tpu.vector_store %arg11[%swap3A_720], %broadcast_in_dim3A_719 {strides = array<i32>} : memref<560xi32, #tpu.memory_space<vmem>>, vector<16xi32>,
    %get3A_722 = arith.constant 0 : index
    %get3A_723 = tpu.vector_load %arg10[%get3A_722] {strides = array<i32>} : memref<528xi32, #tpu.memory_space<vmem>>, vector<16xi32>,
    %shift_right_arithmetic3A_724 = arith.constant 7 : i32
    %shift_right_arithmetic3A_725 = vector.broadcast %shift_right_arithmetic3A_724 : i32 to vector<16xi32>
    %shift_right_arithmetic3A_726 = arith.shrsi %get3A_723, %shift_right_arithmetic3A_725 : vector<16xi32>
    %swap3A_727 = arith.constant 16 : index
    %swap3A_728 = tpu.vector_load %arg11[%swap3A_727] {strides = array<i32>} : memref<560xi32, #tpu.memory_space<vmem>>, vector<16xi32>,
    tpu.vector_store %arg11[%swap3A_727], %shift_right_arithmetic3A_726 {strides = array<i32>} : memref<560xi32, #tpu.memory_space<vmem>>, vector<16xi32>,
    %get3A_729 = arith.constant 16 : index
    %get3A_730 = tpu.vector_load %arg10[%get3A_729] {strides = array<i32>} : memref<528xi32, #tpu.memory_space<vmem>>, vector<16xi32>,
    %shift_right_arithmetic3A_731 = arith.constant 7 : i32
    %shift_right_arithmetic3A_732 = vector.broadcast %shift_right_arithmetic3A_731 : i32 to vector<16xi32>
    %shift_right_arithmetic3A_733 = arith.shrsi %get3A_730, %shift_right_arithmetic3A_732 : vector<16xi32>
    %swap3A_734 = arith.constant 32 : index
    %swap3A_735 = tpu.vector_load %arg11[%swap3A_734] {strides = array<i32>} : memref<560xi32, #tpu.memory_space<vmem>>, vector<16xi32>,
    tpu.vector_store %arg11[%swap3A_734], %shift_right_arithmetic3A_733 {strides = array<i32>} : memref<560xi32, #tpu.memory_space<vmem>>, vector<16xi32>,
    %get3A_736 = arith.constant 32 : index
    %get3A_737 = tpu.vector_load %arg10[%get3A_736] {strides = array<i32>} : memref<528xi32, #tpu.memory_space<vmem>>, vector<16xi32>,
    %shift_right_arithmetic3A_738 = arith.constant 7 : i32
    %shift_right_arithmetic3A_739 = vector.broadcast %shift_right_arithmetic3A_738 : i32 to vector<16xi32>
    %shift_right_arithmetic3A_740 = arith.shrsi %get3A_737, %shift_right_arithmetic3A_739 : vector<16xi32>
    %swap3A_741 = arith.constant 48 : index
    %swap3A_742 = tpu.vector_load %arg11[%swap3A_741] {strides = array<i32>} : memref<560xi32, #tpu.memory_space<vmem>>, vector<16xi32>,
    tpu.vector_store %arg11[%swap3A_741], %shift_right_arithmetic3A_740 {strides = array<i32>} : memref<560xi32, #tpu.memory_space<vmem>>, vector<16xi32>,
    %get3A_743 = arith.constant 48 : index
    %get3A_744 = tpu.vector_load %arg10[%get3A_743] {strides = array<i32>} : memref<528xi32, #tpu.memory_space<vmem>>, vector<16xi32>,
    %shift_right_arithmetic3A_745 = arith.constant 7 : i32
    %shift_right_arithmetic3A_746 = vector.broadcast %shift_right_arithmetic3A_745 : i32 to vector<16xi32>
    %shift_right_arithmetic3A_747 = arith.shrsi %get3A_744, %shift_right_arithmetic3A_746 : vector<16xi32>
    %swap3A_748 = arith.constant 64 : index
    %swap3A_749 = tpu.vector_load %arg11[%swap3A_748] {strides = array<i32>} : memref<560xi32, #tpu.memory_space<vmem>>, vector<16xi32>,
    tpu.vector_store %arg11[%swap3A_748], %shift_right_arithmetic3A_747 {strides = array<i32>} : memref<560xi32, #tpu.memory_space<vmem>>, vector<16xi32>,
    %get3A_750 = arith.constant 64 : index
    %get3A_751 = tpu.vector_load %arg10[%get3A_750] {strides = array<i32>} : memref<528xi32, #tpu.memory_space<vmem>>, vector<16xi32>,
    %shift_right_arithmetic3A_752 = arith.constant 7 : i32
    %shift_right_arithmetic3A_753 = vector.broadcast %shift_right_arithmetic3A_752 : i32 to vector<16xi32>
    %shift_right_arithmetic3A_754 = arith.shrsi %get3A_751, %shift_right_arithmetic3A_753 : vector<16xi32>
    %swap3A_755 = arith.constant 80 : index
    %swap3A_756 = tpu.vector_load %arg11[%swap3A_755] {strides = array<i32>} : memref<560xi32, #tpu.memory_space<vmem>>, vector<16xi32>,
    tpu.vector_store %arg11[%swap3A_755], %shift_right_arithmetic3A_754 {strides = array<i32>} : memref<560xi32, #tpu.memory_space<vmem>>, vector<16xi32>,
    %get3A_757 = arith.constant 80 : index
    %get3A_758 = tpu.vector_load %arg10[%get3A_757] {strides = array<i32>} : memref<528xi32, #tpu.memory_space<vmem>>, vector<16xi32>,
    %shift_right_arithmetic3A_759 = arith.constant 7 : i32
    %shift_right_arithmetic3A_760 = vector.broadcast %shift_right_arithmetic3A_759 : i32 to vector<16xi32>
    %shift_right_arithmetic3A_761 = arith.shrsi %get3A_758, %shift_right_arithmetic3A_760 : vector<16xi32>
    %swap3A_762 = arith.constant 96 : index
    %swap3A_763 = tpu.vector_load %arg11[%swap3A_762] {strides = array<i32>} : memref<560xi32, #tpu.memory_space<vmem>>, vector<16xi32>,
    tpu.vector_store %arg11[%swap3A_762], %shift_right_arithmetic3A_761 {strides = array<i32>} : memref<560xi32, #tpu.memory_space<vmem>>, vector<16xi32>,
    %get3A_764 = arith.constant 96 : index
    %get3A_765 = tpu.vector_load %arg10[%get3A_764] {strides = array<i32>} : memref<528xi32, #tpu.memory_space<vmem>>, vector<16xi32>,
    %shift_right_arithmetic3A_766 = arith.constant 7 : i32
    %shift_right_arithmetic3A_767 = vector.broadcast %shift_right_arithmetic3A_766 : i32 to vector<16xi32>
    %shift_right_arithmetic3A_768 = arith.shrsi %get3A_765, %shift_right_arithmetic3A_767 : vector<16xi32>
    %swap3A_769 = arith.constant 112 : index
    %swap3A_770 = tpu.vector_load %arg11[%swap3A_769] {strides = array<i32>} : memref<560xi32, #tpu.memory_space<vmem>>, vector<16xi32>,
    tpu.vector_store %arg11[%swap3A_769], %shift_right_arithmetic3A_768 {strides = array<i32>} : memref<560xi32, #tpu.memory_space<vmem>>, vector<16xi32>,
    %get3A_771 = arith.constant 112 : index
    %get3A_772 = tpu.vector_load %arg10[%get3A_771] {strides = array<i32>} : memref<528xi32, #tpu.memory_space<vmem>>, vector<16xi32>,
    %shift_right_arithmetic3A_773 = arith.constant 7 : i32
    %shift_right_arithmetic3A_774 = vector.broadcast %shift_right_arithmetic3A_773 : i32 to vector<16xi32>
    %shift_right_arithmetic3A_775 = arith.shrsi %get3A_772, %shift_right_arithmetic3A_774 : vector<16xi32>
    %swap3A_776 = arith.constant 128 : index
    %swap3A_777 = tpu.vector_load %arg11[%swap3A_776] {strides = array<i32>} : memref<560xi32, #tpu.memory_space<vmem>>, vector<16xi32>,
    tpu.vector_store %arg11[%swap3A_776], %shift_right_arithmetic3A_775 {strides = array<i32>} : memref<560xi32, #tpu.memory_space<vmem>>, vector<16xi32>,
    %get3A_778 = arith.constant 128 : index
    %get3A_779 = tpu.vector_load %arg10[%get3A_778] {strides = array<i32>} : memref<528xi32, #tpu.memory_space<vmem>>, vector<16xi32>,
    %shift_right_arithmetic3A_780 = arith.constant 7 : i32
    %shift_right_arithmetic3A_781 = vector.broadcast %shift_right_arithmetic3A_780 : i32 to vector<16xi32>
    %shift_right_arithmetic3A_782 = arith.shrsi %get3A_779, %shift_right_arithmetic3A_781 : vector<16xi32>
    %swap3A_783 = arith.constant 144 : index
    %swap3A_784 = tpu.vector_load %arg11[%swap3A_783] {strides = array<i32>} : memref<560xi32, #tpu.memory_space<vmem>>, vector<16xi32>,
    tpu.vector_store %arg11[%swap3A_783], %shift_right_arithmetic3A_782 {strides = array<i32>} : memref<560xi32, #tpu.memory_space<vmem>>, vector<16xi32>,
    %get3A_785 = arith.constant 144 : index
    %get3A_786 = tpu.vector_load %arg10[%get3A_785] {strides = array<i32>} : memref<528xi32, #tpu.memory_space<vmem>>, vector<16xi32>,
    %shift_right_arithmetic3A_787 = arith.constant 7 : i32
    %shift_right_arithmetic3A_788 = vector.broadcast %shift_right_arithmetic3A_787 : i32 to vector<16xi32>
    %shift_right_arithmetic3A_789 = arith.shrsi %get3A_786, %shift_right_arithmetic3A_788 : vector<16xi32>
    %swap3A_790 = arith.constant 160 : index
    %swap3A_791 = tpu.vector_load %arg11[%swap3A_790] {strides = array<i32>} : memref<560xi32, #tpu.memory_space<vmem>>, vector<16xi32>,
    tpu.vector_store %arg11[%swap3A_790], %shift_right_arithmetic3A_789 {strides = array<i32>} : memref<560xi32, #tpu.memory_space<vmem>>, vector<16xi32>,
    %get3A_792 = arith.constant 160 : index
    %get3A_793 = tpu.vector_load %arg10[%get3A_792] {strides = array<i32>} : memref<528xi32, #tpu.memory_space<vmem>>, vector<16xi32>,
    %shift_right_arithmetic3A_794 = arith.constant 7 : i32
    %shift_right_arithmetic3A_795 = vector.broadcast %shift_right_arithmetic3A_794 : i32 to vector<16xi32>
    %shift_right_arithmetic3A_796 = arith.shrsi %get3A_793, %shift_right_arithmetic3A_795 : vector<16xi32>
    %swap3A_797 = arith.constant 176 : index
    %swap3A_798 = tpu.vector_load %arg11[%swap3A_797] {strides = array<i32>} : memref<560xi32, #tpu.memory_space<vmem>>, vector<16xi32>,
    tpu.vector_store %arg11[%swap3A_797], %shift_right_arithmetic3A_796 {strides = array<i32>} : memref<560xi32, #tpu.memory_space<vmem>>, vector<16xi32>,
    %get3A_799 = arith.constant 176 : index
    %get3A_800 = tpu.vector_load %arg10[%get3A_799] {strides = array<i32>} : memref<528xi32, #tpu.memory_space<vmem>>, vector<16xi32>,
    %shift_right_arithmetic3A_801 = arith.constant 7 : i32
    %shift_right_arithmetic3A_802 = vector.broadcast %shift_right_arithmetic3A_801 : i32 to vector<16xi32>
    %shift_right_arithmetic3A_803 = arith.shrsi %get3A_800, %shift_right_arithmetic3A_802 : vector<16xi32>
    %swap3A_804 = arith.constant 192 : index
    %swap3A_805 = tpu.vector_load %arg11[%swap3A_804] {strides = array<i32>} : memref<560xi32, #tpu.memory_space<vmem>>, vector<16xi32>,
    tpu.vector_store %arg11[%swap3A_804], %shift_right_arithmetic3A_803 {strides = array<i32>} : memref<560xi32, #tpu.memory_space<vmem>>, vector<16xi32>,
    %get3A_806 = arith.constant 192 : index
    %get3A_807 = tpu.vector_load %arg10[%get3A_806] {strides = array<i32>} : memref<528xi32, #tpu.memory_space<vmem>>, vector<16xi32>,
    %shift_right_arithmetic3A_808 = arith.constant 7 : i32
    %shift_right_arithmetic3A_809 = vector.broadcast %shift_right_arithmetic3A_808 : i32 to vector<16xi32>
    %shift_right_arithmetic3A_810 = arith.shrsi %get3A_807, %shift_right_arithmetic3A_809 : vector<16xi32>
    %swap3A_811 = arith.constant 208 : index
    %swap3A_812 = tpu.vector_load %arg11[%swap3A_811] {strides = array<i32>} : memref<560xi32, #tpu.memory_space<vmem>>, vector<16xi32>,
    tpu.vector_store %arg11[%swap3A_811], %shift_right_arithmetic3A_810 {strides = array<i32>} : memref<560xi32, #tpu.memory_space<vmem>>, vector<16xi32>,
    %get3A_813 = arith.constant 208 : index
    %get3A_814 = tpu.vector_load %arg10[%get3A_813] {strides = array<i32>} : memref<528xi32, #tpu.memory_space<vmem>>, vector<16xi32>,
    %shift_right_arithmetic3A_815 = arith.constant 7 : i32
    %shift_right_arithmetic3A_816 = vector.broadcast %shift_right_arithmetic3A_815 : i32 to vector<16xi32>
    %shift_right_arithmetic3A_817 = arith.shrsi %get3A_814, %shift_right_arithmetic3A_816 : vector<16xi32>
    %swap3A_818 = arith.constant 224 : index
    %swap3A_819 = tpu.vector_load %arg11[%swap3A_818] {strides = array<i32>} : memref<560xi32, #tpu.memory_space<vmem>>, vector<16xi32>,
    tpu.vector_store %arg11[%swap3A_818], %shift_right_arithmetic3A_817 {strides = array<i32>} : memref<560xi32, #tpu.memory_space<vmem>>, vector<16xi32>,
    %get3A_820 = arith.constant 224 : index
    %get3A_821 = tpu.vector_load %arg10[%get3A_820] {strides = array<i32>} : memref<528xi32, #tpu.memory_space<vmem>>, vector<16xi32>,
    %shift_right_arithmetic3A_822 = arith.constant 7 : i32
    %shift_right_arithmetic3A_823 = vector.broadcast %shift_right_arithmetic3A_822 : i32 to vector<16xi32>
    %shift_right_arithmetic3A_824 = arith.shrsi %get3A_821, %shift_right_arithmetic3A_823 : vector<16xi32>
    %swap3A_825 = arith.constant 240 : index
    %swap3A_826 = tpu.vector_load %arg11[%swap3A_825] {strides = array<i32>} : memref<560xi32, #tpu.memory_space<vmem>>, vector<16xi32>,
    tpu.vector_store %arg11[%swap3A_825], %shift_right_arithmetic3A_824 {strides = array<i32>} : memref<560xi32, #tpu.memory_space<vmem>>, vector<16xi32>,
    %get3A_827 = arith.constant 240 : index
    %get3A_828 = tpu.vector_load %arg10[%get3A_827] {strides = array<i32>} : memref<528xi32, #tpu.memory_space<vmem>>, vector<16xi32>,
    %shift_right_arithmetic3A_829 = arith.constant 7 : i32
    %shift_right_arithmetic3A_830 = vector.broadcast %shift_right_arithmetic3A_829 : i32 to vector<16xi32>
    %shift_right_arithmetic3A_831 = arith.shrsi %get3A_828, %shift_right_arithmetic3A_830 : vector<16xi32>
    %swap3A_832 = arith.constant 256 : index
    %swap3A_833 = tpu.vector_load %arg11[%swap3A_832] {strides = array<i32>} : memref<560xi32, #tpu.memory_space<vmem>>, vector<16xi32>,
    tpu.vector_store %arg11[%swap3A_832], %shift_right_arithmetic3A_831 {strides = array<i32>} : memref<560xi32, #tpu.memory_space<vmem>>, vector<16xi32>,
    %get3A_834 = arith.constant 256 : index
    %get3A_835 = tpu.vector_load %arg10[%get3A_834] {strides = array<i32>} : memref<528xi32, #tpu.memory_space<vmem>>, vector<16xi32>,
    %shift_right_arithmetic3A_836 = arith.constant 7 : i32
    %shift_right_arithmetic3A_837 = vector.broadcast %shift_right_arithmetic3A_836 : i32 to vector<16xi32>
    %shift_right_arithmetic3A_838 = arith.shrsi %get3A_835, %shift_right_arithmetic3A_837 : vector<16xi32>
    %swap3A_839 = arith.constant 272 : index
    %swap3A_840 = tpu.vector_load %arg11[%swap3A_839] {strides = array<i32>} : memref<560xi32, #tpu.memory_space<vmem>>, vector<16xi32>,
    tpu.vector_store %arg11[%swap3A_839], %shift_right_arithmetic3A_838 {strides = array<i32>} : memref<560xi32, #tpu.memory_space<vmem>>, vector<16xi32>,
    %get3A_841 = arith.constant 272 : index
    %get3A_842 = tpu.vector_load %arg10[%get3A_841] {strides = array<i32>} : memref<528xi32, #tpu.memory_space<vmem>>, vector<16xi32>,
    %shift_right_arithmetic3A_843 = arith.constant 7 : i32
    %shift_right_arithmetic3A_844 = vector.broadcast %shift_right_arithmetic3A_843 : i32 to vector<16xi32>
    %shift_right_arithmetic3A_845 = arith.shrsi %get3A_842, %shift_right_arithmetic3A_844 : vector<16xi32>
    %swap3A_846 = arith.constant 288 : index
    %swap3A_847 = tpu.vector_load %arg11[%swap3A_846] {strides = array<i32>} : memref<560xi32, #tpu.memory_space<vmem>>, vector<16xi32>,
    tpu.vector_store %arg11[%swap3A_846], %shift_right_arithmetic3A_845 {strides = array<i32>} : memref<560xi32, #tpu.memory_space<vmem>>, vector<16xi32>,
    %get3A_848 = arith.constant 288 : index
    %get3A_849 = tpu.vector_load %arg10[%get3A_848] {strides = array<i32>} : memref<528xi32, #tpu.memory_space<vmem>>, vector<16xi32>,
    %shift_right_arithmetic3A_850 = arith.constant 7 : i32
    %shift_right_arithmetic3A_851 = vector.broadcast %shift_right_arithmetic3A_850 : i32 to vector<16xi32>
    %shift_right_arithmetic3A_852 = arith.shrsi %get3A_849, %shift_right_arithmetic3A_851 : vector<16xi32>
    %swap3A_853 = arith.constant 304 : index
    %swap3A_854 = tpu.vector_load %arg11[%swap3A_853] {strides = array<i32>} : memref<560xi32, #tpu.memory_space<vmem>>, vector<16xi32>,
    tpu.vector_store %arg11[%swap3A_853], %shift_right_arithmetic3A_852 {strides = array<i32>} : memref<560xi32, #tpu.memory_space<vmem>>, vector<16xi32>,
    %get3A_855 = arith.constant 304 : index
    %get3A_856 = tpu.vector_load %arg10[%get3A_855] {strides = array<i32>} : memref<528xi32, #tpu.memory_space<vmem>>, vector<16xi32>,
    %shift_right_arithmetic3A_857 = arith.constant 7 : i32
    %shift_right_arithmetic3A_858 = vector.broadcast %shift_right_arithmetic3A_857 : i32 to vector<16xi32>
    %shift_right_arithmetic3A_859 = arith.shrsi %get3A_856, %shift_right_arithmetic3A_858 : vector<16xi32>
    %swap3A_860 = arith.constant 320 : index
    %swap3A_861 = tpu.vector_load %arg11[%swap3A_860] {strides = array<i32>} : memref<560xi32, #tpu.memory_space<vmem>>, vector<16xi32>,
    tpu.vector_store %arg11[%swap3A_860], %shift_right_arithmetic3A_859 {strides = array<i32>} : memref<560xi32, #tpu.memory_space<vmem>>, vector<16xi32>,
    %get3A_862 = arith.constant 320 : index
    %get3A_863 = tpu.vector_load %arg10[%get3A_862] {strides = array<i32>} : memref<528xi32, #tpu.memory_space<vmem>>, vector<16xi32>,
    %shift_right_arithmetic3A_864 = arith.constant 7 : i32
    %shift_right_arithmetic3A_865 = vector.broadcast %shift_right_arithmetic3A_864 : i32 to vector<16xi32>
    %shift_right_arithmetic3A_866 = arith.shrsi %get3A_863, %shift_right_arithmetic3A_865 : vector<16xi32>
    %swap3A_867 = arith.constant 336 : index
    %swap3A_868 = tpu.vector_load %arg11[%swap3A_867] {strides = array<i32>} : memref<560xi32, #tpu.memory_space<vmem>>, vector<16xi32>,
    tpu.vector_store %arg11[%swap3A_867], %shift_right_arithmetic3A_866 {strides = array<i32>} : memref<560xi32, #tpu.memory_space<vmem>>, vector<16xi32>,
    %get3A_869 = arith.constant 336 : index
    %get3A_870 = tpu.vector_load %arg10[%get3A_869] {strides = array<i32>} : memref<528xi32, #tpu.memory_space<vmem>>, vector<16xi32>,
    %shift_right_arithmetic3A_871 = arith.constant 7 : i32
    %shift_right_arithmetic3A_872 = vector.broadcast %shift_right_arithmetic3A_871 : i32 to vector<16xi32>
    %shift_right_arithmetic3A_873 = arith.shrsi %get3A_870, %shift_right_arithmetic3A_872 : vector<16xi32>
    %swap3A_874 = arith.constant 352 : index
    %swap3A_875 = tpu.vector_load %arg11[%swap3A_874] {strides = array<i32>} : memref<560xi32, #tpu.memory_space<vmem>>, vector<16xi32>,
    tpu.vector_store %arg11[%swap3A_874], %shift_right_arithmetic3A_873 {strides = array<i32>} : memref<560xi32, #tpu.memory_space<vmem>>, vector<16xi32>,
    %get3A_876 = arith.constant 352 : index
    %get3A_877 = tpu.vector_load %arg10[%get3A_876] {strides = array<i32>} : memref<528xi32, #tpu.memory_space<vmem>>, vector<16xi32>,
    %shift_right_arithmetic3A_878 = arith.constant 7 : i32
    %shift_right_arithmetic3A_879 = vector.broadcast %shift_right_arithmetic3A_878 : i32 to vector<16xi32>
    %shift_right_arithmetic3A_880 = arith.shrsi %get3A_877, %shift_right_arithmetic3A_879 : vector<16xi32>
    %swap3A_881 = arith.constant 368 : index
    %swap3A_882 = tpu.vector_load %arg11[%swap3A_881] {strides = array<i32>} : memref<560xi32, #tpu.memory_space<vmem>>, vector<16xi32>,
    tpu.vector_store %arg11[%swap3A_881], %shift_right_arithmetic3A_880 {strides = array<i32>} : memref<560xi32, #tpu.memory_space<vmem>>, vector<16xi32>,
    %get3A_883 = arith.constant 368 : index
    %get3A_884 = tpu.vector_load %arg10[%get3A_883] {strides = array<i32>} : memref<528xi32, #tpu.memory_space<vmem>>, vector<16xi32>,
    %shift_right_arithmetic3A_885 = arith.constant 7 : i32
    %shift_right_arithmetic3A_886 = vector.broadcast %shift_right_arithmetic3A_885 : i32 to vector<16xi32>
    %shift_right_arithmetic3A_887 = arith.shrsi %get3A_884, %shift_right_arithmetic3A_886 : vector<16xi32>
    %swap3A_888 = arith.constant 384 : index
    %swap3A_889 = tpu.vector_load %arg11[%swap3A_888] {strides = array<i32>} : memref<560xi32, #tpu.memory_space<vmem>>, vector<16xi32>,
    tpu.vector_store %arg11[%swap3A_888], %shift_right_arithmetic3A_887 {strides = array<i32>} : memref<560xi32, #tpu.memory_space<vmem>>, vector<16xi32>,
    %get3A_890 = arith.constant 384 : index
    %get3A_891 = tpu.vector_load %arg10[%get3A_890] {strides = array<i32>} : memref<528xi32, #tpu.memory_space<vmem>>, vector<16xi32>,
    %shift_right_arithmetic3A_892 = arith.constant 7 : i32
    %shift_right_arithmetic3A_893 = vector.broadcast %shift_right_arithmetic3A_892 : i32 to vector<16xi32>
    %shift_right_arithmetic3A_894 = arith.shrsi %get3A_891, %shift_right_arithmetic3A_893 : vector<16xi32>
    %swap3A_895 = arith.constant 400 : index
    %swap3A_896 = tpu.vector_load %arg11[%swap3A_895] {strides = array<i32>} : memref<560xi32, #tpu.memory_space<vmem>>, vector<16xi32>,
    tpu.vector_store %arg11[%swap3A_895], %shift_right_arithmetic3A_894 {strides = array<i32>} : memref<560xi32, #tpu.memory_space<vmem>>, vector<16xi32>,
    %get3A_897 = arith.constant 400 : index
    %get3A_898 = tpu.vector_load %arg10[%get3A_897] {strides = array<i32>} : memref<528xi32, #tpu.memory_space<vmem>>, vector<16xi32>,
    %shift_right_arithmetic3A_899 = arith.constant 7 : i32
    %shift_right_arithmetic3A_900 = vector.broadcast %shift_right_arithmetic3A_899 : i32 to vector<16xi32>
    %shift_right_arithmetic3A_901 = arith.shrsi %get3A_898, %shift_right_arithmetic3A_900 : vector<16xi32>
    %swap3A_902 = arith.constant 416 : index
    %swap3A_903 = tpu.vector_load %arg11[%swap3A_902] {strides = array<i32>} : memref<560xi32, #tpu.memory_space<vmem>>, vector<16xi32>,
    tpu.vector_store %arg11[%swap3A_902], %shift_right_arithmetic3A_901 {strides = array<i32>} : memref<560xi32, #tpu.memory_space<vmem>>, vector<16xi32>,
    %get3A_904 = arith.constant 416 : index
    %get3A_905 = tpu.vector_load %arg10[%get3A_904] {strides = array<i32>} : memref<528xi32, #tpu.memory_space<vmem>>, vector<16xi32>,
    %shift_right_arithmetic3A_906 = arith.constant 7 : i32
    %shift_right_arithmetic3A_907 = vector.broadcast %shift_right_arithmetic3A_906 : i32 to vector<16xi32>
    %shift_right_arithmetic3A_908 = arith.shrsi %get3A_905, %shift_right_arithmetic3A_907 : vector<16xi32>
    %swap3A_909 = arith.constant 432 : index
    %swap3A_910 = tpu.vector_load %arg11[%swap3A_909] {strides = array<i32>} : memref<560xi32, #tpu.memory_space<vmem>>, vector<16xi32>,
    tpu.vector_store %arg11[%swap3A_909], %shift_right_arithmetic3A_908 {strides = array<i32>} : memref<560xi32, #tpu.memory_space<vmem>>, vector<16xi32>,
    %get3A_911 = arith.constant 432 : index
    %get3A_912 = tpu.vector_load %arg10[%get3A_911] {strides = array<i32>} : memref<528xi32, #tpu.memory_space<vmem>>, vector<16xi32>,
    %shift_right_arithmetic3A_913 = arith.constant 7 : i32
    %shift_right_arithmetic3A_914 = vector.broadcast %shift_right_arithmetic3A_913 : i32 to vector<16xi32>
    %shift_right_arithmetic3A_915 = arith.shrsi %get3A_912, %shift_right_arithmetic3A_914 : vector<16xi32>
    %swap3A_916 = arith.constant 448 : index
    %swap3A_917 = tpu.vector_load %arg11[%swap3A_916] {strides = array<i32>} : memref<560xi32, #tpu.memory_space<vmem>>, vector<16xi32>,
    tpu.vector_store %arg11[%swap3A_916], %shift_right_arithmetic3A_915 {strides = array<i32>} : memref<560xi32, #tpu.memory_space<vmem>>, vector<16xi32>,
    %get3A_918 = arith.constant 448 : index
    %get3A_919 = tpu.vector_load %arg10[%get3A_918] {strides = array<i32>} : memref<528xi32, #tpu.memory_space<vmem>>, vector<16xi32>,
    %shift_right_arithmetic3A_920 = arith.constant 7 : i32
    %shift_right_arithmetic3A_921 = vector.broadcast %shift_right_arithmetic3A_920 : i32 to vector<16xi32>
    %shift_right_arithmetic3A_922 = arith.shrsi %get3A_919, %shift_right_arithmetic3A_921 : vector<16xi32>
    %swap3A_923 = arith.constant 464 : index
    %swap3A_924 = tpu.vector_load %arg11[%swap3A_923] {strides = array<i32>} : memref<560xi32, #tpu.memory_space<vmem>>, vector<16xi32>,
    tpu.vector_store %arg11[%swap3A_923], %shift_right_arithmetic3A_922 {strides = array<i32>} : memref<560xi32, #tpu.memory_space<vmem>>, vector<16xi32>,
    %get3A_925 = arith.constant 464 : index
    %get3A_926 = tpu.vector_load %arg10[%get3A_925] {strides = array<i32>} : memref<528xi32, #tpu.memory_space<vmem>>, vector<16xi32>,
    %shift_right_arithmetic3A_927 = arith.constant 7 : i32
    %shift_right_arithmetic3A_928 = vector.broadcast %shift_right_arithmetic3A_927 : i32 to vector<16xi32>
    %shift_right_arithmetic3A_929 = arith.shrsi %get3A_926, %shift_right_arithmetic3A_928 : vector<16xi32>
    %swap3A_930 = arith.constant 480 : index
    %swap3A_931 = tpu.vector_load %arg11[%swap3A_930] {strides = array<i32>} : memref<560xi32, #tpu.memory_space<vmem>>, vector<16xi32>,
    tpu.vector_store %arg11[%swap3A_930], %shift_right_arithmetic3A_929 {strides = array<i32>} : memref<560xi32, #tpu.memory_space<vmem>>, vector<16xi32>,
    %get3A_932 = arith.constant 480 : index
    %get3A_933 = tpu.vector_load %arg10[%get3A_932] {strides = array<i32>} : memref<528xi32, #tpu.memory_space<vmem>>, vector<16xi32>,
    %shift_right_arithmetic3A_934 = arith.constant 7 : i32
    %shift_right_arithmetic3A_935 = vector.broadcast %shift_right_arithmetic3A_934 : i32 to vector<16xi32>
    %shift_right_arithmetic3A_936 = arith.shrsi %get3A_933, %shift_right_arithmetic3A_935 : vector<16xi32>
    %swap3A_937 = arith.constant 496 : index
    %swap3A_938 = tpu.vector_load %arg11[%swap3A_937] {strides = array<i32>} : memref<560xi32, #tpu.memory_space<vmem>>, vector<16xi32>,
    tpu.vector_store %arg11[%swap3A_937], %shift_right_arithmetic3A_936 {strides = array<i32>} : memref<560xi32, #tpu.memory_space<vmem>>, vector<16xi32>,
    %get3A_939 = arith.constant 496 : index
    %get3A_940 = tpu.vector_load %arg10[%get3A_939] {strides = array<i32>} : memref<528xi32, #tpu.memory_space<vmem>>, vector<16xi32>,
    %shift_right_arithmetic3A_941 = arith.constant 7 : i32
    %shift_right_arithmetic3A_942 = vector.broadcast %shift_right_arithmetic3A_941 : i32 to vector<16xi32>
    %shift_right_arithmetic3A_943 = arith.shrsi %get3A_940, %shift_right_arithmetic3A_942 : vector<16xi32>
    %swap3A_944 = arith.constant 512 : index
    %swap3A_945 = tpu.vector_load %arg11[%swap3A_944] {strides = array<i32>} : memref<560xi32, #tpu.memory_space<vmem>>, vector<16xi32>,
    tpu.vector_store %arg11[%swap3A_944], %shift_right_arithmetic3A_943 {strides = array<i32>} : memref<560xi32, #tpu.memory_space<vmem>>, vector<16xi32>,
    %get3A_946 = arith.constant 16 : index
    %get3A_947 = tpu.vector_load %arg11[%get3A_946] {strides = array<i32>} : memref<560xi32, #tpu.memory_space<vmem>>, vector<16xi32>,
    %get3A_948 = arith.constant 15 : index
    %get3A_949 = tpu.vector_load %arg11[%get3A_948] {strides = array<i32>} : memref<560xi32, #tpu.memory_space<vmem>>, vector<16xi32>,
    %ne3A_950 = arith.cmpi ne, %get3A_947, %get3A_949 : vector<16xi32>
    %add3A_951 = arith.constant 0 : i32
    %add3A_952 = vector.broadcast %add3A_951 : i32 to vector<16xi32>
    %add3A_953 = arith.addi %add3A_952, %iota3A_717 : vector<16xi32>
    %swap3A_954 = arith.constant 0 : index
    %swap3A_955 = tpu.vector_load %arg12[%swap3A_954] masked %ne3A_950 {strides = array<i32>} : memref<560xi32, #tpu.memory_space<vmem>>, vector<16xi32>, vector<16xi1>
    tpu.vector_store %arg12[%swap3A_954], %add3A_953 masked %ne3A_950 {strides = array<i32>} : memref<560xi32, #tpu.memory_space<vmem>>, vector<16xi32>, vector<16xi1>
    %all_reduce_population_count3A_956 = tpu.all_reduce %ne3A_950 {dim = 0 : i64, kind = #tpu.reduction_kind<sum>} : vector<16xi1> -> vector<16xi32>
    %slice3A_957 = vector.extract_strided_slice %all_reduce_population_count3A_956 {offsets = [0], sizes = [1], strides = [1]} : vector<16xi32> to vector<1xi32>
    %squeeze3A_958 = vector.extract %slice3A_957[0] : i32 from vector<1xi32>
    %add3A_959 = arith.constant 0 : i32
    %add3A_960 = arith.addi %add3A_959, %squeeze3A_958 : i32
    %get3A_961 = arith.constant 32 : index
    %get3A_962 = tpu.vector_load %arg11[%get3A_961] {strides = array<i32>} : memref<560xi32, #tpu.memory_space<vmem>>, vector<16xi32>,
    %get3A_963 = arith.constant 31 : index
    %get3A_964 = tpu.vector_load %arg11[%get3A_963] {strides = array<i32>} : memref<560xi32, #tpu.memory_space<vmem>>, vector<16xi32>,
    %ne3A_965 = arith.cmpi ne, %get3A_962, %get3A_964 : vector<16xi32>
    %add3A_966 = arith.constant 16 : i32
    %add3A_967 = vector.broadcast %add3A_966 : i32 to vector<16xi32>
    %add3A_968 = arith.addi %add3A_967, %iota3A_717 : vector<16xi32>
    %swap3A_969 = arith.index_cast %add3A_960 : i32 to index
    %swap3A_970 = tpu.vector_load %arg12[%swap3A_969] masked %ne3A_965 {strides = array<i32>} : memref<560xi32, #tpu.memory_space<vmem>>, vector<16xi32>, vector<16xi1>
    tpu.vector_store %arg12[%swap3A_969], %add3A_968 masked %ne3A_965 {strides = array<i32>} : memref<560xi32, #tpu.memory_space<vmem>>, vector<16xi32>, vector<16xi1>
    %all_reduce_population_count3A_971 = tpu.all_reduce %ne3A_965 {dim = 0 : i64, kind = #tpu.reduction_kind<sum>} : vector<16xi1> -> vector<16xi32>
    %slice3A_972 = vector.extract_strided_slice %all_reduce_population_count3A_971 {offsets = [0], sizes = [1], strides = [1]} : vector<16xi32> to vector<1xi32>
    %squeeze3A_973 = vector.extract %slice3A_972[0] : i32 from vector<1xi32>
    %add3A_974 = arith.addi %add3A_960, %squeeze3A_973 : i32
    %get3A_975 = arith.constant 48 : index
    %get3A_976 = tpu.vector_load %arg11[%get3A_975] {strides = array<i32>} : memref<560xi32, #tpu.memory_space<vmem>>, vector<16xi32>,
    %get3A_977 = arith.constant 47 : index
    %get3A_978 = tpu.vector_load %arg11[%get3A_977] {strides = array<i32>} : memref<560xi32, #tpu.memory_space<vmem>>, vector<16xi32>,
    %ne3A_979 = arith.cmpi ne, %get3A_976, %get3A_978 : vector<16xi32>
    %add3A_980 = arith.constant 32 : i32
    %add3A_981 = vector.broadcast %add3A_980 : i32 to vector<16xi32>
    %add3A_982 = arith.addi %add3A_981, %iota3A_717 : vector<16xi32>
    %swap3A_983 = arith.index_cast %add3A_974 : i32 to index
    %swap3A_984 = tpu.vector_load %arg12[%swap3A_983] masked %ne3A_979 {strides = array<i32>} : memref<560xi32, #tpu.memory_space<vmem>>, vector<16xi32>, vector<16xi1>
    tpu.vector_store %arg12[%swap3A_983], %add3A_982 masked %ne3A_979 {strides = array<i32>} : memref<560xi32, #tpu.memory_space<vmem>>, vector<16xi32>, vector<16xi1>
    %all_reduce_population_count3A_985 = tpu.all_reduce %ne3A_979 {dim = 0 : i64, kind = #tpu.reduction_kind<sum>} : vector<16xi1> -> vector<16xi32>
    %slice3A_986 = vector.extract_strided_slice %all_reduce_population_count3A_985 {offsets = [0], sizes = [1], strides = [1]} : vector<16xi32> to vector<1xi32>
    %squeeze3A_987 = vector.extract %slice3A_986[0] : i32 from vector<1xi32>
    %add3A_988 = arith.addi %add3A_974, %squeeze3A_987 : i32
    %get3A_989 = arith.constant 64 : index
    %get3A_990 = tpu.vector_load %arg11[%get3A_989] {strides = array<i32>} : memref<560xi32, #tpu.memory_space<vmem>>, vector<16xi32>,
    %get3A_991 = arith.constant 63 : index
    %get3A_992 = tpu.vector_load %arg11[%get3A_991] {strides = array<i32>} : memref<560xi32, #tpu.memory_space<vmem>>, vector<16xi32>,
    %ne3A_993 = arith.cmpi ne, %get3A_990, %get3A_992 : vector<16xi32>
    %add3A_994 = arith.constant 48 : i32
    %add3A_995 = vector.broadcast %add3A_994 : i32 to vector<16xi32>
    %add3A_996 = arith.addi %add3A_995, %iota3A_717 : vector<16xi32>
    %swap3A_997 = arith.index_cast %add3A_988 : i32 to index
    %swap3A_998 = tpu.vector_load %arg12[%swap3A_997] masked %ne3A_993 {strides = array<i32>} : memref<560xi32, #tpu.memory_space<vmem>>, vector<16xi32>, vector<16xi1>
    tpu.vector_store %arg12[%swap3A_997], %add3A_996 masked %ne3A_993 {strides = array<i32>} : memref<560xi32, #tpu.memory_space<vmem>>, vector<16xi32>, vector<16xi1>
    %all_reduce_population_count3A_999 = tpu.all_reduce %ne3A_993 {dim = 0 : i64, kind = #tpu.reduction_kind<sum>} : vector<16xi1> -> vector<16xi32>
    %slice3A_1000 = vector.extract_strided_slice %all_reduce_population_count3A_999 {offsets = [0], sizes = [1], strides = [1]} : vector<16xi32> to vector<1xi32>
    %squeeze3A_1001 = vector.extract %slice3A_1000[0] : i32 from vector<1xi32>
    %add3A_1002 = arith.addi %add3A_988, %squeeze3A_1001 : i32
    %get3A_1003 = arith.constant 80 : index
    %get3A_1004 = tpu.vector_load %arg11[%get3A_1003] {strides = array<i32>} : memref<560xi32, #tpu.memory_space<vmem>>, vector<16xi32>,
    %get3A_1005 = arith.constant 79 : index
    %get3A_1006 = tpu.vector_load %arg11[%get3A_1005] {strides = array<i32>} : memref<560xi32, #tpu.memory_space<vmem>>, vector<16xi32>,
    %ne3A_1007 = arith.cmpi ne, %get3A_1004, %get3A_1006 : vector<16xi32>
    %add3A_1008 = arith.constant 64 : i32
    %add3A_1009 = vector.broadcast %add3A_1008 : i32 to vector<16xi32>
    %add3A_1010 = arith.addi %add3A_1009, %iota3A_717 : vector<16xi32>
    %swap3A_1011 = arith.index_cast %add3A_1002 : i32 to index
    %swap3A_1012 = tpu.vector_load %arg12[%swap3A_1011] masked %ne3A_1007 {strides = array<i32>} : memref<560xi32, #tpu.memory_space<vmem>>, vector<16xi32>, vector<16xi1>
    tpu.vector_store %arg12[%swap3A_1011], %add3A_1010 masked %ne3A_1007 {strides = array<i32>} : memref<560xi32, #tpu.memory_space<vmem>>, vector<16xi32>, vector<16xi1>
    %all_reduce_population_count3A_1013 = tpu.all_reduce %ne3A_1007 {dim = 0 : i64, kind = #tpu.reduction_kind<sum>} : vector<16xi1> -> vector<16xi32>
    %slice3A_1014 = vector.extract_strided_slice %all_reduce_population_count3A_1013 {offsets = [0], sizes = [1], strides = [1]} : vector<16xi32> to vector<1xi32>
    %squeeze3A_1015 = vector.extract %slice3A_1014[0] : i32 from vector<1xi32>
    %add3A_1016 = arith.addi %add3A_1002, %squeeze3A_1015 : i32
    %get3A_1017 = arith.constant 96 : index
    %get3A_1018 = tpu.vector_load %arg11[%get3A_1017] {strides = array<i32>} : memref<560xi32, #tpu.memory_space<vmem>>, vector<16xi32>,
    %get3A_1019 = arith.constant 95 : index
    %get3A_1020 = tpu.vector_load %arg11[%get3A_1019] {strides = array<i32>} : memref<560xi32, #tpu.memory_space<vmem>>, vector<16xi32>,
    %ne3A_1021 = arith.cmpi ne, %get3A_1018, %get3A_1020 : vector<16xi32>
    %add3A_1022 = arith.constant 80 : i32
    %add3A_1023 = vector.broadcast %add3A_1022 : i32 to vector<16xi32>
    %add3A_1024 = arith.addi %add3A_1023, %iota3A_717 : vector<16xi32>
    %swap3A_1025 = arith.index_cast %add3A_1016 : i32 to index
    %swap3A_1026 = tpu.vector_load %arg12[%swap3A_1025] masked %ne3A_1021 {strides = array<i32>} : memref<560xi32, #tpu.memory_space<vmem>>, vector<16xi32>, vector<16xi1>
    tpu.vector_store %arg12[%swap3A_1025], %add3A_1024 masked %ne3A_1021 {strides = array<i32>} : memref<560xi32, #tpu.memory_space<vmem>>, vector<16xi32>, vector<16xi1>
    %all_reduce_population_count3A_1027 = tpu.all_reduce %ne3A_1021 {dim = 0 : i64, kind = #tpu.reduction_kind<sum>} : vector<16xi1> -> vector<16xi32>
    %slice3A_1028 = vector.extract_strided_slice %all_reduce_population_count3A_1027 {offsets = [0], sizes = [1], strides = [1]} : vector<16xi32> to vector<1xi32>
    %squeeze3A_1029 = vector.extract %slice3A_1028[0] : i32 from vector<1xi32>
    %add3A_1030 = arith.addi %add3A_1016, %squeeze3A_1029 : i32
    %get3A_1031 = arith.constant 112 : index
    %get3A_1032 = tpu.vector_load %arg11[%get3A_1031] {strides = array<i32>} : memref<560xi32, #tpu.memory_space<vmem>>, vector<16xi32>,
    %get3A_1033 = arith.constant 111 : index
    %get3A_1034 = tpu.vector_load %arg11[%get3A_1033] {strides = array<i32>} : memref<560xi32, #tpu.memory_space<vmem>>, vector<16xi32>,
    %ne3A_1035 = arith.cmpi ne, %get3A_1032, %get3A_1034 : vector<16xi32>
    %add3A_1036 = arith.constant 96 : i32
    %add3A_1037 = vector.broadcast %add3A_1036 : i32 to vector<16xi32>
    %add3A_1038 = arith.addi %add3A_1037, %iota3A_717 : vector<16xi32>
    %swap3A_1039 = arith.index_cast %add3A_1030 : i32 to index
    %swap3A_1040 = tpu.vector_load %arg12[%swap3A_1039] masked %ne3A_1035 {strides = array<i32>} : memref<560xi32, #tpu.memory_space<vmem>>, vector<16xi32>, vector<16xi1>
    tpu.vector_store %arg12[%swap3A_1039], %add3A_1038 masked %ne3A_1035 {strides = array<i32>} : memref<560xi32, #tpu.memory_space<vmem>>, vector<16xi32>, vector<16xi1>
    %all_reduce_population_count3A_1041 = tpu.all_reduce %ne3A_1035 {dim = 0 : i64, kind = #tpu.reduction_kind<sum>} : vector<16xi1> -> vector<16xi32>
    %slice3A_1042 = vector.extract_strided_slice %all_reduce_population_count3A_1041 {offsets = [0], sizes = [1], strides = [1]} : vector<16xi32> to vector<1xi32>
    %squeeze3A_1043 = vector.extract %slice3A_1042[0] : i32 from vector<1xi32>
    %add3A_1044 = arith.addi %add3A_1030, %squeeze3A_1043 : i32
    %get3A_1045 = arith.constant 128 : index
    %get3A_1046 = tpu.vector_load %arg11[%get3A_1045] {strides = array<i32>} : memref<560xi32, #tpu.memory_space<vmem>>, vector<16xi32>,
    %get3A_1047 = arith.constant 127 : index
    %get3A_1048 = tpu.vector_load %arg11[%get3A_1047] {strides = array<i32>} : memref<560xi32, #tpu.memory_space<vmem>>, vector<16xi32>,
    %ne3A_1049 = arith.cmpi ne, %get3A_1046, %get3A_1048 : vector<16xi32>
    %add3A_1050 = arith.constant 112 : i32
    %add3A_1051 = vector.broadcast %add3A_1050 : i32 to vector<16xi32>
    %add3A_1052 = arith.addi %add3A_1051, %iota3A_717 : vector<16xi32>
    %swap3A_1053 = arith.index_cast %add3A_1044 : i32 to index
    %swap3A_1054 = tpu.vector_load %arg12[%swap3A_1053] masked %ne3A_1049 {strides = array<i32>} : memref<560xi32, #tpu.memory_space<vmem>>, vector<16xi32>, vector<16xi1>
    tpu.vector_store %arg12[%swap3A_1053], %add3A_1052 masked %ne3A_1049 {strides = array<i32>} : memref<560xi32, #tpu.memory_space<vmem>>, vector<16xi32>, vector<16xi1>
    %all_reduce_population_count3A_1055 = tpu.all_reduce %ne3A_1049 {dim = 0 : i64, kind = #tpu.reduction_kind<sum>} : vector<16xi1> -> vector<16xi32>
    %slice3A_1056 = vector.extract_strided_slice %all_reduce_population_count3A_1055 {offsets = [0], sizes = [1], strides = [1]} : vector<16xi32> to vector<1xi32>
    %squeeze3A_1057 = vector.extract %slice3A_1056[0] : i32 from vector<1xi32>
    %add3A_1058 = arith.addi %add3A_1044, %squeeze3A_1057 : i32
    %get3A_1059 = arith.constant 144 : index
    %get3A_1060 = tpu.vector_load %arg11[%get3A_1059] {strides = array<i32>} : memref<560xi32, #tpu.memory_space<vmem>>, vector<16xi32>,
    %get3A_1061 = arith.constant 143 : index
    %get3A_1062 = tpu.vector_load %arg11[%get3A_1061] {strides = array<i32>} : memref<560xi32, #tpu.memory_space<vmem>>, vector<16xi32>,
    %ne3A_1063 = arith.cmpi ne, %get3A_1060, %get3A_1062 : vector<16xi32>
    %add3A_1064 = arith.constant 128 : i32
    %add3A_1065 = vector.broadcast %add3A_1064 : i32 to vector<16xi32>
    %add3A_1066 = arith.addi %add3A_1065, %iota3A_717 : vector<16xi32>
    %swap3A_1067 = arith.index_cast %add3A_1058 : i32 to index
    %swap3A_1068 = tpu.vector_load %arg12[%swap3A_1067] masked %ne3A_1063 {strides = array<i32>} : memref<560xi32, #tpu.memory_space<vmem>>, vector<16xi32>, vector<16xi1>
    tpu.vector_store %arg12[%swap3A_1067], %add3A_1066 masked %ne3A_1063 {strides = array<i32>} : memref<560xi32, #tpu.memory_space<vmem>>, vector<16xi32>, vector<16xi1>
    %all_reduce_population_count3A_1069 = tpu.all_reduce %ne3A_1063 {dim = 0 : i64, kind = #tpu.reduction_kind<sum>} : vector<16xi1> -> vector<16xi32>
    %slice3A_1070 = vector.extract_strided_slice %all_reduce_population_count3A_1069 {offsets = [0], sizes = [1], strides = [1]} : vector<16xi32> to vector<1xi32>
    %squeeze3A_1071 = vector.extract %slice3A_1070[0] : i32 from vector<1xi32>
    %add3A_1072 = arith.addi %add3A_1058, %squeeze3A_1071 : i32
    %get3A_1073 = arith.constant 160 : index
    %get3A_1074 = tpu.vector_load %arg11[%get3A_1073] {strides = array<i32>} : memref<560xi32, #tpu.memory_space<vmem>>, vector<16xi32>,
    %get3A_1075 = arith.constant 159 : index
    %get3A_1076 = tpu.vector_load %arg11[%get3A_1075] {strides = array<i32>} : memref<560xi32, #tpu.memory_space<vmem>>, vector<16xi32>,
    %ne3A_1077 = arith.cmpi ne, %get3A_1074, %get3A_1076 : vector<16xi32>
    %add3A_1078 = arith.constant 144 : i32
    %add3A_1079 = vector.broadcast %add3A_1078 : i32 to vector<16xi32>
    %add3A_1080 = arith.addi %add3A_1079, %iota3A_717 : vector<16xi32>
    %swap3A_1081 = arith.index_cast %add3A_1072 : i32 to index
    %swap3A_1082 = tpu.vector_load %arg12[%swap3A_1081] masked %ne3A_1077 {strides = array<i32>} : memref<560xi32, #tpu.memory_space<vmem>>, vector<16xi32>, vector<16xi1>
    tpu.vector_store %arg12[%swap3A_1081], %add3A_1080 masked %ne3A_1077 {strides = array<i32>} : memref<560xi32, #tpu.memory_space<vmem>>, vector<16xi32>, vector<16xi1>
    %all_reduce_population_count3A_1083 = tpu.all_reduce %ne3A_1077 {dim = 0 : i64, kind = #tpu.reduction_kind<sum>} : vector<16xi1> -> vector<16xi32>
    %slice3A_1084 = vector.extract_strided_slice %all_reduce_population_count3A_1083 {offsets = [0], sizes = [1], strides = [1]} : vector<16xi32> to vector<1xi32>
    %squeeze3A_1085 = vector.extract %slice3A_1084[0] : i32 from vector<1xi32>
    %add3A_1086 = arith.addi %add3A_1072, %squeeze3A_1085 : i32
    %get3A_1087 = arith.constant 176 : index
    %get3A_1088 = tpu.vector_load %arg11[%get3A_1087] {strides = array<i32>} : memref<560xi32, #tpu.memory_space<vmem>>, vector<16xi32>,
    %get3A_1089 = arith.constant 175 : index
    %get3A_1090 = tpu.vector_load %arg11[%get3A_1089] {strides = array<i32>} : memref<560xi32, #tpu.memory_space<vmem>>, vector<16xi32>,
    %ne3A_1091 = arith.cmpi ne, %get3A_1088, %get3A_1090 : vector<16xi32>
    %add3A_1092 = arith.constant 160 : i32
    %add3A_1093 = vector.broadcast %add3A_1092 : i32 to vector<16xi32>
    %add3A_1094 = arith.addi %add3A_1093, %iota3A_717 : vector<16xi32>
    %swap3A_1095 = arith.index_cast %add3A_1086 : i32 to index
    %swap3A_1096 = tpu.vector_load %arg12[%swap3A_1095] masked %ne3A_1091 {strides = array<i32>} : memref<560xi32, #tpu.memory_space<vmem>>, vector<16xi32>, vector<16xi1>
    tpu.vector_store %arg12[%swap3A_1095], %add3A_1094 masked %ne3A_1091 {strides = array<i32>} : memref<560xi32, #tpu.memory_space<vmem>>, vector<16xi32>, vector<16xi1>
    %all_reduce_population_count3A_1097 = tpu.all_reduce %ne3A_1091 {dim = 0 : i64, kind = #tpu.reduction_kind<sum>} : vector<16xi1> -> vector<16xi32>
    %slice3A_1098 = vector.extract_strided_slice %all_reduce_population_count3A_1097 {offsets = [0], sizes = [1], strides = [1]} : vector<16xi32> to vector<1xi32>
    %squeeze3A_1099 = vector.extract %slice3A_1098[0] : i32 from vector<1xi32>
    %add3A_1100 = arith.addi %add3A_1086, %squeeze3A_1099 : i32
    %get3A_1101 = arith.constant 192 : index
    %get3A_1102 = tpu.vector_load %arg11[%get3A_1101] {strides = array<i32>} : memref<560xi32, #tpu.memory_space<vmem>>, vector<16xi32>,
    %get3A_1103 = arith.constant 191 : index
    %get3A_1104 = tpu.vector_load %arg11[%get3A_1103] {strides = array<i32>} : memref<560xi32, #tpu.memory_space<vmem>>, vector<16xi32>,
    %ne3A_1105 = arith.cmpi ne, %get3A_1102, %get3A_1104 : vector<16xi32>
    %add3A_1106 = arith.constant 176 : i32
    %add3A_1107 = vector.broadcast %add3A_1106 : i32 to vector<16xi32>
    %add3A_1108 = arith.addi %add3A_1107, %iota3A_717 : vector<16xi32>
    %swap3A_1109 = arith.index_cast %add3A_1100 : i32 to index
    %swap3A_1110 = tpu.vector_load %arg12[%swap3A_1109] masked %ne3A_1105 {strides = array<i32>} : memref<560xi32, #tpu.memory_space<vmem>>, vector<16xi32>, vector<16xi1>
    tpu.vector_store %arg12[%swap3A_1109], %add3A_1108 masked %ne3A_1105 {strides = array<i32>} : memref<560xi32, #tpu.memory_space<vmem>>, vector<16xi32>, vector<16xi1>
    %all_reduce_population_count3A_1111 = tpu.all_reduce %ne3A_1105 {dim = 0 : i64, kind = #tpu.reduction_kind<sum>} : vector<16xi1> -> vector<16xi32>
    %slice3A_1112 = vector.extract_strided_slice %all_reduce_population_count3A_1111 {offsets = [0], sizes = [1], strides = [1]} : vector<16xi32> to vector<1xi32>
    %squeeze3A_1113 = vector.extract %slice3A_1112[0] : i32 from vector<1xi32>
    %add3A_1114 = arith.addi %add3A_1100, %squeeze3A_1113 : i32
    %get3A_1115 = arith.constant 208 : index
    %get3A_1116 = tpu.vector_load %arg11[%get3A_1115] {strides = array<i32>} : memref<560xi32, #tpu.memory_space<vmem>>, vector<16xi32>,
    %get3A_1117 = arith.constant 207 : index
    %get3A_1118 = tpu.vector_load %arg11[%get3A_1117] {strides = array<i32>} : memref<560xi32, #tpu.memory_space<vmem>>, vector<16xi32>,
    %ne3A_1119 = arith.cmpi ne, %get3A_1116, %get3A_1118 : vector<16xi32>
    %add3A_1120 = arith.constant 192 : i32
    %add3A_1121 = vector.broadcast %add3A_1120 : i32 to vector<16xi32>
    %add3A_1122 = arith.addi %add3A_1121, %iota3A_717 : vector<16xi32>
    %swap3A_1123 = arith.index_cast %add3A_1114 : i32 to index
    %swap3A_1124 = tpu.vector_load %arg12[%swap3A_1123] masked %ne3A_1119 {strides = array<i32>} : memref<560xi32, #tpu.memory_space<vmem>>, vector<16xi32>, vector<16xi1>
    tpu.vector_store %arg12[%swap3A_1123], %add3A_1122 masked %ne3A_1119 {strides = array<i32>} : memref<560xi32, #tpu.memory_space<vmem>>, vector<16xi32>, vector<16xi1>
    %all_reduce_population_count3A_1125 = tpu.all_reduce %ne3A_1119 {dim = 0 : i64, kind = #tpu.reduction_kind<sum>} : vector<16xi1> -> vector<16xi32>
    %slice3A_1126 = vector.extract_strided_slice %all_reduce_population_count3A_1125 {offsets = [0], sizes = [1], strides = [1]} : vector<16xi32> to vector<1xi32>
    %squeeze3A_1127 = vector.extract %slice3A_1126[0] : i32 from vector<1xi32>
    %add3A_1128 = arith.addi %add3A_1114, %squeeze3A_1127 : i32
    %get3A_1129 = arith.constant 224 : index
    %get3A_1130 = tpu.vector_load %arg11[%get3A_1129] {strides = array<i32>} : memref<560xi32, #tpu.memory_space<vmem>>, vector<16xi32>,
    %get3A_1131 = arith.constant 223 : index
    %get3A_1132 = tpu.vector_load %arg11[%get3A_1131] {strides = array<i32>} : memref<560xi32, #tpu.memory_space<vmem>>, vector<16xi32>,
    %ne3A_1133 = arith.cmpi ne, %get3A_1130, %get3A_1132 : vector<16xi32>
    %add3A_1134 = arith.constant 208 : i32
    %add3A_1135 = vector.broadcast %add3A_1134 : i32 to vector<16xi32>
    %add3A_1136 = arith.addi %add3A_1135, %iota3A_717 : vector<16xi32>
    %swap3A_1137 = arith.index_cast %add3A_1128 : i32 to index
    %swap3A_1138 = tpu.vector_load %arg12[%swap3A_1137] masked %ne3A_1133 {strides = array<i32>} : memref<560xi32, #tpu.memory_space<vmem>>, vector<16xi32>, vector<16xi1>
    tpu.vector_store %arg12[%swap3A_1137], %add3A_1136 masked %ne3A_1133 {strides = array<i32>} : memref<560xi32, #tpu.memory_space<vmem>>, vector<16xi32>, vector<16xi1>
    %all_reduce_population_count3A_1139 = tpu.all_reduce %ne3A_1133 {dim = 0 : i64, kind = #tpu.reduction_kind<sum>} : vector<16xi1> -> vector<16xi32>
    %slice3A_1140 = vector.extract_strided_slice %all_reduce_population_count3A_1139 {offsets = [0], sizes = [1], strides = [1]} : vector<16xi32> to vector<1xi32>
    %squeeze3A_1141 = vector.extract %slice3A_1140[0] : i32 from vector<1xi32>
    %add3A_1142 = arith.addi %add3A_1128, %squeeze3A_1141 : i32
    %get3A_1143 = arith.constant 240 : index
    %get3A_1144 = tpu.vector_load %arg11[%get3A_1143] {strides = array<i32>} : memref<560xi32, #tpu.memory_space<vmem>>, vector<16xi32>,
    %get3A_1145 = arith.constant 239 : index
    %get3A_1146 = tpu.vector_load %arg11[%get3A_1145] {strides = array<i32>} : memref<560xi32, #tpu.memory_space<vmem>>, vector<16xi32>,
    %ne3A_1147 = arith.cmpi ne, %get3A_1144, %get3A_1146 : vector<16xi32>
    %add3A_1148 = arith.constant 224 : i32
    %add3A_1149 = vector.broadcast %add3A_1148 : i32 to vector<16xi32>
    %add3A_1150 = arith.addi %add3A_1149, %iota3A_717 : vector<16xi32>
    %swap3A_1151 = arith.index_cast %add3A_1142 : i32 to index
    %swap3A_1152 = tpu.vector_load %arg12[%swap3A_1151] masked %ne3A_1147 {strides = array<i32>} : memref<560xi32, #tpu.memory_space<vmem>>, vector<16xi32>, vector<16xi1>
    tpu.vector_store %arg12[%swap3A_1151], %add3A_1150 masked %ne3A_1147 {strides = array<i32>} : memref<560xi32, #tpu.memory_space<vmem>>, vector<16xi32>, vector<16xi1>
    %all_reduce_population_count3A_1153 = tpu.all_reduce %ne3A_1147 {dim = 0 : i64, kind = #tpu.reduction_kind<sum>} : vector<16xi1> -> vector<16xi32>
    %slice3A_1154 = vector.extract_strided_slice %all_reduce_population_count3A_1153 {offsets = [0], sizes = [1], strides = [1]} : vector<16xi32> to vector<1xi32>
    %squeeze3A_1155 = vector.extract %slice3A_1154[0] : i32 from vector<1xi32>
    %add3A_1156 = arith.addi %add3A_1142, %squeeze3A_1155 : i32
    %get3A_1157 = arith.constant 256 : index
    %get3A_1158 = tpu.vector_load %arg11[%get3A_1157] {strides = array<i32>} : memref<560xi32, #tpu.memory_space<vmem>>, vector<16xi32>,
    %get3A_1159 = arith.constant 255 : index
    %get3A_1160 = tpu.vector_load %arg11[%get3A_1159] {strides = array<i32>} : memref<560xi32, #tpu.memory_space<vmem>>, vector<16xi32>,
    %ne3A_1161 = arith.cmpi ne, %get3A_1158, %get3A_1160 : vector<16xi32>
    %add3A_1162 = arith.constant 240 : i32
    %add3A_1163 = vector.broadcast %add3A_1162 : i32 to vector<16xi32>
    %add3A_1164 = arith.addi %add3A_1163, %iota3A_717 : vector<16xi32>
    %swap3A_1165 = arith.index_cast %add3A_1156 : i32 to index
    %swap3A_1166 = tpu.vector_load %arg12[%swap3A_1165] masked %ne3A_1161 {strides = array<i32>} : memref<560xi32, #tpu.memory_space<vmem>>, vector<16xi32>, vector<16xi1>
    tpu.vector_store %arg12[%swap3A_1165], %add3A_1164 masked %ne3A_1161 {strides = array<i32>} : memref<560xi32, #tpu.memory_space<vmem>>, vector<16xi32>, vector<16xi1>
    %all_reduce_population_count3A_1167 = tpu.all_reduce %ne3A_1161 {dim = 0 : i64, kind = #tpu.reduction_kind<sum>} : vector<16xi1> -> vector<16xi32>
    %slice3A_1168 = vector.extract_strided_slice %all_reduce_population_count3A_1167 {offsets = [0], sizes = [1], strides = [1]} : vector<16xi32> to vector<1xi32>
    %squeeze3A_1169 = vector.extract %slice3A_1168[0] : i32 from vector<1xi32>
    %add3A_1170 = arith.addi %add3A_1156, %squeeze3A_1169 : i32
    %get3A_1171 = arith.constant 272 : index
    %get3A_1172 = tpu.vector_load %arg11[%get3A_1171] {strides = array<i32>} : memref<560xi32, #tpu.memory_space<vmem>>, vector<16xi32>,
    %get3A_1173 = arith.constant 271 : index
    %get3A_1174 = tpu.vector_load %arg11[%get3A_1173] {strides = array<i32>} : memref<560xi32, #tpu.memory_space<vmem>>, vector<16xi32>,
    %ne3A_1175 = arith.cmpi ne, %get3A_1172, %get3A_1174 : vector<16xi32>
    %add3A_1176 = arith.constant 256 : i32
    %add3A_1177 = vector.broadcast %add3A_1176 : i32 to vector<16xi32>
    %add3A_1178 = arith.addi %add3A_1177, %iota3A_717 : vector<16xi32>
    %swap3A_1179 = arith.index_cast %add3A_1170 : i32 to index
    %swap3A_1180 = tpu.vector_load %arg12[%swap3A_1179] masked %ne3A_1175 {strides = array<i32>} : memref<560xi32, #tpu.memory_space<vmem>>, vector<16xi32>, vector<16xi1>
    tpu.vector_store %arg12[%swap3A_1179], %add3A_1178 masked %ne3A_1175 {strides = array<i32>} : memref<560xi32, #tpu.memory_space<vmem>>, vector<16xi32>, vector<16xi1>
    %all_reduce_population_count3A_1181 = tpu.all_reduce %ne3A_1175 {dim = 0 : i64, kind = #tpu.reduction_kind<sum>} : vector<16xi1> -> vector<16xi32>
    %slice3A_1182 = vector.extract_strided_slice %all_reduce_population_count3A_1181 {offsets = [0], sizes = [1], strides = [1]} : vector<16xi32> to vector<1xi32>
    %squeeze3A_1183 = vector.extract %slice3A_1182[0] : i32 from vector<1xi32>
    %add3A_1184 = arith.addi %add3A_1170, %squeeze3A_1183 : i32
    %get3A_1185 = arith.constant 288 : index
    %get3A_1186 = tpu.vector_load %arg11[%get3A_1185] {strides = array<i32>} : memref<560xi32, #tpu.memory_space<vmem>>, vector<16xi32>,
    %get3A_1187 = arith.constant 287 : index
    %get3A_1188 = tpu.vector_load %arg11[%get3A_1187] {strides = array<i32>} : memref<560xi32, #tpu.memory_space<vmem>>, vector<16xi32>,
    %ne3A_1189 = arith.cmpi ne, %get3A_1186, %get3A_1188 : vector<16xi32>
    %add3A_1190 = arith.constant 272 : i32
    %add3A_1191 = vector.broadcast %add3A_1190 : i32 to vector<16xi32>
    %add3A_1192 = arith.addi %add3A_1191, %iota3A_717 : vector<16xi32>
    %swap3A_1193 = arith.index_cast %add3A_1184 : i32 to index
    %swap3A_1194 = tpu.vector_load %arg12[%swap3A_1193] masked %ne3A_1189 {strides = array<i32>} : memref<560xi32, #tpu.memory_space<vmem>>, vector<16xi32>, vector<16xi1>
    tpu.vector_store %arg12[%swap3A_1193], %add3A_1192 masked %ne3A_1189 {strides = array<i32>} : memref<560xi32, #tpu.memory_space<vmem>>, vector<16xi32>, vector<16xi1>
    %all_reduce_population_count3A_1195 = tpu.all_reduce %ne3A_1189 {dim = 0 : i64, kind = #tpu.reduction_kind<sum>} : vector<16xi1> -> vector<16xi32>
    %slice3A_1196 = vector.extract_strided_slice %all_reduce_population_count3A_1195 {offsets = [0], sizes = [1], strides = [1]} : vector<16xi32> to vector<1xi32>
    %squeeze3A_1197 = vector.extract %slice3A_1196[0] : i32 from vector<1xi32>
    %add3A_1198 = arith.addi %add3A_1184, %squeeze3A_1197 : i32
    %get3A_1199 = arith.constant 304 : index
    %get3A_1200 = tpu.vector_load %arg11[%get3A_1199] {strides = array<i32>} : memref<560xi32, #tpu.memory_space<vmem>>, vector<16xi32>,
    %get3A_1201 = arith.constant 303 : index
    %get3A_1202 = tpu.vector_load %arg11[%get3A_1201] {strides = array<i32>} : memref<560xi32, #tpu.memory_space<vmem>>, vector<16xi32>,
    %ne3A_1203 = arith.cmpi ne, %get3A_1200, %get3A_1202 : vector<16xi32>
    %add3A_1204 = arith.constant 288 : i32
    %add3A_1205 = vector.broadcast %add3A_1204 : i32 to vector<16xi32>
    %add3A_1206 = arith.addi %add3A_1205, %iota3A_717 : vector<16xi32>
    %swap3A_1207 = arith.index_cast %add3A_1198 : i32 to index
    %swap3A_1208 = tpu.vector_load %arg12[%swap3A_1207] masked %ne3A_1203 {strides = array<i32>} : memref<560xi32, #tpu.memory_space<vmem>>, vector<16xi32>, vector<16xi1>
    tpu.vector_store %arg12[%swap3A_1207], %add3A_1206 masked %ne3A_1203 {strides = array<i32>} : memref<560xi32, #tpu.memory_space<vmem>>, vector<16xi32>, vector<16xi1>
    %all_reduce_population_count3A_1209 = tpu.all_reduce %ne3A_1203 {dim = 0 : i64, kind = #tpu.reduction_kind<sum>} : vector<16xi1> -> vector<16xi32>
    %slice3A_1210 = vector.extract_strided_slice %all_reduce_population_count3A_1209 {offsets = [0], sizes = [1], strides = [1]} : vector<16xi32> to vector<1xi32>
    %squeeze3A_1211 = vector.extract %slice3A_1210[0] : i32 from vector<1xi32>
    %add3A_1212 = arith.addi %add3A_1198, %squeeze3A_1211 : i32
    %get3A_1213 = arith.constant 320 : index
    %get3A_1214 = tpu.vector_load %arg11[%get3A_1213] {strides = array<i32>} : memref<560xi32, #tpu.memory_space<vmem>>, vector<16xi32>,
    %get3A_1215 = arith.constant 319 : index
    %get3A_1216 = tpu.vector_load %arg11[%get3A_1215] {strides = array<i32>} : memref<560xi32, #tpu.memory_space<vmem>>, vector<16xi32>,
    %ne3A_1217 = arith.cmpi ne, %get3A_1214, %get3A_1216 : vector<16xi32>
    %add3A_1218 = arith.constant 304 : i32
    %add3A_1219 = vector.broadcast %add3A_1218 : i32 to vector<16xi32>
    %add3A_1220 = arith.addi %add3A_1219, %iota3A_717 : vector<16xi32>
    %swap3A_1221 = arith.index_cast %add3A_1212 : i32 to index
    %swap3A_1222 = tpu.vector_load %arg12[%swap3A_1221] masked %ne3A_1217 {strides = array<i32>} : memref<560xi32, #tpu.memory_space<vmem>>, vector<16xi32>, vector<16xi1>
    tpu.vector_store %arg12[%swap3A_1221], %add3A_1220 masked %ne3A_1217 {strides = array<i32>} : memref<560xi32, #tpu.memory_space<vmem>>, vector<16xi32>, vector<16xi1>
    %all_reduce_population_count3A_1223 = tpu.all_reduce %ne3A_1217 {dim = 0 : i64, kind = #tpu.reduction_kind<sum>} : vector<16xi1> -> vector<16xi32>
    %slice3A_1224 = vector.extract_strided_slice %all_reduce_population_count3A_1223 {offsets = [0], sizes = [1], strides = [1]} : vector<16xi32> to vector<1xi32>
    %squeeze3A_1225 = vector.extract %slice3A_1224[0] : i32 from vector<1xi32>
    %add3A_1226 = arith.addi %add3A_1212, %squeeze3A_1225 : i32
    %get3A_1227 = arith.constant 336 : index
    %get3A_1228 = tpu.vector_load %arg11[%get3A_1227] {strides = array<i32>} : memref<560xi32, #tpu.memory_space<vmem>>, vector<16xi32>,
    %get3A_1229 = arith.constant 335 : index
    %get3A_1230 = tpu.vector_load %arg11[%get3A_1229] {strides = array<i32>} : memref<560xi32, #tpu.memory_space<vmem>>, vector<16xi32>,
    %ne3A_1231 = arith.cmpi ne, %get3A_1228, %get3A_1230 : vector<16xi32>
    %add3A_1232 = arith.constant 320 : i32
    %add3A_1233 = vector.broadcast %add3A_1232 : i32 to vector<16xi32>
    %add3A_1234 = arith.addi %add3A_1233, %iota3A_717 : vector<16xi32>
    %swap3A_1235 = arith.index_cast %add3A_1226 : i32 to index
    %swap3A_1236 = tpu.vector_load %arg12[%swap3A_1235] masked %ne3A_1231 {strides = array<i32>} : memref<560xi32, #tpu.memory_space<vmem>>, vector<16xi32>, vector<16xi1>
    tpu.vector_store %arg12[%swap3A_1235], %add3A_1234 masked %ne3A_1231 {strides = array<i32>} : memref<560xi32, #tpu.memory_space<vmem>>, vector<16xi32>, vector<16xi1>
    %all_reduce_population_count3A_1237 = tpu.all_reduce %ne3A_1231 {dim = 0 : i64, kind = #tpu.reduction_kind<sum>} : vector<16xi1> -> vector<16xi32>
    %slice3A_1238 = vector.extract_strided_slice %all_reduce_population_count3A_1237 {offsets = [0], sizes = [1], strides = [1]} : vector<16xi32> to vector<1xi32>
    %squeeze3A_1239 = vector.extract %slice3A_1238[0] : i32 from vector<1xi32>
    %add3A_1240 = arith.addi %add3A_1226, %squeeze3A_1239 : i32
    %get3A_1241 = arith.constant 352 : index
    %get3A_1242 = tpu.vector_load %arg11[%get3A_1241] {strides = array<i32>} : memref<560xi32, #tpu.memory_space<vmem>>, vector<16xi32>,
    %get3A_1243 = arith.constant 351 : index
    %get3A_1244 = tpu.vector_load %arg11[%get3A_1243] {strides = array<i32>} : memref<560xi32, #tpu.memory_space<vmem>>, vector<16xi32>,
    %ne3A_1245 = arith.cmpi ne, %get3A_1242, %get3A_1244 : vector<16xi32>
    %add3A_1246 = arith.constant 336 : i32
    %add3A_1247 = vector.broadcast %add3A_1246 : i32 to vector<16xi32>
    %add3A_1248 = arith.addi %add3A_1247, %iota3A_717 : vector<16xi32>
    %swap3A_1249 = arith.index_cast %add3A_1240 : i32 to index
    %swap3A_1250 = tpu.vector_load %arg12[%swap3A_1249] masked %ne3A_1245 {strides = array<i32>} : memref<560xi32, #tpu.memory_space<vmem>>, vector<16xi32>, vector<16xi1>
    tpu.vector_store %arg12[%swap3A_1249], %add3A_1248 masked %ne3A_1245 {strides = array<i32>} : memref<560xi32, #tpu.memory_space<vmem>>, vector<16xi32>, vector<16xi1>
    %all_reduce_population_count3A_1251 = tpu.all_reduce %ne3A_1245 {dim = 0 : i64, kind = #tpu.reduction_kind<sum>} : vector<16xi1> -> vector<16xi32>
    %slice3A_1252 = vector.extract_strided_slice %all_reduce_population_count3A_1251 {offsets = [0], sizes = [1], strides = [1]} : vector<16xi32> to vector<1xi32>
    %squeeze3A_1253 = vector.extract %slice3A_1252[0] : i32 from vector<1xi32>
    %add3A_1254 = arith.addi %add3A_1240, %squeeze3A_1253 : i32
    %get3A_1255 = arith.constant 368 : index
    %get3A_1256 = tpu.vector_load %arg11[%get3A_1255] {strides = array<i32>} : memref<560xi32, #tpu.memory_space<vmem>>, vector<16xi32>,
    %get3A_1257 = arith.constant 367 : index
    %get3A_1258 = tpu.vector_load %arg11[%get3A_1257] {strides = array<i32>} : memref<560xi32, #tpu.memory_space<vmem>>, vector<16xi32>,
    %ne3A_1259 = arith.cmpi ne, %get3A_1256, %get3A_1258 : vector<16xi32>
    %add3A_1260 = arith.constant 352 : i32
    %add3A_1261 = vector.broadcast %add3A_1260 : i32 to vector<16xi32>
    %add3A_1262 = arith.addi %add3A_1261, %iota3A_717 : vector<16xi32>
    %swap3A_1263 = arith.index_cast %add3A_1254 : i32 to index
    %swap3A_1264 = tpu.vector_load %arg12[%swap3A_1263] masked %ne3A_1259 {strides = array<i32>} : memref<560xi32, #tpu.memory_space<vmem>>, vector<16xi32>, vector<16xi1>
    tpu.vector_store %arg12[%swap3A_1263], %add3A_1262 masked %ne3A_1259 {strides = array<i32>} : memref<560xi32, #tpu.memory_space<vmem>>, vector<16xi32>, vector<16xi1>
    %all_reduce_population_count3A_1265 = tpu.all_reduce %ne3A_1259 {dim = 0 : i64, kind = #tpu.reduction_kind<sum>} : vector<16xi1> -> vector<16xi32>
    %slice3A_1266 = vector.extract_strided_slice %all_reduce_population_count3A_1265 {offsets = [0], sizes = [1], strides = [1]} : vector<16xi32> to vector<1xi32>
    %squeeze3A_1267 = vector.extract %slice3A_1266[0] : i32 from vector<1xi32>
    %add3A_1268 = arith.addi %add3A_1254, %squeeze3A_1267 : i32
    %get3A_1269 = arith.constant 384 : index
    %get3A_1270 = tpu.vector_load %arg11[%get3A_1269] {strides = array<i32>} : memref<560xi32, #tpu.memory_space<vmem>>, vector<16xi32>,
    %get3A_1271 = arith.constant 383 : index
    %get3A_1272 = tpu.vector_load %arg11[%get3A_1271] {strides = array<i32>} : memref<560xi32, #tpu.memory_space<vmem>>, vector<16xi32>,
    %ne3A_1273 = arith.cmpi ne, %get3A_1270, %get3A_1272 : vector<16xi32>
    %add3A_1274 = arith.constant 368 : i32
    %add3A_1275 = vector.broadcast %add3A_1274 : i32 to vector<16xi32>
    %add3A_1276 = arith.addi %add3A_1275, %iota3A_717 : vector<16xi32>
    %swap3A_1277 = arith.index_cast %add3A_1268 : i32 to index
    %swap3A_1278 = tpu.vector_load %arg12[%swap3A_1277] masked %ne3A_1273 {strides = array<i32>} : memref<560xi32, #tpu.memory_space<vmem>>, vector<16xi32>, vector<16xi1>
    tpu.vector_store %arg12[%swap3A_1277], %add3A_1276 masked %ne3A_1273 {strides = array<i32>} : memref<560xi32, #tpu.memory_space<vmem>>, vector<16xi32>, vector<16xi1>
    %all_reduce_population_count3A_1279 = tpu.all_reduce %ne3A_1273 {dim = 0 : i64, kind = #tpu.reduction_kind<sum>} : vector<16xi1> -> vector<16xi32>
    %slice3A_1280 = vector.extract_strided_slice %all_reduce_population_count3A_1279 {offsets = [0], sizes = [1], strides = [1]} : vector<16xi32> to vector<1xi32>
    %squeeze3A_1281 = vector.extract %slice3A_1280[0] : i32 from vector<1xi32>
    %add3A_1282 = arith.addi %add3A_1268, %squeeze3A_1281 : i32
    %get3A_1283 = arith.constant 400 : index
    %get3A_1284 = tpu.vector_load %arg11[%get3A_1283] {strides = array<i32>} : memref<560xi32, #tpu.memory_space<vmem>>, vector<16xi32>,
    %get3A_1285 = arith.constant 399 : index
    %get3A_1286 = tpu.vector_load %arg11[%get3A_1285] {strides = array<i32>} : memref<560xi32, #tpu.memory_space<vmem>>, vector<16xi32>,
    %ne3A_1287 = arith.cmpi ne, %get3A_1284, %get3A_1286 : vector<16xi32>
    %add3A_1288 = arith.constant 384 : i32
    %add3A_1289 = vector.broadcast %add3A_1288 : i32 to vector<16xi32>
    %add3A_1290 = arith.addi %add3A_1289, %iota3A_717 : vector<16xi32>
    %swap3A_1291 = arith.index_cast %add3A_1282 : i32 to index
    %swap3A_1292 = tpu.vector_load %arg12[%swap3A_1291] masked %ne3A_1287 {strides = array<i32>} : memref<560xi32, #tpu.memory_space<vmem>>, vector<16xi32>, vector<16xi1>
    tpu.vector_store %arg12[%swap3A_1291], %add3A_1290 masked %ne3A_1287 {strides = array<i32>} : memref<560xi32, #tpu.memory_space<vmem>>, vector<16xi32>, vector<16xi1>
    %all_reduce_population_count3A_1293 = tpu.all_reduce %ne3A_1287 {dim = 0 : i64, kind = #tpu.reduction_kind<sum>} : vector<16xi1> -> vector<16xi32>
    %slice3A_1294 = vector.extract_strided_slice %all_reduce_population_count3A_1293 {offsets = [0], sizes = [1], strides = [1]} : vector<16xi32> to vector<1xi32>
    %squeeze3A_1295 = vector.extract %slice3A_1294[0] : i32 from vector<1xi32>
    %add3A_1296 = arith.addi %add3A_1282, %squeeze3A_1295 : i32
    %get3A_1297 = arith.constant 416 : index
    %get3A_1298 = tpu.vector_load %arg11[%get3A_1297] {strides = array<i32>} : memref<560xi32, #tpu.memory_space<vmem>>, vector<16xi32>,
    %get3A_1299 = arith.constant 415 : index
    %get3A_1300 = tpu.vector_load %arg11[%get3A_1299] {strides = array<i32>} : memref<560xi32, #tpu.memory_space<vmem>>, vector<16xi32>,
    %ne3A_1301 = arith.cmpi ne, %get3A_1298, %get3A_1300 : vector<16xi32>
    %add3A_1302 = arith.constant 400 : i32
    %add3A_1303 = vector.broadcast %add3A_1302 : i32 to vector<16xi32>
    %add3A_1304 = arith.addi %add3A_1303, %iota3A_717 : vector<16xi32>
    %swap3A_1305 = arith.index_cast %add3A_1296 : i32 to index
    %swap3A_1306 = tpu.vector_load %arg12[%swap3A_1305] masked %ne3A_1301 {strides = array<i32>} : memref<560xi32, #tpu.memory_space<vmem>>, vector<16xi32>, vector<16xi1>
    tpu.vector_store %arg12[%swap3A_1305], %add3A_1304 masked %ne3A_1301 {strides = array<i32>} : memref<560xi32, #tpu.memory_space<vmem>>, vector<16xi32>, vector<16xi1>
    %all_reduce_population_count3A_1307 = tpu.all_reduce %ne3A_1301 {dim = 0 : i64, kind = #tpu.reduction_kind<sum>} : vector<16xi1> -> vector<16xi32>
    %slice3A_1308 = vector.extract_strided_slice %all_reduce_population_count3A_1307 {offsets = [0], sizes = [1], strides = [1]} : vector<16xi32> to vector<1xi32>
    %squeeze3A_1309 = vector.extract %slice3A_1308[0] : i32 from vector<1xi32>
    %add3A_1310 = arith.addi %add3A_1296, %squeeze3A_1309 : i32
    %get3A_1311 = arith.constant 432 : index
    %get3A_1312 = tpu.vector_load %arg11[%get3A_1311] {strides = array<i32>} : memref<560xi32, #tpu.memory_space<vmem>>, vector<16xi32>,
    %get3A_1313 = arith.constant 431 : index
    %get3A_1314 = tpu.vector_load %arg11[%get3A_1313] {strides = array<i32>} : memref<560xi32, #tpu.memory_space<vmem>>, vector<16xi32>,
    %ne3A_1315 = arith.cmpi ne, %get3A_1312, %get3A_1314 : vector<16xi32>
    %add3A_1316 = arith.constant 416 : i32
    %add3A_1317 = vector.broadcast %add3A_1316 : i32 to vector<16xi32>
    %add3A_1318 = arith.addi %add3A_1317, %iota3A_717 : vector<16xi32>
    %swap3A_1319 = arith.index_cast %add3A_1310 : i32 to index
    %swap3A_1320 = tpu.vector_load %arg12[%swap3A_1319] masked %ne3A_1315 {strides = array<i32>} : memref<560xi32, #tpu.memory_space<vmem>>, vector<16xi32>, vector<16xi1>
    tpu.vector_store %arg12[%swap3A_1319], %add3A_1318 masked %ne3A_1315 {strides = array<i32>} : memref<560xi32, #tpu.memory_space<vmem>>, vector<16xi32>, vector<16xi1>
    %all_reduce_population_count3A_1321 = tpu.all_reduce %ne3A_1315 {dim = 0 : i64, kind = #tpu.reduction_kind<sum>} : vector<16xi1> -> vector<16xi32>
    %slice3A_1322 = vector.extract_strided_slice %all_reduce_population_count3A_1321 {offsets = [0], sizes = [1], strides = [1]} : vector<16xi32> to vector<1xi32>
    %squeeze3A_1323 = vector.extract %slice3A_1322[0] : i32 from vector<1xi32>
    %add3A_1324 = arith.addi %add3A_1310, %squeeze3A_1323 : i32
    %get3A_1325 = arith.constant 448 : index
    %get3A_1326 = tpu.vector_load %arg11[%get3A_1325] {strides = array<i32>} : memref<560xi32, #tpu.memory_space<vmem>>, vector<16xi32>,
    %get3A_1327 = arith.constant 447 : index
    %get3A_1328 = tpu.vector_load %arg11[%get3A_1327] {strides = array<i32>} : memref<560xi32, #tpu.memory_space<vmem>>, vector<16xi32>,
    %ne3A_1329 = arith.cmpi ne, %get3A_1326, %get3A_1328 : vector<16xi32>
    %add3A_1330 = arith.constant 432 : i32
    %add3A_1331 = vector.broadcast %add3A_1330 : i32 to vector<16xi32>
    %add3A_1332 = arith.addi %add3A_1331, %iota3A_717 : vector<16xi32>
    %swap3A_1333 = arith.index_cast %add3A_1324 : i32 to index
    %swap3A_1334 = tpu.vector_load %arg12[%swap3A_1333] masked %ne3A_1329 {strides = array<i32>} : memref<560xi32, #tpu.memory_space<vmem>>, vector<16xi32>, vector<16xi1>
    tpu.vector_store %arg12[%swap3A_1333], %add3A_1332 masked %ne3A_1329 {strides = array<i32>} : memref<560xi32, #tpu.memory_space<vmem>>, vector<16xi32>, vector<16xi1>
    %all_reduce_population_count3A_1335 = tpu.all_reduce %ne3A_1329 {dim = 0 : i64, kind = #tpu.reduction_kind<sum>} : vector<16xi1> -> vector<16xi32>
    %slice3A_1336 = vector.extract_strided_slice %all_reduce_population_count3A_1335 {offsets = [0], sizes = [1], strides = [1]} : vector<16xi32> to vector<1xi32>
    %squeeze3A_1337 = vector.extract %slice3A_1336[0] : i32 from vector<1xi32>
    %add3A_1338 = arith.addi %add3A_1324, %squeeze3A_1337 : i32
    %get3A_1339 = arith.constant 464 : index
    %get3A_1340 = tpu.vector_load %arg11[%get3A_1339] {strides = array<i32>} : memref<560xi32, #tpu.memory_space<vmem>>, vector<16xi32>,
    %get3A_1341 = arith.constant 463 : index
    %get3A_1342 = tpu.vector_load %arg11[%get3A_1341] {strides = array<i32>} : memref<560xi32, #tpu.memory_space<vmem>>, vector<16xi32>,
    %ne3A_1343 = arith.cmpi ne, %get3A_1340, %get3A_1342 : vector<16xi32>
    %add3A_1344 = arith.constant 448 : i32
    %add3A_1345 = vector.broadcast %add3A_1344 : i32 to vector<16xi32>
    %add3A_1346 = arith.addi %add3A_1345, %iota3A_717 : vector<16xi32>
    %swap3A_1347 = arith.index_cast %add3A_1338 : i32 to index
    %swap3A_1348 = tpu.vector_load %arg12[%swap3A_1347] masked %ne3A_1343 {strides = array<i32>} : memref<560xi32, #tpu.memory_space<vmem>>, vector<16xi32>, vector<16xi1>
    tpu.vector_store %arg12[%swap3A_1347], %add3A_1346 masked %ne3A_1343 {strides = array<i32>} : memref<560xi32, #tpu.memory_space<vmem>>, vector<16xi32>, vector<16xi1>
    %all_reduce_population_count3A_1349 = tpu.all_reduce %ne3A_1343 {dim = 0 : i64, kind = #tpu.reduction_kind<sum>} : vector<16xi1> -> vector<16xi32>
    %slice3A_1350 = vector.extract_strided_slice %all_reduce_population_count3A_1349 {offsets = [0], sizes = [1], strides = [1]} : vector<16xi32> to vector<1xi32>
    %squeeze3A_1351 = vector.extract %slice3A_1350[0] : i32 from vector<1xi32>
    %add3A_1352 = arith.addi %add3A_1338, %squeeze3A_1351 : i32
    %get3A_1353 = arith.constant 480 : index
    %get3A_1354 = tpu.vector_load %arg11[%get3A_1353] {strides = array<i32>} : memref<560xi32, #tpu.memory_space<vmem>>, vector<16xi32>,
    %get3A_1355 = arith.constant 479 : index
    %get3A_1356 = tpu.vector_load %arg11[%get3A_1355] {strides = array<i32>} : memref<560xi32, #tpu.memory_space<vmem>>, vector<16xi32>,
    %ne3A_1357 = arith.cmpi ne, %get3A_1354, %get3A_1356 : vector<16xi32>
    %add3A_1358 = arith.constant 464 : i32
    %add3A_1359 = vector.broadcast %add3A_1358 : i32 to vector<16xi32>
    %add3A_1360 = arith.addi %add3A_1359, %iota3A_717 : vector<16xi32>
    %swap3A_1361 = arith.index_cast %add3A_1352 : i32 to index
    %swap3A_1362 = tpu.vector_load %arg12[%swap3A_1361] masked %ne3A_1357 {strides = array<i32>} : memref<560xi32, #tpu.memory_space<vmem>>, vector<16xi32>, vector<16xi1>
    tpu.vector_store %arg12[%swap3A_1361], %add3A_1360 masked %ne3A_1357 {strides = array<i32>} : memref<560xi32, #tpu.memory_space<vmem>>, vector<16xi32>, vector<16xi1>
    %all_reduce_population_count3A_1363 = tpu.all_reduce %ne3A_1357 {dim = 0 : i64, kind = #tpu.reduction_kind<sum>} : vector<16xi1> -> vector<16xi32>
    %slice3A_1364 = vector.extract_strided_slice %all_reduce_population_count3A_1363 {offsets = [0], sizes = [1], strides = [1]} : vector<16xi32> to vector<1xi32>
    %squeeze3A_1365 = vector.extract %slice3A_1364[0] : i32 from vector<1xi32>
    %add3A_1366 = arith.addi %add3A_1352, %squeeze3A_1365 : i32
    %get3A_1367 = arith.constant 496 : index
    %get3A_1368 = tpu.vector_load %arg11[%get3A_1367] {strides = array<i32>} : memref<560xi32, #tpu.memory_space<vmem>>, vector<16xi32>,
    %get3A_1369 = arith.constant 495 : index
    %get3A_1370 = tpu.vector_load %arg11[%get3A_1369] {strides = array<i32>} : memref<560xi32, #tpu.memory_space<vmem>>, vector<16xi32>,
    %ne3A_1371 = arith.cmpi ne, %get3A_1368, %get3A_1370 : vector<16xi32>
    %add3A_1372 = arith.constant 480 : i32
    %add3A_1373 = vector.broadcast %add3A_1372 : i32 to vector<16xi32>
    %add3A_1374 = arith.addi %add3A_1373, %iota3A_717 : vector<16xi32>
    %swap3A_1375 = arith.index_cast %add3A_1366 : i32 to index
    %swap3A_1376 = tpu.vector_load %arg12[%swap3A_1375] masked %ne3A_1371 {strides = array<i32>} : memref<560xi32, #tpu.memory_space<vmem>>, vector<16xi32>, vector<16xi1>
    tpu.vector_store %arg12[%swap3A_1375], %add3A_1374 masked %ne3A_1371 {strides = array<i32>} : memref<560xi32, #tpu.memory_space<vmem>>, vector<16xi32>, vector<16xi1>
    %all_reduce_population_count3A_1377 = tpu.all_reduce %ne3A_1371 {dim = 0 : i64, kind = #tpu.reduction_kind<sum>} : vector<16xi1> -> vector<16xi32>
    %slice3A_1378 = vector.extract_strided_slice %all_reduce_population_count3A_1377 {offsets = [0], sizes = [1], strides = [1]} : vector<16xi32> to vector<1xi32>
    %squeeze3A_1379 = vector.extract %slice3A_1378[0] : i32 from vector<1xi32>
    %add3A_1380 = arith.addi %add3A_1366, %squeeze3A_1379 : i32
    %get3A_1381 = arith.constant 512 : index
    %get3A_1382 = tpu.vector_load %arg11[%get3A_1381] {strides = array<i32>} : memref<560xi32, #tpu.memory_space<vmem>>, vector<16xi32>,
    %get3A_1383 = arith.constant 511 : index
    %get3A_1384 = tpu.vector_load %arg11[%get3A_1383] {strides = array<i32>} : memref<560xi32, #tpu.memory_space<vmem>>, vector<16xi32>,
    %ne3A_1385 = arith.cmpi ne, %get3A_1382, %get3A_1384 : vector<16xi32>
    %add3A_1386 = arith.constant 496 : i32
    %add3A_1387 = vector.broadcast %add3A_1386 : i32 to vector<16xi32>
    %add3A_1388 = arith.addi %add3A_1387, %iota3A_717 : vector<16xi32>
    %swap3A_1389 = arith.index_cast %add3A_1380 : i32 to index
    %swap3A_1390 = tpu.vector_load %arg12[%swap3A_1389] masked %ne3A_1385 {strides = array<i32>} : memref<560xi32, #tpu.memory_space<vmem>>, vector<16xi32>, vector<16xi1>
    tpu.vector_store %arg12[%swap3A_1389], %add3A_1388 masked %ne3A_1385 {strides = array<i32>} : memref<560xi32, #tpu.memory_space<vmem>>, vector<16xi32>, vector<16xi1>
    %all_reduce_population_count3A_1391 = tpu.all_reduce %ne3A_1385 {dim = 0 : i64, kind = #tpu.reduction_kind<sum>} : vector<16xi1> -> vector<16xi32>
    %slice3A_1392 = vector.extract_strided_slice %all_reduce_population_count3A_1391 {offsets = [0], sizes = [1], strides = [1]} : vector<16xi32> to vector<1xi32>
    %squeeze3A_1393 = vector.extract %slice3A_1392[0] : i32 from vector<1xi32>
    %add3A_1394 = arith.addi %add3A_1380, %squeeze3A_1393 : i32
    %broadcast_in_dim3A_1395 = arith.constant 512 : i32
    %broadcast_in_dim3A_1396 = vector.broadcast %broadcast_in_dim3A_1395 : i32 to vector<16xi32>
    %swap3A_1397 = arith.index_cast %add3A_1394 : i32 to index
    %swap3A_1398 = tpu.vector_load %arg12[%swap3A_1397] {strides = array<i32>} : memref<560xi32, #tpu.memory_space<vmem>>, vector<16xi32>,
    tpu.vector_store %arg12[%swap3A_1397], %broadcast_in_dim3A_1396 {strides = array<i32>} : memref<560xi32, #tpu.memory_space<vmem>>, vector<16xi32>,
    %scan3A_1399 = arith.constant 0 : i32
    %scan3A_1400 = arith.constant 0 : i32
    %scan3A_1401 = arith.constant 6 : i32
    %scan3A_1402 = arith.addi %scan3A_1400, %scan3A_1401 : i32
    %scan3A_1403 = arith.constant 1 : i32
    scf.for %scan3A_1439 = %scan3A_1400 to %scan3A_1402 step %scan3A_1403  : i32 {
      %lt3A = arith.cmpi slt, %scan3A_1439, %add3A_1394 : i32
      %convert_element_type3A = arith.extui %lt3A : i1 to i32
      %cond3A = arith.constant 0 : i32
      %cond3A_1440 = arith.cmpi ne, %convert_element_type3A, %cond3A : i32
      scf.if %cond3A_1440 {
        %get3A_1441 = arith.index_cast %scan3A_1439 : i32 to index
        %get3A_1442 = tpu.vector_load %arg12[%get3A_1441] {strides = array<i32>} : memref<560xi32, #tpu.memory_space<vmem>>, vector<16xi32>,
        %slice3A_1443 = vector.extract_strided_slice %get3A_1442 {offsets = [0], sizes = [1], strides = [1]} : vector<16xi32> to vector<1xi32>
        %squeeze3A_1444 = vector.extract %slice3A_1443[0] : i32 from vector<1xi32>
        %get3A_1445 = arith.index_cast %squeeze3A_1444 : i32 to index
        %get3A_1446 = tpu.vector_load %arg10[%get3A_1445] {strides = array<i32>} : memref<528xi32, #tpu.memory_space<vmem>>, vector<16xi32>,
        %slice3A_1447 = vector.extract_strided_slice %get3A_1446 {offsets = [0], sizes = [1], strides = [1]} : vector<16xi32> to vector<1xi32>
        %squeeze3A_1448 = vector.extract %slice3A_1447[0] : i32 from vector<1xi32>
        %shift_right_arithmetic3A_1449 = arith.constant 7 : i32
        %shift_right_arithmetic3A_1450 = arith.shrsi %squeeze3A_1448, %shift_right_arithmetic3A_1449 : i32
        %mul3A_1451 = arith.constant 128 : i32
        %mul3A_1452 = arith.muli %shift_right_arithmetic3A_1450, %mul3A_1451 : i32
        %multiple_of3A = tpu.assume_multiple %mul3A_1452, 128 : i32
        %dma_start3A = arith.constant 0 : i32
        %dma_start3A_1453 = arith.constant 0 : i32
        %dma_start3A_1454 = tpu.memref_slice %arg14[%scan3A_1439, %dma_start3A, %dma_start3A_1453] : memref<6x64x128xf32, #tpu.memory_space<vmem>> -> memref<1x64x128xf32, #tpu.memory_space<vmem>>
        %dma_start3A_1455 = tpu.memref_squeeze %dma_start3A_1454 : memref<1x64x128xf32, #tpu.memory_space<vmem>> -> memref<64x128xf32, #tpu.memory_space<vmem>>
        %dma_start3A_1456 = arith.constant 0 : i32
        %dma_start3A_1457 = tpu.memref_slice %arg7[%dma_start3A_1456, %multiple_of3A] : memref<64x100000xf32, #tpu.memory_space<hbm>> -> memref<64x128xf32, #tpu.memory_space<hbm>>
        %dma_start3A_1458 = arith.constant 0 : i32
        %dma_start3A_1459 = arith.constant 0 : i32
        %dma_start3A_1460 = tpu.memref_slice %arg14[%scan3A_1439, %dma_start3A_1458, %dma_start3A_1459] : memref<6x64x128xf32, #tpu.memory_space<vmem>> -> memref<1x64x128xf32, #tpu.memory_space<vmem>>
        %dma_start3A_1461 = tpu.memref_squeeze %dma_start3A_1460 : memref<1x64x128xf32, #tpu.memory_space<vmem>> -> memref<64x128xf32, #tpu.memory_space<vmem>>
        %dma_start3A_1462 = arith.constant 0 : i32
        %dma_start3A_1463 = tpu.memref_slice %arg7[%dma_start3A_1462, %multiple_of3A] : memref<64x100000xf32, #tpu.memory_space<hbm>> -> memref<64x128xf32, #tpu.memory_space<hbm>>
        tpu.enqueue_dma source(%dma_start3A_1463 : memref<64x128xf32, #tpu.memory_space<hbm>>) target(%dma_start3A_1461 : memref<64x128xf32, #tpu.memory_space<vmem>>) target_semaphore(%arg16 : memref<!tpu.dma_semaphore, #tpu.memory_space<semaphore_mem>>)
      } else {
      }
    }
    %scan3A_1404 = arith.constant 6 : i32
    %while3A_1405 = arith.constant 0 : i32
    %while3A_1406 = arith.constant 0 : i32
    %while3A_1407 = arith.subi %add3A_1394, %while3A_1406 : i32
    %while3A_1408 = arith.addi %while3A_1406, %while3A_1407 : i32
    %while3A_1409 = arith.constant 1 : i32
    %while3A_1410 = arith.divsi %while3A_1407, %while3A_1409 : i32
    %while3A_1411 = arith.muli %while3A_1410, %while3A_1409 : i32
    %while3A_1412 = arith.addi %while3A_1406, %while3A_1411 : i32
    %while3A_1413 = arith.constant 1 : i32
    scf.for %while3A_1439 = %while3A_1406 to %while3A_1412 step %while3A_1413  : i32 {
      %rem3A = arith.constant 6 : i32
      %rem3A_1440 = arith.remsi %while3A_1439, %rem3A : i32
      %dma_wait3A_1441 = arith.constant 0 : i32
      %dma_wait3A_1442 = arith.constant 0 : i32
      %dma_wait3A_1443 = tpu.memref_slice %arg14[%rem3A_1440, %dma_wait3A_1441, %dma_wait3A_1442] : memref<6x64x128xf32, #tpu.memory_space<vmem>> -> memref<1x64x128xf32, #tpu.memory_space<vmem>>
      %dma_wait3A_1444 = tpu.memref_squeeze %dma_wait3A_1443 : memref<1x64x128xf32, #tpu.memory_space<vmem>> -> memref<64x128xf32, #tpu.memory_space<vmem>>
      %dma_wait3A_1445 = arith.constant 0 : i32
      %dma_wait3A_1446 = arith.constant 0 : i32
      %dma_wait3A_1447 = tpu.memref_slice %arg7[%dma_wait3A_1445, %dma_wait3A_1446] : memref<64x100000xf32, #tpu.memory_space<hbm>> -> memref<64x128xf32, #tpu.memory_space<hbm>>
      %dma_wait3A_1448 = arith.constant 0 : i32
      %dma_wait3A_1449 = arith.constant 0 : i32
      %dma_wait3A_1450 = tpu.memref_slice %arg14[%rem3A_1440, %dma_wait3A_1448, %dma_wait3A_1449] : memref<6x64x128xf32, #tpu.memory_space<vmem>> -> memref<1x64x128xf32, #tpu.memory_space<vmem>>
      %dma_wait3A_1451 = tpu.memref_squeeze %dma_wait3A_1450 : memref<1x64x128xf32, #tpu.memory_space<vmem>> -> memref<64x128xf32, #tpu.memory_space<vmem>>
      %dma_wait3A_1452 = arith.constant 0 : i32
      %dma_wait3A_1453 = arith.constant 0 : i32
      %dma_wait3A_1454 = tpu.memref_slice %arg7[%dma_wait3A_1452, %dma_wait3A_1453] : memref<64x100000xf32, #tpu.memory_space<hbm>> -> memref<64x128xf32, #tpu.memory_space<hbm>>
      tpu.wait_dma2 semaphore(%arg16 : memref<!tpu.dma_semaphore, #tpu.memory_space<semaphore_mem>>) src(%dma_wait3A_1454 : memref<64x128xf32, #tpu.memory_space<hbm>>) dst(%dma_wait3A_1451 : memref<64x128xf32, #tpu.memory_space<vmem>>)
      %broadcast_in_dim3A_1455 = vector.broadcast %rem3A_1440 : i32 to vector<16xi32>
      %get3A_1456 = arith.index_cast %while3A_1439 : i32 to index
      %get3A_1457 = tpu.vector_load %arg12[%get3A_1456] {strides = array<i32>} : memref<560xi32, #tpu.memory_space<vmem>>, vector<16xi32>,
      %slice3A_1458 = vector.extract_strided_slice %get3A_1457 {offsets = [0], sizes = [1], strides = [1]} : vector<16xi32> to vector<1xi32>
      %squeeze3A_1459 = vector.extract %slice3A_1458[0] : i32 from vector<1xi32>
      %add3A_1460 = arith.constant 1 : i32
      %add3A_1461 = arith.addi %while3A_1439, %add3A_1460 : i32
      %get3A_1462 = arith.index_cast %add3A_1461 : i32 to index
      %get3A_1463 = tpu.vector_load %arg12[%get3A_1462] {strides = array<i32>} : memref<560xi32, #tpu.memory_space<vmem>>, vector<16xi32>,
      %slice3A_1464 = vector.extract_strided_slice %get3A_1463 {offsets = [0], sizes = [1], strides = [1]} : vector<16xi32> to vector<1xi32>
      %squeeze3A_1465 = vector.extract %slice3A_1464[0] : i32 from vector<1xi32>
      %while3A_1466 = arith.constant 0 : i32
      %while3A_1467 = arith.subi %squeeze3A_1465, %squeeze3A_1459 : i32
      %while3A_1468 = arith.addi %squeeze3A_1459, %while3A_1467 : i32
      %while3A_1469 = arith.constant 1 : i32
      %while3A_1470 = arith.divsi %while3A_1467, %while3A_1469 : i32
      %while3A_1471 = arith.muli %while3A_1470, %while3A_1469 : i32
      %while3A_1472 = arith.addi %squeeze3A_1459, %while3A_1471 : i32
      %while3A_1473 = arith.constant 1 : i32
      scf.for %while3A_1478 = %squeeze3A_1459 to %while3A_1472 step %while3A_1473  : i32 {
        %get3A_1479 = arith.index_cast %while3A_1478 : i32 to index
        %get3A_1480 = tpu.vector_load %arg10[%get3A_1479] {strides = array<i32>} : memref<528xi32, #tpu.memory_space<vmem>>, vector<16xi32>,
        %slice3A_1481 = vector.extract_strided_slice %get3A_1480 {offsets = [0], sizes = [1], strides = [1]} : vector<16xi32> to vector<1xi32>
        %squeeze3A_1482 = vector.extract %slice3A_1481[0] : i32 from vector<1xi32>
        %and3A = arith.constant 127 : i32
        %and3A_1483 = arith.andi %squeeze3A_1482, %and3A : i32
        %broadcast_in_dim3A_1484 = vector.broadcast %and3A_1483 : i32 to vector<16xi32>
        %shift_right_arithmetic3A_1485 = arith.constant 6 : i32
        %shift_right_arithmetic3A_1486 = arith.shrsi %while3A_1478, %shift_right_arithmetic3A_1485 : i32
        %and3A_1487 = arith.constant 1 : i32
        %and3A_1488 = arith.andi %shift_right_arithmetic3A_1486, %and3A_1487 : i32
        %and3A_1489 = arith.constant 63 : i32
        %and3A_1490 = arith.andi %while3A_1478, %and3A_1489 : i32
        %broadcast_in_dim3A_1491 = vector.broadcast %and3A_1488 : i32 to vector<16xi32>
        %broadcast_in_dim3A_1492 = vector.broadcast %and3A_1490 : i32 to vector<16xi32>
        %add3A_1493 = arith.constant 0 : i32
        %add3A_1494 = vector.broadcast %add3A_1493 : i32 to vector<16xi32>
        %add3A_1495 = arith.addi %add3A_1494, %iota3A_717 : vector<16xi32>
        %gather3A = tpu.vector_load_idx %arg14[%broadcast_in_dim3A_1455, %add3A_1495, %broadcast_in_dim3A_1484] : memref<6x64x128xf32, #tpu.memory_space<vmem>>[vector<16xi32>, vector<16xi32>, vector<16xi32>], vector<16xf32>,
        %add3A_1496 = arith.constant 64 : i32
        %add3A_1497 = vector.broadcast %add3A_1496 : i32 to vector<16xi32>
        %add3A_1498 = arith.addi %add3A_1497, %add3A_1495 : vector<16xi32>
        tpu.vector_store_idx %arg15[%broadcast_in_dim3A_1491, %broadcast_in_dim3A_1492, %add3A_1498], %gather3A : memref<2x64x128xf32, #tpu.memory_space<vmem>>[vector<16xi32>, vector<16xi32>, vector<16xi32>], vector<16xf32>,
        %add3A_1499 = arith.constant 16 : i32
        %add3A_1500 = vector.broadcast %add3A_1499 : i32 to vector<16xi32>
        %add3A_1501 = arith.addi %add3A_1500, %iota3A_717 : vector<16xi32>
        %gather3A_1502 = tpu.vector_load_idx %arg14[%broadcast_in_dim3A_1455, %add3A_1501, %broadcast_in_dim3A_1484] : memref<6x64x128xf32, #tpu.memory_space<vmem>>[vector<16xi32>, vector<16xi32>, vector<16xi32>], vector<16xf32>,
        %add3A_1503 = arith.constant 64 : i32
        %add3A_1504 = vector.broadcast %add3A_1503 : i32 to vector<16xi32>
        %add3A_1505 = arith.addi %add3A_1504, %add3A_1501 : vector<16xi32>
        tpu.vector_store_idx %arg15[%broadcast_in_dim3A_1491, %broadcast_in_dim3A_1492, %add3A_1505], %gather3A_1502 : memref<2x64x128xf32, #tpu.memory_space<vmem>>[vector<16xi32>, vector<16xi32>, vector<16xi32>], vector<16xf32>,
        %add3A_1506 = arith.constant 32 : i32
        %add3A_1507 = vector.broadcast %add3A_1506 : i32 to vector<16xi32>
        %add3A_1508 = arith.addi %add3A_1507, %iota3A_717 : vector<16xi32>
        %gather3A_1509 = tpu.vector_load_idx %arg14[%broadcast_in_dim3A_1455, %add3A_1508, %broadcast_in_dim3A_1484] : memref<6x64x128xf32, #tpu.memory_space<vmem>>[vector<16xi32>, vector<16xi32>, vector<16xi32>], vector<16xf32>,
        %add3A_1510 = arith.constant 64 : i32
        %add3A_1511 = vector.broadcast %add3A_1510 : i32 to vector<16xi32>
        %add3A_1512 = arith.addi %add3A_1511, %add3A_1508 : vector<16xi32>
        tpu.vector_store_idx %arg15[%broadcast_in_dim3A_1491, %broadcast_in_dim3A_1492, %add3A_1512], %gather3A_1509 : memref<2x64x128xf32, #tpu.memory_space<vmem>>[vector<16xi32>, vector<16xi32>, vector<16xi32>], vector<16xf32>,
        %add3A_1513 = arith.constant 48 : i32
        %add3A_1514 = vector.broadcast %add3A_1513 : i32 to vector<16xi32>
        %add3A_1515 = arith.addi %add3A_1514, %iota3A_717 : vector<16xi32>
        %gather3A_1516 = tpu.vector_load_idx %arg14[%broadcast_in_dim3A_1455, %add3A_1515, %broadcast_in_dim3A_1484] : memref<6x64x128xf32, #tpu.memory_space<vmem>>[vector<16xi32>, vector<16xi32>, vector<16xi32>], vector<16xf32>,
        %add3A_1517 = arith.constant 64 : i32
        %add3A_1518 = vector.broadcast %add3A_1517 : i32 to vector<16xi32>
        %add3A_1519 = arith.addi %add3A_1518, %add3A_1515 : vector<16xi32>
        tpu.vector_store_idx %arg15[%broadcast_in_dim3A_1491, %broadcast_in_dim3A_1492, %add3A_1519], %gather3A_1516 : memref<2x64x128xf32, #tpu.memory_space<vmem>>[vector<16xi32>, vector<16xi32>, vector<16xi32>], vector<16xf32>,
        %eq3A = arith.constant 63 : i32
        %eq3A_1520 = arith.cmpi eq, %and3A_1490, %eq3A : i32
        %convert_element_type3A_1521 = arith.extui %eq3A_1520 : i1 to i32
        %cond3A_1522 = arith.constant 0 : i32
        %cond3A_1523 = arith.cmpi ne, %convert_element_type3A_1521, %cond3A_1522 : i32
        scf.if %cond3A_1523 {
          %ge3A = arith.constant 2 : i32
          %ge3A_1524 = arith.cmpi sge, %shift_right_arithmetic3A_1486, %ge3A : i32
          %convert_element_type3A_1525 = arith.extui %ge3A_1524 : i1 to i32
          %cond3A_1526 = arith.constant 0 : i32
          %cond3A_1527 = arith.cmpi ne, %convert_element_type3A_1525, %cond3A_1526 : i32
          scf.if %cond3A_1527 {
            %dma_wait3A_1537 = arith.constant 0 : i32
            %dma_wait3A_1538 = arith.constant 0 : i32
            %dma_wait3A_1539 = arith.constant 0 : i32
            %dma_wait3A_1540 = tpu.memref_slice %arg15[%and3A_1488, %dma_wait3A_1538, %dma_wait3A_1539] : memref<2x64x128xf32, #tpu.memory_space<vmem>> -> memref<1x64x128xf32, #tpu.memory_space<vmem>>
            %dma_wait3A_1541 = tpu.memref_squeeze %dma_wait3A_1540 : memref<1x64x128xf32, #tpu.memory_space<vmem>> -> memref<64x128xf32, #tpu.memory_space<vmem>>
            %dma_wait3A_1542 = arith.constant 0 : i32
            %dma_wait3A_1543 = tpu.memref_slice %arg13[%dma_wait3A_1537, %dma_wait3A_1542] : memref<8x64xi32, #tpu.memory_space<vmem>> -> memref<1x64xi32, #tpu.memory_space<vmem>>
            %dma_wait3A_1544 = tpu.memref_squeeze %dma_wait3A_1543 : memref<1x64xi32, #tpu.memory_space<vmem>> -> memref<64xi32, #tpu.memory_space<vmem>>
            %dma_wait3A_1545 = arith.constant 0 : i32
            %dma_wait3A_1546 = arith.constant 0 : i32
            %dma_wait3A_1547 = tpu.memref_slice %arg9[%dma_wait3A_1545, %dma_wait3A_1546] : memref<16384x128xf32, #tpu.memory_space<hbm>> -> memref<16384x128xf32, #tpu.memory_space<hbm>>
            tpu.wait_indirect_dma semaphore(%arg17 : memref<!tpu.dma_semaphore, #tpu.memory_space<semaphore_mem>>) src(%dma_wait3A_1541 : memref<64x128xf32, #tpu.memory_space<vmem>>) dst(%dma_wait3A_1547 : memref<16384x128xf32, #tpu.memory_space<hbm>>)
          } else {
          }
          %dma_start3A = arith.constant 0 : i32
          %dma_start3A_1528 = arith.constant 0 : i32
          %dma_start3A_1529 = tpu.memref_slice %arg15[%and3A_1488, %dma_start3A, %dma_start3A_1528] : memref<2x64x128xf32, #tpu.memory_space<vmem>> -> memref<1x64x128xf32, #tpu.memory_space<vmem>>
          %dma_start3A_1530 = tpu.memref_squeeze %dma_start3A_1529 : memref<1x64x128xf32, #tpu.memory_space<vmem>> -> memref<64x128xf32, #tpu.memory_space<vmem>>
          %dma_start3A_1531 = arith.constant 0 : i32
          %dma_start3A_1532 = tpu.memref_slice %arg13[%shift_right_arithmetic3A_1486, %dma_start3A_1531] : memref<8x64xi32, #tpu.memory_space<vmem>> -> memref<1x64xi32, #tpu.memory_space<vmem>>
          %dma_start3A_1533 = tpu.memref_squeeze %dma_start3A_1532 : memref<1x64xi32, #tpu.memory_space<vmem>> -> memref<64xi32, #tpu.memory_space<vmem>>
          %dma_start3A_1534 = arith.constant 0 : i32
          %dma_start3A_1535 = arith.constant 0 : i32
          %dma_start3A_1536 = tpu.memref_slice %arg9[%dma_start3A_1534, %dma_start3A_1535] : memref<16384x128xf32, #tpu.memory_space<hbm>> -> memref<16384x128xf32, #tpu.memory_space<hbm>>
          tpu.enqueue_indirect_dma source(%dma_start3A_1530 : memref<64x128xf32, #tpu.memory_space<vmem>>) target(%dma_start3A_1536 : memref<16384x128xf32, #tpu.memory_space<hbm>>) offsets(%dma_start3A_1533 : memref<64xi32, #tpu.memory_space<vmem>>) semaphore(%arg17 : memref<!tpu.dma_semaphore, #tpu.memory_space<semaphore_mem>>)
        } else {
        }
      }
      %while3A_1474 = arith.constant 1 : i32
      scf.for %while3A_1478 = %while3A_1472 to %while3A_1468 step %while3A_1474  : i32 {
        %get3A_1479 = arith.index_cast %while3A_1478 : i32 to index
        %get3A_1480 = tpu.vector_load %arg10[%get3A_1479] {strides = array<i32>} : memref<528xi32, #tpu.memory_space<vmem>>, vector<16xi32>,
        %slice3A_1481 = vector.extract_strided_slice %get3A_1480 {offsets = [0], sizes = [1], strides = [1]} : vector<16xi32> to vector<1xi32>
        %squeeze3A_1482 = vector.extract %slice3A_1481[0] : i32 from vector<1xi32>
        %and3A = arith.constant 127 : i32
        %and3A_1483 = arith.andi %squeeze3A_1482, %and3A : i32
        %broadcast_in_dim3A_1484 = vector.broadcast %and3A_1483 : i32 to vector<16xi32>
        %shift_right_arithmetic3A_1485 = arith.constant 6 : i32
        %shift_right_arithmetic3A_1486 = arith.shrsi %while3A_1478, %shift_right_arithmetic3A_1485 : i32
        %and3A_1487 = arith.constant 1 : i32
        %and3A_1488 = arith.andi %shift_right_arithmetic3A_1486, %and3A_1487 : i32
        %and3A_1489 = arith.constant 63 : i32
        %and3A_1490 = arith.andi %while3A_1478, %and3A_1489 : i32
        %broadcast_in_dim3A_1491 = vector.broadcast %and3A_1488 : i32 to vector<16xi32>
        %broadcast_in_dim3A_1492 = vector.broadcast %and3A_1490 : i32 to vector<16xi32>
        %add3A_1493 = arith.constant 0 : i32
        %add3A_1494 = vector.broadcast %add3A_1493 : i32 to vector<16xi32>
        %add3A_1495 = arith.addi %add3A_1494, %iota3A_717 : vector<16xi32>
        %gather3A = tpu.vector_load_idx %arg14[%broadcast_in_dim3A_1455, %add3A_1495, %broadcast_in_dim3A_1484] : memref<6x64x128xf32, #tpu.memory_space<vmem>>[vector<16xi32>, vector<16xi32>, vector<16xi32>], vector<16xf32>,
        %add3A_1496 = arith.constant 64 : i32
        %add3A_1497 = vector.broadcast %add3A_1496 : i32 to vector<16xi32>
        %add3A_1498 = arith.addi %add3A_1497, %add3A_1495 : vector<16xi32>
        tpu.vector_store_idx %arg15[%broadcast_in_dim3A_1491, %broadcast_in_dim3A_1492, %add3A_1498], %gather3A : memref<2x64x128xf32, #tpu.memory_space<vmem>>[vector<16xi32>, vector<16xi32>, vector<16xi32>], vector<16xf32>,
        %add3A_1499 = arith.constant 16 : i32
        %add3A_1500 = vector.broadcast %add3A_1499 : i32 to vector<16xi32>
        %add3A_1501 = arith.addi %add3A_1500, %iota3A_717 : vector<16xi32>
        %gather3A_1502 = tpu.vector_load_idx %arg14[%broadcast_in_dim3A_1455, %add3A_1501, %broadcast_in_dim3A_1484] : memref<6x64x128xf32, #tpu.memory_space<vmem>>[vector<16xi32>, vector<16xi32>, vector<16xi32>], vector<16xf32>,
        %add3A_1503 = arith.constant 64 : i32
        %add3A_1504 = vector.broadcast %add3A_1503 : i32 to vector<16xi32>
        %add3A_1505 = arith.addi %add3A_1504, %add3A_1501 : vector<16xi32>
        tpu.vector_store_idx %arg15[%broadcast_in_dim3A_1491, %broadcast_in_dim3A_1492, %add3A_1505], %gather3A_1502 : memref<2x64x128xf32, #tpu.memory_space<vmem>>[vector<16xi32>, vector<16xi32>, vector<16xi32>], vector<16xf32>,
        %add3A_1506 = arith.constant 32 : i32
        %add3A_1507 = vector.broadcast %add3A_1506 : i32 to vector<16xi32>
        %add3A_1508 = arith.addi %add3A_1507, %iota3A_717 : vector<16xi32>
        %gather3A_1509 = tpu.vector_load_idx %arg14[%broadcast_in_dim3A_1455, %add3A_1508, %broadcast_in_dim3A_1484] : memref<6x64x128xf32, #tpu.memory_space<vmem>>[vector<16xi32>, vector<16xi32>, vector<16xi32>], vector<16xf32>,
        %add3A_1510 = arith.constant 64 : i32
        %add3A_1511 = vector.broadcast %add3A_1510 : i32 to vector<16xi32>
        %add3A_1512 = arith.addi %add3A_1511, %add3A_1508 : vector<16xi32>
        tpu.vector_store_idx %arg15[%broadcast_in_dim3A_1491, %broadcast_in_dim3A_1492, %add3A_1512], %gather3A_1509 : memref<2x64x128xf32, #tpu.memory_space<vmem>>[vector<16xi32>, vector<16xi32>, vector<16xi32>], vector<16xf32>,
        %add3A_1513 = arith.constant 48 : i32
        %add3A_1514 = vector.broadcast %add3A_1513 : i32 to vector<16xi32>
        %add3A_1515 = arith.addi %add3A_1514, %iota3A_717 : vector<16xi32>
        %gather3A_1516 = tpu.vector_load_idx %arg14[%broadcast_in_dim3A_1455, %add3A_1515, %broadcast_in_dim3A_1484] : memref<6x64x128xf32, #tpu.memory_space<vmem>>[vector<16xi32>, vector<16xi32>, vector<16xi32>], vector<16xf32>,
        %add3A_1517 = arith.constant 64 : i32
        %add3A_1518 = vector.broadcast %add3A_1517 : i32 to vector<16xi32>
        %add3A_1519 = arith.addi %add3A_1518, %add3A_1515 : vector<16xi32>
        tpu.vector_store_idx %arg15[%broadcast_in_dim3A_1491, %broadcast_in_dim3A_1492, %add3A_1519], %gather3A_1516 : memref<2x64x128xf32, #tpu.memory_space<vmem>>[vector<16xi32>, vector<16xi32>, vector<16xi32>], vector<16xf32>,
        %eq3A = arith.constant 63 : i32
        %eq3A_1520 = arith.cmpi eq, %and3A_1490, %eq3A : i32
        %convert_element_type3A_1521 = arith.extui %eq3A_1520 : i1 to i32
        %cond3A_1522 = arith.constant 0 : i32
        %cond3A_1523 = arith.cmpi ne, %convert_element_type3A_1521, %cond3A_1522 : i32
        scf.if %cond3A_1523 {
          %ge3A = arith.constant 2 : i32
          %ge3A_1524 = arith.cmpi sge, %shift_right_arithmetic3A_1486, %ge3A : i32
          %convert_element_type3A_1525 = arith.extui %ge3A_1524 : i1 to i32
          %cond3A_1526 = arith.constant 0 : i32
          %cond3A_1527 = arith.cmpi ne, %convert_element_type3A_1525, %cond3A_1526 : i32
          scf.if %cond3A_1527 {
            %dma_wait3A_1537 = arith.constant 0 : i32
            %dma_wait3A_1538 = arith.constant 0 : i32
            %dma_wait3A_1539 = arith.constant 0 : i32
            %dma_wait3A_1540 = tpu.memref_slice %arg15[%and3A_1488, %dma_wait3A_1538, %dma_wait3A_1539] : memref<2x64x128xf32, #tpu.memory_space<vmem>> -> memref<1x64x128xf32, #tpu.memory_space<vmem>>
            %dma_wait3A_1541 = tpu.memref_squeeze %dma_wait3A_1540 : memref<1x64x128xf32, #tpu.memory_space<vmem>> -> memref<64x128xf32, #tpu.memory_space<vmem>>
            %dma_wait3A_1542 = arith.constant 0 : i32
            %dma_wait3A_1543 = tpu.memref_slice %arg13[%dma_wait3A_1537, %dma_wait3A_1542] : memref<8x64xi32, #tpu.memory_space<vmem>> -> memref<1x64xi32, #tpu.memory_space<vmem>>
            %dma_wait3A_1544 = tpu.memref_squeeze %dma_wait3A_1543 : memref<1x64xi32, #tpu.memory_space<vmem>> -> memref<64xi32, #tpu.memory_space<vmem>>
            %dma_wait3A_1545 = arith.constant 0 : i32
            %dma_wait3A_1546 = arith.constant 0 : i32
            %dma_wait3A_1547 = tpu.memref_slice %arg9[%dma_wait3A_1545, %dma_wait3A_1546] : memref<16384x128xf32, #tpu.memory_space<hbm>> -> memref<16384x128xf32, #tpu.memory_space<hbm>>
            tpu.wait_indirect_dma semaphore(%arg17 : memref<!tpu.dma_semaphore, #tpu.memory_space<semaphore_mem>>) src(%dma_wait3A_1541 : memref<64x128xf32, #tpu.memory_space<vmem>>) dst(%dma_wait3A_1547 : memref<16384x128xf32, #tpu.memory_space<hbm>>)
          } else {
          }
          %dma_start3A = arith.constant 0 : i32
          %dma_start3A_1528 = arith.constant 0 : i32
          %dma_start3A_1529 = tpu.memref_slice %arg15[%and3A_1488, %dma_start3A, %dma_start3A_1528] : memref<2x64x128xf32, #tpu.memory_space<vmem>> -> memref<1x64x128xf32, #tpu.memory_space<vmem>>
          %dma_start3A_1530 = tpu.memref_squeeze %dma_start3A_1529 : memref<1x64x128xf32, #tpu.memory_space<vmem>> -> memref<64x128xf32, #tpu.memory_space<vmem>>
          %dma_start3A_1531 = arith.constant 0 : i32
          %dma_start3A_1532 = tpu.memref_slice %arg13[%shift_right_arithmetic3A_1486, %dma_start3A_1531] : memref<8x64xi32, #tpu.memory_space<vmem>> -> memref<1x64xi32, #tpu.memory_space<vmem>>
          %dma_start3A_1533 = tpu.memref_squeeze %dma_start3A_1532 : memref<1x64xi32, #tpu.memory_space<vmem>> -> memref<64xi32, #tpu.memory_space<vmem>>
          %dma_start3A_1534 = arith.constant 0 : i32
          %dma_start3A_1535 = arith.constant 0 : i32
          %dma_start3A_1536 = tpu.memref_slice %arg9[%dma_start3A_1534, %dma_start3A_1535] : memref<16384x128xf32, #tpu.memory_space<hbm>> -> memref<16384x128xf32, #tpu.memory_space<hbm>>
          tpu.enqueue_indirect_dma source(%dma_start3A_1530 : memref<64x128xf32, #tpu.memory_space<vmem>>) target(%dma_start3A_1536 : memref<16384x128xf32, #tpu.memory_space<hbm>>) offsets(%dma_start3A_1533 : memref<64xi32, #tpu.memory_space<vmem>>) semaphore(%arg17 : memref<!tpu.dma_semaphore, #tpu.memory_space<semaphore_mem>>)
        } else {
        }
      }
      %add3A_1475 = arith.constant 6 : i32
      %add3A_1476 = arith.addi %while3A_1439, %add3A_1475 : i32
      %lt3A = arith.cmpi slt, %add3A_1476, %add3A_1394 : i32
      %convert_element_type3A = arith.extui %lt3A : i1 to i32
      %cond3A = arith.constant 0 : i32
      %cond3A_1477 = arith.cmpi ne, %convert_element_type3A, %cond3A : i32
      scf.if %cond3A_1477 {
        %add3A_1478 = arith.constant 6 : i32
        %add3A_1479 = arith.addi %while3A_1439, %add3A_1478 : i32
        %get3A_1480 = arith.index_cast %add3A_1479 : i32 to index
        %get3A_1481 = tpu.vector_load %arg12[%get3A_1480] {strides = array<i32>} : memref<560xi32, #tpu.memory_space<vmem>>, vector<16xi32>,
        %slice3A_1482 = vector.extract_strided_slice %get3A_1481 {offsets = [0], sizes = [1], strides = [1]} : vector<16xi32> to vector<1xi32>
        %squeeze3A_1483 = vector.extract %slice3A_1482[0] : i32 from vector<1xi32>
        %get3A_1484 = arith.index_cast %squeeze3A_1483 : i32 to index
        %get3A_1485 = tpu.vector_load %arg10[%get3A_1484] {strides = array<i32>} : memref<528xi32, #tpu.memory_space<vmem>>, vector<16xi32>,
        %slice3A_1486 = vector.extract_strided_slice %get3A_1485 {offsets = [0], sizes = [1], strides = [1]} : vector<16xi32> to vector<1xi32>
        %squeeze3A_1487 = vector.extract %slice3A_1486[0] : i32 from vector<1xi32>
        %shift_right_arithmetic3A_1488 = arith.constant 7 : i32
        %shift_right_arithmetic3A_1489 = arith.shrsi %squeeze3A_1487, %shift_right_arithmetic3A_1488 : i32
        %mul3A_1490 = arith.constant 128 : i32
        %mul3A_1491 = arith.muli %shift_right_arithmetic3A_1489, %mul3A_1490 : i32
        %multiple_of3A = tpu.assume_multiple %mul3A_1491, 128 : i32
        %dma_start3A = arith.constant 0 : i32
        %dma_start3A_1492 = arith.constant 0 : i32
        %dma_start3A_1493 = tpu.memref_slice %arg14[%rem3A_1440, %dma_start3A, %dma_start3A_1492] : memref<6x64x128xf32, #tpu.memory_space<vmem>> -> memref<1x64x128xf32, #tpu.memory_space<vmem>>
        %dma_start3A_1494 = tpu.memref_squeeze %dma_start3A_1493 : memref<1x64x128xf32, #tpu.memory_space<vmem>> -> memref<64x128xf32, #tpu.memory_space<vmem>>
        %dma_start3A_1495 = arith.constant 0 : i32
        %dma_start3A_1496 = tpu.memref_slice %arg7[%dma_start3A_1495, %multiple_of3A] : memref<64x100000xf32, #tpu.memory_space<hbm>> -> memref<64x128xf32, #tpu.memory_space<hbm>>
        %dma_start3A_1497 = arith.constant 0 : i32
        %dma_start3A_1498 = arith.constant 0 : i32
        %dma_start3A_1499 = tpu.memref_slice %arg14[%rem3A_1440, %dma_start3A_1497, %dma_start3A_1498] : memref<6x64x128xf32, #tpu.memory_space<vmem>> -> memref<1x64x128xf32, #tpu.memory_space<vmem>>
        %dma_start3A_1500 = tpu.memref_squeeze %dma_start3A_1499 : memref<1x64x128xf32, #tpu.memory_space<vmem>> -> memref<64x128xf32, #tpu.memory_space<vmem>>
        %dma_start3A_1501 = arith.constant 0 : i32
        %dma_start3A_1502 = tpu.memref_slice %arg7[%dma_start3A_1501, %multiple_of3A] : memref<64x100000xf32, #tpu.memory_space<hbm>> -> memref<64x128xf32, #tpu.memory_space<hbm>>
        tpu.enqueue_dma source(%dma_start3A_1502 : memref<64x128xf32, #tpu.memory_space<hbm>>) target(%dma_start3A_1500 : memref<64x128xf32, #tpu.memory_space<vmem>>) target_semaphore(%arg16 : memref<!tpu.dma_semaphore, #tpu.memory_space<semaphore_mem>>)
      } else {
      }
    }
    %while3A_1414 = arith.constant 1 : i32
    scf.for %while3A_1439 = %while3A_1412 to %while3A_1408 step %while3A_1414  : i32 {
      %rem3A = arith.constant 6 : i32
      %rem3A_1440 = arith.remsi %while3A_1439, %rem3A : i32
      %dma_wait3A_1441 = arith.constant 0 : i32
      %dma_wait3A_1442 = arith.constant 0 : i32
      %dma_wait3A_1443 = tpu.memref_slice %arg14[%rem3A_1440, %dma_wait3A_1441, %dma_wait3A_1442] : memref<6x64x128xf32, #tpu.memory_space<vmem>> -> memref<1x64x128xf32, #tpu.memory_space<vmem>>
      %dma_wait3A_1444 = tpu.memref_squeeze %dma_wait3A_1443 : memref<1x64x128xf32, #tpu.memory_space<vmem>> -> memref<64x128xf32, #tpu.memory_space<vmem>>
      %dma_wait3A_1445 = arith.constant 0 : i32
      %dma_wait3A_1446 = arith.constant 0 : i32
      %dma_wait3A_1447 = tpu.memref_slice %arg7[%dma_wait3A_1445, %dma_wait3A_1446] : memref<64x100000xf32, #tpu.memory_space<hbm>> -> memref<64x128xf32, #tpu.memory_space<hbm>>
      %dma_wait3A_1448 = arith.constant 0 : i32
      %dma_wait3A_1449 = arith.constant 0 : i32
      %dma_wait3A_1450 = tpu.memref_slice %arg14[%rem3A_1440, %dma_wait3A_1448, %dma_wait3A_1449] : memref<6x64x128xf32, #tpu.memory_space<vmem>> -> memref<1x64x128xf32, #tpu.memory_space<vmem>>
      %dma_wait3A_1451 = tpu.memref_squeeze %dma_wait3A_1450 : memref<1x64x128xf32, #tpu.memory_space<vmem>> -> memref<64x128xf32, #tpu.memory_space<vmem>>
      %dma_wait3A_1452 = arith.constant 0 : i32
      %dma_wait3A_1453 = arith.constant 0 : i32
      %dma_wait3A_1454 = tpu.memref_slice %arg7[%dma_wait3A_1452, %dma_wait3A_1453] : memref<64x100000xf32, #tpu.memory_space<hbm>> -> memref<64x128xf32, #tpu.memory_space<hbm>>
      tpu.wait_dma2 semaphore(%arg16 : memref<!tpu.dma_semaphore, #tpu.memory_space<semaphore_mem>>) src(%dma_wait3A_1454 : memref<64x128xf32, #tpu.memory_space<hbm>>) dst(%dma_wait3A_1451 : memref<64x128xf32, #tpu.memory_space<vmem>>)
      %broadcast_in_dim3A_1455 = vector.broadcast %rem3A_1440 : i32 to vector<16xi32>
      %get3A_1456 = arith.index_cast %while3A_1439 : i32 to index
      %get3A_1457 = tpu.vector_load %arg12[%get3A_1456] {strides = array<i32>} : memref<560xi32, #tpu.memory_space<vmem>>, vector<16xi32>,
      %slice3A_1458 = vector.extract_strided_slice %get3A_1457 {offsets = [0], sizes = [1], strides = [1]} : vector<16xi32> to vector<1xi32>
      %squeeze3A_1459 = vector.extract %slice3A_1458[0] : i32 from vector<1xi32>
      %add3A_1460 = arith.constant 1 : i32
      %add3A_1461 = arith.addi %while3A_1439, %add3A_1460 : i32
      %get3A_1462 = arith.index_cast %add3A_1461 : i32 to index
      %get3A_1463 = tpu.vector_load %arg12[%get3A_1462] {strides = array<i32>} : memref<560xi32, #tpu.memory_space<vmem>>, vector<16xi32>,
      %slice3A_1464 = vector.extract_strided_slice %get3A_1463 {offsets = [0], sizes = [1], strides = [1]} : vector<16xi32> to vector<1xi32>
      %squeeze3A_1465 = vector.extract %slice3A_1464[0] : i32 from vector<1xi32>
      %while3A_1466 = arith.constant 0 : i32
      %while3A_1467 = arith.subi %squeeze3A_1465, %squeeze3A_1459 : i32
      %while3A_1468 = arith.addi %squeeze3A_1459, %while3A_1467 : i32
      %while3A_1469 = arith.constant 1 : i32
      %while3A_1470 = arith.divsi %while3A_1467, %while3A_1469 : i32
      %while3A_1471 = arith.muli %while3A_1470, %while3A_1469 : i32
      %while3A_1472 = arith.addi %squeeze3A_1459, %while3A_1471 : i32
      %while3A_1473 = arith.constant 1 : i32
      scf.for %while3A_1478 = %squeeze3A_1459 to %while3A_1472 step %while3A_1473  : i32 {
        %get3A_1479 = arith.index_cast %while3A_1478 : i32 to index
        %get3A_1480 = tpu.vector_load %arg10[%get3A_1479] {strides = array<i32>} : memref<528xi32, #tpu.memory_space<vmem>>, vector<16xi32>,
        %slice3A_1481 = vector.extract_strided_slice %get3A_1480 {offsets = [0], sizes = [1], strides = [1]} : vector<16xi32> to vector<1xi32>
        %squeeze3A_1482 = vector.extract %slice3A_1481[0] : i32 from vector<1xi32>
        %and3A = arith.constant 127 : i32
        %and3A_1483 = arith.andi %squeeze3A_1482, %and3A : i32
        %broadcast_in_dim3A_1484 = vector.broadcast %and3A_1483 : i32 to vector<16xi32>
        %shift_right_arithmetic3A_1485 = arith.constant 6 : i32
        %shift_right_arithmetic3A_1486 = arith.shrsi %while3A_1478, %shift_right_arithmetic3A_1485 : i32
        %and3A_1487 = arith.constant 1 : i32
        %and3A_1488 = arith.andi %shift_right_arithmetic3A_1486, %and3A_1487 : i32
        %and3A_1489 = arith.constant 63 : i32
        %and3A_1490 = arith.andi %while3A_1478, %and3A_1489 : i32
        %broadcast_in_dim3A_1491 = vector.broadcast %and3A_1488 : i32 to vector<16xi32>
        %broadcast_in_dim3A_1492 = vector.broadcast %and3A_1490 : i32 to vector<16xi32>
        %add3A_1493 = arith.constant 0 : i32
        %add3A_1494 = vector.broadcast %add3A_1493 : i32 to vector<16xi32>
        %add3A_1495 = arith.addi %add3A_1494, %iota3A_717 : vector<16xi32>
        %gather3A = tpu.vector_load_idx %arg14[%broadcast_in_dim3A_1455, %add3A_1495, %broadcast_in_dim3A_1484] : memref<6x64x128xf32, #tpu.memory_space<vmem>>[vector<16xi32>, vector<16xi32>, vector<16xi32>], vector<16xf32>,
        %add3A_1496 = arith.constant 64 : i32
        %add3A_1497 = vector.broadcast %add3A_1496 : i32 to vector<16xi32>
        %add3A_1498 = arith.addi %add3A_1497, %add3A_1495 : vector<16xi32>
        tpu.vector_store_idx %arg15[%broadcast_in_dim3A_1491, %broadcast_in_dim3A_1492, %add3A_1498], %gather3A : memref<2x64x128xf32, #tpu.memory_space<vmem>>[vector<16xi32>, vector<16xi32>, vector<16xi32>], vector<16xf32>,
        %add3A_1499 = arith.constant 16 : i32
        %add3A_1500 = vector.broadcast %add3A_1499 : i32 to vector<16xi32>
        %add3A_1501 = arith.addi %add3A_1500, %iota3A_717 : vector<16xi32>
        %gather3A_1502 = tpu.vector_load_idx %arg14[%broadcast_in_dim3A_1455, %add3A_1501, %broadcast_in_dim3A_1484] : memref<6x64x128xf32, #tpu.memory_space<vmem>>[vector<16xi32>, vector<16xi32>, vector<16xi32>], vector<16xf32>,
        %add3A_1503 = arith.constant 64 : i32
        %add3A_1504 = vector.broadcast %add3A_1503 : i32 to vector<16xi32>
        %add3A_1505 = arith.addi %add3A_1504, %add3A_1501 : vector<16xi32>
        tpu.vector_store_idx %arg15[%broadcast_in_dim3A_1491, %broadcast_in_dim3A_1492, %add3A_1505], %gather3A_1502 : memref<2x64x128xf32, #tpu.memory_space<vmem>>[vector<16xi32>, vector<16xi32>, vector<16xi32>], vector<16xf32>,
        %add3A_1506 = arith.constant 32 : i32
        %add3A_1507 = vector.broadcast %add3A_1506 : i32 to vector<16xi32>
        %add3A_1508 = arith.addi %add3A_1507, %iota3A_717 : vector<16xi32>
        %gather3A_1509 = tpu.vector_load_idx %arg14[%broadcast_in_dim3A_1455, %add3A_1508, %broadcast_in_dim3A_1484] : memref<6x64x128xf32, #tpu.memory_space<vmem>>[vector<16xi32>, vector<16xi32>, vector<16xi32>], vector<16xf32>,
        %add3A_1510 = arith.constant 64 : i32
        %add3A_1511 = vector.broadcast %add3A_1510 : i32 to vector<16xi32>
        %add3A_1512 = arith.addi %add3A_1511, %add3A_1508 : vector<16xi32>
        tpu.vector_store_idx %arg15[%broadcast_in_dim3A_1491, %broadcast_in_dim3A_1492, %add3A_1512], %gather3A_1509 : memref<2x64x128xf32, #tpu.memory_space<vmem>>[vector<16xi32>, vector<16xi32>, vector<16xi32>], vector<16xf32>,
        %add3A_1513 = arith.constant 48 : i32
        %add3A_1514 = vector.broadcast %add3A_1513 : i32 to vector<16xi32>
        %add3A_1515 = arith.addi %add3A_1514, %iota3A_717 : vector<16xi32>
        %gather3A_1516 = tpu.vector_load_idx %arg14[%broadcast_in_dim3A_1455, %add3A_1515, %broadcast_in_dim3A_1484] : memref<6x64x128xf32, #tpu.memory_space<vmem>>[vector<16xi32>, vector<16xi32>, vector<16xi32>], vector<16xf32>,
        %add3A_1517 = arith.constant 64 : i32
        %add3A_1518 = vector.broadcast %add3A_1517 : i32 to vector<16xi32>
        %add3A_1519 = arith.addi %add3A_1518, %add3A_1515 : vector<16xi32>
        tpu.vector_store_idx %arg15[%broadcast_in_dim3A_1491, %broadcast_in_dim3A_1492, %add3A_1519], %gather3A_1516 : memref<2x64x128xf32, #tpu.memory_space<vmem>>[vector<16xi32>, vector<16xi32>, vector<16xi32>], vector<16xf32>,
        %eq3A = arith.constant 63 : i32
        %eq3A_1520 = arith.cmpi eq, %and3A_1490, %eq3A : i32
        %convert_element_type3A_1521 = arith.extui %eq3A_1520 : i1 to i32
        %cond3A_1522 = arith.constant 0 : i32
        %cond3A_1523 = arith.cmpi ne, %convert_element_type3A_1521, %cond3A_1522 : i32
        scf.if %cond3A_1523 {
          %ge3A = arith.constant 2 : i32
          %ge3A_1524 = arith.cmpi sge, %shift_right_arithmetic3A_1486, %ge3A : i32
          %convert_element_type3A_1525 = arith.extui %ge3A_1524 : i1 to i32
          %cond3A_1526 = arith.constant 0 : i32
          %cond3A_1527 = arith.cmpi ne, %convert_element_type3A_1525, %cond3A_1526 : i32
          scf.if %cond3A_1527 {
            %dma_wait3A_1537 = arith.constant 0 : i32
            %dma_wait3A_1538 = arith.constant 0 : i32
            %dma_wait3A_1539 = arith.constant 0 : i32
            %dma_wait3A_1540 = tpu.memref_slice %arg15[%and3A_1488, %dma_wait3A_1538, %dma_wait3A_1539] : memref<2x64x128xf32, #tpu.memory_space<vmem>> -> memref<1x64x128xf32, #tpu.memory_space<vmem>>
            %dma_wait3A_1541 = tpu.memref_squeeze %dma_wait3A_1540 : memref<1x64x128xf32, #tpu.memory_space<vmem>> -> memref<64x128xf32, #tpu.memory_space<vmem>>
            %dma_wait3A_1542 = arith.constant 0 : i32
            %dma_wait3A_1543 = tpu.memref_slice %arg13[%dma_wait3A_1537, %dma_wait3A_1542] : memref<8x64xi32, #tpu.memory_space<vmem>> -> memref<1x64xi32, #tpu.memory_space<vmem>>
            %dma_wait3A_1544 = tpu.memref_squeeze %dma_wait3A_1543 : memref<1x64xi32, #tpu.memory_space<vmem>> -> memref<64xi32, #tpu.memory_space<vmem>>
            %dma_wait3A_1545 = arith.constant 0 : i32
            %dma_wait3A_1546 = arith.constant 0 : i32
            %dma_wait3A_1547 = tpu.memref_slice %arg9[%dma_wait3A_1545, %dma_wait3A_1546] : memref<16384x128xf32, #tpu.memory_space<hbm>> -> memref<16384x128xf32, #tpu.memory_space<hbm>>
            tpu.wait_indirect_dma semaphore(%arg17 : memref<!tpu.dma_semaphore, #tpu.memory_space<semaphore_mem>>) src(%dma_wait3A_1541 : memref<64x128xf32, #tpu.memory_space<vmem>>) dst(%dma_wait3A_1547 : memref<16384x128xf32, #tpu.memory_space<hbm>>)
          } else {
          }
          %dma_start3A = arith.constant 0 : i32
          %dma_start3A_1528 = arith.constant 0 : i32
          %dma_start3A_1529 = tpu.memref_slice %arg15[%and3A_1488, %dma_start3A, %dma_start3A_1528] : memref<2x64x128xf32, #tpu.memory_space<vmem>> -> memref<1x64x128xf32, #tpu.memory_space<vmem>>
          %dma_start3A_1530 = tpu.memref_squeeze %dma_start3A_1529 : memref<1x64x128xf32, #tpu.memory_space<vmem>> -> memref<64x128xf32, #tpu.memory_space<vmem>>
          %dma_start3A_1531 = arith.constant 0 : i32
          %dma_start3A_1532 = tpu.memref_slice %arg13[%shift_right_arithmetic3A_1486, %dma_start3A_1531] : memref<8x64xi32, #tpu.memory_space<vmem>> -> memref<1x64xi32, #tpu.memory_space<vmem>>
          %dma_start3A_1533 = tpu.memref_squeeze %dma_start3A_1532 : memref<1x64xi32, #tpu.memory_space<vmem>> -> memref<64xi32, #tpu.memory_space<vmem>>
          %dma_start3A_1534 = arith.constant 0 : i32
          %dma_start3A_1535 = arith.constant 0 : i32
          %dma_start3A_1536 = tpu.memref_slice %arg9[%dma_start3A_1534, %dma_start3A_1535] : memref<16384x128xf32, #tpu.memory_space<hbm>> -> memref<16384x128xf32, #tpu.memory_space<hbm>>
          tpu.enqueue_indirect_dma source(%dma_start3A_1530 : memref<64x128xf32, #tpu.memory_space<vmem>>) target(%dma_start3A_1536 : memref<16384x128xf32, #tpu.memory_space<hbm>>) offsets(%dma_start3A_1533 : memref<64xi32, #tpu.memory_space<vmem>>) semaphore(%arg17 : memref<!tpu.dma_semaphore, #tpu.memory_space<semaphore_mem>>)
        } else {
        }
      }
      %while3A_1474 = arith.constant 1 : i32
      scf.for %while3A_1478 = %while3A_1472 to %while3A_1468 step %while3A_1474  : i32 {
        %get3A_1479 = arith.index_cast %while3A_1478 : i32 to index
        %get3A_1480 = tpu.vector_load %arg10[%get3A_1479] {strides = array<i32>} : memref<528xi32, #tpu.memory_space<vmem>>, vector<16xi32>,
        %slice3A_1481 = vector.extract_strided_slice %get3A_1480 {offsets = [0], sizes = [1], strides = [1]} : vector<16xi32> to vector<1xi32>
        %squeeze3A_1482 = vector.extract %slice3A_1481[0] : i32 from vector<1xi32>
        %and3A = arith.constant 127 : i32
        %and3A_1483 = arith.andi %squeeze3A_1482, %and3A : i32
        %broadcast_in_dim3A_1484 = vector.broadcast %and3A_1483 : i32 to vector<16xi32>
        %shift_right_arithmetic3A_1485 = arith.constant 6 : i32
        %shift_right_arithmetic3A_1486 = arith.shrsi %while3A_1478, %shift_right_arithmetic3A_1485 : i32
        %and3A_1487 = arith.constant 1 : i32
        %and3A_1488 = arith.andi %shift_right_arithmetic3A_1486, %and3A_1487 : i32
        %and3A_1489 = arith.constant 63 : i32
        %and3A_1490 = arith.andi %while3A_1478, %and3A_1489 : i32
        %broadcast_in_dim3A_1491 = vector.broadcast %and3A_1488 : i32 to vector<16xi32>
        %broadcast_in_dim3A_1492 = vector.broadcast %and3A_1490 : i32 to vector<16xi32>
        %add3A_1493 = arith.constant 0 : i32
        %add3A_1494 = vector.broadcast %add3A_1493 : i32 to vector<16xi32>
        %add3A_1495 = arith.addi %add3A_1494, %iota3A_717 : vector<16xi32>
        %gather3A = tpu.vector_load_idx %arg14[%broadcast_in_dim3A_1455, %add3A_1495, %broadcast_in_dim3A_1484] : memref<6x64x128xf32, #tpu.memory_space<vmem>>[vector<16xi32>, vector<16xi32>, vector<16xi32>], vector<16xf32>,
        %add3A_1496 = arith.constant 64 : i32
        %add3A_1497 = vector.broadcast %add3A_1496 : i32 to vector<16xi32>
        %add3A_1498 = arith.addi %add3A_1497, %add3A_1495 : vector<16xi32>
        tpu.vector_store_idx %arg15[%broadcast_in_dim3A_1491, %broadcast_in_dim3A_1492, %add3A_1498], %gather3A : memref<2x64x128xf32, #tpu.memory_space<vmem>>[vector<16xi32>, vector<16xi32>, vector<16xi32>], vector<16xf32>,
        %add3A_1499 = arith.constant 16 : i32
        %add3A_1500 = vector.broadcast %add3A_1499 : i32 to vector<16xi32>
        %add3A_1501 = arith.addi %add3A_1500, %iota3A_717 : vector<16xi32>
        %gather3A_1502 = tpu.vector_load_idx %arg14[%broadcast_in_dim3A_1455, %add3A_1501, %broadcast_in_dim3A_1484] : memref<6x64x128xf32, #tpu.memory_space<vmem>>[vector<16xi32>, vector<16xi32>, vector<16xi32>], vector<16xf32>,
        %add3A_1503 = arith.constant 64 : i32
        %add3A_1504 = vector.broadcast %add3A_1503 : i32 to vector<16xi32>
        %add3A_1505 = arith.addi %add3A_1504, %add3A_1501 : vector<16xi32>
        tpu.vector_store_idx %arg15[%broadcast_in_dim3A_1491, %broadcast_in_dim3A_1492, %add3A_1505], %gather3A_1502 : memref<2x64x128xf32, #tpu.memory_space<vmem>>[vector<16xi32>, vector<16xi32>, vector<16xi32>], vector<16xf32>,
        %add3A_1506 = arith.constant 32 : i32
        %add3A_1507 = vector.broadcast %add3A_1506 : i32 to vector<16xi32>
        %add3A_1508 = arith.addi %add3A_1507, %iota3A_717 : vector<16xi32>
        %gather3A_1509 = tpu.vector_load_idx %arg14[%broadcast_in_dim3A_1455, %add3A_1508, %broadcast_in_dim3A_1484] : memref<6x64x128xf32, #tpu.memory_space<vmem>>[vector<16xi32>, vector<16xi32>, vector<16xi32>], vector<16xf32>,
        %add3A_1510 = arith.constant 64 : i32
        %add3A_1511 = vector.broadcast %add3A_1510 : i32 to vector<16xi32>
        %add3A_1512 = arith.addi %add3A_1511, %add3A_1508 : vector<16xi32>
        tpu.vector_store_idx %arg15[%broadcast_in_dim3A_1491, %broadcast_in_dim3A_1492, %add3A_1512], %gather3A_1509 : memref<2x64x128xf32, #tpu.memory_space<vmem>>[vector<16xi32>, vector<16xi32>, vector<16xi32>], vector<16xf32>,
        %add3A_1513 = arith.constant 48 : i32
        %add3A_1514 = vector.broadcast %add3A_1513 : i32 to vector<16xi32>
        %add3A_1515 = arith.addi %add3A_1514, %iota3A_717 : vector<16xi32>
        %gather3A_1516 = tpu.vector_load_idx %arg14[%broadcast_in_dim3A_1455, %add3A_1515, %broadcast_in_dim3A_1484] : memref<6x64x128xf32, #tpu.memory_space<vmem>>[vector<16xi32>, vector<16xi32>, vector<16xi32>], vector<16xf32>,
        %add3A_1517 = arith.constant 64 : i32
        %add3A_1518 = vector.broadcast %add3A_1517 : i32 to vector<16xi32>
        %add3A_1519 = arith.addi %add3A_1518, %add3A_1515 : vector<16xi32>
        tpu.vector_store_idx %arg15[%broadcast_in_dim3A_1491, %broadcast_in_dim3A_1492, %add3A_1519], %gather3A_1516 : memref<2x64x128xf32, #tpu.memory_space<vmem>>[vector<16xi32>, vector<16xi32>, vector<16xi32>], vector<16xf32>,
        %eq3A = arith.constant 63 : i32
        %eq3A_1520 = arith.cmpi eq, %and3A_1490, %eq3A : i32
        %convert_element_type3A_1521 = arith.extui %eq3A_1520 : i1 to i32
        %cond3A_1522 = arith.constant 0 : i32
        %cond3A_1523 = arith.cmpi ne, %convert_element_type3A_1521, %cond3A_1522 : i32
        scf.if %cond3A_1523 {
          %ge3A = arith.constant 2 : i32
          %ge3A_1524 = arith.cmpi sge, %shift_right_arithmetic3A_1486, %ge3A : i32
          %convert_element_type3A_1525 = arith.extui %ge3A_1524 : i1 to i32
          %cond3A_1526 = arith.constant 0 : i32
          %cond3A_1527 = arith.cmpi ne, %convert_element_type3A_1525, %cond3A_1526 : i32
          scf.if %cond3A_1527 {
            %dma_wait3A_1537 = arith.constant 0 : i32
            %dma_wait3A_1538 = arith.constant 0 : i32
            %dma_wait3A_1539 = arith.constant 0 : i32
            %dma_wait3A_1540 = tpu.memref_slice %arg15[%and3A_1488, %dma_wait3A_1538, %dma_wait3A_1539] : memref<2x64x128xf32, #tpu.memory_space<vmem>> -> memref<1x64x128xf32, #tpu.memory_space<vmem>>
            %dma_wait3A_1541 = tpu.memref_squeeze %dma_wait3A_1540 : memref<1x64x128xf32, #tpu.memory_space<vmem>> -> memref<64x128xf32, #tpu.memory_space<vmem>>
            %dma_wait3A_1542 = arith.constant 0 : i32
            %dma_wait3A_1543 = tpu.memref_slice %arg13[%dma_wait3A_1537, %dma_wait3A_1542] : memref<8x64xi32, #tpu.memory_space<vmem>> -> memref<1x64xi32, #tpu.memory_space<vmem>>
            %dma_wait3A_1544 = tpu.memref_squeeze %dma_wait3A_1543 : memref<1x64xi32, #tpu.memory_space<vmem>> -> memref<64xi32, #tpu.memory_space<vmem>>
            %dma_wait3A_1545 = arith.constant 0 : i32
            %dma_wait3A_1546 = arith.constant 0 : i32
            %dma_wait3A_1547 = tpu.memref_slice %arg9[%dma_wait3A_1545, %dma_wait3A_1546] : memref<16384x128xf32, #tpu.memory_space<hbm>> -> memref<16384x128xf32, #tpu.memory_space<hbm>>
            tpu.wait_indirect_dma semaphore(%arg17 : memref<!tpu.dma_semaphore, #tpu.memory_space<semaphore_mem>>) src(%dma_wait3A_1541 : memref<64x128xf32, #tpu.memory_space<vmem>>) dst(%dma_wait3A_1547 : memref<16384x128xf32, #tpu.memory_space<hbm>>)
          } else {
          }
          %dma_start3A = arith.constant 0 : i32
          %dma_start3A_1528 = arith.constant 0 : i32
          %dma_start3A_1529 = tpu.memref_slice %arg15[%and3A_1488, %dma_start3A, %dma_start3A_1528] : memref<2x64x128xf32, #tpu.memory_space<vmem>> -> memref<1x64x128xf32, #tpu.memory_space<vmem>>
          %dma_start3A_1530 = tpu.memref_squeeze %dma_start3A_1529 : memref<1x64x128xf32, #tpu.memory_space<vmem>> -> memref<64x128xf32, #tpu.memory_space<vmem>>
          %dma_start3A_1531 = arith.constant 0 : i32
          %dma_start3A_1532 = tpu.memref_slice %arg13[%shift_right_arithmetic3A_1486, %dma_start3A_1531] : memref<8x64xi32, #tpu.memory_space<vmem>> -> memref<1x64xi32, #tpu.memory_space<vmem>>
          %dma_start3A_1533 = tpu.memref_squeeze %dma_start3A_1532 : memref<1x64xi32, #tpu.memory_space<vmem>> -> memref<64xi32, #tpu.memory_space<vmem>>
          %dma_start3A_1534 = arith.constant 0 : i32
          %dma_start3A_1535 = arith.constant 0 : i32
          %dma_start3A_1536 = tpu.memref_slice %arg9[%dma_start3A_1534, %dma_start3A_1535] : memref<16384x128xf32, #tpu.memory_space<hbm>> -> memref<16384x128xf32, #tpu.memory_space<hbm>>
          tpu.enqueue_indirect_dma source(%dma_start3A_1530 : memref<64x128xf32, #tpu.memory_space<vmem>>) target(%dma_start3A_1536 : memref<16384x128xf32, #tpu.memory_space<hbm>>) offsets(%dma_start3A_1533 : memref<64xi32, #tpu.memory_space<vmem>>) semaphore(%arg17 : memref<!tpu.dma_semaphore, #tpu.memory_space<semaphore_mem>>)
        } else {
        }
      }
      %add3A_1475 = arith.constant 6 : i32
      %add3A_1476 = arith.addi %while3A_1439, %add3A_1475 : i32
      %lt3A = arith.cmpi slt, %add3A_1476, %add3A_1394 : i32
      %convert_element_type3A = arith.extui %lt3A : i1 to i32
      %cond3A = arith.constant 0 : i32
      %cond3A_1477 = arith.cmpi ne, %convert_element_type3A, %cond3A : i32
      scf.if %cond3A_1477 {
        %add3A_1478 = arith.constant 6 : i32
        %add3A_1479 = arith.addi %while3A_1439, %add3A_1478 : i32
        %get3A_1480 = arith.index_cast %add3A_1479 : i32 to index
        %get3A_1481 = tpu.vector_load %arg12[%get3A_1480] {strides = array<i32>} : memref<560xi32, #tpu.memory_space<vmem>>, vector<16xi32>,
        %slice3A_1482 = vector.extract_strided_slice %get3A_1481 {offsets = [0], sizes = [1], strides = [1]} : vector<16xi32> to vector<1xi32>
        %squeeze3A_1483 = vector.extract %slice3A_1482[0] : i32 from vector<1xi32>
        %get3A_1484 = arith.index_cast %squeeze3A_1483 : i32 to index
        %get3A_1485 = tpu.vector_load %arg10[%get3A_1484] {strides = array<i32>} : memref<528xi32, #tpu.memory_space<vmem>>, vector<16xi32>,
        %slice3A_1486 = vector.extract_strided_slice %get3A_1485 {offsets = [0], sizes = [1], strides = [1]} : vector<16xi32> to vector<1xi32>
        %squeeze3A_1487 = vector.extract %slice3A_1486[0] : i32 from vector<1xi32>
        %shift_right_arithmetic3A_1488 = arith.constant 7 : i32
        %shift_right_arithmetic3A_1489 = arith.shrsi %squeeze3A_1487, %shift_right_arithmetic3A_1488 : i32
        %mul3A_1490 = arith.constant 128 : i32
        %mul3A_1491 = arith.muli %shift_right_arithmetic3A_1489, %mul3A_1490 : i32
        %multiple_of3A = tpu.assume_multiple %mul3A_1491, 128 : i32
        %dma_start3A = arith.constant 0 : i32
        %dma_start3A_1492 = arith.constant 0 : i32
        %dma_start3A_1493 = tpu.memref_slice %arg14[%rem3A_1440, %dma_start3A, %dma_start3A_1492] : memref<6x64x128xf32, #tpu.memory_space<vmem>> -> memref<1x64x128xf32, #tpu.memory_space<vmem>>
        %dma_start3A_1494 = tpu.memref_squeeze %dma_start3A_1493 : memref<1x64x128xf32, #tpu.memory_space<vmem>> -> memref<64x128xf32, #tpu.memory_space<vmem>>
        %dma_start3A_1495 = arith.constant 0 : i32
        %dma_start3A_1496 = tpu.memref_slice %arg7[%dma_start3A_1495, %multiple_of3A] : memref<64x100000xf32, #tpu.memory_space<hbm>> -> memref<64x128xf32, #tpu.memory_space<hbm>>
        %dma_start3A_1497 = arith.constant 0 : i32
        %dma_start3A_1498 = arith.constant 0 : i32
        %dma_start3A_1499 = tpu.memref_slice %arg14[%rem3A_1440, %dma_start3A_1497, %dma_start3A_1498] : memref<6x64x128xf32, #tpu.memory_space<vmem>> -> memref<1x64x128xf32, #tpu.memory_space<vmem>>
        %dma_start3A_1500 = tpu.memref_squeeze %dma_start3A_1499 : memref<1x64x128xf32, #tpu.memory_space<vmem>> -> memref<64x128xf32, #tpu.memory_space<vmem>>
        %dma_start3A_1501 = arith.constant 0 : i32
        %dma_start3A_1502 = tpu.memref_slice %arg7[%dma_start3A_1501, %multiple_of3A] : memref<64x100000xf32, #tpu.memory_space<hbm>> -> memref<64x128xf32, #tpu.memory_space<hbm>>
        tpu.enqueue_dma source(%dma_start3A_1502 : memref<64x128xf32, #tpu.memory_space<hbm>>) target(%dma_start3A_1500 : memref<64x128xf32, #tpu.memory_space<vmem>>) target_semaphore(%arg16 : memref<!tpu.dma_semaphore, #tpu.memory_space<semaphore_mem>>)
      } else {
      }
    }
    %dma_wait3A_1415 = arith.constant 0 : i32
    %dma_wait3A_1416 = arith.constant 0 : i32
    %dma_wait3A_1417 = arith.constant 0 : i32
    %dma_wait3A_1418 = arith.constant 0 : i32
    %dma_wait3A_1419 = tpu.memref_slice %arg15[%dma_wait3A_1415, %dma_wait3A_1417, %dma_wait3A_1418] : memref<2x64x128xf32, #tpu.memory_space<vmem>> -> memref<1x64x128xf32, #tpu.memory_space<vmem>>
    %dma_wait3A_1420 = tpu.memref_squeeze %dma_wait3A_1419 : memref<1x64x128xf32, #tpu.memory_space<vmem>> -> memref<64x128xf32, #tpu.memory_space<vmem>>
    %dma_wait3A_1421 = arith.constant 0 : i32
    %dma_wait3A_1422 = tpu.memref_slice %arg13[%dma_wait3A_1416, %dma_wait3A_1421] : memref<8x64xi32, #tpu.memory_space<vmem>> -> memref<1x64xi32, #tpu.memory_space<vmem>>
    %dma_wait3A_1423 = tpu.memref_squeeze %dma_wait3A_1422 : memref<1x64xi32, #tpu.memory_space<vmem>> -> memref<64xi32, #tpu.memory_space<vmem>>
    %dma_wait3A_1424 = arith.constant 0 : i32
    %dma_wait3A_1425 = arith.constant 0 : i32
    %dma_wait3A_1426 = tpu.memref_slice %arg9[%dma_wait3A_1424, %dma_wait3A_1425] : memref<16384x128xf32, #tpu.memory_space<hbm>> -> memref<16384x128xf32, #tpu.memory_space<hbm>>
    tpu.wait_indirect_dma semaphore(%arg17 : memref<!tpu.dma_semaphore, #tpu.memory_space<semaphore_mem>>) src(%dma_wait3A_1420 : memref<64x128xf32, #tpu.memory_space<vmem>>) dst(%dma_wait3A_1426 : memref<16384x128xf32, #tpu.memory_space<hbm>>)
    %dma_wait3A_1427 = arith.constant 1 : i32
    %dma_wait3A_1428 = arith.constant 0 : i32
    %dma_wait3A_1429 = arith.constant 0 : i32
    %dma_wait3A_1430 = arith.constant 0 : i32
    %dma_wait3A_1431 = tpu.memref_slice %arg15[%dma_wait3A_1427, %dma_wait3A_1429, %dma_wait3A_1430] : memref<2x64x128xf32, #tpu.memory_space<vmem>> -> memref<1x64x128xf32, #tpu.memory_space<vmem>>
    %dma_wait3A_1432 = tpu.memref_squeeze %dma_wait3A_1431 : memref<1x64x128xf32, #tpu.memory_space<vmem>> -> memref<64x128xf32, #tpu.memory_space<vmem>>
    %dma_wait3A_1433 = arith.constant 0 : i32
    %dma_wait3A_1434 = tpu.memref_slice %arg13[%dma_wait3A_1428, %dma_wait3A_1433] : memref<8x64xi32, #tpu.memory_space<vmem>> -> memref<1x64xi32, #tpu.memory_space<vmem>>
    %dma_wait3A_1435 = tpu.memref_squeeze %dma_wait3A_1434 : memref<1x64xi32, #tpu.memory_space<vmem>> -> memref<64xi32, #tpu.memory_space<vmem>>
    %dma_wait3A_1436 = arith.constant 0 : i32
    %dma_wait3A_1437 = arith.constant 0 : i32
    %dma_wait3A_1438 = tpu.memref_slice %arg9[%dma_wait3A_1436, %dma_wait3A_1437] : memref<16384x128xf32, #tpu.memory_space<hbm>> -> memref<16384x128xf32, #tpu.memory_space<hbm>>
    tpu.wait_indirect_dma semaphore(%arg17 : memref<!tpu.dma_semaphore, #tpu.memory_space<semaphore_mem>>) src(%dma_wait3A_1432 : memref<64x128xf32, #tpu.memory_space<vmem>>) dst(%dma_wait3A_1438 : memref<16384x128xf32, #tpu.memory_space<hbm>>)
    return
  }
}

module attributes {stable_mosaic.version = 14 : i64} {
  func.func @_mlp_body(%arg0: i32, %arg1: memref<2048x128xf32, #tpu.memory_space<vmem>>, %arg2: memref<2048x128xf32, #tpu.memory_space<vmem>>, %arg3: memref<64x64xf32, #tpu.memory_space<vmem>>, %arg4: memref<64x64xf32, #tpu.memory_space<vmem>>, %arg5: memref<1x64xf32, #tpu.memory_space<vmem>>, %arg6: memref<64x32xf32, #tpu.memory_space<vmem>>, %arg7: memref<1x32xf32, #tpu.memory_space<vmem>>, %arg8: memref<32x1xf32, #tpu.memory_space<vmem>>, %arg9: memref<1x1xf32, #tpu.memory_space<vmem>>, %arg10: memref<2048x1xf32, #tpu.memory_space<vmem>>) attributes {dimension_semantics = [#tpu.dimension_semantics<arbitrary>], iteration_bounds = array<i64: 8>, scalar_prefetch = 0 : i64, scratch_operands = 0 : i64, tpu.core_type = #tpu.core_type<tc>, window_params = [{transform_indices = @transform_0, window_bounds = array<i64: 2048, 128>}, {transform_indices = @transform_1, window_bounds = array<i64: 2048, 128>}, {pipeline_mode = #tpu.pipeline_mode<synchronous>, transform_indices = @transform_2, window_bounds = array<i64: 64, 64>}, {pipeline_mode = #tpu.pipeline_mode<synchronous>, transform_indices = @transform_3, window_bounds = array<i64: 64, 64>}, {pipeline_mode = #tpu.pipeline_mode<synchronous>, transform_indices = @transform_4, window_bounds = array<i64: 1, 64>}, {pipeline_mode = #tpu.pipeline_mode<synchronous>, transform_indices = @transform_5, window_bounds = array<i64: 64, 32>}, {pipeline_mode = #tpu.pipeline_mode<synchronous>, transform_indices = @transform_6, window_bounds = array<i64: 1, 32>}, {pipeline_mode = #tpu.pipeline_mode<synchronous>, transform_indices = @transform_7, window_bounds = array<i64: 32, 1>}, {pipeline_mode = #tpu.pipeline_mode<synchronous>, transform_indices = @transform_8, window_bounds = array<i64: 1, 1>}, {transform_indices = @transform_9, window_bounds = array<i64: 2048, 1>}]} {
    %get3A = arith.constant 0 : index
    %get3A_0 = arith.constant 0 : index
    %get3A_1 = vector.load %arg1[%get3A, %get3A_0] : memref<2048x128xf32, #tpu.memory_space<vmem>>, vector<2048x64xf32>
    %get3A_2 = arith.constant 0 : index
    %get3A_3 = arith.constant 0 : index
    %get3A_4 = vector.load %arg3[%get3A_2, %get3A_3] : memref<64x64xf32, #tpu.memory_space<vmem>>, vector<64x64xf32>
    %dot_general3A = arith.constant dense<0.000000e+00> : vector<2048x64xf32>
    %dot_general3A_5 = tpu.matmul %get3A_1, %get3A_4, %dot_general3A {dimension_numbers = #tpu.dot_dimension_numbers<[1], [0], [0], [1], [0, 0, 1, 1], [], []>, transpose_lhs_hint = false} : vector<2048x64xf32>, vector<64x64xf32>, vector<2048x64xf32> -> vector<2048x64xf32>
    %get3A_6 = arith.constant 0 : index
    %get3A_7 = arith.constant 64 : index
    %get3A_8 = vector.load %arg2[%get3A_6, %get3A_7] : memref<2048x128xf32, #tpu.memory_space<vmem>>, vector<2048x64xf32>
    %get3A_9 = arith.constant 0 : index
    %get3A_10 = arith.constant 0 : index
    %get3A_11 = vector.load %arg4[%get3A_9, %get3A_10] : memref<64x64xf32, #tpu.memory_space<vmem>>, vector<64x64xf32>
    %dot_general3A_12 = arith.constant dense<0.000000e+00> : vector<2048x64xf32>
    %dot_general3A_13 = tpu.matmul %get3A_8, %get3A_11, %dot_general3A_12 {dimension_numbers = #tpu.dot_dimension_numbers<[1], [0], [0], [1], [0, 0, 1, 1], [], []>, transpose_lhs_hint = false} : vector<2048x64xf32>, vector<64x64xf32>, vector<2048x64xf32> -> vector<2048x64xf32>
    %add3A = arith.addf %dot_general3A_5, %dot_general3A_13 : vector<2048x64xf32>
    %get3A_14 = arith.constant 0 : index
    %get3A_15 = arith.constant 0 : index
    %get3A_16 = vector.load %arg5[%get3A_14, %get3A_15] : memref<1x64xf32, #tpu.memory_space<vmem>>, vector<1x64xf32>
    %add3A_17 = vector.broadcast %get3A_16 : vector<1x64xf32> to vector<2048x64xf32>
    %add3A_18 = arith.addf %add3A, %add3A_17 : vector<2048x64xf32>
    %max3A = arith.constant 0.000000e+00 : f32
    %max3A_19 = vector.broadcast %max3A : f32 to vector<2048x64xf32>
    %max3A_20 = arith.maximumf %add3A_18, %max3A_19 : vector<2048x64xf32>
    %get3A_21 = arith.constant 0 : index
    %get3A_22 = arith.constant 0 : index
    %get3A_23 = vector.load %arg6[%get3A_21, %get3A_22] : memref<64x32xf32, #tpu.memory_space<vmem>>, vector<64x32xf32>
    %dot_general3A_24 = arith.constant dense<0.000000e+00> : vector<2048x32xf32>
    %dot_general3A_25 = tpu.matmul %max3A_20, %get3A_23, %dot_general3A_24 {dimension_numbers = #tpu.dot_dimension_numbers<[1], [0], [0], [1], [0, 0, 1, 1], [], []>, transpose_lhs_hint = false} : vector<2048x64xf32>, vector<64x32xf32>, vector<2048x32xf32> -> vector<2048x32xf32>
    %get3A_26 = arith.constant 0 : index
    %get3A_27 = arith.constant 0 : index
    %get3A_28 = vector.load %arg7[%get3A_26, %get3A_27] : memref<1x32xf32, #tpu.memory_space<vmem>>, vector<1x32xf32>
    %add3A_29 = vector.broadcast %get3A_28 : vector<1x32xf32> to vector<2048x32xf32>
    %add3A_30 = arith.addf %dot_general3A_25, %add3A_29 : vector<2048x32xf32>
    %max3A_31 = arith.constant 0.000000e+00 : f32
    %max3A_32 = vector.broadcast %max3A_31 : f32 to vector<2048x32xf32>
    %max3A_33 = arith.maximumf %add3A_30, %max3A_32 : vector<2048x32xf32>
    %get3A_34 = arith.constant 0 : index
    %get3A_35 = arith.constant 0 : index
    %get3A_36 = vector.load %arg8[%get3A_34, %get3A_35] : memref<32x1xf32, #tpu.memory_space<vmem>>, vector<32x1xf32>
    %dot_general3A_37 = arith.constant dense<0.000000e+00> : vector<2048x1xf32>
    %dot_general3A_38 = tpu.matmul %max3A_33, %get3A_36, %dot_general3A_37 {dimension_numbers = #tpu.dot_dimension_numbers<[1], [0], [0], [1], [0, 0, 1, 1], [], []>, transpose_lhs_hint = false} : vector<2048x32xf32>, vector<32x1xf32>, vector<2048x1xf32> -> vector<2048x1xf32>
    %get3A_39 = arith.constant 0 : index
    %get3A_40 = arith.constant 0 : index
    %get3A_41 = vector.load %arg9[%get3A_39, %get3A_40] : memref<1x1xf32, #tpu.memory_space<vmem>>, vector<1x1xf32>
    %add3A_42 = vector.broadcast %get3A_41 : vector<1x1xf32> to vector<2048x1xf32>
    %add3A_43 = arith.addf %dot_general3A_38, %add3A_42 : vector<2048x1xf32>
    %swap3A = arith.constant 0 : index
    %swap3A_44 = arith.constant 0 : index
    %swap3A_45 = vector.load %arg10[%swap3A, %swap3A_44] : memref<2048x1xf32, #tpu.memory_space<vmem>>, vector<2048x1xf32>
    tpu.vector_store %arg10[%swap3A, %swap3A_44], %add3A_43 {strides = array<i32>} : memref<2048x1xf32, #tpu.memory_space<vmem>>, vector<2048x1xf32>,
    return
  }
  func.func @transform_0(%arg0: i32) -> (i32, i32) {
    %c0_i32 = arith.constant 0 : i32
    %c0_i32_0 = arith.constant 0 : i32
    return %arg0, %c0_i32 : i32, i32
  }
  func.func @transform_1(%arg0: i32) -> (i32, i32) {
    %c0_i32 = arith.constant 0 : i32
    %c0_i32_0 = arith.constant 0 : i32
    return %arg0, %c0_i32 : i32, i32
  }
  func.func @transform_2(%arg0: i32) -> (i32, i32) {
    %c0_i32 = arith.constant 0 : i32
    %c0_i32_0 = arith.constant 0 : i32
    %c0_i32_1 = arith.constant 0 : i32
    return %c0_i32, %c0_i32_0 : i32, i32
  }
  func.func @transform_3(%arg0: i32) -> (i32, i32) {
    %c0_i32 = arith.constant 0 : i32
    %c0_i32_0 = arith.constant 0 : i32
    %c0_i32_1 = arith.constant 0 : i32
    return %c0_i32, %c0_i32_0 : i32, i32
  }
  func.func @transform_4(%arg0: i32) -> (i32, i32) {
    %c0_i32 = arith.constant 0 : i32
    %c0_i32_0 = arith.constant 0 : i32
    %c0_i32_1 = arith.constant 0 : i32
    return %c0_i32, %c0_i32_0 : i32, i32
  }
  func.func @transform_5(%arg0: i32) -> (i32, i32) {
    %c0_i32 = arith.constant 0 : i32
    %c0_i32_0 = arith.constant 0 : i32
    %c0_i32_1 = arith.constant 0 : i32
    return %c0_i32, %c0_i32_0 : i32, i32
  }
  func.func @transform_6(%arg0: i32) -> (i32, i32) {
    %c0_i32 = arith.constant 0 : i32
    %c0_i32_0 = arith.constant 0 : i32
    %c0_i32_1 = arith.constant 0 : i32
    return %c0_i32, %c0_i32_0 : i32, i32
  }
  func.func @transform_7(%arg0: i32) -> (i32, i32) {
    %c0_i32 = arith.constant 0 : i32
    %c0_i32_0 = arith.constant 0 : i32
    %c0_i32_1 = arith.constant 0 : i32
    return %c0_i32, %c0_i32_0 : i32, i32
  }
  func.func @transform_8(%arg0: i32) -> (i32, i32) {
    %c0_i32 = arith.constant 0 : i32
    %c0_i32_0 = arith.constant 0 : i32
    %c0_i32_1 = arith.constant 0 : i32
    return %c0_i32, %c0_i32_0 : i32, i32
  }
  func.func @transform_9(%arg0: i32) -> (i32, i32) {
    %c0_i32 = arith.constant 0 : i32
    %c0_i32_0 = arith.constant 0 : i32
    return %arg0, %c0_i32 : i32, i32
  }
}

</mosaic_0001>

<sc_bundles>
// kernel: kernel.4.cloned.1.call-start
scs
__scs_entry_jumppad:
0x0: {  	(pc) =	sbr.rel $0x88, $3  }
0x1: {  	(tag) =	ssettag $0x0;
	lr =	simm.s32 $0x1  }
0x2: {  	[smem:$0x3F97] =	sst lr;
	_ =	strace $0xD0000000  }
0x3: {  	_ = 	snop  }
0x4: {  	_ = 	snop  }
0x5: {  	_ = 	snop  }
0x6: {  	_ = 	snop  }
0x7: {  	_ = 	snop  }
__scs_overlays_trampoline_lowered:
0x8: {  	[smem:$0x3FA6] =	sst s0  }
0x9: {  	[smem:$0x3FA7] =	sst s1  }
0xa: {  	[smem:$0x3FA8] =	sst s2  }
0xb: {  	[smem:$0x3FA9] =	sst s3  }
0xc: {  	[smem:$0x3FAA] =	sst s4  }
0xd: {  	[smem:$0x3FAB] =	sst s5  }
0xe: {  	[smem:$0x3FAC] =	sst s6  }
0xf: {  	[smem:$0x3FAD] =	sst s7  }
0x10: {  	[smem:$0x3FAE] =	sst s8  }
0x11: {  	[smem:$0x3FAF] =	sst s9;
	s0 =	simm.s32 @!p0 $0x0  }
0x12: {  	s1 =	sld [smem:$0x3F95];
	s0 =	simm.s32 @p0 $0x1  }
0x13: {  	[smem:$0x3FB0] =	sst s0;
	s0 =	simm.s32 @!p1 $0x0  }
0x14: {  	s2 =	sld [smem:$0x3F94];
	s0 =	simm.s32 @p1 $0x1  }
0x15: {  	[smem:$0x3FB1] =	sst s0;
	s0 =	simm.s32 @!p2 $0x0  }
0x16: {  	s3 =	sld [smem:$0x3FDB];
	s0 =	simm.s32 @p2 $0x1  }
0x17: {  	s4 =	simm.s32 $0x1BF5;
	[smem:$0x3FB3] =	sst s0  }
0x18: {  	s0 =	sld [smem:$0x3F96];
	_ =	swait.ge [sflag:s4], $0x0  }
0x19: {  	s7 =	sld [smem:$0x3F97]  }
0x1a: {  	s8 =	sadd.s32 $0xFFFFE003, lr  }
0x1b: {  	s9 =	sadd.s32 $0xFFFFFEF7, lr;
	s5 =	simm.s32 $0xFFFFFFFF;
	p2 =	slt.u32 s8, $0xFFFFF086  }
0x1c: {  	p1 =	slt.u32 s9, $0xF7A;
	s5 =	simm.s32 @!p2 $0x0  }
0x1d: {  	s5 =	simm.s32 @p1 $0x1;
	p0 =	seq.s32 s7, s2  }
0x1e: {  	s7 =	smul.u32 @!p0 $0xF7A, s2;
	p2 =	seq.s32 @!p0 s5, $0x0  }
0x1f: {  	s9 =	smul.u32 $0xF7A, s1;
	s8 =	simm.s32 @!p0 $0x1BF5;
	p2 =	por !p2, p0  }
0x20: {  	[sflag:s8] =	ssyncset.s32 @!p0 $0xFFFFF086;
	s6 =	sadd.s32 @!p0 s3, s7;
	s7 =	simm.s32 @!p0 $0x108  }
0x21: {  	s3 =	sadd.s32 s3, s9;
	s6 =	sadd.s32 @!p0 $0x88, s6;
	s7 =	simm.s32 @p2 $0x1082  }
0x22: {  	[simem:s7], [sflag:s8] =	dma.local @!p0 [hbm:s6], $0xF7A  }
0x23: {  	s9 =	sor.u32 $0xD0000000, s2;
	s6 =	simm.s32 $0x108;
	_ =	swait.ge @!p0 [sflag:s8], $0x0  }
0x24: {  	s3 =	sadd.s32 $0x88, s3;
	s6 =	simm.s32 @!p1 $0x1082;
	[sflag:s4] =	ssyncset.s32 $0xFFFFF086  }
0x25: {  	[simem:s6], [sflag:s4] =	dma.local [hbm:s3], $0xF7A  }
0x26: {  	[smem:$0x3F97] =	sst s1;
	(tag) =	ssettag s2;
	_ =	strace s9  }
0x27: {  	s1 =	sld [smem:$0x3FA7]  }
0x28: {  	s2 =	sld [smem:$0x3FA8]  }
0x29: {  	s4 =	sld [smem:$0x3FAA]  }
0x2a: {  	p0 =	seq.s32 s5, $0x0;
	s5 =	sld [smem:$0x3FAB]  }
0x2b: {  	s6 =	sld [smem:$0x3FAC]  }
0x2c: {  	s7 =	sld [smem:$0x3FAD]  }
0x2d: {  	s3 =	simm.s32 $0x108;
	s8 =	sld [smem:$0x3FAE]  }
0x2e: {  	s3 =	simm.s32 @!p0 $0x1082;
	s9 =	sld [smem:$0x3FAF]  }
0x2f: {  	lr =	sadd.s32 s0, s3;
	s0 =	sld [smem:$0x3FA6]  }
0x30: {  	s3 =	sld [smem:$0x3FA9]  }
0x31: {  	[smem:$0x3FB2] =	sst s10  }
0x32: {  	s10 =	sld [smem:$0x3FB0];
	_ =	sdelay $0x3  }
0x33: {  	p0 =	seq.s32 s10, $0x1;
	s10 =	sld [smem:$0x3FB2];
	_ =	sdelay $0x3  }
0x34: {  	[smem:$0x3FB2] =	sst s10  }
0x35: {  	s10 =	sld [smem:$0x3FB1];
	_ =	sdelay $0x3  }
0x36: {  	p1 =	seq.s32 s10, $0x1;
	s10 =	sld [smem:$0x3FB2];
	_ =	sdelay $0x3  }
0x37: {  	[smem:$0x3FB2] =	sst s10  }
0x38: {  	s10 =	sld [smem:$0x3FB3]  }
0x39: {  	_ = 	snop;
	(pc) =	sbr.ind lr, $3  }
0x3a: {  	_ = 	snop  }
0x3b: {  	_ = 	snop  }
0x3c: {  	p2 =	seq.s32 s10, $0x1;
	s10 =	sld [smem:$0x3FB2]  }
0x3d: {  	_ =	shalt  }
0x3e: {  	_ =	shalt  }
0x3f: {  	_ =	shalt  }
0x40: {  	_ =	shalt  }
0x41: {  	_ =	shalt  }
0x42: {  	_ =	shalt  }
0x43: {  	_ =	shalt  }
0x44: {  	_ =	shalt  }
0x45: {  	_ =	shalt  }
0x46: {  	_ =	shalt  }
0x47: {  	_ =	shalt  }
0x48: {  	_ =	shalt  }
0x49: {  	_ =	shalt  }
0x4a: {  	_ =	shalt  }
0x4b: {  	_ =	shalt  }
0x4c: {  	_ =	shalt  }
0x4d: {  	_ =	shalt  }
0x4e: {  	_ =	shalt  }
0x4f: {  	_ =	shalt  }
0x50: {  	_ =	shalt  }
0x51: {  	_ =	shalt  }
0x52: {  	_ =	shalt  }
0x53: {  	_ =	shalt  }
0x54: {  	_ =	shalt  }
0x55: {  	_ =	shalt  }
0x56: {  	_ =	shalt  }
0x57: {  	_ =	shalt  }
0x58: {  	_ =	shalt  }
0x59: {  	_ =	shalt  }
0x5a: {  	_ =	shalt  }
0x5b: {  	_ =	shalt  }
0x5c: {  	_ =	shalt  }
0x5d: {  	_ =	shalt  }
0x5e: {  	_ =	shalt  }
0x5f: {  	_ =	shalt  }
0x60: {  	_ =	shalt  }
0x61: {  	_ =	shalt  }
0x62: {  	_ =	shalt  }
0x63: {  	_ =	shalt  }
0x64: {  	_ =	shalt  }
0x65: {  	_ =	shalt  }
0x66: {  	_ =	shalt  }
0x67: {  	_ =	shalt  }
0x68: {  	_ =	shalt  }
0x69: {  	_ =	shalt  }
0x6a: {  	_ =	shalt  }
0x6b: {  	_ =	shalt  }
0x6c: {  	_ =	shalt  }
0x6d: {  	_ =	shalt  }
0x6e: {  	_ =	shalt  }
0x6f: {  	_ =	shalt  }
0x70: {  	_ =	shalt  }
0x71: {  	_ =	shalt  }
0x72: {  	_ =	shalt  }
0x73: {  	_ =	shalt  }
0x74: {  	_ =	shalt  }
0x75: {  	_ =	shalt  }
0x76: {  	_ =	shalt  }
0x77: {  	_ =	shalt  }
0x78: {  	_ =	shalt  }
0x79: {  	_ =	shalt  }
0x7a: {  	_ =	shalt  }
0x7b: {  	_ =	shalt  }
0x7c: {  	_ =	shalt  }
0x7d: {  	_ =	shalt  }
0x7e: {  	_ =	shalt  }
0x7f: {  	_ =	shalt  }
0x80: {  	_ =	shalt  }
0x81: {  	_ =	shalt  }
0x82: {  	_ =	shalt  }
0x83: {  	_ =	shalt  }
0x84: {  	_ =	shalt  }
0x85: {  	_ =	shalt  }
0x86: {  	_ =	shalt  }
0x87: {  	_ =	shalt  }
.Lfunc_end0:
.L_simem_size_0:
called_computation_lowered:
.L_overlay_start_0:
0x88: {  	s2 =	sld [smem:$0x3FD9]  }
0x89: {  	s3 =	sld [smem:$0x3FFE];
	_ =	sdelay $0x1  }
0x8a: {  	s1 =	srdreg.scid  }
0x8b: {  	s0 =	sand.u32 $0x1, s1  }
0x8c: {  	s17 =	sshll.u32 s0, $0xA;
	s2 =	sadd.s32 s3, s2  }
0x8d: {  	s2 =	sadd.s32 s2, s17  }
0x8e: {  	[smem:$0x3FBE] =	sst s2  }
0x8f: {  	_ = 	snop  }
0x90: {  	s2 =	sld [smem:$0x3FC7]  }
0x91: {  	s18 =	sld [smem:$0x3FC6]  }
0x92: {  	s4 =	sld [smem:$0x3FD0];
	(tm) =	ssettm $0x1  }
0x93: {  	s5 =	sld [smem:$0x3FFB];
	_ =	sdelay $0x3  }
0x94: {  	_ =	strace s5  }
0x95: {  	s5 =	sld [smem:$0x3FFC];
	_ =	sdelay $0x3  }
0x96: {  	_ =	strace s5  }
0x97: {  	s5 =	sld [smem:$0x3FFD];
	_ =	sdelay $0x3  }
0x98: {  	_ =	strace s5  }
0x99: {  	_ =	strace $0x8FFFFFFF  }
0x9a: {  	s19 =	sld [smem:$0x3FDB];
	_ =	sdelay $0x1  }
0x9b: {  	s6 =	simm.s32 $_scs_section_size  }
0x9c: {  	s7 =	simm.s32 $_size__tile_overlayer_lowered;
	s8 =	simm.s32 $_tile_overlayer_lowered  }
0x9d: {  	s22 =	simm.s32 $0x1BFF;
	s21 =	sshll.u32 s8, $0x1;
	s5 =	sadd.s32 s6, s19  }
0x9e: {  	s9 =	simm.s32 $0x0;
	s20 =	sshll.u32 s7, $0x1;
	s7 =	sadd.s32 s21, s5  }
0x9f: {  	[timem:s9], [sflag:s22] =	dma.local [hbm:s7], s20  }
0xa0: {  	_ =	swait.ge [sflag:s22], s20  }
0xa1: {  	s6 =	ssub.s32 $0x0, s20;
	[sflag:s22] =	ssyncset.done $0x0  }
0xa2: {  	[sflag:s22] =	ssyncadd.s32 s6;
	_ =	sdelay $0x1  }
0xa3: {  	s23 =	simm.s32 $0x1B8B  }
0xa4: {  	_ =	swait.ge [sflag:s23], $0x1  }
0xa5: {  	[sflag:s23] =	ssyncset.done $0x0  }
0xa6: {  	s25 =	simm.s32 $0x1B8E;
	s24 =	sld [smem:$0x3FFE];
	[sflag:s23] =	ssyncadd.s32 $0xFFFFFFFF  }
0xa7: {  	s26 =	simm.s32 $execute0_lowered;
	[smem:$0x3FD2] =	sst s25  }
0xa8: {  	s7 =	sshll.u32 s26, $0x1;
	_ =	strace $0x80000046;
	[dreg:$0x1] =	wrdreg $0xFFFFFFFF  }
0xa9: {  	s28 =	simm.s32 $_size_execute0_lowered;
	s5 =	sadd.s32 s5, s7;
	[dreg:$0x0] =	wrdreg $0x0  }
0xaa: {  	s7 =	sshll.u32 s28, $0x1;
	[dreg:$0x2] =	wrdreg s5  }
0xab: {  	[dreg:$0x3] =	wrdreg s7  }
0xac: {  	[dreg:$0x4] =	wrdreg $0xC0  }
0xad: {  	_ =	task [dreg:s9], $0x5FFFF  }
0xae: {  	[dreg:$0x1] =	wrdreg $0xFFFFFFFF  }
0xaf: {  	[dreg:$0x0] =	wrdreg $0x60  }
0xb0: {  	[dreg:$0x2] =	wrdreg s4  }
0xb1: {  	[dreg:$0x3] =	wrdreg s24  }
0xb2: {  	[dreg:$0x4] =	wrdreg s2  }
0xb3: {  	[dreg:$0x5] =	wrdreg s18  }
0xb4: {  	[dreg:$0x6] =	wrdreg $0x9  }
0xb5: {  	_ =	task.clear_ibuf [dreg:s9], $0x7FFFF;
	_ =	strace $0x90000046  }
0xb6: {  	s29 =	simm.s32 $0x9;
	_ =	strace $0x80000048  }
0xb7: {  	_ =	swait.ge [sflag:s29], $0x1  }
0xb8: {  	[sflag:s29] =	ssyncadd.s32 $0xFFFFFFFF  }
0xb9: {  	_ =	strace $0x90000048  }
0xba: {  	_ =	sfence  }
0xbb: {  	s30 =	sld [smem:$0x0];
	_ =	sdelay $0x2  }
0xbc: {  	s31 =	sshll.u32 s1, $0xD;
	s1 =	sshrl.u32 s1, $0x2  }
0xbd: {  	s3 =	sand.u32 $0x4000, s31;
	s1 =	sadd.s32 s1, s30  }
0xbe: {  	s0 =	sor.u32 s3, s0;
	s1 =	sshll.u32 s1, $0x11  }
0xbf: {  	s0 =	sor.u32 s1, s0  }
0xc0: {  	s0 =	sadd.s32 $0x8F2B, s0  }
0xc1: {  	[sflag:s0] =	ssyncadd.remote.s32 $0x1  }
0xc2: {  	_ =	sfence.sel $0xFFFF  }
0xc3: {  	[dreg:$0x0] =	wrdreg $0xFFFFFFFF;
	(pc) =	sbr.abs _section_cstart, $3  }
0xc4: {  	[dreg:$0x1] =	wrdreg $0xFFFFFFFF  }
0xc5: {  	_ =	task.clear_ibuf [dreg:s9], $0x2FFFF;
	_ =	strace $0x9FFFFFFF  }
0xc6: {  	(tm) =	ssettm $0x7FFFFFFF  }
0xc7: {  	_ =	shalt  }
tec
execute0_lowered:
.L_overlay_start_1:
0x0: {  	(tag) =	ssettag $0x1  }
0x1: {  	s0 =	rddreg [dreg:$0x0]  }
0x2: {  	s3 =	rddreg [dreg:$0x1];
	v0 =	vimm.s32 $0xFFFFFFFF;
	v1 =	vlaneseq.u32  }
0x3: {  	s1 =	rddreg [dreg:$0x2];
	v34 =	vimm.s32 $0x200;
	v2 =	vor.u32 $0x10, v1;
	v3 =	vor.u32 $0x20, v1  }
0x4: {  	s2 =	rddreg [dreg:$0x3];
	s5 =	srdreg.scid;
	v4 =	vor.u32 $0x30, v1;
	v5 =	vor.u32 $0x40, v1;
	v6 =	vor.u32 $0x50, v1  }
0x5: {  	s7 =	stileid.u32;
	s4 =	simm.s32 $0x0;
	s13 =	simm.s32 $0x780;
	v7 =	vor.u32 $0x60, v1;
	v8 =	vor.u32 $0x70, v1;
	v9 =	vor.u32 $0x90, v1  }
0x6: {  	s14 =	simm.s32 $0x500;
	s15 =	simm.s32 $0x400;
	s17 =	simm.s32 $0xB80;
	v10 =	vor.u32 $0xA0, v1;
	v11 =	vor.u32 $0xB0, v1;
	v12 =	vor.u32 $0xC0, v1  }
0x7: {  	s19 =	simm.s32 $0x1;
	s20 =	simm.s32 $0xCB80;
	s21 =	simm.s32 $0x2;
	v13 =	vor.u32 $0xD0, v1;
	v14 =	vor.u32 $0xE0, v1;
	v15 =	vor.u32 $0xF0, v1  }
0x8: {  	s6 =	sand.u32 $0x1, s5;
	s31 =	sshll.u32 s7, $0x1;
	[smem:$0x7FF] =	sst s4;
	v16 =	vor.u32 $0x100, v1;
	v17 =	vor.u32 $0x110, v1;
	v18 =	vor.u32 $0x120, v1  }
0x9: {  	s23 =	simm.s32 $0x0;
	v19 =	vor.u32 $0x130, v1;
	v20 =	vor.u32 $0x140, v1;
	v21 =	vor.u32 $0x150, v1;
	s7 =	sor.u32 s6, s31;
	_ =	strace $0x80000047  }
.Ltmp0:
0xa: {  	v22 =	vor.u32 $0x160, v1;
	v23 =	vor.u32 $0x170, v1;
	v24 =	vor.u32 $0x180, v1;
	s8 =	ssub.s32 $0x2, s6;
	s6 =	sadd.s32 $0x42800, s3;
	(pc) =	sbr.rel .LBB2_1-.Ltmp0, $4  }
0xb: {  	v25 =	vor.u32 $0x190, v1;
	v26 =	vor.u32 $0x1A0, v1;
	v27 =	vor.u32 $0x1B0, v1;
	s5 =	sshll.u32 s7, $0x7;
	s9 =	sshrl.u32 s8, $0x1;
	s11 =	sshll.u32 s7, $0x6  }
0xc: {  	v28 =	vor.u32 $0x1C0, v1;
	v29 =	vor.u32 $0x80, v1;
	v31 =	vmul.u32 $0x80, v1;
	s10 =	sadd.s32 s5, s3;
	s5 =	sadd.s32 $0x2800, s3;
	s12 =	ssub.s32 s8, s9  }
0xd: {  	v30 =	vor.u32 $0x1D0, v1;
	v32 =	vor.u32 $0x1E0, v1;
	v33 =	vor.u32 $0x1F0, v1;
	s7 =	sadd.s32 s0, s11;
	s9 =	sadd.s32 s3, s11;
	s8 =	sadd.s32 $0x800, s10  }
0xe: {  	v35 =	vor.u32 $0x800, v31;
	v36 =	vor.u32 $0x1000, v31;
	v37 =	vor.u32 $0x1800, v31;
	s10 =	sadd.s32 $0x1800, s10;
	s11 =	smax.u32 s12, $0x1;
	s12 =	simm.s32 $0x3  }
.LBB2_19:
0xf: {  	s23 =	sadd.s32 $0x1, s23  }
0x10: {  	_ =	swait.ge [sflag:s21], $0x2000;
	p0 =	sne.s32 s23, s11  }
.Ltmp1:
0x11: {  	[sflag:s21] =	ssyncset.done $0x0;
	(pc) =	sbr.rel @!p0 .LBB2_20-.Ltmp1, $4  }
0x12: {  	[sflag:s21] =	ssyncadd.s32 $0xFFFFE000  }
0x13: {  	_ =	swait.ge [sflag:s21], $0x2000  }
0x14: {  	[sflag:s21] =	ssyncset.done $0x0  }
0x15: {  	[sflag:s21] =	ssyncadd.s32 $0xFFFFE000  }
.LBB2_1:
0x16: {  	[tilespmem:s4], [sflag:$0x3] =	stream.linear.gather [hbm4b:s7+s4], $0x200, $0x38;
	[tilespmem:$0x10B80] =	vst v63  }
0x17: {  	_ =	swait.ge [sflag:s12], $0x200  }
0x18: {  	[sflag:s12] =	ssyncset.done $0x0  }
0x19: {  	[sflag:s12] =	ssyncadd.s32 $0xFFFFFE00  }
0x1a: {  	[tilespmem:s13], [sflag:$0x3] =	stream.linear.gather [hbm4b:s8+s4], $0x400, $0x38;
	[tilespmem:$0x10B80] =	vst v63  }
0x1b: {  	_ =	swait.ge [sflag:s12], $0x400  }
0x1c: {  	[sflag:s12] =	ssyncset.done $0x0  }
0x1d: {  	[sflag:s12] =	ssyncadd.s32 $0xFFFFFC00  }
0x1e: {  	v38 =	vld [tilespmem:$0x0]  }
0x1f: {  	v39 =	vld [tilespmem:$0x10]  }
0x20: {  	v40 =	vld [tilespmem:$0x20]  }
0x21: {  	v41 =	vld [tilespmem:$0x30]  }
0x22: {  	v42 =	vld [tilespmem:$0x40]  }
0x23: {  	[tilespmem:$0x280] =	vst v0;
	v43 =	vld [tilespmem:$0x50];
	v38 =	vshra.s32 v38, $0x7  }
0x24: {  	v44 =	vld [tilespmem:$0x60];
	v39 =	vshra.s32 v39, $0x7;
	[tilespmem:$0x290] =	vst v38  }
0x25: {  	v59 =	vld [tilespmem:$0x70];
	v58 =	vshra.s32 v40, $0x7;
	[tilespmem:$0x2A0] =	vst v39  }
0x26: {  	v61 =	vld [tilespmem:$0x80];
	v60 =	vshra.s32 v41, $0x7;
	[tilespmem:$0x2B0] =	vst v58  }
0x27: {  	v63 =	vld [tilespmem:$0x90];
	v62 =	vshra.s32 v42, $0x7;
	[tilespmem:$0x2C0] =	vst v60  }
0x28: {  	v49 =	vld [tilespmem:$0xA0];
	v48 =	vshra.s32 v43, $0x7;
	[tilespmem:$0x2D0] =	vst v62  }
0x29: {  	v51 =	vld [tilespmem:$0xB0];
	v50 =	vshra.s32 v44, $0x7;
	[tilespmem:$0x2E0] =	vst v48  }
0x2a: {  	v53 =	vld [tilespmem:$0xC0];
	v52 =	vshra.s32 v59, $0x7;
	[tilespmem:$0x2F0] =	vst v50  }
0x2b: {  	v55 =	vld [tilespmem:$0xD0];
	v54 =	vshra.s32 v61, $0x7;
	[tilespmem:$0x300] =	vst v52  }
0x2c: {  	v57 =	vld [tilespmem:$0xE0];
	v56 =	vshra.s32 v63, $0x7;
	[tilespmem:$0x310] =	vst v54  }
0x2d: {  	v59 =	vld [tilespmem:$0xF0];
	[tilespmem:$0x320] =	vst v56;
	v58 =	vshra.s32 v49, $0x7  }
0x2e: {  	v61 =	vld [tilespmem:$0x100];
	v60 =	vshra.s32 v51, $0x7;
	[tilespmem:$0x330] =	vst v58  }
0x2f: {  	v63 =	vld [tilespmem:$0x110];
	v62 =	vshra.s32 v53, $0x7;
	[tilespmem:$0x340] =	vst v60  }
0x30: {  	v48 =	vshra.s32 v55, $0x7;
	v49 =	vld [tilespmem:$0x120];
	[tilespmem:$0x350] =	vst v62  }
0x31: {  	v50 =	vshra.s32 v57, $0x7;
	v51 =	vld [tilespmem:$0x130];
	[tilespmem:$0x360] =	vst v48  }
0x32: {  	v53 =	vld [tilespmem:$0x140];
	[tilespmem:$0x370] =	vst v50;
	v52 =	vshra.s32 v59, $0x7  }
0x33: {  	v55 =	vld [tilespmem:$0x150];
	v54 =	vshra.s32 v61, $0x7;
	[tilespmem:$0x380] =	vst v52  }
0x34: {  	v57 =	vld [tilespmem:$0x160];
	v56 =	vshra.s32 v63, $0x7;
	[tilespmem:$0x390] =	vst v54  }
0x35: {  	v59 =	vld [tilespmem:$0x170];
	[tilespmem:$0x3A0] =	vst v56;
	v58 =	vshra.s32 v49, $0x7  }
0x36: {  	v61 =	vld [tilespmem:$0x180];
	v60 =	vshra.s32 v51, $0x7;
	[tilespmem:$0x3B0] =	vst v58  }
0x37: {  	v63 =	vld [tilespmem:$0x190];
	v62 =	vshra.s32 v53, $0x7;
	[tilespmem:$0x3C0] =	vst v60  }
0x38: {  	v48 =	vshra.s32 v55, $0x7;
	v49 =	vld [tilespmem:$0x1A0];
	[tilespmem:$0x3D0] =	vst v62  }
0x39: {  	v50 =	vshra.s32 v57, $0x7;
	v51 =	vld [tilespmem:$0x1B0];
	[tilespmem:$0x3E0] =	vst v48  }
0x3a: {  	v53 =	vld [tilespmem:$0x1C0];
	[tilespmem:$0x3F0] =	vst v50;
	v52 =	vshra.s32 v59, $0x7  }
0x3b: {  	v55 =	vld [tilespmem:$0x1D0];
	v54 =	vshra.s32 v61, $0x7;
	[tilespmem:$0x400] =	vst v52  }
0x3c: {  	v57 =	vld [tilespmem:$0x1E0];
	v56 =	vshra.s32 v63, $0x7;
	[tilespmem:$0x410] =	vst v54  }
0x3d: {  	v59 =	vld [tilespmem:$0x1F0];
	[tilespmem:$0x420] =	vst v56;
	v58 =	vshra.s32 v49, $0x7  }
0x3e: {  	v61 =	vld [tilespmem:$0x28F];
	v60 =	vshra.s32 v51, $0x7;
	[tilespmem:$0x430] =	vst v58  }
0x3f: {  	v62 =	vshra.s32 v53, $0x7;
	[tilespmem:$0x440] =	vst v60  }
0x40: {  	v63 =	vshra.s32 v55, $0x7;
	[tilespmem:$0x450] =	vst v62  }
0x41: {  	v42 =	vshra.s32 v57, $0x7;
	[tilespmem:$0x460] =	vst v63  }
0x42: {  	[tilespmem:$0x470] =	vst v42;
	v43 =	vshra.s32 v59, $0x7  }
0x43: {  	vm0 =	vne.s32 v38, v61;
	[tilespmem:$0x480] =	vst v43  }
0x44: {  	[tilespmem:s14+$0x0] =	vst.msk vm0, v1  }
0x45: {  	v38 =	vmpcnt.ones.xlane vm0;
	v44 =	vld [tilespmem:$0x2A0]  }
0x46: {  	v45 =	vld [tilespmem:$0x29F]  }
0x47: {  	(v2sf) =	vpush v38, $0x0;
	_ =	sdelay $0x3  }
0x48: {  	vm9 =	vne.s32 v44, v45  }
0x49: {  	v46 =	vmpcnt.ones.xlane vm9;
	_ =	sdelay $0x1  }
0x4a: {  	(v2sf) =	vpush v46, $0x0;
	_ =	sdelay $0x7  }
0x4b: {  	s0 =	spop (v2sf)  }
0x4c: {  	[tilespmem:s0+$0x500] =	vst.msk vm9, v2  }
0x4d: {  	v47 =	vld [tilespmem:$0x2B0]  }
0x4e: {  	v48 =	vld [tilespmem:$0x2AF];
	_ =	sdelay $0x3  }
0x4f: {  	s3 =	spop (v2sf)  }
0x50: {  	vm10 =	vne.s32 v47, v48;
	s0 =	sadd.s32 s0, s3  }
0x51: {  	v38 =	vmpcnt.ones.xlane vm10;
	[tilespmem:s0+$0x500] =	vst.msk vm10, v3  }
0x52: {  	v49 =	vld [tilespmem:$0x2C0]  }
0x53: {  	(v2sf) =	vpush v38, $0x0;
	v50 =	vld [tilespmem:$0x2BF];
	_ =	sdelay $0x4  }
0x54: {  	vm11 =	vne.s32 v49, v50  }
0x55: {  	v38 =	vmpcnt.ones.xlane vm11;
	_ =	sdelay $0x1  }
0x56: {  	(v2sf) =	vpush v38, $0x0;
	_ =	sdelay $0x6  }
0x57: {  	s16 =	spop (v2sf)  }
0x58: {  	s0 =	sadd.s32 s0, s16  }
0x59: {  	[tilespmem:s0+$0x500] =	vst.msk vm11, v4  }
0x5a: {  	v51 =	vld [tilespmem:$0x2D0]  }
0x5b: {  	v52 =	vld [tilespmem:$0x2CF];
	_ =	sdelay $0x3  }
0x5c: {  	s18 =	spop (v2sf)  }
0x5d: {  	vm12 =	vne.s32 v51, v52;
	s0 =	sadd.s32 s0, s18  }
0x5e: {  	v38 =	vmpcnt.ones.xlane vm12;
	[tilespmem:s0+$0x500] =	vst.msk vm12, v5  }
0x5f: {  	v53 =	vld [tilespmem:$0x2E0]  }
0x60: {  	(v2sf) =	vpush v38, $0x0;
	v54 =	vld [tilespmem:$0x2DF];
	_ =	sdelay $0x4  }
0x61: {  	vm13 =	vne.s32 v53, v54  }
0x62: {  	v38 =	vmpcnt.ones.xlane vm13;
	_ =	sdelay $0x1  }
0x63: {  	(v2sf) =	vpush v38, $0x0;
	_ =	sdelay $0x6  }
0x64: {  	s22 =	spop (v2sf)  }
0x65: {  	s0 =	sadd.s32 s0, s22  }
0x66: {  	[tilespmem:s0+$0x500] =	vst.msk vm13, v6  }
0x67: {  	v55 =	vld [tilespmem:$0x2F0]  }
0x68: {  	v56 =	vld [tilespmem:$0x2EF];
	_ =	sdelay $0x3  }
0x69: {  	s24 =	spop (v2sf)  }
0x6a: {  	vm14 =	vne.s32 v55, v56;
	s0 =	sadd.s32 s0, s24  }
0x6b: {  	v38 =	vmpcnt.ones.xlane vm14;
	[tilespmem:s0+$0x500] =	vst.msk vm14, v7  }
0x6c: {  	v57 =	vld [tilespmem:$0x300]  }
0x6d: {  	(v2sf) =	vpush v38, $0x0;
	v58 =	vld [tilespmem:$0x2FF];
	_ =	sdelay $0x4  }
0x6e: {  	vm15 =	vne.s32 v57, v58  }
0x6f: {  	v38 =	vmpcnt.ones.xlane vm15;
	_ =	sdelay $0x1  }
0x70: {  	(v2sf) =	vpush v38, $0x0;
	_ =	sdelay $0x6  }
0x71: {  	s25 =	spop (v2sf)  }
0x72: {  	s0 =	sadd.s32 s0, s25  }
0x73: {  	[tilespmem:s0+$0x500] =	vst.msk vm15, v8  }
0x74: {  	v59 =	vld [tilespmem:$0x310]  }
0x75: {  	v60 =	vld [tilespmem:$0x30F];
	_ =	sdelay $0x3  }
0x76: {  	s26 =	spop (v2sf)  }
0x77: {  	vm4 =	vne.s32 v59, v60;
	s0 =	sadd.s32 s0, s26  }
0x78: {  	v38 =	vmpcnt.ones.xlane vm4;
	[tilespmem:s0+$0x500] =	vst.msk vm4, v29  }
0x79: {  	v61 =	vld [tilespmem:$0x320]  }
0x7a: {  	(v2sf) =	vpush v38, $0x0;
	v62 =	vld [tilespmem:$0x31F];
	_ =	sdelay $0x4  }
0x7b: {  	vm5 =	vne.s32 v61, v62  }
0x7c: {  	v38 =	vmpcnt.ones.xlane vm5;
	_ =	sdelay $0x1  }
0x7d: {  	(v2sf) =	vpush v38, $0x0;
	_ =	sdelay $0x6  }
0x7e: {  	s28 =	spop (v2sf)  }
0x7f: {  	s0 =	sadd.s32 s0, s28  }
0x80: {  	[tilespmem:s0+$0x500] =	vst.msk vm5, v9  }
0x81: {  	v63 =	vld [tilespmem:$0x330]  }
0x82: {  	v42 =	vld [tilespmem:$0x32F];
	_ =	sdelay $0x3  }
0x83: {  	s29 =	spop (v2sf)  }
0x84: {  	vm6 =	vne.s32 v63, v42;
	s0 =	sadd.s32 s0, s29  }
0x85: {  	v38 =	vmpcnt.ones.xlane vm6;
	[tilespmem:s0+$0x500] =	vst.msk vm6, v10  }
0x86: {  	v43 =	vld [tilespmem:$0x340]  }
0x87: {  	(v2sf) =	vpush v38, $0x0;
	v44 =	vld [tilespmem:$0x33F];
	_ =	sdelay $0x4  }
0x88: {  	vm7 =	vne.s32 v43, v44  }
0x89: {  	v38 =	vmpcnt.ones.xlane vm7;
	_ =	sdelay $0x1  }
0x8a: {  	(v2sf) =	vpush v38, $0x0;
	_ =	sdelay $0x6  }
0x8b: {  	s30 =	spop (v2sf)  }
0x8c: {  	s0 =	sadd.s32 s0, s30  }
0x8d: {  	[tilespmem:s0+$0x500] =	vst.msk vm7, v11  }
0x8e: {  	v45 =	vld [tilespmem:$0x350]  }
0x8f: {  	v46 =	vld [tilespmem:$0x34F];
	_ =	sdelay $0x3  }
0x90: {  	s31 =	spop (v2sf)  }
0x91: {  	vm8 =	vne.s32 v45, v46;
	s0 =	sadd.s32 s0, s31  }
0x92: {  	v38 =	vmpcnt.ones.xlane vm8;
	[tilespmem:s0+$0x500] =	vst.msk vm8, v12  }
0x93: {  	v47 =	vld [tilespmem:$0x360]  }
0x94: {  	(v2sf) =	vpush v38, $0x0;
	v48 =	vld [tilespmem:$0x35F];
	_ =	sdelay $0x4  }
0x95: {  	vm9 =	vne.s32 v47, v48  }
0x96: {  	v38 =	vmpcnt.ones.xlane vm9;
	_ =	sdelay $0x1  }
0x97: {  	(v2sf) =	vpush v38, $0x0;
	_ =	sdelay $0x6  }
0x98: {  	s16 =	spop (v2sf)  }
0x99: {  	s0 =	sadd.s32 s0, s16  }
0x9a: {  	[tilespmem:s0+$0x500] =	vst.msk vm9, v13  }
0x9b: {  	v49 =	vld [tilespmem:$0x370]  }
0x9c: {  	v50 =	vld [tilespmem:$0x36F];
	_ =	sdelay $0x3  }
0x9d: {  	s18 =	spop (v2sf)  }
0x9e: {  	vm10 =	vne.s32 v49, v50;
	s0 =	sadd.s32 s0, s18  }
0x9f: {  	v38 =	vmpcnt.ones.xlane vm10;
	[tilespmem:s0+$0x500] =	vst.msk vm10, v14  }
0xa0: {  	v51 =	vld [tilespmem:$0x380]  }
0xa1: {  	(v2sf) =	vpush v38, $0x0;
	v52 =	vld [tilespmem:$0x37F];
	_ =	sdelay $0x4  }
0xa2: {  	vm11 =	vne.s32 v51, v52  }
0xa3: {  	v38 =	vmpcnt.ones.xlane vm11;
	_ =	sdelay $0x1  }
0xa4: {  	(v2sf) =	vpush v38, $0x0;
	_ =	sdelay $0x6  }
0xa5: {  	s22 =	spop (v2sf)  }
0xa6: {  	s0 =	sadd.s32 s0, s22  }
0xa7: {  	[tilespmem:s0+$0x500] =	vst.msk vm11, v15  }
0xa8: {  	v53 =	vld [tilespmem:$0x390]  }
0xa9: {  	v54 =	vld [tilespmem:$0x38F];
	_ =	sdelay $0x3  }
0xaa: {  	s24 =	spop (v2sf)  }
0xab: {  	vm12 =	vne.s32 v53, v54;
	s0 =	sadd.s32 s0, s24  }
0xac: {  	v38 =	vmpcnt.ones.xlane vm12;
	[tilespmem:s0+$0x500] =	vst.msk vm12, v16  }
0xad: {  	v55 =	vld [tilespmem:$0x3A0]  }
0xae: {  	(v2sf) =	vpush v38, $0x0;
	v56 =	vld [tilespmem:$0x39F];
	_ =	sdelay $0x4  }
0xaf: {  	vm13 =	vne.s32 v55, v56  }
0xb0: {  	v38 =	vmpcnt.ones.xlane vm13;
	_ =	sdelay $0x1  }
0xb1: {  	(v2sf) =	vpush v38, $0x0;
	_ =	sdelay $0x6  }
0xb2: {  	s25 =	spop (v2sf)  }
0xb3: {  	s0 =	sadd.s32 s0, s25  }
0xb4: {  	[tilespmem:s0+$0x500] =	vst.msk vm13, v17  }
0xb5: {  	v57 =	vld [tilespmem:$0x3B0]  }
0xb6: {  	v58 =	vld [tilespmem:$0x3AF];
	_ =	sdelay $0x3  }
0xb7: {  	s26 =	spop (v2sf)  }
0xb8: {  	vm14 =	vne.s32 v57, v58;
	s0 =	sadd.s32 s0, s26  }
0xb9: {  	v38 =	vmpcnt.ones.xlane vm14;
	[tilespmem:s0+$0x500] =	vst.msk vm14, v18  }
0xba: {  	v59 =	vld [tilespmem:$0x3C0]  }
0xbb: {  	(v2sf) =	vpush v38, $0x0;
	v60 =	vld [tilespmem:$0x3BF];
	_ =	sdelay $0x4  }
0xbc: {  	vm15 =	vne.s32 v59, v60  }
0xbd: {  	v38 =	vmpcnt.ones.xlane vm15;
	_ =	sdelay $0x1  }
0xbe: {  	(v2sf) =	vpush v38, $0x0;
	_ =	sdelay $0x6  }
0xbf: {  	s28 =	spop (v2sf)  }
0xc0: {  	s0 =	sadd.s32 s0, s28  }
0xc1: {  	[tilespmem:s0+$0x500] =	vst.msk vm15, v19  }
0xc2: {  	v61 =	vld [tilespmem:$0x3D0]  }
0xc3: {  	v62 =	vld [tilespmem:$0x3CF];
	_ =	sdelay $0x3  }
0xc4: {  	s29 =	spop (v2sf)  }
0xc5: {  	vm4 =	vne.s32 v61, v62;
	s0 =	sadd.s32 s0, s29  }
0xc6: {  	v38 =	vmpcnt.ones.xlane vm4;
	[tilespmem:s0+$0x500] =	vst.msk vm4, v20  }
0xc7: {  	v63 =	vld [tilespmem:$0x3E0]  }
0xc8: {  	(v2sf) =	vpush v38, $0x0;
	v42 =	vld [tilespmem:$0x3DF];
	_ =	sdelay $0x4  }
0xc9: {  	vm5 =	vne.s32 v63, v42  }
0xca: {  	v38 =	vmpcnt.ones.xlane vm5;
	_ =	sdelay $0x1  }
0xcb: {  	(v2sf) =	vpush v38, $0x0;
	_ =	sdelay $0x6  }
0xcc: {  	s30 =	spop (v2sf)  }
0xcd: {  	s0 =	sadd.s32 s0, s30  }
0xce: {  	[tilespmem:s0+$0x500] =	vst.msk vm5, v21  }
0xcf: {  	v43 =	vld [tilespmem:$0x3F0]  }
0xd0: {  	v44 =	vld [tilespmem:$0x3EF];
	_ =	sdelay $0x3  }
0xd1: {  	s31 =	spop (v2sf)  }
0xd2: {  	vm6 =	vne.s32 v43, v44;
	s0 =	sadd.s32 s0, s31  }
0xd3: {  	v38 =	vmpcnt.ones.xlane vm6;
	[tilespmem:s0+$0x500] =	vst.msk vm6, v22  }
0xd4: {  	v45 =	vld [tilespmem:$0x400]  }
0xd5: {  	(v2sf) =	vpush v38, $0x0;
	v46 =	vld [tilespmem:$0x3FF];
	_ =	sdelay $0x4  }
0xd6: {  	vm7 =	vne.s32 v45, v46  }
0xd7: {  	v38 =	vmpcnt.ones.xlane vm7;
	_ =	sdelay $0x1  }
0xd8: {  	(v2sf) =	vpush v38, $0x0;
	_ =	sdelay $0x6  }
0xd9: {  	s16 =	spop (v2sf)  }
0xda: {  	s0 =	sadd.s32 s0, s16  }
0xdb: {  	[tilespmem:s0+$0x500] =	vst.msk vm7, v23  }
0xdc: {  	v47 =	vld [tilespmem:$0x410]  }
0xdd: {  	v48 =	vld [tilespmem:$0x40F];
	_ =	sdelay $0x3  }
0xde: {  	s18 =	spop (v2sf)  }
0xdf: {  	vm8 =	vne.s32 v47, v48;
	s0 =	sadd.s32 s0, s18  }
0xe0: {  	v38 =	vmpcnt.ones.xlane vm8;
	[tilespmem:s0+$0x500] =	vst.msk vm8, v24  }
0xe1: {  	v49 =	vld [tilespmem:$0x420]  }
0xe2: {  	(v2sf) =	vpush v38, $0x0;
	v50 =	vld [tilespmem:$0x41F];
	_ =	sdelay $0x4  }
0xe3: {  	vm9 =	vne.s32 v49, v50  }
0xe4: {  	v38 =	vmpcnt.ones.xlane vm9;
	_ =	sdelay $0x1  }
0xe5: {  	(v2sf) =	vpush v38, $0x0;
	_ =	sdelay $0x6  }
0xe6: {  	s22 =	spop (v2sf)  }
0xe7: {  	s0 =	sadd.s32 s0, s22  }
0xe8: {  	[tilespmem:s0+$0x500] =	vst.msk vm9, v25  }
0xe9: {  	v51 =	vld [tilespmem:$0x430]  }
0xea: {  	v52 =	vld [tilespmem:$0x42F];
	_ =	sdelay $0x3  }
0xeb: {  	s24 =	spop (v2sf)  }
0xec: {  	vm10 =	vne.s32 v51, v52;
	s0 =	sadd.s32 s0, s24  }
0xed: {  	v38 =	vmpcnt.ones.xlane vm10;
	[tilespmem:s0+$0x500] =	vst.msk vm10, v26  }
0xee: {  	v53 =	vld [tilespmem:$0x440]  }
0xef: {  	(v2sf) =	vpush v38, $0x0;
	v54 =	vld [tilespmem:$0x43F];
	_ =	sdelay $0x4  }
0xf0: {  	vm11 =	vne.s32 v53, v54  }
0xf1: {  	v38 =	vmpcnt.ones.xlane vm11;
	_ =	sdelay $0x1  }
0xf2: {  	(v2sf) =	vpush v38, $0x0;
	_ =	sdelay $0x6  }
0xf3: {  	s25 =	spop (v2sf)  }
0xf4: {  	s0 =	sadd.s32 s0, s25  }
0xf5: {  	[tilespmem:s0+$0x500] =	vst.msk vm11, v27  }
0xf6: {  	v55 =	vld [tilespmem:$0x450]  }
0xf7: {  	v56 =	vld [tilespmem:$0x44F];
	_ =	sdelay $0x3  }
0xf8: {  	s26 =	spop (v2sf)  }
0xf9: {  	vm12 =	vne.s32 v55, v56;
	s0 =	sadd.s32 s0, s26  }
0xfa: {  	v38 =	vmpcnt.ones.xlane vm12;
	[tilespmem:s0+$0x500] =	vst.msk vm12, v28  }
0xfb: {  	v57 =	vld [tilespmem:$0x460]  }
0xfc: {  	(v2sf) =	vpush v38, $0x0;
	v58 =	vld [tilespmem:$0x45F];
	_ =	sdelay $0x4  }
0xfd: {  	vm13 =	vne.s32 v57, v58  }
0xfe: {  	v38 =	vmpcnt.ones.xlane vm13;
	_ =	sdelay $0x1  }
0xff: {  	(v2sf) =	vpush v38, $0x0;
	_ =	sdelay $0x6  }
0x100: {  	s28 =	spop (v2sf)  }
0x101: {  	s0 =	sadd.s32 s0, s28  }
0x102: {  	[tilespmem:s0+$0x500] =	vst.msk vm13, v30  }
0x103: {  	v59 =	vld [tilespmem:$0x470]  }
0x104: {  	v60 =	vld [tilespmem:$0x46F];
	_ =	sdelay $0x3  }
0x105: {  	s29 =	spop (v2sf)  }
0x106: {  	vm14 =	vne.s32 v59, v60;
	s0 =	sadd.s32 s0, s29  }
0x107: {  	[tilespmem:s0+$0x500] =	vst.msk vm14, v32  }
0x108: {  	v61 =	vld [tilespmem:$0x480]  }
0x109: {  	v62 =	vld [tilespmem:$0x47F];
	_ =	sdelay $0x4  }
0x10a: {  	v63 =	vmpcnt.ones.xlane vm14;
	vm15 =	vne.s32 v61, v62  }
0x10b: {  	v38 =	vmpcnt.ones.xlane vm15  }
0x10c: {  	(v2sf) =	vpush v63, $0x0  }
0x10d: {  	(v2sf) =	vpush v38, $0x0;
	_ =	sdelay $0xd  }
0x10e: {  	s30 =	spop (v2sf)  }
0x10f: {  	s0 =	sadd.s32 s0, s30;
	s31 =	spop (v2sf)  }
0x110: {  	s24 =	sadd.s32 s0, s31  }
0x111: {  	p0 =	slt.s32 s24, $0x1  }
.Ltmp2:
0x112: {  	_ = 	snop;
	(pc) =	sbr.rel @p0 .LBB2_10-.Ltmp2, $3  }
0x113: {  	_ =	sdelay $0x1  }
0x114: {  	[tilespmem:s0+$0x500] =	vst.msk vm15, v33  }
0x115: {  	[tilespmem:s24+$0x500] =	vst v34  }
0x116: {  	v38 =	vld [tilespmem:$0x500];
	_ =	sdelay $0x4  }
0x117: {  	(v2sf) =	vpush v38, $0x0;
	_ =	sdelay $0xe  }
0x118: {  	s0 =	spop (v2sf)  }
0x119: {  	v63 =	vld [tilespmem:s0+$0x0];
	_ =	sdelay $0x4  }
0x11a: {  	(v2sf) =	vpush v63, $0x0;
	_ =	sdelay $0xe  }
0x11b: {  	s31 =	spop (v2sf)  }
0x11c: {  	s0 =	sand.u32 $0xFFFFF80, s31  }
0x11d: {  	s3 =	simm.s32 $0x7A1400;
	p0 =	seq.s32 s24, $0x1;
	s0 =	sadd.s32 s1, s0  }
0x11e: {  	[tilespmem:s17], [sflag:$0x1] =	stream.strided.gather [hbm4b:s0+s15], $0x2000, s3, s15, $0x38;
	[tilespmem:$0x10B80] =	vst v63  }
0x11f: {  	v38 =	vld @!p0 [tilespmem:$0x501];
	_ =	sdelay $0x4  }
0x120: {  	(v2sf) =	vpush @!p0 v38, $0x0;
	_ =	sdelay $0xe  }
0x121: {  	s0 =	spop @!p0 (v2sf)  }
0x122: {  	v38 =	vld @!p0 [tilespmem:s0+$0x0];
	_ =	sdelay $0x4  }
0x123: {  	(v2sf) =	vpush @!p0 v38, $0x0;
	_ =	sdelay $0xe  }
0x124: {  	s25 =	simm.s32 @!p0 $0x7A1400;
	s0 =	spop @!p0 (v2sf)  }
0x125: {  	s26 =	simm.s32 @!p0 $0x2B80;
	s0 =	sand.u32 @!p0 $0xFFFFF80, s0  }
0x126: {  	p1 =	slt.u32 @!p0 s24, $0x3;
	s3 =	simm.s32 @!p0 $0x400;
	s0 =	sadd.s32 @!p0 s1, s0  }
0x127: {  	[tilespmem:s26], [sflag:$0x1] =	stream.strided.gather @!p0 [hbm4b:s0+s3], $0x2000, s25, s3, $0x38;
	[tilespmem:$0x10B80] =	vst v63  }
0x128: {  	p0 =	por p0, p1  }
.Ltmp3:
0x129: {  	_ = 	snop;
	(pc) =	sbr.rel @p0 .LBB2_4-.Ltmp3, $1  }
0x12a: {  	_ =	sdelay $0x3  }
0x12b: {  	v38 =	vld [tilespmem:$0x502];
	_ =	sdelay $0x4  }
0x12c: {  	(v2sf) =	vpush v38, $0x0;
	_ =	sdelay $0xe  }
0x12d: {  	s0 =	spop (v2sf)  }
0x12e: {  	v63 =	vld [tilespmem:s0+$0x0];
	_ =	sdelay $0x4  }
0x12f: {  	(v2sf) =	vpush v63, $0x0;
	_ =	sdelay $0xe  }
0x130: {  	s31 =	spop (v2sf)  }
0x131: {  	s3 =	simm.s32 $0x7A1400;
	s0 =	sand.u32 $0xFFFFF80, s31  }
0x132: {  	s16 =	simm.s32 $0x4B80;
	p0 =	seq.s32 s24, $0x3;
	s0 =	sadd.s32 s1, s0  }
0x133: {  	[tilespmem:s16], [sflag:$0x1] =	stream.strided.gather [hbm4b:s0+s15], $0x2000, s3, s15, $0x38;
	[tilespmem:$0x10B80] =	vst v63  }
0x134: {  	v38 =	vld @!p0 [tilespmem:$0x503];
	_ =	sdelay $0x4  }
0x135: {  	(v2sf) =	vpush @!p0 v38, $0x0;
	_ =	sdelay $0xe  }
0x136: {  	s0 =	spop @!p0 (v2sf)  }
0x137: {  	v38 =	vld @!p0 [tilespmem:s0+$0x0];
	_ =	sdelay $0x4  }
0x138: {  	(v2sf) =	vpush @!p0 v38, $0x0;
	_ =	sdelay $0xe  }
0x139: {  	s25 =	simm.s32 @!p0 $0x7A1400;
	s0 =	spop @!p0 (v2sf)  }
0x13a: {  	s26 =	simm.s32 @!p0 $0x6B80;
	p1 =	slt.u32 @!p0 s24, $0x5;
	s0 =	sand.u32 @!p0 $0xFFFFF80, s0  }
0x13b: {  	p2 =	por p1, p0;
	s3 =	simm.s32 @!p0 $0x400;
	s0 =	sadd.s32 @!p0 s1, s0  }
0x13c: {  	[tilespmem:s26], [sflag:$0x1] =	stream.strided.gather @!p0 [hbm4b:s0+s3], $0x2000, s25, s3, $0x38;
	[tilespmem:$0x10B80] =	vst v63  }
0x13d: {  	v38 =	vld @!p2 [tilespmem:$0x504];
	_ =	sdelay $0x4  }
0x13e: {  	(v2sf) =	vpush @!p2 v38, $0x0;
	_ =	sdelay $0xe  }
0x13f: {  	s0 =	spop @!p2 (v2sf)  }
0x140: {  	v38 =	vld @!p2 [tilespmem:s0+$0x0];
	_ =	sdelay $0x4  }
0x141: {  	(v2sf) =	vpush @!p2 v38, $0x0;
	_ =	sdelay $0xe  }
0x142: {  	s0 =	spop @!p2 (v2sf)  }
0x143: {  	s3 =	simm.s32 @!p2 $0x400;
	s0 =	sand.u32 @!p2 $0xFFFFF80, s0  }
0x144: {  	s25 =	simm.s32 @!p2 $0x7A1400;
	s26 =	simm.s32 @!p2 $0x8B80;
	s0 =	sadd.s32 @!p2 s1, s0  }
0x145: {  	[tilespmem:s26], [sflag:$0x1] =	stream.strided.gather @!p2 [hbm4b:s0+s3], $0x2000, s25, s3, $0x38;
	[tilespmem:$0x10B80] =	vst v63  }
0x146: {  	p2 =	seq.s32 @!p2 s24, $0x5  }
0x147: {  	p1 =	por @!p0 p2, p1  }
0x148: {  	p0 =	por p1, p0  }
0x149: {  	v38 =	vld @!p0 [tilespmem:$0x505];
	_ =	sdelay $0x4  }
0x14a: {  	(v2sf) =	vpush @!p0 v38, $0x0;
	_ =	sdelay $0xe  }
0x14b: {  	s0 =	spop @!p0 (v2sf)  }
0x14c: {  	v38 =	vld @!p0 [tilespmem:s0+$0x0];
	_ =	sdelay $0x4  }
0x14d: {  	(v2sf) =	vpush @!p0 v38, $0x0;
	_ =	sdelay $0xe  }
0x14e: {  	s0 =	spop @!p0 (v2sf)  }
0x14f: {  	s3 =	simm.s32 @!p0 $0x400;
	s0 =	sand.u32 @!p0 $0xFFFFF80, s0  }
0x150: {  	s25 =	simm.s32 @!p0 $0x7A1400;
	s26 =	simm.s32 @!p0 $0xAB80;
	s0 =	sadd.s32 @!p0 s1, s0  }
0x151: {  	[tilespmem:s26], [sflag:$0x1] =	stream.strided.gather @!p0 [hbm4b:s0+s3], $0x2000, s25, s3, $0x38;
	[tilespmem:$0x10B80] =	vst v63  }
.LBB2_4:
.Ltmp4:
0x152: {  	(pc) =	sbr.rel .LBB2_5-.Ltmp4, $2  }
0x153: {  	_ =	sdelay $0x2  }
0x154: {  	s25 =	simm.s32 $0x0  }
.LBB2_8:
0x155: {  	[hbm4b:s5+s3] =	stream.indirect.scatter @!p1 [tilespmem:s31], [sflag:$0x2], $0x80, s0, s3, $0xb8;
	[tilespmem:$0x10B80] =	vst v63  }
.LBB2_9:
0x156: {  	s0 =	sadd.s32 $0x6, s25  }
0x157: {  	p0 =	sge.s32 s0, s24  }
0x158: {  	v38 =	vld @!p0 [tilespmem:s0+$0x500];
	_ =	sdelay $0x4  }
0x159: {  	(v2sf) =	vpush @!p0 v38, $0x0;
	_ =	sdelay $0xe  }
0x15a: {  	s0 =	spop @!p0 (v2sf)  }
0x15b: {  	v38 =	vld @!p0 [tilespmem:s0+$0x0];
	_ =	sdelay $0x4  }
0x15c: {  	(v2sf) =	vpush @!p0 v38, $0x0;
	_ =	sdelay $0xe  }
0x15d: {  	s0 =	spop @!p0 (v2sf)  }
0x15e: {  	s3 =	sor.u32 $0xB80, s26;
	s25 =	sadd.s32 $0x1, s25;
	s0 =	sand.u32 @!p0 $0xFFFFF80, s0  }
0x15f: {  	s16 =	simm.s32 @!p0 $0x400;
	s18 =	simm.s32 @!p0 $0x7A1400;
	s0 =	sadd.s32 @!p0 s1, s0  }
0x160: {  	[tilespmem:s3], [sflag:$0x1] =	stream.strided.gather @!p0 [hbm4b:s0+s16], $0x2000, s18, s16, $0x38;
	[tilespmem:$0x10B80] =	vst v63  }
0x161: {  	p0 =	slt.s32 s25, s24  }
.Ltmp5:
0x162: {  	_ = 	snop;
	(pc) =	sbr.rel @!p0 .LBB2_10-.Ltmp5, $1  }
0x163: {  	_ =	sdelay $0x3  }
.LBB2_5:
0x164: {  	_ =	swait.ge [sflag:s19], $0x2000  }
0x165: {  	[sflag:s19] =	ssyncset.done $0x0  }
0x166: {  	[sflag:s19] =	ssyncadd.s32 $0xFFFFE000  }
0x167: {  	v38 =	vld [tilespmem:s25+$0x500]  }
0x168: {  	v39 =	vld [tilespmem:s25+$0x501];
	_ =	sdelay $0x3  }
0x169: {  	(v2sf) =	vpush v38, $0x0  }
0x16a: {  	(v2sf) =	vpush v39, $0x0;
	_ =	sdelay $0xa  }
0x16b: {  	s0 =	smulhi.u32 $0xAAAAAAAB, s25;
	_ =	sdelay $0x1  }
0x16c: {  	s0 =	sshrl.u32 s0, $0x2  }
0x16d: {  	s3 =	smul.u32 $0x6, s0;
	s0 =	spop (v2sf)  }
0x16e: {  	s28 =	spop (v2sf)  }
0x16f: {  	p0 =	sge.s32 s0, s28  }
.Ltmp6:
0x170: {  	_ = 	snop;
	(pc) =	sbr.rel @p0 .LBB2_9-.Ltmp6, $3  }
0x171: {  	_ =	sdelay $0x1  }
0x172: {  	s3 =	ssub.s32 s25, s3  }
0x173: {  	s26 =	sshll.u32 s3, $0xD  }
0x174: {  	s3 =	sshll.u32 s0, $0x2  }
0x175: {  	s30 =	sshra.s32 s3, $0x2  }
0x176: {  	v38 =	vld [tilespmem:s30+$0x0];
	_ =	sdelay $0x4  }
0x177: {  	(v2sf) =	vpush v38, $0x0;
	_ =	sdelay $0xe  }
0x178: {  	s22 =	spop (v2sf)  }
0x179: {  	v38 =	vor.u32 s26, v31;
	s3 =	sand.u32 $0x7F, s22  }
0x17a: {  	v40 =	vor.u32 s3, v38  }
0x17b: {  	s31 =	sshra.s32 s0, $0x6  }
0x17c: {  	s29 =	sand.u32 $0x3F, s0;
	s18 =	sand.u32 $0x1, s31  }
0x17d: {  	s16 =	sshll.u32 s18, $0xD;
	s22 =	sshll.u32 s29, $0x7  }
0x17e: {  	s16 =	sor.u32 s22, s16  }
0x17f: {  	v39 =	vor.u32 s26, v35;
	v41 =	vor.u32 s16, v1;
	v40 =	vld.idx.msk [tilespmem:v40+s17+$0x0], $0xffff  }
0x180: {  	v42 =	vor.u32 s3, v39;
	_ =	sdelay $0x3  }
0x181: {  	[tilespmem:v41+s20+$0x0] =	vst.idx.msk $0xffff, v40  }
0x182: {  	v61 =	vor.u32 s16, v2;
	v40 =	vor.u32 s26, v36;
	v41 =	vld.idx.msk [tilespmem:v42+s17+$0x0], $0xffff  }
0x183: {  	v43 =	vor.u32 s3, v40;
	_ =	sdelay $0x3  }
0x184: {  	[tilespmem:v61+s20+$0x0] =	vst.idx.msk $0xffff, v41  }
0x185: {  	v62 =	vor.u32 s16, v3;
	v41 =	vor.u32 s26, v37;
	v42 =	vld.idx.msk [tilespmem:v43+s17+$0x0], $0xffff  }
0x186: {  	v44 =	vor.u32 s3, v41;
	_ =	sdelay $0x3  }
0x187: {  	[tilespmem:v62+s20+$0x0] =	vst.idx.msk $0xffff, v42  }
0x188: {  	v63 =	vor.u32 s16, v4;
	v42 =	vld.idx.msk [tilespmem:v44+s17+$0x0], $0xffff;
	_ =	sdelay $0x1  }
0x189: {  	p1 =	sne.s32 s29, $0x3F;
	s29 =	sadd.s32 $0x1, s0  }
0x18a: {  	p0 =	slt.s32 @!p1 s31, $0x2;
	p2 =	sne.s32 s28, s29  }
.Ltmp7:
0x18b: {  	p0 =	por p0, p1;
	(pc) =	sbr.rel @!p2 .LBB2_8-.Ltmp7, $4  }
0x18c: {  	s0 =	sshll.u32 @!p1 s31, $0x9;
	s3 =	simm.s32 @!p0 $0x2;
	[tilespmem:v63+s20+$0x0] =	vst.idx.msk $0xffff, v42  }
0x18d: {  	s30 =	sadd.s32 $0x1, s30;
	s0 =	sshra.s32 @!p1 s0, $0x2;
	_ =	swait.ge @!p0 [sflag:s3], $0x2000  }
0x18e: {  	s16 =	sshll.u32 @!p1 s18, $0xD;
	s0 =	sadd.s32 @!p1 $0x780, s0;
	[sflag:s3] =	ssyncset.done @!p0 $0x0  }
0x18f: {  	s31 =	sor.u32 @!p1 $0xCB80, s16;
	[sflag:s3] =	ssyncadd.s32 @!p0 $0xFFFFE000;
	s3 =	simm.s32 @!p1 $0x40  }
.LBB2_7:
0x190: {  	[hbm4b:s5+s3] =	stream.indirect.scatter @!p1 [tilespmem:s31], [sflag:$0x2], $0x80, s0, s3, $0xb8;
	[tilespmem:$0x10B80] =	vst v63  }
0x191: {  	s0 =	smov.u32 s29;
	s29 =	sadd.s32 $0x1, s29;
	v42 =	vld [tilespmem:s30+$0x0]  }
0x192: {  	p0 =	sne.s32 s28, s29;
	_ =	sdelay $0x3  }
0x193: {  	(v2sf) =	vpush v42, $0x0;
	_ =	sdelay $0xe  }
0x194: {  	s3 =	spop (v2sf)  }
0x195: {  	s3 =	sand.u32 $0x7F, s3  }
0x196: {  	v42 =	vor.u32 s3, v38;
	_ =	sdelay $0x1  }
0x197: {  	s16 =	sshra.s32 s0, $0x6  }
0x198: {  	s0 =	sand.u32 $0x3F, s0;
	s18 =	sand.u32 $0x1, s16  }
0x199: {  	s31 =	sshll.u32 s0, $0x7;
	p1 =	sne.s32 s0, $0x3F;
	s22 =	sshll.u32 s18, $0xD  }
0x19a: {  	p2 =	slt.s32 @!p1 s16, $0x2;
	s0 =	sshll.u32 @!p1 s16, $0x9;
	s22 =	sor.u32 s31, s22;
	v42 =	vld.idx.msk [tilespmem:v42+s17+$0x0], $0xffff  }
0x19b: {  	s16 =	sshll.u32 @!p1 s18, $0xD;
	s0 =	sshra.s32 @!p1 s0, $0x2;
	v43 =	vor.u32 s22, v1  }
0x19c: {  	s31 =	sor.u32 @!p1 $0xCB80, s16;
	s0 =	sadd.s32 @!p1 $0x780, s0;
	v44 =	vor.u32 s3, v39;
	_ =	sdelay $0x3  }
0x19d: {  	[tilespmem:v43+s20+$0x0] =	vst.idx.msk $0xffff, v42  }
0x19e: {  	v42 =	vld.idx.msk [tilespmem:v44+s17+$0x0], $0xffff  }
0x19f: {  	v43 =	vor.u32 s22, v2  }
0x1a0: {  	v44 =	vor.u32 s3, v40;
	_ =	sdelay $0x3  }
0x1a1: {  	[tilespmem:v43+s20+$0x0] =	vst.idx.msk $0xffff, v42  }
0x1a2: {  	v42 =	vld.idx.msk [tilespmem:v44+s17+$0x0], $0xffff  }
0x1a3: {  	v43 =	vor.u32 s22, v3  }
0x1a4: {  	v44 =	vor.u32 s3, v41;
	_ =	sdelay $0x3  }
0x1a5: {  	[tilespmem:v43+s20+$0x0] =	vst.idx.msk $0xffff, v42  }
0x1a6: {  	v42 =	vld.idx.msk [tilespmem:v44+s17+$0x0], $0xffff  }
0x1a7: {  	v43 =	vor.u32 s22, v4;
	_ =	sdelay $0x3  }
.Ltmp8:
0x1a8: {  	p2 =	por p2, p1;
	(pc) =	sbr.rel @p0 .LBB2_7-.Ltmp8, $4  }
0x1a9: {  	s3 =	simm.s32 @!p2 $0x2;
	[tilespmem:v43+s20+$0x0] =	vst.idx.msk $0xffff, v42  }
0x1aa: {  	_ =	swait.ge @!p2 [sflag:s3], $0x2000  }
0x1ab: {  	[sflag:s3] =	ssyncset.done @!p2 $0x0  }
0x1ac: {  	s30 =	sadd.s32 $0x1, s30;
	[sflag:s3] =	ssyncadd.s32 @!p2 $0xFFFFE000;
	s3 =	simm.s32 @!p1 $0x40  }
.Ltmp9:
0x1ad: {  	_ = 	snop;
	(pc) =	sbr.rel .LBB2_8-.Ltmp9, $1  }
0x1ae: {  	_ =	sdelay $0x3  }
.LBB2_10:
0x1af: {  	_ =	swait.ge [sflag:s21], $0x2000  }
0x1b0: {  	[sflag:s21] =	ssyncset.done $0x0  }
0x1b1: {  	[sflag:s21] =	ssyncadd.s32 $0xFFFFE000  }
0x1b2: {  	_ =	swait.ge [sflag:s21], $0x2000  }
0x1b3: {  	[sflag:s21] =	ssyncset.done $0x0  }
0x1b4: {  	[sflag:s21] =	ssyncadd.s32 $0xFFFFE000  }
0x1b5: {  	[tilespmem:s4], [sflag:$0x3] =	stream.linear.gather [hbm4b:s9+s4], $0x200, $0x38;
	[tilespmem:$0x10B80] =	vst v63  }
0x1b6: {  	_ =	swait.ge [sflag:s12], $0x200  }
0x1b7: {  	[sflag:s12] =	ssyncset.done $0x0  }
0x1b8: {  	[sflag:s12] =	ssyncadd.s32 $0xFFFFFE00  }
0x1b9: {  	[tilespmem:s13], [sflag:$0x3] =	stream.linear.gather [hbm4b:s10+s4], $0x400, $0x38;
	[tilespmem:$0x10B80] =	vst v63  }
0x1ba: {  	_ =	swait.ge [sflag:s12], $0x400  }
0x1bb: {  	[sflag:s12] =	ssyncset.done $0x0  }
0x1bc: {  	[sflag:s12] =	ssyncadd.s32 $0xFFFFFC00  }
0x1bd: {  	v38 =	vld [tilespmem:$0x0]  }
0x1be: {  	v39 =	vld [tilespmem:$0x10]  }
0x1bf: {  	v40 =	vld [tilespmem:$0x20]  }
0x1c0: {  	v41 =	vld [tilespmem:$0x30]  }
0x1c1: {  	v42 =	vld [tilespmem:$0x40]  }
0x1c2: {  	[tilespmem:$0x280] =	vst v0;
	v43 =	vld [tilespmem:$0x50];
	v38 =	vshra.s32 v38, $0x7  }
0x1c3: {  	v44 =	vld [tilespmem:$0x60];
	v39 =	vshra.s32 v39, $0x7;
	[tilespmem:$0x290] =	vst v38  }
0x1c4: {  	v59 =	vld [tilespmem:$0x70];
	v58 =	vshra.s32 v40, $0x7;
	[tilespmem:$0x2A0] =	vst v39  }
0x1c5: {  	v61 =	vld [tilespmem:$0x80];
	v60 =	vshra.s32 v41, $0x7;
	[tilespmem:$0x2B0] =	vst v58  }
0x1c6: {  	v63 =	vld [tilespmem:$0x90];
	v62 =	vshra.s32 v42, $0x7;
	[tilespmem:$0x2C0] =	vst v60  }
0x1c7: {  	v49 =	vld [tilespmem:$0xA0];
	v48 =	vshra.s32 v43, $0x7;
	[tilespmem:$0x2D0] =	vst v62  }
0x1c8: {  	v51 =	vld [tilespmem:$0xB0];
	v50 =	vshra.s32 v44, $0x7;
	[tilespmem:$0x2E0] =	vst v48  }
0x1c9: {  	v53 =	vld [tilespmem:$0xC0];
	v52 =	vshra.s32 v59, $0x7;
	[tilespmem:$0x2F0] =	vst v50  }
0x1ca: {  	v55 =	vld [tilespmem:$0xD0];
	v54 =	vshra.s32 v61, $0x7;
	[tilespmem:$0x300] =	vst v52  }
0x1cb: {  	v57 =	vld [tilespmem:$0xE0];
	v56 =	vshra.s32 v63, $0x7;
	[tilespmem:$0x310] =	vst v54  }
0x1cc: {  	v59 =	vld [tilespmem:$0xF0];
	[tilespmem:$0x320] =	vst v56;
	v58 =	vshra.s32 v49, $0x7  }
0x1cd: {  	v61 =	vld [tilespmem:$0x100];
	v60 =	vshra.s32 v51, $0x7;
	[tilespmem:$0x330] =	vst v58  }
0x1ce: {  	v63 =	vld [tilespmem:$0x110];
	v62 =	vshra.s32 v53, $0x7;
	[tilespmem:$0x340] =	vst v60  }
0x1cf: {  	v48 =	vshra.s32 v55, $0x7;
	v49 =	vld [tilespmem:$0x120];
	[tilespmem:$0x350] =	vst v62  }
0x1d0: {  	v50 =	vshra.s32 v57, $0x7;
	v51 =	vld [tilespmem:$0x130];
	[tilespmem:$0x360] =	vst v48  }
0x1d1: {  	v53 =	vld [tilespmem:$0x140];
	[tilespmem:$0x370] =	vst v50;
	v52 =	vshra.s32 v59, $0x7  }
0x1d2: {  	v55 =	vld [tilespmem:$0x150];
	v54 =	vshra.s32 v61, $0x7;
	[tilespmem:$0x380] =	vst v52  }
0x1d3: {  	v57 =	vld [tilespmem:$0x160];
	v56 =	vshra.s32 v63, $0x7;
	[tilespmem:$0x390] =	vst v54  }
0x1d4: {  	v59 =	vld [tilespmem:$0x170];
	[tilespmem:$0x3A0] =	vst v56;
	v58 =	vshra.s32 v49, $0x7  }
0x1d5: {  	v61 =	vld [tilespmem:$0x180];
	v60 =	vshra.s32 v51, $0x7;
	[tilespmem:$0x3B0] =	vst v58  }
0x1d6: {  	v63 =	vld [tilespmem:$0x190];
	v62 =	vshra.s32 v53, $0x7;
	[tilespmem:$0x3C0] =	vst v60  }
0x1d7: {  	v48 =	vshra.s32 v55, $0x7;
	v49 =	vld [tilespmem:$0x1A0];
	[tilespmem:$0x3D0] =	vst v62  }
0x1d8: {  	v50 =	vshra.s32 v57, $0x7;
	v51 =	vld [tilespmem:$0x1B0];
	[tilespmem:$0x3E0] =	vst v48  }
0x1d9: {  	v53 =	vld [tilespmem:$0x1C0];
	[tilespmem:$0x3F0] =	vst v50;
	v52 =	vshra.s32 v59, $0x7  }
0x1da: {  	v55 =	vld [tilespmem:$0x1D0];
	v54 =	vshra.s32 v61, $0x7;
	[tilespmem:$0x400] =	vst v52  }
0x1db: {  	v57 =	vld [tilespmem:$0x1E0];
	v56 =	vshra.s32 v63, $0x7;
	[tilespmem:$0x410] =	vst v54  }
0x1dc: {  	v59 =	vld [tilespmem:$0x1F0];
	[tilespmem:$0x420] =	vst v56;
	v58 =	vshra.s32 v49, $0x7  }
0x1dd: {  	v61 =	vld [tilespmem:$0x28F];
	v60 =	vshra.s32 v51, $0x7;
	[tilespmem:$0x430] =	vst v58  }
0x1de: {  	v62 =	vshra.s32 v53, $0x7;
	[tilespmem:$0x440] =	vst v60  }
0x1df: {  	v63 =	vshra.s32 v55, $0x7;
	[tilespmem:$0x450] =	vst v62  }
0x1e0: {  	v42 =	vshra.s32 v57, $0x7;
	[tilespmem:$0x460] =	vst v63  }
0x1e1: {  	[tilespmem:$0x470] =	vst v42;
	v43 =	vshra.s32 v59, $0x7  }
0x1e2: {  	vm0 =	vne.s32 v38, v61;
	[tilespmem:$0x480] =	vst v43  }
0x1e3: {  	[tilespmem:s14+$0x0] =	vst.msk vm0, v1  }
0x1e4: {  	v38 =	vmpcnt.ones.xlane vm0;
	v44 =	vld [tilespmem:$0x2A0]  }
0x1e5: {  	v45 =	vld [tilespmem:$0x29F]  }
0x1e6: {  	(v2sf) =	vpush v38, $0x0;
	_ =	sdelay $0x3  }
0x1e7: {  	vm9 =	vne.s32 v44, v45  }
0x1e8: {  	v46 =	vmpcnt.ones.xlane vm9;
	_ =	sdelay $0x1  }
0x1e9: {  	(v2sf) =	vpush v46, $0x0;
	_ =	sdelay $0x7  }
0x1ea: {  	s0 =	spop (v2sf)  }
0x1eb: {  	[tilespmem:s0+$0x500] =	vst.msk vm9, v2  }
0x1ec: {  	v47 =	vld [tilespmem:$0x2B0]  }
0x1ed: {  	v48 =	vld [tilespmem:$0x2AF];
	_ =	sdelay $0x3  }
0x1ee: {  	s3 =	spop (v2sf)  }
0x1ef: {  	vm10 =	vne.s32 v47, v48;
	s0 =	sadd.s32 s0, s3  }
0x1f0: {  	v38 =	vmpcnt.ones.xlane vm10;
	[tilespmem:s0+$0x500] =	vst.msk vm10, v3  }
0x1f1: {  	v49 =	vld [tilespmem:$0x2C0]  }
0x1f2: {  	(v2sf) =	vpush v38, $0x0;
	v50 =	vld [tilespmem:$0x2BF];
	_ =	sdelay $0x4  }
0x1f3: {  	vm11 =	vne.s32 v49, v50  }
0x1f4: {  	v38 =	vmpcnt.ones.xlane vm11;
	_ =	sdelay $0x1  }
0x1f5: {  	(v2sf) =	vpush v38, $0x0;
	_ =	sdelay $0x6  }
0x1f6: {  	s16 =	spop (v2sf)  }
0x1f7: {  	s0 =	sadd.s32 s0, s16  }
0x1f8: {  	[tilespmem:s0+$0x500] =	vst.msk vm11, v4  }
0x1f9: {  	v51 =	vld [tilespmem:$0x2D0]  }
0x1fa: {  	v52 =	vld [tilespmem:$0x2CF];
	_ =	sdelay $0x3  }
0x1fb: {  	s18 =	spop (v2sf)  }
0x1fc: {  	vm12 =	vne.s32 v51, v52;
	s0 =	sadd.s32 s0, s18  }
0x1fd: {  	v38 =	vmpcnt.ones.xlane vm12;
	[tilespmem:s0+$0x500] =	vst.msk vm12, v5  }
0x1fe: {  	v53 =	vld [tilespmem:$0x2E0]  }
0x1ff: {  	(v2sf) =	vpush v38, $0x0;
	v54 =	vld [tilespmem:$0x2DF];
	_ =	sdelay $0x4  }
0x200: {  	vm13 =	vne.s32 v53, v54  }
0x201: {  	v38 =	vmpcnt.ones.xlane vm13;
	_ =	sdelay $0x1  }
0x202: {  	(v2sf) =	vpush v38, $0x0;
	_ =	sdelay $0x6  }
0x203: {  	s22 =	spop (v2sf)  }
0x204: {  	s0 =	sadd.s32 s0, s22  }
0x205: {  	[tilespmem:s0+$0x500] =	vst.msk vm13, v6  }
0x206: {  	v55 =	vld [tilespmem:$0x2F0]  }
0x207: {  	v56 =	vld [tilespmem:$0x2EF];
	_ =	sdelay $0x3  }
0x208: {  	s24 =	spop (v2sf)  }
0x209: {  	vm14 =	vne.s32 v55, v56;
	s0 =	sadd.s32 s0, s24  }
0x20a: {  	v38 =	vmpcnt.ones.xlane vm14;
	[tilespmem:s0+$0x500] =	vst.msk vm14, v7  }
0x20b: {  	v57 =	vld [tilespmem:$0x300]  }
0x20c: {  	(v2sf) =	vpush v38, $0x0;
	v58 =	vld [tilespmem:$0x2FF];
	_ =	sdelay $0x4  }
0x20d: {  	vm15 =	vne.s32 v57, v58  }
0x20e: {  	v38 =	vmpcnt.ones.xlane vm15;
	_ =	sdelay $0x1  }
0x20f: {  	(v2sf) =	vpush v38, $0x0;
	_ =	sdelay $0x6  }
0x210: {  	s25 =	spop (v2sf)  }
0x211: {  	s0 =	sadd.s32 s0, s25  }
0x212: {  	[tilespmem:s0+$0x500] =	vst.msk vm15, v8  }
0x213: {  	v59 =	vld [tilespmem:$0x310]  }
0x214: {  	v60 =	vld [tilespmem:$0x30F];
	_ =	sdelay $0x3  }
0x215: {  	s26 =	spop (v2sf)  }
0x216: {  	vm4 =	vne.s32 v59, v60;
	s0 =	sadd.s32 s0, s26  }
0x217: {  	v38 =	vmpcnt.ones.xlane vm4;
	[tilespmem:s0+$0x500] =	vst.msk vm4, v29  }
0x218: {  	v61 =	vld [tilespmem:$0x320]  }
0x219: {  	(v2sf) =	vpush v38, $0x0;
	v62 =	vld [tilespmem:$0x31F];
	_ =	sdelay $0x4  }
0x21a: {  	vm5 =	vne.s32 v61, v62  }
0x21b: {  	v38 =	vmpcnt.ones.xlane vm5;
	_ =	sdelay $0x1  }
0x21c: {  	(v2sf) =	vpush v38, $0x0;
	_ =	sdelay $0x6  }
0x21d: {  	s28 =	spop (v2sf)  }
0x21e: {  	s0 =	sadd.s32 s0, s28  }
0x21f: {  	[tilespmem:s0+$0x500] =	vst.msk vm5, v9  }
0x220: {  	v63 =	vld [tilespmem:$0x330]  }
0x221: {  	v42 =	vld [tilespmem:$0x32F];
	_ =	sdelay $0x3  }
0x222: {  	s29 =	spop (v2sf)  }
0x223: {  	vm6 =	vne.s32 v63, v42;
	s0 =	sadd.s32 s0, s29  }
0x224: {  	v38 =	vmpcnt.ones.xlane vm6;
	[tilespmem:s0+$0x500] =	vst.msk vm6, v10  }
0x225: {  	v43 =	vld [tilespmem:$0x340]  }
0x226: {  	(v2sf) =	vpush v38, $0x0;
	v44 =	vld [tilespmem:$0x33F];
	_ =	sdelay $0x4  }
0x227: {  	vm7 =	vne.s32 v43, v44  }
0x228: {  	v38 =	vmpcnt.ones.xlane vm7;
	_ =	sdelay $0x1  }
0x229: {  	(v2sf) =	vpush v38, $0x0;
	_ =	sdelay $0x6  }
0x22a: {  	s30 =	spop (v2sf)  }
0x22b: {  	s0 =	sadd.s32 s0, s30  }
0x22c: {  	[tilespmem:s0+$0x500] =	vst.msk vm7, v11  }
0x22d: {  	v45 =	vld [tilespmem:$0x350]  }
0x22e: {  	v46 =	vld [tilespmem:$0x34F];
	_ =	sdelay $0x3  }
0x22f: {  	s31 =	spop (v2sf)  }
0x230: {  	vm8 =	vne.s32 v45, v46;
	s0 =	sadd.s32 s0, s31  }
0x231: {  	v38 =	vmpcnt.ones.xlane vm8;
	[tilespmem:s0+$0x500] =	vst.msk vm8, v12  }
0x232: {  	v47 =	vld [tilespmem:$0x360]  }
0x233: {  	(v2sf) =	vpush v38, $0x0;
	v48 =	vld [tilespmem:$0x35F];
	_ =	sdelay $0x4  }
0x234: {  	vm9 =	vne.s32 v47, v48  }
0x235: {  	v38 =	vmpcnt.ones.xlane vm9;
	_ =	sdelay $0x1  }
0x236: {  	(v2sf) =	vpush v38, $0x0;
	_ =	sdelay $0x6  }
0x237: {  	s16 =	spop (v2sf)  }
0x238: {  	s0 =	sadd.s32 s0, s16  }
0x239: {  	[tilespmem:s0+$0x500] =	vst.msk vm9, v13  }
0x23a: {  	v49 =	vld [tilespmem:$0x370]  }
0x23b: {  	v50 =	vld [tilespmem:$0x36F];
	_ =	sdelay $0x3  }
0x23c: {  	s18 =	spop (v2sf)  }
0x23d: {  	vm10 =	vne.s32 v49, v50;
	s0 =	sadd.s32 s0, s18  }
0x23e: {  	v38 =	vmpcnt.ones.xlane vm10;
	[tilespmem:s0+$0x500] =	vst.msk vm10, v14  }
0x23f: {  	v51 =	vld [tilespmem:$0x380]  }
0x240: {  	(v2sf) =	vpush v38, $0x0;
	v52 =	vld [tilespmem:$0x37F];
	_ =	sdelay $0x4  }
0x241: {  	vm11 =	vne.s32 v51, v52  }
0x242: {  	v38 =	vmpcnt.ones.xlane vm11;
	_ =	sdelay $0x1  }
0x243: {  	(v2sf) =	vpush v38, $0x0;
	_ =	sdelay $0x6  }
0x244: {  	s22 =	spop (v2sf)  }
0x245: {  	s0 =	sadd.s32 s0, s22  }
0x246: {  	[tilespmem:s0+$0x500] =	vst.msk vm11, v15  }
0x247: {  	v53 =	vld [tilespmem:$0x390]  }
0x248: {  	v54 =	vld [tilespmem:$0x38F];
	_ =	sdelay $0x3  }
0x249: {  	s24 =	spop (v2sf)  }
0x24a: {  	vm12 =	vne.s32 v53, v54;
	s0 =	sadd.s32 s0, s24  }
0x24b: {  	v38 =	vmpcnt.ones.xlane vm12;
	[tilespmem:s0+$0x500] =	vst.msk vm12, v16  }
0x24c: {  	v55 =	vld [tilespmem:$0x3A0]  }
0x24d: {  	(v2sf) =	vpush v38, $0x0;
	v56 =	vld [tilespmem:$0x39F];
	_ =	sdelay $0x4  }
0x24e: {  	vm13 =	vne.s32 v55, v56  }
0x24f: {  	v38 =	vmpcnt.ones.xlane vm13;
	_ =	sdelay $0x1  }
0x250: {  	(v2sf) =	vpush v38, $0x0;
	_ =	sdelay $0x6  }
0x251: {  	s25 =	spop (v2sf)  }
0x252: {  	s0 =	sadd.s32 s0, s25  }
0x253: {  	[tilespmem:s0+$0x500] =	vst.msk vm13, v17  }
0x254: {  	v57 =	vld [tilespmem:$0x3B0]  }
0x255: {  	v58 =	vld [tilespmem:$0x3AF];
	_ =	sdelay $0x3  }
0x256: {  	s26 =	spop (v2sf)  }
0x257: {  	vm14 =	vne.s32 v57, v58;
	s0 =	sadd.s32 s0, s26  }
0x258: {  	v38 =	vmpcnt.ones.xlane vm14;
	[tilespmem:s0+$0x500] =	vst.msk vm14, v18  }
0x259: {  	v59 =	vld [tilespmem:$0x3C0]  }
0x25a: {  	(v2sf) =	vpush v38, $0x0;
	v60 =	vld [tilespmem:$0x3BF];
	_ =	sdelay $0x4  }
0x25b: {  	vm15 =	vne.s32 v59, v60  }
0x25c: {  	v38 =	vmpcnt.ones.xlane vm15;
	_ =	sdelay $0x1  }
0x25d: {  	(v2sf) =	vpush v38, $0x0;
	_ =	sdelay $0x6  }
0x25e: {  	s28 =	spop (v2sf)  }
0x25f: {  	s0 =	sadd.s32 s0, s28  }
0x260: {  	[tilespmem:s0+$0x500] =	vst.msk vm15, v19  }
0x261: {  	v61 =	vld [tilespmem:$0x3D0]  }
0x262: {  	v62 =	vld [tilespmem:$0x3CF];
	_ =	sdelay $0x3  }
0x263: {  	s29 =	spop (v2sf)  }
0x264: {  	vm4 =	vne.s32 v61, v62;
	s0 =	sadd.s32 s0, s29  }
0x265: {  	v38 =	vmpcnt.ones.xlane vm4;
	[tilespmem:s0+$0x500] =	vst.msk vm4, v20  }
0x266: {  	v63 =	vld [tilespmem:$0x3E0]  }
0x267: {  	(v2sf) =	vpush v38, $0x0;
	v42 =	vld [tilespmem:$0x3DF];
	_ =	sdelay $0x4  }
0x268: {  	vm5 =	vne.s32 v63, v42  }
0x269: {  	v38 =	vmpcnt.ones.xlane vm5;
	_ =	sdelay $0x1  }
0x26a: {  	(v2sf) =	vpush v38, $0x0;
	_ =	sdelay $0x6  }
0x26b: {  	s30 =	spop (v2sf)  }
0x26c: {  	s0 =	sadd.s32 s0, s30  }
0x26d: {  	[tilespmem:s0+$0x500] =	vst.msk vm5, v21  }
0x26e: {  	v43 =	vld [tilespmem:$0x3F0]  }
0x26f: {  	v44 =	vld [tilespmem:$0x3EF];
	_ =	sdelay $0x3  }
0x270: {  	s31 =	spop (v2sf)  }
0x271: {  	vm6 =	vne.s32 v43, v44;
	s0 =	sadd.s32 s0, s31  }
0x272: {  	v38 =	vmpcnt.ones.xlane vm6;
	[tilespmem:s0+$0x500] =	vst.msk vm6, v22  }
0x273: {  	v45 =	vld [tilespmem:$0x400]  }
0x274: {  	(v2sf) =	vpush v38, $0x0;
	v46 =	vld [tilespmem:$0x3FF];
	_ =	sdelay $0x4  }
0x275: {  	vm7 =	vne.s32 v45, v46  }
0x276: {  	v38 =	vmpcnt.ones.xlane vm7;
	_ =	sdelay $0x1  }
0x277: {  	(v2sf) =	vpush v38, $0x0;
	_ =	sdelay $0x6  }
0x278: {  	s16 =	spop (v2sf)  }
0x279: {  	s0 =	sadd.s32 s0, s16  }
0x27a: {  	[tilespmem:s0+$0x500] =	vst.msk vm7, v23  }
0x27b: {  	v47 =	vld [tilespmem:$0x410]  }
0x27c: {  	v48 =	vld [tilespmem:$0x40F];
	_ =	sdelay $0x3  }
0x27d: {  	s18 =	spop (v2sf)  }
0x27e: {  	vm8 =	vne.s32 v47, v48;
	s0 =	sadd.s32 s0, s18  }
0x27f: {  	v38 =	vmpcnt.ones.xlane vm8;
	[tilespmem:s0+$0x500] =	vst.msk vm8, v24  }
0x280: {  	v49 =	vld [tilespmem:$0x420]  }
0x281: {  	(v2sf) =	vpush v38, $0x0;
	v50 =	vld [tilespmem:$0x41F];
	_ =	sdelay $0x4  }
0x282: {  	vm9 =	vne.s32 v49, v50  }
0x283: {  	v38 =	vmpcnt.ones.xlane vm9;
	_ =	sdelay $0x1  }
0x284: {  	(v2sf) =	vpush v38, $0x0;
	_ =	sdelay $0x6  }
0x285: {  	s22 =	spop (v2sf)  }
0x286: {  	s0 =	sadd.s32 s0, s22  }
0x287: {  	[tilespmem:s0+$0x500] =	vst.msk vm9, v25  }
0x288: {  	v51 =	vld [tilespmem:$0x430]  }
0x289: {  	v52 =	vld [tilespmem:$0x42F];
	_ =	sdelay $0x3  }
0x28a: {  	s24 =	spop (v2sf)  }
0x28b: {  	vm10 =	vne.s32 v51, v52;
	s0 =	sadd.s32 s0, s24  }
0x28c: {  	v38 =	vmpcnt.ones.xlane vm10;
	[tilespmem:s0+$0x500] =	vst.msk vm10, v26  }
0x28d: {  	v53 =	vld [tilespmem:$0x440]  }
0x28e: {  	(v2sf) =	vpush v38, $0x0;
	v54 =	vld [tilespmem:$0x43F];
	_ =	sdelay $0x4  }
0x28f: {  	vm11 =	vne.s32 v53, v54  }
0x290: {  	v38 =	vmpcnt.ones.xlane vm11;
	_ =	sdelay $0x1  }
0x291: {  	(v2sf) =	vpush v38, $0x0;
	_ =	sdelay $0x6  }
0x292: {  	s25 =	spop (v2sf)  }
0x293: {  	s0 =	sadd.s32 s0, s25  }
0x294: {  	[tilespmem:s0+$0x500] =	vst.msk vm11, v27  }
0x295: {  	v55 =	vld [tilespmem:$0x450]  }
0x296: {  	v56 =	vld [tilespmem:$0x44F];
	_ =	sdelay $0x3  }
0x297: {  	s26 =	spop (v2sf)  }
0x298: {  	vm12 =	vne.s32 v55, v56;
	s0 =	sadd.s32 s0, s26  }
0x299: {  	v38 =	vmpcnt.ones.xlane vm12;
	[tilespmem:s0+$0x500] =	vst.msk vm12, v28  }
0x29a: {  	v57 =	vld [tilespmem:$0x460]  }
0x29b: {  	(v2sf) =	vpush v38, $0x0;
	v58 =	vld [tilespmem:$0x45F];
	_ =	sdelay $0x4  }
0x29c: {  	vm13 =	vne.s32 v57, v58  }
0x29d: {  	v38 =	vmpcnt.ones.xlane vm13;
	_ =	sdelay $0x1  }
0x29e: {  	(v2sf) =	vpush v38, $0x0;
	_ =	sdelay $0x6  }
0x29f: {  	s28 =	spop (v2sf)  }
0x2a0: {  	s0 =	sadd.s32 s0, s28  }
0x2a1: {  	[tilespmem:s0+$0x500] =	vst.msk vm13, v30  }
0x2a2: {  	v59 =	vld [tilespmem:$0x470]  }
0x2a3: {  	v60 =	vld [tilespmem:$0x46F];
	_ =	sdelay $0x3  }
0x2a4: {  	s29 =	spop (v2sf)  }
0x2a5: {  	vm14 =	vne.s32 v59, v60;
	s0 =	sadd.s32 s0, s29  }
0x2a6: {  	[tilespmem:s0+$0x500] =	vst.msk vm14, v32  }
0x2a7: {  	v61 =	vld [tilespmem:$0x480]  }
0x2a8: {  	v62 =	vld [tilespmem:$0x47F];
	_ =	sdelay $0x4  }
0x2a9: {  	v63 =	vmpcnt.ones.xlane vm14;
	vm15 =	vne.s32 v61, v62  }
0x2aa: {  	v38 =	vmpcnt.ones.xlane vm15  }
0x2ab: {  	(v2sf) =	vpush v63, $0x0  }
0x2ac: {  	(v2sf) =	vpush v38, $0x0;
	_ =	sdelay $0xd  }
0x2ad: {  	s30 =	spop (v2sf)  }
0x2ae: {  	s0 =	sadd.s32 s0, s30;
	s31 =	spop (v2sf)  }
0x2af: {  	s24 =	sadd.s32 s0, s31  }
0x2b0: {  	p0 =	slt.s32 s24, $0x1  }
.Ltmp10:
0x2b1: {  	_ = 	snop;
	(pc) =	sbr.rel @p0 .LBB2_19-.Ltmp10, $3  }
0x2b2: {  	_ =	sdelay $0x1  }
0x2b3: {  	[tilespmem:s0+$0x500] =	vst.msk vm15, v33  }
0x2b4: {  	[tilespmem:s24+$0x500] =	vst v34  }
0x2b5: {  	v38 =	vld [tilespmem:$0x500];
	_ =	sdelay $0x4  }
0x2b6: {  	(v2sf) =	vpush v38, $0x0;
	_ =	sdelay $0xe  }
0x2b7: {  	s0 =	spop (v2sf)  }
0x2b8: {  	v63 =	vld [tilespmem:s0+$0x0];
	_ =	sdelay $0x4  }
0x2b9: {  	(v2sf) =	vpush v63, $0x0;
	_ =	sdelay $0xe  }
0x2ba: {  	s31 =	spop (v2sf)  }
0x2bb: {  	s0 =	sand.u32 $0xFFFFF80, s31  }
0x2bc: {  	s3 =	simm.s32 $0xC3800;
	p0 =	seq.s32 s24, $0x1;
	s0 =	sadd.s32 s2, s0  }
0x2bd: {  	[tilespmem:s17], [sflag:$0x1] =	stream.strided.gather [hbm4b:s0+s15], $0x2000, s3, s15, $0x38;
	[tilespmem:$0x10B80] =	vst v63  }
0x2be: {  	v38 =	vld @!p0 [tilespmem:$0x501];
	_ =	sdelay $0x4  }
0x2bf: {  	(v2sf) =	vpush @!p0 v38, $0x0;
	_ =	sdelay $0xe  }
0x2c0: {  	s0 =	spop @!p0 (v2sf)  }
0x2c1: {  	v38 =	vld @!p0 [tilespmem:s0+$0x0];
	_ =	sdelay $0x4  }
0x2c2: {  	(v2sf) =	vpush @!p0 v38, $0x0;
	_ =	sdelay $0xe  }
0x2c3: {  	s0 =	spop @!p0 (v2sf)  }
0x2c4: {  	s16 =	simm.s32 @!p0 $0xC3800;
	s18 =	simm.s32 @!p0 $0x2B80;
	s0 =	sand.u32 @!p0 $0xFFFFF80, s0  }
0x2c5: {  	p1 =	slt.u32 @!p0 s24, $0x3;
	s3 =	simm.s32 @!p0 $0x400;
	s0 =	sadd.s32 @!p0 s2, s0  }
0x2c6: {  	[tilespmem:s18], [sflag:$0x1] =	stream.strided.gather @!p0 [hbm4b:s0+s3], $0x2000, s16, s3, $0x38;
	[tilespmem:$0x10B80] =	vst v63  }
0x2c7: {  	p0 =	por p0, p1  }
.Ltmp11:
0x2c8: {  	_ = 	snop;
	(pc) =	sbr.rel @p0 .LBB2_13-.Ltmp11, $1  }
0x2c9: {  	_ =	sdelay $0x3  }
0x2ca: {  	v38 =	vld [tilespmem:$0x502];
	_ =	sdelay $0x4  }
0x2cb: {  	(v2sf) =	vpush v38, $0x0;
	_ =	sdelay $0xe  }
0x2cc: {  	s0 =	spop (v2sf)  }
0x2cd: {  	v63 =	vld [tilespmem:s0+$0x0];
	_ =	sdelay $0x4  }
0x2ce: {  	(v2sf) =	vpush v63, $0x0;
	_ =	sdelay $0xe  }
0x2cf: {  	s31 =	spop (v2sf)  }
0x2d0: {  	s3 =	simm.s32 $0x4B80;
	s0 =	sand.u32 $0xFFFFF80, s31  }
0x2d1: {  	s16 =	simm.s32 $0xC3800;
	p0 =	seq.s32 s24, $0x3;
	s0 =	sadd.s32 s2, s0  }
0x2d2: {  	[tilespmem:s3], [sflag:$0x1] =	stream.strided.gather [hbm4b:s0+s15], $0x2000, s16, s15, $0x38;
	[tilespmem:$0x10B80] =	vst v63  }
0x2d3: {  	v38 =	vld @!p0 [tilespmem:$0x503];
	_ =	sdelay $0x4  }
0x2d4: {  	(v2sf) =	vpush @!p0 v38, $0x0;
	_ =	sdelay $0xe  }
0x2d5: {  	s0 =	spop @!p0 (v2sf)  }
0x2d6: {  	v38 =	vld @!p0 [tilespmem:s0+$0x0];
	_ =	sdelay $0x4  }
0x2d7: {  	(v2sf) =	vpush @!p0 v38, $0x0;
	_ =	sdelay $0xe  }
0x2d8: {  	p1 =	slt.u32 @!p0 s24, $0x5;
	s0 =	spop @!p0 (v2sf)  }
0x2d9: {  	s18 =	simm.s32 @!p0 $0x6B80;
	p2 =	por p1, p0;
	s0 =	sand.u32 @!p0 $0xFFFFF80, s0  }
0x2da: {  	s3 =	simm.s32 @!p0 $0x400;
	s16 =	simm.s32 @!p0 $0xC3800;
	s0 =	sadd.s32 @!p0 s2, s0  }
0x2db: {  	[tilespmem:s18], [sflag:$0x1] =	stream.strided.gather @!p0 [hbm4b:s0+s3], $0x2000, s16, s3, $0x38;
	[tilespmem:$0x10B80] =	vst v63  }
0x2dc: {  	v38 =	vld @!p2 [tilespmem:$0x504];
	_ =	sdelay $0x4  }
0x2dd: {  	(v2sf) =	vpush @!p2 v38, $0x0;
	_ =	sdelay $0xe  }
0x2de: {  	s0 =	spop @!p2 (v2sf)  }
0x2df: {  	v38 =	vld @!p2 [tilespmem:s0+$0x0];
	_ =	sdelay $0x4  }
0x2e0: {  	(v2sf) =	vpush @!p2 v38, $0x0;
	_ =	sdelay $0xe  }
0x2e1: {  	s0 =	spop @!p2 (v2sf)  }
0x2e2: {  	s3 =	simm.s32 @!p2 $0x400;
	s0 =	sand.u32 @!p2 $0xFFFFF80, s0  }
0x2e3: {  	s16 =	simm.s32 @!p2 $0xC3800;
	s18 =	simm.s32 @!p2 $0x8B80;
	s0 =	sadd.s32 @!p2 s2, s0  }
0x2e4: {  	[tilespmem:s18], [sflag:$0x1] =	stream.strided.gather @!p2 [hbm4b:s0+s3], $0x2000, s16, s3, $0x38;
	[tilespmem:$0x10B80] =	vst v63  }
0x2e5: {  	p2 =	seq.s32 @!p2 s24, $0x5  }
0x2e6: {  	p1 =	por @!p0 p2, p1  }
0x2e7: {  	p0 =	por p1, p0  }
0x2e8: {  	v38 =	vld @!p0 [tilespmem:$0x505];
	_ =	sdelay $0x4  }
0x2e9: {  	(v2sf) =	vpush @!p0 v38, $0x0;
	_ =	sdelay $0xe  }
0x2ea: {  	s0 =	spop @!p0 (v2sf)  }
0x2eb: {  	v38 =	vld @!p0 [tilespmem:s0+$0x0];
	_ =	sdelay $0x4  }
0x2ec: {  	(v2sf) =	vpush @!p0 v38, $0x0;
	_ =	sdelay $0xe  }
0x2ed: {  	s0 =	spop @!p0 (v2sf)  }
0x2ee: {  	s3 =	simm.s32 @!p0 $0x400;
	s0 =	sand.u32 @!p0 $0xFFFFF80, s0  }
0x2ef: {  	s16 =	simm.s32 @!p0 $0xC3800;
	s18 =	simm.s32 @!p0 $0xAB80;
	s0 =	sadd.s32 @!p0 s2, s0  }
0x2f0: {  	[tilespmem:s18], [sflag:$0x1] =	stream.strided.gather @!p0 [hbm4b:s0+s3], $0x2000, s16, s3, $0x38;
	[tilespmem:$0x10B80] =	vst v63  }
.LBB2_13:
.Ltmp12:
0x2f1: {  	(pc) =	sbr.rel .LBB2_14-.Ltmp12, $2  }
0x2f2: {  	_ =	sdelay $0x2  }
0x2f3: {  	s25 =	simm.s32 $0x0  }
.LBB2_17:
0x2f4: {  	[hbm4b:s6+s3] =	stream.indirect.scatter @!p1 [tilespmem:s31], [sflag:$0x2], $0x80, s0, s3, $0xb8;
	[tilespmem:$0x10B80] =	vst v63  }
.LBB2_18:
0x2f5: {  	s0 =	sadd.s32 $0x6, s25  }
0x2f6: {  	p0 =	sge.s32 s0, s24  }
0x2f7: {  	v38 =	vld @!p0 [tilespmem:s0+$0x500];
	_ =	sdelay $0x4  }
0x2f8: {  	(v2sf) =	vpush @!p0 v38, $0x0;
	_ =	sdelay $0xe  }
0x2f9: {  	s0 =	spop @!p0 (v2sf)  }
0x2fa: {  	v38 =	vld @!p0 [tilespmem:s0+$0x0];
	_ =	sdelay $0x4  }
0x2fb: {  	(v2sf) =	vpush @!p0 v38, $0x0;
	_ =	sdelay $0xe  }
0x2fc: {  	s0 =	spop @!p0 (v2sf)  }
0x2fd: {  	s3 =	sor.u32 $0xB80, s26;
	s25 =	sadd.s32 $0x1, s25;
	s0 =	sand.u32 @!p0 $0xFFFFF80, s0  }
0x2fe: {  	s16 =	simm.s32 @!p0 $0x400;
	s18 =	simm.s32 @!p0 $0xC3800;
	s0 =	sadd.s32 @!p0 s2, s0  }
0x2ff: {  	[tilespmem:s3], [sflag:$0x1] =	stream.strided.gather @!p0 [hbm4b:s0+s16], $0x2000, s18, s16, $0x38;
	[tilespmem:$0x10B80] =	vst v63  }
0x300: {  	p0 =	slt.s32 s25, s24  }
.Ltmp13:
0x301: {  	_ = 	snop;
	(pc) =	sbr.rel @!p0 .LBB2_19-.Ltmp13, $1  }
0x302: {  	_ =	sdelay $0x3  }
.LBB2_14:
0x303: {  	_ =	swait.ge [sflag:s19], $0x2000  }
0x304: {  	[sflag:s19] =	ssyncset.done $0x0  }
0x305: {  	[sflag:s19] =	ssyncadd.s32 $0xFFFFE000  }
0x306: {  	v38 =	vld [tilespmem:s25+$0x500]  }
0x307: {  	v39 =	vld [tilespmem:s25+$0x501];
	_ =	sdelay $0x3  }
0x308: {  	(v2sf) =	vpush v38, $0x0  }
0x309: {  	(v2sf) =	vpush v39, $0x0;
	_ =	sdelay $0xa  }
0x30a: {  	s0 =	smulhi.u32 $0xAAAAAAAB, s25;
	_ =	sdelay $0x1  }
0x30b: {  	s0 =	sshrl.u32 s0, $0x2  }
0x30c: {  	s3 =	smul.u32 $0x6, s0;
	s0 =	spop (v2sf)  }
0x30d: {  	s28 =	spop (v2sf)  }
0x30e: {  	p0 =	sge.s32 s0, s28  }
.Ltmp14:
0x30f: {  	_ = 	snop;
	(pc) =	sbr.rel @p0 .LBB2_18-.Ltmp14, $3  }
0x310: {  	_ =	sdelay $0x1  }
0x311: {  	s3 =	ssub.s32 s25, s3  }
0x312: {  	s26 =	sshll.u32 s3, $0xD  }
0x313: {  	s3 =	sshll.u32 s0, $0x2  }
0x314: {  	s16 =	sshra.s32 s3, $0x2  }
0x315: {  	v38 =	vld [tilespmem:s16+$0x0];
	_ =	sdelay $0x4  }
0x316: {  	(v2sf) =	vpush v38, $0x0;
	_ =	sdelay $0xe  }
0x317: {  	s22 =	spop (v2sf)  }
0x318: {  	v38 =	vor.u32 s26, v31;
	s3 =	sand.u32 $0x7F, s22  }
0x319: {  	v40 =	vor.u32 s3, v38  }
0x31a: {  	s18 =	sshra.s32 s0, $0x6  }
0x31b: {  	s29 =	sand.u32 $0x3F, s0;
	s22 =	sand.u32 $0x1, s18  }
0x31c: {  	s31 =	sshll.u32 s29, $0x7;
	s30 =	sshll.u32 s22, $0xD  }
0x31d: {  	s30 =	sor.u32 s31, s30  }
0x31e: {  	v39 =	vor.u32 s26, v35;
	v41 =	vor.u32 s30, v5;
	v40 =	vld.idx.msk [tilespmem:v40+s17+$0x0], $0xffff  }
0x31f: {  	v42 =	vor.u32 s3, v39;
	_ =	sdelay $0x3  }
0x320: {  	[tilespmem:v41+s20+$0x0] =	vst.idx.msk $0xffff, v40  }
0x321: {  	v61 =	vor.u32 s30, v6;
	v40 =	vor.u32 s26, v36;
	v41 =	vld.idx.msk [tilespmem:v42+s17+$0x0], $0xffff  }
0x322: {  	v43 =	vor.u32 s3, v40;
	_ =	sdelay $0x3  }
0x323: {  	[tilespmem:v61+s20+$0x0] =	vst.idx.msk $0xffff, v41  }
0x324: {  	v62 =	vor.u32 s30, v7;
	v41 =	vor.u32 s26, v37;
	v42 =	vld.idx.msk [tilespmem:v43+s17+$0x0], $0xffff  }
0x325: {  	v44 =	vor.u32 s3, v41;
	_ =	sdelay $0x3  }
0x326: {  	[tilespmem:v62+s20+$0x0] =	vst.idx.msk $0xffff, v42  }
0x327: {  	v63 =	vor.u32 s30, v8;
	v42 =	vld.idx.msk [tilespmem:v44+s17+$0x0], $0xffff;
	_ =	sdelay $0x1  }
0x328: {  	p1 =	sne.s32 s29, $0x3F;
	s29 =	sadd.s32 $0x1, s0  }
0x329: {  	p0 =	slt.s32 @!p1 s18, $0x2;
	p2 =	sne.s32 s28, s29  }
.Ltmp15:
0x32a: {  	p0 =	por p0, p1;
	(pc) =	sbr.rel @!p2 .LBB2_17-.Ltmp15, $4  }
0x32b: {  	s0 =	sshll.u32 @!p1 s18, $0x9;
	s3 =	simm.s32 @!p0 $0x2;
	[tilespmem:v63+s20+$0x0] =	vst.idx.msk $0xffff, v42  }
0x32c: {  	s0 =	sshra.s32 @!p1 s0, $0x2;
	s18 =	sshll.u32 @!p1 s22, $0xD;
	_ =	swait.ge @!p0 [sflag:s3], $0x2000  }
0x32d: {  	s0 =	sadd.s32 @!p1 $0x780, s0;
	s31 =	sor.u32 @!p1 $0xCB80, s18;
	[sflag:s3] =	ssyncset.done @!p0 $0x0  }
0x32e: {  	s30 =	sadd.s32 $0x1, s16;
	[sflag:s3] =	ssyncadd.s32 @!p0 $0xFFFFE000;
	s3 =	simm.s32 @!p1 $0x40  }
.LBB2_16:
0x32f: {  	[hbm4b:s6+s3] =	stream.indirect.scatter @!p1 [tilespmem:s31], [sflag:$0x2], $0x80, s0, s3, $0xb8;
	[tilespmem:$0x10B80] =	vst v63  }
0x330: {  	s0 =	smov.u32 s29;
	s29 =	sadd.s32 $0x1, s29;
	v42 =	vld [tilespmem:s30+$0x0]  }
0x331: {  	p0 =	sne.s32 s28, s29;
	_ =	sdelay $0x3  }
0x332: {  	(v2sf) =	vpush v42, $0x0;
	_ =	sdelay $0xe  }
0x333: {  	s3 =	spop (v2sf)  }
0x334: {  	s3 =	sand.u32 $0x7F, s3  }
0x335: {  	v42 =	vor.u32 s3, v38;
	_ =	sdelay $0x1  }
0x336: {  	s16 =	sshra.s32 s0, $0x6  }
0x337: {  	s0 =	sand.u32 $0x3F, s0;
	s18 =	sand.u32 $0x1, s16  }
0x338: {  	s31 =	sshll.u32 s0, $0x7;
	p1 =	sne.s32 s0, $0x3F;
	s22 =	sshll.u32 s18, $0xD  }
0x339: {  	p2 =	slt.s32 @!p1 s16, $0x2;
	s0 =	sshll.u32 @!p1 s16, $0x9;
	s22 =	sor.u32 s31, s22;
	v42 =	vld.idx.msk [tilespmem:v42+s17+$0x0], $0xffff  }
0x33a: {  	s16 =	sshll.u32 @!p1 s18, $0xD;
	s0 =	sshra.s32 @!p1 s0, $0x2;
	v43 =	vor.u32 s22, v5  }
0x33b: {  	s31 =	sor.u32 @!p1 $0xCB80, s16;
	s0 =	sadd.s32 @!p1 $0x780, s0;
	v44 =	vor.u32 s3, v39;
	_ =	sdelay $0x3  }
0x33c: {  	[tilespmem:v43+s20+$0x0] =	vst.idx.msk $0xffff, v42  }
0x33d: {  	v42 =	vld.idx.msk [tilespmem:v44+s17+$0x0], $0xffff  }
0x33e: {  	v43 =	vor.u32 s22, v6  }
0x33f: {  	v44 =	vor.u32 s3, v40;
	_ =	sdelay $0x3  }
0x340: {  	[tilespmem:v43+s20+$0x0] =	vst.idx.msk $0xffff, v42  }
0x341: {  	v42 =	vld.idx.msk [tilespmem:v44+s17+$0x0], $0xffff  }
0x342: {  	v43 =	vor.u32 s22, v7  }
0x343: {  	v44 =	vor.u32 s3, v41;
	_ =	sdelay $0x3  }
0x344: {  	[tilespmem:v43+s20+$0x0] =	vst.idx.msk $0xffff, v42  }
0x345: {  	v42 =	vld.idx.msk [tilespmem:v44+s17+$0x0], $0xffff  }
0x346: {  	v43 =	vor.u32 s22, v8;
	_ =	sdelay $0x3  }
.Ltmp16:
0x347: {  	p2 =	por p2, p1;
	(pc) =	sbr.rel @p0 .LBB2_16-.Ltmp16, $4  }
0x348: {  	s3 =	simm.s32 @!p2 $0x2;
	[tilespmem:v43+s20+$0x0] =	vst.idx.msk $0xffff, v42  }
0x349: {  	_ =	swait.ge @!p2 [sflag:s3], $0x2000  }
0x34a: {  	[sflag:s3] =	ssyncset.done @!p2 $0x0  }
0x34b: {  	s30 =	sadd.s32 $0x1, s30;
	[sflag:s3] =	ssyncadd.s32 @!p2 $0xFFFFE000;
	s3 =	simm.s32 @!p1 $0x40  }
.Ltmp17:
0x34c: {  	_ = 	snop;
	(pc) =	sbr.rel .LBB2_17-.Ltmp17, $1  }
0x34d: {  	_ =	sdelay $0x3  }
.LBB2_20:
0x34e: {  	_ =	sfence.sel $0x180000  }
0x34f: {  	[bflag:$0x0] =	sbarrier.arrive $0xFFFF  }
0x350: {  	_ =	strace $0x90000047  }
0x351: {  	s0 =	stileid.u32;
	[bflag:$0x2] =	sbarrier.arrive $0xFFFF  }
0x352: {  	p0 =	sne.s32 s0, $0x0;
	s0 =	rddreg [dreg:$0x4]  }
0x353: {  	s0 =	sadd.s32 @!p0 $0x100000, s0  }
0x354: {  	[sflag:s0] =	ssyncadd.tile.s32 @!p0 $0x1;
	_ =	shalt  }
.Lfunc_end2:
_tile_overlayer_lowered:
.L_overlay_start_2:
0x355: {  	(tag) =	ssettag $0x2  }
0x356: {  	s0 =	rddreg [dreg:$0x0];
	s2 =	stileid.u32  }
0x357: {  	s1 =	rddreg [dreg:$0x1];
	p0 =	sne.s32 s2, $0x0  }
0x358: {  	s3 =	rddreg [dreg:$0x2];
	[bflag:$0x3] =	sbarrier.arrive $0xFFFF;
	s2 =	simm.s32 @!p0 $0x1C03  }
0x359: {  	[timem:s3], [sflag:s2] =	dma.local @!p0 [hbm:s0], s1  }
0x35a: {  	s0 =	simm.s32 @!p0 $0x3  }
0x35b: {  	_ =	swait.ge @!p0 [sflag:s0], s1  }
0x35c: {  	s1 =	ssub.s32 @!p0 $0x0, s1;
	[sflag:s0] =	ssyncset.done @!p0 $0x0  }
0x35d: {  	[sflag:s0] =	ssyncadd.s32 @!p0 s1  }
0x35e: {  	[bflag:$0x3] =	sbarrier.arrive $0xFFFF  }
0x35f: {  	_ =	shalt  }

</sc_bundles>
